<compile_context>
chip_gen: v7x
topology: tpu7x:2x2x1
jax: 0.10.2.dev20260603
libtpu: 0.0.44.dev20260713+nightly
codegen_flags: <defaults>
</compile_context>

<pallas_src>
import jax
import jax.numpy as jnp
from jax import lax
from jax.experimental import pallas as pl
from jax.experimental.pallas import tpu as pltpu
from jax.experimental.pallas import tpu_sc as plsc

MU = 3.5
F = 32
RF = 128
LANES = 16
NUM_CORES = 2
NUM_SUBCORES = 16
NW = NUM_CORES * NUM_SUBCORES
BATCH = 16384
BPW = BATCH // NW
NROWS = 1000000
TAIL = NROWS % 128
FULL_BLOCKS = NROWS // 128
BASE_BLK = FULL_BLOCKS // NW
EXTRA = FULL_BLOCKS % NW
CB = 6
W = CB * 128
NCH = -(-(BASE_BLK + 1) // CB)
NPIECE = 4
PIECE = BATCH // NPIECE
WLCAP = 1024
CWCAP = 128
RING = CWCAP // LANES
DUMP = BATCH


PADPK = (32767 << 15) | 16384


def _scan(idx_hbm, piece_v, wl, lo, hi):
    lane = lax.iota(jnp.int32, LANES)

    UNROLL = 4

    def piece_body(p, cnt):
        pltpu.sync_copy(idx_hbm.at[pl.ds(p * PIECE, PIECE)], piece_v)

        def vec_body(t, cnt):
            for k in range(UNROLL):
                off = (t * UNROLL + k) * LANES
                r = piece_v[pl.ds(off, LANES)]
                b = jnp.full((LANES,), p * PIECE + off, jnp.int32) + lane
                m = (r >= lo) & (r < hi)
                pk = ((r - lo) << 15) | b
                mi = m.astype(jnp.int32)
                pos = cnt + plsc.cumsum(mi) - 1
                plsc.store_scatter(wl, [pos], pk, mask=m)
                cnt = jnp.minimum(
                    cnt + plsc.all_reduce_population_count(m), WLCAP)
            return cnt

        return lax.fori_loop(0, PIECE // (LANES * UNROLL), vec_body, cnt)

    cnt_vec = lax.fori_loop(0, NPIECE, piece_body, jnp.zeros((LANES,), jnp.int32))
    cnt = cnt_vec[0]
    wl[pl.ds(cnt, LANES)] = jnp.full((LANES,), PADPK, jnp.int32)
    wl[pl.ds(cnt + LANES, LANES)] = jnp.full((LANES,), PADPK, jnp.int32)
    return cnt


def _process_window(buf3, slot, clo, clen, wl, cnt, cw, ring, res_hbm, rsem,
                    gtot):
    lane = lax.iota(jnp.int32, LANES)

    for v in range(CWCAP // LANES + 1):
        cw[pl.ds(v * LANES, LANES)] = jnp.full((LANES,), PADPK, jnp.int32)

    def compress(v, ccnt):
        for k in range(2):
            pk = wl[pl.ds((v * 2 + k) * LANES, LANES)]
            rl = pk >> 15
            m = (rl >= clo) & (rl < clo + clen)
            mi = m.astype(jnp.int32)
            pos = ccnt + plsc.cumsum(mi) - 1
            plsc.store_scatter(cw, [pos], pk, mask=m)
            ccnt = jnp.minimum(
                ccnt + plsc.all_reduce_population_count(m), CWCAP)
        return ccnt

    ccnt_vec = lax.fori_loop(0, (cnt + 2 * LANES - 1) // (2 * LANES), compress,
                             jnp.zeros((LANES,), jnp.int32))
    ccnt = ccnt_vec[0]
    ngrp = jnp.minimum((ccnt + LANES - 1) // LANES, RING)

    def extract(g, gtot):
        rslot = lax.rem(gtot, RING)

        @pl.when(gtot >= RING)
        def _reclaim():
            pltpu.make_async_copy(
                res_hbm.at[pl.ds(DUMP, LANES)], ring.at[0], rsem).wait()

        pk = cw[pl.ds(g * LANES, LANES)]
        bv = pk & 0x7FFF
        rloc = jnp.clip((pk >> 15) - clo, 0, W - 1)
        gs = jnp.full((LANES,), rslot, jnp.int32)
        ps = jnp.full((LANES,), slot, jnp.int32)

        def move_f(f, _):
            fs = jnp.full((LANES,), f, jnp.int32)
            vals = plsc.load_gather(buf3, [ps, fs, rloc])
            plsc.store_scatter(ring, [gs, lane, fs], vals)
            return _

        lax.fori_loop(0, F, move_f, 0)
        pltpu.async_copy(ring.at[rslot], res_hbm.at[bv], rsem)
        return gtot + 1

    return lax.fori_loop(0, ngrp, extract, gtot)


def _body1(uids, iids, ut, it, ut_tail, it_tail,
           res_u, res_i,
           piece_v, wl_u, wl_i, cw,
           buf_u, buf_i, ring, sem_u, sem_i, rsem):
    wid = lax.axis_index("s") * NUM_CORES + lax.axis_index("c")
    lo_blk = wid * BASE_BLK + jnp.minimum(wid, EXTRA)
    nblk = BASE_BLK + (wid < EXTRA).astype(jnp.int32)
    lo = pl.multiple_of(lo_blk * 128, 128)
    is_last = wid == NW - 1
    hi = lo + nblk * 128 + jnp.where(is_last, TAIL, 0)

    cnt_u = _scan(uids, piece_v, wl_u, lo, hi)
    cnt_i = _scan(iids, piece_v, wl_i, lo, hi)

    def chunk_start(j):
        blk = jnp.minimum(lo_blk + j * CB, lo_blk + nblk - CB)
        return pl.multiple_of(blk * 128, 128)

    def fire(j, slot):
        s = chunk_start(j)
        pltpu.async_copy(ut.at[:, pl.ds(s, W)], buf_u.at[slot], sem_u)
        pltpu.async_copy(it.at[:, pl.ds(s, W)], buf_i.at[slot], sem_i)

    fire(0, 0)

    def chunk_body(j, gtot):
        slot = lax.rem(j, 2)
        nslot = 1 - slot

        @pl.when(j < NCH - 1)
        def _fire_next():
            fire(j + 1, nslot)

        s = chunk_start(j)
        pltpu.make_async_copy(ut.at[:, pl.ds(s, W)], buf_u.at[slot], sem_u).wait()
        gtot = _process_window(buf_u, slot, s - lo, W, wl_u, cnt_u, cw, ring,
                               res_u, rsem, gtot)
        pltpu.make_async_copy(it.at[:, pl.ds(s, W)], buf_i.at[slot], sem_i).wait()
        gtot = _process_window(buf_i, slot, s - lo, W, wl_i, cnt_i, cw, ring,
                               res_i, rsem, gtot)
        return gtot

    gtot = lax.fori_loop(0, NCH, chunk_body, jnp.int32(0))

    @pl.when(is_last)
    def _tail():
        pltpu.sync_copy(ut_tail, buf_u.at[0, :, pl.ds(0, 128)])
        pltpu.sync_copy(it_tail, buf_i.at[0, :, pl.ds(0, 128)])
        g2 = _process_window(buf_u, 0, (NROWS - TAIL) - lo, TAIL, wl_u,
                             cnt_u, cw, ring, res_u, rsem, gtot)
        g2 = _process_window(buf_i, 0, (NROWS - TAIL) - lo, TAIL, wl_i,
                             cnt_i, cw, ring, res_i, rsem, g2)

        def drain_t(k, _):
            pltpu.make_async_copy(
                res_u.at[pl.ds(DUMP, LANES)], ring.at[0], rsem).wait()
            return _

        lax.fori_loop(0, jnp.minimum(g2, RING) - jnp.minimum(gtot, RING),
                      drain_t, 0)

    def drain(k, _):
        pltpu.make_async_copy(
            res_u.at[pl.ds(DUMP, LANES)], ring.at[0], rsem).wait()
        return _

    lax.fori_loop(0, jnp.minimum(gtot, RING), drain, 0)


def _body2(uids, iids, res_u, res_i, ub, ib, out_hbm,
           bidx_u, bidx_i, u_rows, i_rows, ub_v, ib_v, out_v, bsem):
    wid = lax.axis_index("s") * NUM_CORES + lax.axis_index("c")
    base = wid * BPW
    pltpu.sync_copy(uids.at[pl.ds(base, BPW)], bidx_u)
    pltpu.sync_copy(iids.at[pl.ds(base, BPW)], bidx_i)

    copies = []
    for c in range(BPW // 128):
        dsl = pl.ds(c * 128, 128)
        copies.append(pltpu.async_copy(ub.at[bidx_u.at[dsl]], ub_v.at[dsl], bsem))
        copies.append(pltpu.async_copy(ib.at[bidx_i.at[dsl]], ib_v.at[dsl], bsem))
    for cp in copies:
        cp.wait()

    lane = lax.iota(jnp.int32, LANES)
    HALF = 256

    def half(h, _):
        pltpu.sync_copy(res_u.at[pl.ds(base + h * HALF, HALF), :], u_rows)
        pltpu.sync_copy(res_i.at[pl.ds(base + h * HALF, HALF), :], i_rows)

        def group(g, _):
            rows = jnp.full((LANES,), g * LANES, jnp.int32) + lane
            bo = h * HALF + g * LANES
            acc = ub_v[pl.ds(bo, LANES)] + ib_v[pl.ds(bo, LANES)] + MU
            for f in range(F):
                col = jnp.full((LANES,), f, jnp.int32)
                acc = acc + (plsc.load_gather(u_rows, [rows, col])
                             * plsc.load_gather(i_rows, [rows, col]))
            out_v[pl.ds(bo, LANES)] = acc
            return _

        return lax.fori_loop(0, HALF // LANES, group, 0)

    lax.fori_loop(0, BPW // HALF, half, 0)
    pltpu.sync_copy(out_v, out_hbm.at[pl.ds(base, BPW)])


@jax.jit
def _run(uids, iids, ut, it, ut_tail, it_tail, ub, ib):
    mesh = plsc.VectorSubcoreMesh(core_axis_name="c", subcore_axis_name="s")
    res_u, res_i = pl.kernel(
        _body1,
        out_type=(
            jax.ShapeDtypeStruct((BATCH + LANES, RF), jnp.float32),
            jax.ShapeDtypeStruct((BATCH + LANES, RF), jnp.float32),
        ),
        mesh=mesh,
        compiler_params=pltpu.CompilerParams(needs_layout_passes=False),
        scratch_types=[
            pltpu.VMEM((PIECE,), jnp.int32),
            pltpu.VMEM((WLCAP + 2 * LANES,), jnp.int32),
            pltpu.VMEM((WLCAP + 2 * LANES,), jnp.int32),
            pltpu.VMEM((CWCAP + 2 * LANES,), jnp.int32),
            pltpu.VMEM((2, F, W), jnp.float32),
            pltpu.VMEM((2, F, W), jnp.float32),
            pltpu.VMEM((RING, LANES, RF), jnp.float32),
            pltpu.SemaphoreType.DMA,
            pltpu.SemaphoreType.DMA,
            pltpu.SemaphoreType.DMA,
        ],
    )(uids, iids, ut, it, ut_tail, it_tail)

    return pl.kernel(
        _body2,
        out_type=jax.ShapeDtypeStruct((BATCH,), jnp.float32),
        mesh=mesh,
        compiler_params=pltpu.CompilerParams(
            needs_layout_passes=False, use_tc_tiling_on_sc=False),
        scratch_types=[
            pltpu.VMEM((BPW,), jnp.int32),
            pltpu.VMEM((BPW,), jnp.int32),
            pltpu.VMEM((256, RF), jnp.float32),
            pltpu.VMEM((256, RF), jnp.float32),
            pltpu.VMEM((BPW,), jnp.float32),
            pltpu.VMEM((BPW,), jnp.float32),
            pltpu.VMEM((BPW,), jnp.float32),
            pltpu.SemaphoreType.DMA,
        ],
    )(uids, iids, res_u, res_i, ub, ib)


def kernel(inputs, user_latent, item_latent, user_bias, item_bias):
    uids = inputs[:, 0]
    iids = inputs[:, 1]
    ut = user_latent.T
    it = item_latent.T
    ut_tail = jnp.pad(user_latent[NROWS - TAIL:], ((0, 128 - TAIL), (0, 0))).T
    it_tail = jnp.pad(item_latent[NROWS - TAIL:], ((0, 128 - TAIL), (0, 0))).T
    return _run(uids, iids, ut, it, ut_tail, it_tail,
                user_bias.reshape(-1), item_bias.reshape(-1))

# --- scband reference (transcript-rebuilt; emitter-appended) ---
"""Pipeline reference for scband-model-46488726011938 (READ-ONLY COPY).

The authoritative reference and input builder live on the scoring server;
editing this copy changes nothing except your own understanding.
"""

import jax, jax.numpy as jnp
import numpy as np

N_USERS = 1000000
N_ITEMS = 1000000
N_FACTORS = 32
MU = 3.5
BATCH = 16384


def setup_inputs(seed: int = 0) -> dict:
    key = jax.random.key(seed)
    k_inp, k_ul, k_il = jax.random.split(key, 3)
    inputs = jax.random.randint(k_inp, (BATCH, 2), 0, N_USERS).astype(jnp.int32)
    # learned parameters (keras Embedding with 'uniform' init = U(-0.05, 0.05))
    user_latent = jax.random.uniform(k_ul, (N_USERS, N_FACTORS), dtype=jnp.float32, minval=-0.05, maxval=0.05)
    item_latent = jax.random.uniform(k_il, (N_ITEMS, N_FACTORS), dtype=jnp.float32, minval=-0.05, maxval=0.05)
    user_bias = jnp.zeros((N_USERS, 1), dtype=jnp.float32)
    item_bias = jnp.zeros((N_ITEMS, 1), dtype=jnp.float32)
    return {
        "inputs": inputs,
        "user_latent": user_latent,
        "item_latent": item_latent,
        "user_bias": user_bias,
        "item_bias": item_bias,
    }


def reference(inputs, user_latent, item_latent, user_bias, item_bias):
    # split into user ids and item ids (mirrors tf.split(inputs, 2, axis=1))
    user_ids = inputs[:, 0]
    item_ids = inputs[:, 1]
    # embedding lookups (SparseCore gathers)
    u = jnp.take(user_latent, user_ids, axis=0)  # [B, F]
    i = jnp.take(item_latent, item_ids, axis=0)  # [B, F]
    f = jnp.sum(u * i, axis=1)                   # [B]
    ub = jnp.take(user_bias, user_ids, axis=0)[:, 0]  # [B]
    ib = jnp.take(item_bias, item_ids, axis=0)[:, 0]  # [B]
    return f + ub + ib + MU

if __name__ == "__main__":
    import jax
    _d = setup_inputs()
    print(jax.jit(kernel)(*tuple(_d.values())))

</pallas_src>

<mosaic_0001>
#map = affine_map<(d0, d1) -> (0)>
#map1 = affine_map<(d0, d1) -> (0, 0)>
module attributes {stable_mosaic.version = 14 : i64} {
  func.func @_body1(%arg0: i32, %arg1: i32, %arg2: memref<16384xi32, #tpu.memory_space<hbm>>, %arg3: memref<16384xi32, #tpu.memory_space<hbm>>, %arg4: memref<32x1000000xf32, #tpu.memory_space<hbm>>, %arg5: memref<32x1000000xf32, #tpu.memory_space<hbm>>, %arg6: memref<32x128xf32, #tpu.memory_space<hbm>>, %arg7: memref<32x128xf32, #tpu.memory_space<hbm>>, %arg8: memref<16400x128xf32, #tpu.memory_space<hbm>>, %arg9: memref<16400x128xf32, #tpu.memory_space<hbm>>, %arg10: memref<4096xi32, #tpu.memory_space<vmem>>, %arg11: memref<1056xi32, #tpu.memory_space<vmem>>, %arg12: memref<1056xi32, #tpu.memory_space<vmem>>, %arg13: memref<160xi32, #tpu.memory_space<vmem>>, %arg14: memref<2x32x768xf32, #tpu.memory_space<vmem>>, %arg15: memref<2x32x768xf32, #tpu.memory_space<vmem>>, %arg16: memref<8x16x128xf32, #tpu.memory_space<vmem>>, %arg17: memref<!tpu.dma_semaphore, #tpu.memory_space<semaphore_mem>>, %arg18: memref<!tpu.dma_semaphore, #tpu.memory_space<semaphore_mem>>, %arg19: memref<!tpu.dma_semaphore, #tpu.memory_space<semaphore_mem>>) attributes {dimension_semantics = [#tpu.dimension_semantics<core_parallel>, #tpu.dimension_semantics<subcore_parallel>], iteration_bounds = array<i64: 2, 16>, scalar_prefetch = 0 : i64, scratch_operands = 10 : i64, tpu.core_type = #tpu.core_type<sc_vector_subcore>, window_params = [{transform_indices = #map}, {transform_indices = #map}, {transform_indices = #map1}, {transform_indices = #map1}, {transform_indices = #map1}, {transform_indices = #map1}, {transform_indices = #map1}, {transform_indices = #map1}]} {
    %mul3A = arith.constant 2 : i32
    %mul3A_0 = arith.muli %arg1, %mul3A : i32
    %add3A = arith.addi %mul3A_0, %arg0 : i32
    %mul3A_1 = arith.constant 244 : i32
    %mul3A_2 = arith.muli %add3A, %mul3A_1 : i32
    %min3A = arith.constant 4 : i32
    %min3A_3 = arith.minsi %add3A, %min3A : i32
    %add3A_4 = arith.addi %mul3A_2, %min3A_3 : i32
    %lt3A = arith.constant 4 : i32
    %lt3A_5 = arith.cmpi slt, %add3A, %lt3A : i32
    %convert_element_type3A = arith.extui %lt3A_5 : i1 to i32
    %add3A_6 = arith.constant 244 : i32
    %add3A_7 = arith.addi %add3A_6, %convert_element_type3A : i32
    %mul3A_8 = arith.constant 128 : i32
    %mul3A_9 = arith.muli %add3A_4, %mul3A_8 : i32
    %multiple_of3A = tpu.assume_multiple %mul3A_9, 128 : i32
    %eq3A = arith.constant 31 : i32
    %eq3A_10 = arith.cmpi eq, %add3A, %eq3A : i32
    %mul3A_11 = arith.constant 128 : i32
    %mul3A_12 = arith.muli %add3A_7, %mul3A_11 : i32
    %add3A_13 = arith.addi %multiple_of3A, %mul3A_12 : i32
    %jit3A = arith.constant 64 : i32
    %jit3A_14 = arith.constant 0 : i32
    %select_n3A = arith.select %eq3A_10, %jit3A, %jit3A_14 : i32
    %add3A_15 = arith.addi %add3A_13, %select_n3A : i32
    %iota3A = tpu.iota {dimensions = array<i32: 0>} : vector<16xi32>
    %broadcast_in_dim3A = arith.constant 0 : i32
    %broadcast_in_dim3A_16 = vector.broadcast %broadcast_in_dim3A : i32 to vector<16xi32>
    %scan3A = arith.constant 0 : i32
    %scan3A_17 = arith.constant 4 : i32
    %scan3A_18 = arith.addi %scan3A, %scan3A_17 : i32
    %scan3A_19 = arith.constant 1 : i32
    %scan3A_20 = scf.for %scan3A_105 = %scan3A to %scan3A_18 step %scan3A_19 iter_args(%scan3A_106 = %broadcast_in_dim3A_16) -> (vector<16xi32>)  : i32 {
      %mul3A_107 = arith.constant 4096 : i32
      %mul3A_108 = arith.muli %scan3A_105, %mul3A_107 : i32
      "tpu.region"() ({
        %run_scoped3A = tpu.sem_alloc : memref<!tpu.dma_semaphore, #tpu.memory_space<semaphore_mem>>
        %dma_start3A_115 = tpu.memref_slice %arg2[%mul3A_108] : memref<16384xi32, #tpu.memory_space<hbm>> -> memref<4096xi32, #tpu.memory_space<hbm>>
        %dma_start3A_116 = tpu.memref_slice %arg2[%mul3A_108] : memref<16384xi32, #tpu.memory_space<hbm>> -> memref<4096xi32, #tpu.memory_space<hbm>>
        tpu.enqueue_dma source(%dma_start3A_116 : memref<4096xi32, #tpu.memory_space<hbm>>) target(%arg10 : memref<4096xi32, #tpu.memory_space<vmem>>) target_semaphore(%run_scoped3A : memref<!tpu.dma_semaphore, #tpu.memory_space<semaphore_mem>>)
        %dma_wait3A = tpu.memref_slice %arg2[%mul3A_108] : memref<16384xi32, #tpu.memory_space<hbm>> -> memref<4096xi32, #tpu.memory_space<hbm>>
        %dma_wait3A_117 = tpu.memref_slice %arg2[%mul3A_108] : memref<16384xi32, #tpu.memory_space<hbm>> -> memref<4096xi32, #tpu.memory_space<hbm>>
        tpu.wait_dma2 semaphore(%run_scoped3A : memref<!tpu.dma_semaphore, #tpu.memory_space<semaphore_mem>>) src(%dma_wait3A_117 : memref<4096xi32, #tpu.memory_space<hbm>>) dst(%arg10 : memref<4096xi32, #tpu.memory_space<vmem>>)
        tpu.yield
      }) : () -> ()
      %scan3A_109 = arith.constant 0 : i32
      %scan3A_110 = arith.constant 64 : i32
      %scan3A_111 = arith.addi %scan3A_109, %scan3A_110 : i32
      %scan3A_112 = arith.constant 1 : i32
      %scan3A_113 = scf.for %scan3A_115 = %scan3A_109 to %scan3A_111 step %scan3A_112 iter_args(%scan3A_116 = %scan3A_106) -> (vector<16xi32>)  : i32 {
        %mul3A_117 = arith.constant 4 : i32
        %mul3A_118 = arith.muli %scan3A_115, %mul3A_117 : i32
        %add3A_119 = arith.constant 0 : i32
        %add3A_120 = arith.addi %mul3A_118, %add3A_119 : i32
        %mul3A_121 = arith.constant 16 : i32
        %mul3A_122 = arith.muli %add3A_120, %mul3A_121 : i32
        %get3A = arith.index_cast %mul3A_122 : i32 to index
        %get3A_123 = tpu.vector_load %arg10[%get3A] {strides = array<i32>} : memref<4096xi32, #tpu.memory_space<vmem>>, vector<16xi32>,
        %mul3A_124 = arith.constant 4096 : i32
        %mul3A_125 = arith.muli %scan3A_105, %mul3A_124 : i32
        %add3A_126 = arith.addi %mul3A_125, %mul3A_122 : i32
        %broadcast_in_dim3A_127 = vector.broadcast %add3A_126 : i32 to vector<16xi32>
        %add3A_128 = arith.addi %broadcast_in_dim3A_127, %iota3A : vector<16xi32>
        %ge3A = vector.broadcast %multiple_of3A : i32 to vector<16xi32>
        %ge3A_129 = arith.cmpi sge, %get3A_123, %ge3A : vector<16xi32>
        %lt3A_130 = vector.broadcast %add3A_15 : i32 to vector<16xi32>
        %lt3A_131 = arith.cmpi slt, %get3A_123, %lt3A_130 : vector<16xi32>
        %and3A = arith.andi %ge3A_129, %lt3A_131 : vector<16xi1>
        %sub3A_132 = vector.broadcast %multiple_of3A : i32 to vector<16xi32>
        %sub3A_133 = arith.subi %get3A_123, %sub3A_132 : vector<16xi32>
        %shift_left3A = arith.constant 15 : i32
        %shift_left3A_134 = vector.broadcast %shift_left3A : i32 to vector<16xi32>
        %shift_left3A_135 = arith.shli %sub3A_133, %shift_left3A_134 : vector<16xi32>
        %or3A = arith.ori %shift_left3A_135, %add3A_128 : vector<16xi32>
        %convert_element_type3A_136 = arith.extui %and3A : vector<16xi1> to vector<16xi32>
        %broadcast_in_dim3A_137 = arith.constant true
        %broadcast_in_dim3A_138 = vector.broadcast %broadcast_in_dim3A_137 : i1 to vector<16xi1>
        %masked_cumsum3A = tpu.scan <sum>, %convert_element_type3A_136 masked %broadcast_in_dim3A_138 : vector<16xi32>, vector<16xi1> -> vector<16xi32>
        %add3A_139 = arith.addi %scan3A_116, %masked_cumsum3A : vector<16xi32>
        %sub3A_140 = arith.constant 1 : i32
        %sub3A_141 = vector.broadcast %sub3A_140 : i32 to vector<16xi32>
        %sub3A_142 = arith.subi %add3A_139, %sub3A_141 : vector<16xi32>
        tpu.vector_store_idx %arg11[%sub3A_142], %or3A masked %and3A : memref<1056xi32, #tpu.memory_space<vmem>>[vector<16xi32>], vector<16xi32>, vector<16xi1>
        %all_reduce_population_count3A = tpu.all_reduce %and3A {dim = 0 : i64, kind = #tpu.reduction_kind<sum>} : vector<16xi1> -> vector<16xi32>
        %add3A_143 = arith.addi %scan3A_116, %all_reduce_population_count3A : vector<16xi32>
        %min3A_144 = arith.constant 1024 : i32
        %min3A_145 = vector.broadcast %min3A_144 : i32 to vector<16xi32>
        %min3A_146 = arith.minsi %add3A_143, %min3A_145 : vector<16xi32>
        %mul3A_147 = arith.constant 4 : i32
        %mul3A_148 = arith.muli %scan3A_115, %mul3A_147 : i32
        %add3A_149 = arith.constant 1 : i32
        %add3A_150 = arith.addi %mul3A_148, %add3A_149 : i32
        %mul3A_151 = arith.constant 16 : i32
        %mul3A_152 = arith.muli %add3A_150, %mul3A_151 : i32
        %get3A_153 = arith.index_cast %mul3A_152 : i32 to index
        %get3A_154 = tpu.vector_load %arg10[%get3A_153] {strides = array<i32>} : memref<4096xi32, #tpu.memory_space<vmem>>, vector<16xi32>,
        %mul3A_155 = arith.constant 4096 : i32
        %mul3A_156 = arith.muli %scan3A_105, %mul3A_155 : i32
        %add3A_157 = arith.addi %mul3A_156, %mul3A_152 : i32
        %broadcast_in_dim3A_158 = vector.broadcast %add3A_157 : i32 to vector<16xi32>
        %add3A_159 = arith.addi %broadcast_in_dim3A_158, %iota3A : vector<16xi32>
        %ge3A_160 = vector.broadcast %multiple_of3A : i32 to vector<16xi32>
        %ge3A_161 = arith.cmpi sge, %get3A_154, %ge3A_160 : vector<16xi32>
        %lt3A_162 = vector.broadcast %add3A_15 : i32 to vector<16xi32>
        %lt3A_163 = arith.cmpi slt, %get3A_154, %lt3A_162 : vector<16xi32>
        %and3A_164 = arith.andi %ge3A_161, %lt3A_163 : vector<16xi1>
        %sub3A_165 = vector.broadcast %multiple_of3A : i32 to vector<16xi32>
        %sub3A_166 = arith.subi %get3A_154, %sub3A_165 : vector<16xi32>
        %shift_left3A_167 = arith.constant 15 : i32
        %shift_left3A_168 = vector.broadcast %shift_left3A_167 : i32 to vector<16xi32>
        %shift_left3A_169 = arith.shli %sub3A_166, %shift_left3A_168 : vector<16xi32>
        %or3A_170 = arith.ori %shift_left3A_169, %add3A_159 : vector<16xi32>
        %convert_element_type3A_171 = arith.extui %and3A_164 : vector<16xi1> to vector<16xi32>
        %broadcast_in_dim3A_172 = arith.constant true
        %broadcast_in_dim3A_173 = vector.broadcast %broadcast_in_dim3A_172 : i1 to vector<16xi1>
        %masked_cumsum3A_174 = tpu.scan <sum>, %convert_element_type3A_171 masked %broadcast_in_dim3A_173 : vector<16xi32>, vector<16xi1> -> vector<16xi32>
        %add3A_175 = arith.addi %min3A_146, %masked_cumsum3A_174 : vector<16xi32>
        %sub3A_176 = arith.constant 1 : i32
        %sub3A_177 = vector.broadcast %sub3A_176 : i32 to vector<16xi32>
        %sub3A_178 = arith.subi %add3A_175, %sub3A_177 : vector<16xi32>
        tpu.vector_store_idx %arg11[%sub3A_178], %or3A_170 masked %and3A_164 : memref<1056xi32, #tpu.memory_space<vmem>>[vector<16xi32>], vector<16xi32>, vector<16xi1>
        %all_reduce_population_count3A_179 = tpu.all_reduce %and3A_164 {dim = 0 : i64, kind = #tpu.reduction_kind<sum>} : vector<16xi1> -> vector<16xi32>
        %add3A_180 = arith.addi %min3A_146, %all_reduce_population_count3A_179 : vector<16xi32>
        %min3A_181 = arith.constant 1024 : i32
        %min3A_182 = vector.broadcast %min3A_181 : i32 to vector<16xi32>
        %min3A_183 = arith.minsi %add3A_180, %min3A_182 : vector<16xi32>
        %mul3A_184 = arith.constant 4 : i32
        %mul3A_185 = arith.muli %scan3A_115, %mul3A_184 : i32
        %add3A_186 = arith.constant 2 : i32
        %add3A_187 = arith.addi %mul3A_185, %add3A_186 : i32
        %mul3A_188 = arith.constant 16 : i32
        %mul3A_189 = arith.muli %add3A_187, %mul3A_188 : i32
        %get3A_190 = arith.index_cast %mul3A_189 : i32 to index
        %get3A_191 = tpu.vector_load %arg10[%get3A_190] {strides = array<i32>} : memref<4096xi32, #tpu.memory_space<vmem>>, vector<16xi32>,
        %mul3A_192 = arith.constant 4096 : i32
        %mul3A_193 = arith.muli %scan3A_105, %mul3A_192 : i32
        %add3A_194 = arith.addi %mul3A_193, %mul3A_189 : i32
        %broadcast_in_dim3A_195 = vector.broadcast %add3A_194 : i32 to vector<16xi32>
        %add3A_196 = arith.addi %broadcast_in_dim3A_195, %iota3A : vector<16xi32>
        %ge3A_197 = vector.broadcast %multiple_of3A : i32 to vector<16xi32>
        %ge3A_198 = arith.cmpi sge, %get3A_191, %ge3A_197 : vector<16xi32>
        %lt3A_199 = vector.broadcast %add3A_15 : i32 to vector<16xi32>
        %lt3A_200 = arith.cmpi slt, %get3A_191, %lt3A_199 : vector<16xi32>
        %and3A_201 = arith.andi %ge3A_198, %lt3A_200 : vector<16xi1>
        %sub3A_202 = vector.broadcast %multiple_of3A : i32 to vector<16xi32>
        %sub3A_203 = arith.subi %get3A_191, %sub3A_202 : vector<16xi32>
        %shift_left3A_204 = arith.constant 15 : i32
        %shift_left3A_205 = vector.broadcast %shift_left3A_204 : i32 to vector<16xi32>
        %shift_left3A_206 = arith.shli %sub3A_203, %shift_left3A_205 : vector<16xi32>
        %or3A_207 = arith.ori %shift_left3A_206, %add3A_196 : vector<16xi32>
        %convert_element_type3A_208 = arith.extui %and3A_201 : vector<16xi1> to vector<16xi32>
        %broadcast_in_dim3A_209 = arith.constant true
        %broadcast_in_dim3A_210 = vector.broadcast %broadcast_in_dim3A_209 : i1 to vector<16xi1>
        %masked_cumsum3A_211 = tpu.scan <sum>, %convert_element_type3A_208 masked %broadcast_in_dim3A_210 : vector<16xi32>, vector<16xi1> -> vector<16xi32>
        %add3A_212 = arith.addi %min3A_183, %masked_cumsum3A_211 : vector<16xi32>
        %sub3A_213 = arith.constant 1 : i32
        %sub3A_214 = vector.broadcast %sub3A_213 : i32 to vector<16xi32>
        %sub3A_215 = arith.subi %add3A_212, %sub3A_214 : vector<16xi32>
        tpu.vector_store_idx %arg11[%sub3A_215], %or3A_207 masked %and3A_201 : memref<1056xi32, #tpu.memory_space<vmem>>[vector<16xi32>], vector<16xi32>, vector<16xi1>
        %all_reduce_population_count3A_216 = tpu.all_reduce %and3A_201 {dim = 0 : i64, kind = #tpu.reduction_kind<sum>} : vector<16xi1> -> vector<16xi32>
        %add3A_217 = arith.addi %min3A_183, %all_reduce_population_count3A_216 : vector<16xi32>
        %min3A_218 = arith.constant 1024 : i32
        %min3A_219 = vector.broadcast %min3A_218 : i32 to vector<16xi32>
        %min3A_220 = arith.minsi %add3A_217, %min3A_219 : vector<16xi32>
        %mul3A_221 = arith.constant 4 : i32
        %mul3A_222 = arith.muli %scan3A_115, %mul3A_221 : i32
        %add3A_223 = arith.constant 3 : i32
        %add3A_224 = arith.addi %mul3A_222, %add3A_223 : i32
        %mul3A_225 = arith.constant 16 : i32
        %mul3A_226 = arith.muli %add3A_224, %mul3A_225 : i32
        %get3A_227 = arith.index_cast %mul3A_226 : i32 to index
        %get3A_228 = tpu.vector_load %arg10[%get3A_227] {strides = array<i32>} : memref<4096xi32, #tpu.memory_space<vmem>>, vector<16xi32>,
        %mul3A_229 = arith.constant 4096 : i32
        %mul3A_230 = arith.muli %scan3A_105, %mul3A_229 : i32
        %add3A_231 = arith.addi %mul3A_230, %mul3A_226 : i32
        %broadcast_in_dim3A_232 = vector.broadcast %add3A_231 : i32 to vector<16xi32>
        %add3A_233 = arith.addi %broadcast_in_dim3A_232, %iota3A : vector<16xi32>
        %ge3A_234 = vector.broadcast %multiple_of3A : i32 to vector<16xi32>
        %ge3A_235 = arith.cmpi sge, %get3A_228, %ge3A_234 : vector<16xi32>
        %lt3A_236 = vector.broadcast %add3A_15 : i32 to vector<16xi32>
        %lt3A_237 = arith.cmpi slt, %get3A_228, %lt3A_236 : vector<16xi32>
        %and3A_238 = arith.andi %ge3A_235, %lt3A_237 : vector<16xi1>
        %sub3A_239 = vector.broadcast %multiple_of3A : i32 to vector<16xi32>
        %sub3A_240 = arith.subi %get3A_228, %sub3A_239 : vector<16xi32>
        %shift_left3A_241 = arith.constant 15 : i32
        %shift_left3A_242 = vector.broadcast %shift_left3A_241 : i32 to vector<16xi32>
        %shift_left3A_243 = arith.shli %sub3A_240, %shift_left3A_242 : vector<16xi32>
        %or3A_244 = arith.ori %shift_left3A_243, %add3A_233 : vector<16xi32>
        %convert_element_type3A_245 = arith.extui %and3A_238 : vector<16xi1> to vector<16xi32>
        %broadcast_in_dim3A_246 = arith.constant true
        %broadcast_in_dim3A_247 = vector.broadcast %broadcast_in_dim3A_246 : i1 to vector<16xi1>
        %masked_cumsum3A_248 = tpu.scan <sum>, %convert_element_type3A_245 masked %broadcast_in_dim3A_247 : vector<16xi32>, vector<16xi1> -> vector<16xi32>
        %add3A_249 = arith.addi %min3A_220, %masked_cumsum3A_248 : vector<16xi32>
        %sub3A_250 = arith.constant 1 : i32
        %sub3A_251 = vector.broadcast %sub3A_250 : i32 to vector<16xi32>
        %sub3A_252 = arith.subi %add3A_249, %sub3A_251 : vector<16xi32>
        tpu.vector_store_idx %arg11[%sub3A_252], %or3A_244 masked %and3A_238 : memref<1056xi32, #tpu.memory_space<vmem>>[vector<16xi32>], vector<16xi32>, vector<16xi1>
        %all_reduce_population_count3A_253 = tpu.all_reduce %and3A_238 {dim = 0 : i64, kind = #tpu.reduction_kind<sum>} : vector<16xi1> -> vector<16xi32>
        %add3A_254 = arith.addi %min3A_220, %all_reduce_population_count3A_253 : vector<16xi32>
        %min3A_255 = arith.constant 1024 : i32
        %min3A_256 = vector.broadcast %min3A_255 : i32 to vector<16xi32>
        %min3A_257 = arith.minsi %add3A_254, %min3A_256 : vector<16xi32>
        scf.yield %min3A_257 : vector<16xi32>
      }
      %scan3A_114 = arith.constant 64 : i32
      scf.yield %scan3A_113 : vector<16xi32>
    }
    %scan3A_21 = arith.constant 4 : i32
    %slice3A = vector.extract_strided_slice %scan3A_20 {offsets = [0], sizes = [1], strides = [1]} : vector<16xi32> to vector<1xi32>
    %squeeze3A = vector.extract %slice3A[0] : i32 from vector<1xi32>
    %broadcast_in_dim3A_22 = arith.constant 1073725440 : i32
    %broadcast_in_dim3A_23 = vector.broadcast %broadcast_in_dim3A_22 : i32 to vector<16xi32>
    %swap3A = arith.index_cast %squeeze3A : i32 to index
    %swap3A_24 = tpu.vector_load %arg11[%swap3A] {strides = array<i32>} : memref<1056xi32, #tpu.memory_space<vmem>>, vector<16xi32>,
    tpu.vector_store %arg11[%swap3A], %broadcast_in_dim3A_23 {strides = array<i32>} : memref<1056xi32, #tpu.memory_space<vmem>>, vector<16xi32>,
    %broadcast_in_dim3A_25 = arith.constant 1073725440 : i32
    %broadcast_in_dim3A_26 = vector.broadcast %broadcast_in_dim3A_25 : i32 to vector<16xi32>
    %add3A_27 = arith.constant 16 : i32
    %add3A_28 = arith.addi %squeeze3A, %add3A_27 : i32
    %swap3A_29 = arith.index_cast %add3A_28 : i32 to index
    %swap3A_30 = tpu.vector_load %arg11[%swap3A_29] {strides = array<i32>} : memref<1056xi32, #tpu.memory_space<vmem>>, vector<16xi32>,
    tpu.vector_store %arg11[%swap3A_29], %broadcast_in_dim3A_26 {strides = array<i32>} : memref<1056xi32, #tpu.memory_space<vmem>>, vector<16xi32>,
    %iota3A_31 = tpu.iota {dimensions = array<i32: 0>} : vector<16xi32>
    %broadcast_in_dim3A_32 = arith.constant 0 : i32
    %broadcast_in_dim3A_33 = vector.broadcast %broadcast_in_dim3A_32 : i32 to vector<16xi32>
    %scan3A_34 = arith.constant 0 : i32
    %scan3A_35 = arith.constant 4 : i32
    %scan3A_36 = arith.addi %scan3A_34, %scan3A_35 : i32
    %scan3A_37 = arith.constant 1 : i32
    %scan3A_38 = scf.for %scan3A_105 = %scan3A_34 to %scan3A_36 step %scan3A_37 iter_args(%scan3A_106 = %broadcast_in_dim3A_33) -> (vector<16xi32>)  : i32 {
      %mul3A_107 = arith.constant 4096 : i32
      %mul3A_108 = arith.muli %scan3A_105, %mul3A_107 : i32
      "tpu.region"() ({
        %run_scoped3A = tpu.sem_alloc : memref<!tpu.dma_semaphore, #tpu.memory_space<semaphore_mem>>
        %dma_start3A_115 = tpu.memref_slice %arg3[%mul3A_108] : memref<16384xi32, #tpu.memory_space<hbm>> -> memref<4096xi32, #tpu.memory_space<hbm>>
        %dma_start3A_116 = tpu.memref_slice %arg3[%mul3A_108] : memref<16384xi32, #tpu.memory_space<hbm>> -> memref<4096xi32, #tpu.memory_space<hbm>>
        tpu.enqueue_dma source(%dma_start3A_116 : memref<4096xi32, #tpu.memory_space<hbm>>) target(%arg10 : memref<4096xi32, #tpu.memory_space<vmem>>) target_semaphore(%run_scoped3A : memref<!tpu.dma_semaphore, #tpu.memory_space<semaphore_mem>>)
        %dma_wait3A = tpu.memref_slice %arg3[%mul3A_108] : memref<16384xi32, #tpu.memory_space<hbm>> -> memref<4096xi32, #tpu.memory_space<hbm>>
        %dma_wait3A_117 = tpu.memref_slice %arg3[%mul3A_108] : memref<16384xi32, #tpu.memory_space<hbm>> -> memref<4096xi32, #tpu.memory_space<hbm>>
        tpu.wait_dma2 semaphore(%run_scoped3A : memref<!tpu.dma_semaphore, #tpu.memory_space<semaphore_mem>>) src(%dma_wait3A_117 : memref<4096xi32, #tpu.memory_space<hbm>>) dst(%arg10 : memref<4096xi32, #tpu.memory_space<vmem>>)
        tpu.yield
      }) : () -> ()
      %scan3A_109 = arith.constant 0 : i32
      %scan3A_110 = arith.constant 64 : i32
      %scan3A_111 = arith.addi %scan3A_109, %scan3A_110 : i32
      %scan3A_112 = arith.constant 1 : i32
      %scan3A_113 = scf.for %scan3A_115 = %scan3A_109 to %scan3A_111 step %scan3A_112 iter_args(%scan3A_116 = %scan3A_106) -> (vector<16xi32>)  : i32 {
        %mul3A_117 = arith.constant 4 : i32
        %mul3A_118 = arith.muli %scan3A_115, %mul3A_117 : i32
        %add3A_119 = arith.constant 0 : i32
        %add3A_120 = arith.addi %mul3A_118, %add3A_119 : i32
        %mul3A_121 = arith.constant 16 : i32
        %mul3A_122 = arith.muli %add3A_120, %mul3A_121 : i32
        %get3A = arith.index_cast %mul3A_122 : i32 to index
        %get3A_123 = tpu.vector_load %arg10[%get3A] {strides = array<i32>} : memref<4096xi32, #tpu.memory_space<vmem>>, vector<16xi32>,
        %mul3A_124 = arith.constant 4096 : i32
        %mul3A_125 = arith.muli %scan3A_105, %mul3A_124 : i32
        %add3A_126 = arith.addi %mul3A_125, %mul3A_122 : i32
        %broadcast_in_dim3A_127 = vector.broadcast %add3A_126 : i32 to vector<16xi32>
        %add3A_128 = arith.addi %broadcast_in_dim3A_127, %iota3A_31 : vector<16xi32>
        %ge3A = vector.broadcast %multiple_of3A : i32 to vector<16xi32>
        %ge3A_129 = arith.cmpi sge, %get3A_123, %ge3A : vector<16xi32>
        %lt3A_130 = vector.broadcast %add3A_15 : i32 to vector<16xi32>
        %lt3A_131 = arith.cmpi slt, %get3A_123, %lt3A_130 : vector<16xi32>
        %and3A = arith.andi %ge3A_129, %lt3A_131 : vector<16xi1>
        %sub3A_132 = vector.broadcast %multiple_of3A : i32 to vector<16xi32>
        %sub3A_133 = arith.subi %get3A_123, %sub3A_132 : vector<16xi32>
        %shift_left3A = arith.constant 15 : i32
        %shift_left3A_134 = vector.broadcast %shift_left3A : i32 to vector<16xi32>
        %shift_left3A_135 = arith.shli %sub3A_133, %shift_left3A_134 : vector<16xi32>
        %or3A = arith.ori %shift_left3A_135, %add3A_128 : vector<16xi32>
        %convert_element_type3A_136 = arith.extui %and3A : vector<16xi1> to vector<16xi32>
        %broadcast_in_dim3A_137 = arith.constant true
        %broadcast_in_dim3A_138 = vector.broadcast %broadcast_in_dim3A_137 : i1 to vector<16xi1>
        %masked_cumsum3A = tpu.scan <sum>, %convert_element_type3A_136 masked %broadcast_in_dim3A_138 : vector<16xi32>, vector<16xi1> -> vector<16xi32>
        %add3A_139 = arith.addi %scan3A_116, %masked_cumsum3A : vector<16xi32>
        %sub3A_140 = arith.constant 1 : i32
        %sub3A_141 = vector.broadcast %sub3A_140 : i32 to vector<16xi32>
        %sub3A_142 = arith.subi %add3A_139, %sub3A_141 : vector<16xi32>
        tpu.vector_store_idx %arg12[%sub3A_142], %or3A masked %and3A : memref<1056xi32, #tpu.memory_space<vmem>>[vector<16xi32>], vector<16xi32>, vector<16xi1>
        %all_reduce_population_count3A = tpu.all_reduce %and3A {dim = 0 : i64, kind = #tpu.reduction_kind<sum>} : vector<16xi1> -> vector<16xi32>
        %add3A_143 = arith.addi %scan3A_116, %all_reduce_population_count3A : vector<16xi32>
        %min3A_144 = arith.constant 1024 : i32
        %min3A_145 = vector.broadcast %min3A_144 : i32 to vector<16xi32>
        %min3A_146 = arith.minsi %add3A_143, %min3A_145 : vector<16xi32>
        %mul3A_147 = arith.constant 4 : i32
        %mul3A_148 = arith.muli %scan3A_115, %mul3A_147 : i32
        %add3A_149 = arith.constant 1 : i32
        %add3A_150 = arith.addi %mul3A_148, %add3A_149 : i32
        %mul3A_151 = arith.constant 16 : i32
        %mul3A_152 = arith.muli %add3A_150, %mul3A_151 : i32
        %get3A_153 = arith.index_cast %mul3A_152 : i32 to index
        %get3A_154 = tpu.vector_load %arg10[%get3A_153] {strides = array<i32>} : memref<4096xi32, #tpu.memory_space<vmem>>, vector<16xi32>,
        %mul3A_155 = arith.constant 4096 : i32
        %mul3A_156 = arith.muli %scan3A_105, %mul3A_155 : i32
        %add3A_157 = arith.addi %mul3A_156, %mul3A_152 : i32
        %broadcast_in_dim3A_158 = vector.broadcast %add3A_157 : i32 to vector<16xi32>
        %add3A_159 = arith.addi %broadcast_in_dim3A_158, %iota3A_31 : vector<16xi32>
        %ge3A_160 = vector.broadcast %multiple_of3A : i32 to vector<16xi32>
        %ge3A_161 = arith.cmpi sge, %get3A_154, %ge3A_160 : vector<16xi32>
        %lt3A_162 = vector.broadcast %add3A_15 : i32 to vector<16xi32>
        %lt3A_163 = arith.cmpi slt, %get3A_154, %lt3A_162 : vector<16xi32>
        %and3A_164 = arith.andi %ge3A_161, %lt3A_163 : vector<16xi1>
        %sub3A_165 = vector.broadcast %multiple_of3A : i32 to vector<16xi32>
        %sub3A_166 = arith.subi %get3A_154, %sub3A_165 : vector<16xi32>
        %shift_left3A_167 = arith.constant 15 : i32
        %shift_left3A_168 = vector.broadcast %shift_left3A_167 : i32 to vector<16xi32>
        %shift_left3A_169 = arith.shli %sub3A_166, %shift_left3A_168 : vector<16xi32>
        %or3A_170 = arith.ori %shift_left3A_169, %add3A_159 : vector<16xi32>
        %convert_element_type3A_171 = arith.extui %and3A_164 : vector<16xi1> to vector<16xi32>
        %broadcast_in_dim3A_172 = arith.constant true
        %broadcast_in_dim3A_173 = vector.broadcast %broadcast_in_dim3A_172 : i1 to vector<16xi1>
        %masked_cumsum3A_174 = tpu.scan <sum>, %convert_element_type3A_171 masked %broadcast_in_dim3A_173 : vector<16xi32>, vector<16xi1> -> vector<16xi32>
        %add3A_175 = arith.addi %min3A_146, %masked_cumsum3A_174 : vector<16xi32>
        %sub3A_176 = arith.constant 1 : i32
        %sub3A_177 = vector.broadcast %sub3A_176 : i32 to vector<16xi32>
        %sub3A_178 = arith.subi %add3A_175, %sub3A_177 : vector<16xi32>
        tpu.vector_store_idx %arg12[%sub3A_178], %or3A_170 masked %and3A_164 : memref<1056xi32, #tpu.memory_space<vmem>>[vector<16xi32>], vector<16xi32>, vector<16xi1>
        %all_reduce_population_count3A_179 = tpu.all_reduce %and3A_164 {dim = 0 : i64, kind = #tpu.reduction_kind<sum>} : vector<16xi1> -> vector<16xi32>
        %add3A_180 = arith.addi %min3A_146, %all_reduce_population_count3A_179 : vector<16xi32>
        %min3A_181 = arith.constant 1024 : i32
        %min3A_182 = vector.broadcast %min3A_181 : i32 to vector<16xi32>
        %min3A_183 = arith.minsi %add3A_180, %min3A_182 : vector<16xi32>
        %mul3A_184 = arith.constant 4 : i32
        %mul3A_185 = arith.muli %scan3A_115, %mul3A_184 : i32
        %add3A_186 = arith.constant 2 : i32
        %add3A_187 = arith.addi %mul3A_185, %add3A_186 : i32
        %mul3A_188 = arith.constant 16 : i32
        %mul3A_189 = arith.muli %add3A_187, %mul3A_188 : i32
        %get3A_190 = arith.index_cast %mul3A_189 : i32 to index
        %get3A_191 = tpu.vector_load %arg10[%get3A_190] {strides = array<i32>} : memref<4096xi32, #tpu.memory_space<vmem>>, vector<16xi32>,
        %mul3A_192 = arith.constant 4096 : i32
        %mul3A_193 = arith.muli %scan3A_105, %mul3A_192 : i32
        %add3A_194 = arith.addi %mul3A_193, %mul3A_189 : i32
        %broadcast_in_dim3A_195 = vector.broadcast %add3A_194 : i32 to vector<16xi32>
        %add3A_196 = arith.addi %broadcast_in_dim3A_195, %iota3A_31 : vector<16xi32>
        %ge3A_197 = vector.broadcast %multiple_of3A : i32 to vector<16xi32>
        %ge3A_198 = arith.cmpi sge, %get3A_191, %ge3A_197 : vector<16xi32>
        %lt3A_199 = vector.broadcast %add3A_15 : i32 to vector<16xi32>
        %lt3A_200 = arith.cmpi slt, %get3A_191, %lt3A_199 : vector<16xi32>
        %and3A_201 = arith.andi %ge3A_198, %lt3A_200 : vector<16xi1>
        %sub3A_202 = vector.broadcast %multiple_of3A : i32 to vector<16xi32>
        %sub3A_203 = arith.subi %get3A_191, %sub3A_202 : vector<16xi32>
        %shift_left3A_204 = arith.constant 15 : i32
        %shift_left3A_205 = vector.broadcast %shift_left3A_204 : i32 to vector<16xi32>
        %shift_left3A_206 = arith.shli %sub3A_203, %shift_left3A_205 : vector<16xi32>
        %or3A_207 = arith.ori %shift_left3A_206, %add3A_196 : vector<16xi32>
        %convert_element_type3A_208 = arith.extui %and3A_201 : vector<16xi1> to vector<16xi32>
        %broadcast_in_dim3A_209 = arith.constant true
        %broadcast_in_dim3A_210 = vector.broadcast %broadcast_in_dim3A_209 : i1 to vector<16xi1>
        %masked_cumsum3A_211 = tpu.scan <sum>, %convert_element_type3A_208 masked %broadcast_in_dim3A_210 : vector<16xi32>, vector<16xi1> -> vector<16xi32>
        %add3A_212 = arith.addi %min3A_183, %masked_cumsum3A_211 : vector<16xi32>
        %sub3A_213 = arith.constant 1 : i32
        %sub3A_214 = vector.broadcast %sub3A_213 : i32 to vector<16xi32>
        %sub3A_215 = arith.subi %add3A_212, %sub3A_214 : vector<16xi32>
        tpu.vector_store_idx %arg12[%sub3A_215], %or3A_207 masked %and3A_201 : memref<1056xi32, #tpu.memory_space<vmem>>[vector<16xi32>], vector<16xi32>, vector<16xi1>
        %all_reduce_population_count3A_216 = tpu.all_reduce %and3A_201 {dim = 0 : i64, kind = #tpu.reduction_kind<sum>} : vector<16xi1> -> vector<16xi32>
        %add3A_217 = arith.addi %min3A_183, %all_reduce_population_count3A_216 : vector<16xi32>
        %min3A_218 = arith.constant 1024 : i32
        %min3A_219 = vector.broadcast %min3A_218 : i32 to vector<16xi32>
        %min3A_220 = arith.minsi %add3A_217, %min3A_219 : vector<16xi32>
        %mul3A_221 = arith.constant 4 : i32
        %mul3A_222 = arith.muli %scan3A_115, %mul3A_221 : i32
        %add3A_223 = arith.constant 3 : i32
        %add3A_224 = arith.addi %mul3A_222, %add3A_223 : i32
        %mul3A_225 = arith.constant 16 : i32
        %mul3A_226 = arith.muli %add3A_224, %mul3A_225 : i32
        %get3A_227 = arith.index_cast %mul3A_226 : i32 to index
        %get3A_228 = tpu.vector_load %arg10[%get3A_227] {strides = array<i32>} : memref<4096xi32, #tpu.memory_space<vmem>>, vector<16xi32>,
        %mul3A_229 = arith.constant 4096 : i32
        %mul3A_230 = arith.muli %scan3A_105, %mul3A_229 : i32
        %add3A_231 = arith.addi %mul3A_230, %mul3A_226 : i32
        %broadcast_in_dim3A_232 = vector.broadcast %add3A_231 : i32 to vector<16xi32>
        %add3A_233 = arith.addi %broadcast_in_dim3A_232, %iota3A_31 : vector<16xi32>
        %ge3A_234 = vector.broadcast %multiple_of3A : i32 to vector<16xi32>
        %ge3A_235 = arith.cmpi sge, %get3A_228, %ge3A_234 : vector<16xi32>
        %lt3A_236 = vector.broadcast %add3A_15 : i32 to vector<16xi32>
        %lt3A_237 = arith.cmpi slt, %get3A_228, %lt3A_236 : vector<16xi32>
        %and3A_238 = arith.andi %ge3A_235, %lt3A_237 : vector<16xi1>
        %sub3A_239 = vector.broadcast %multiple_of3A : i32 to vector<16xi32>
        %sub3A_240 = arith.subi %get3A_228, %sub3A_239 : vector<16xi32>
        %shift_left3A_241 = arith.constant 15 : i32
        %shift_left3A_242 = vector.broadcast %shift_left3A_241 : i32 to vector<16xi32>
        %shift_left3A_243 = arith.shli %sub3A_240, %shift_left3A_242 : vector<16xi32>
        %or3A_244 = arith.ori %shift_left3A_243, %add3A_233 : vector<16xi32>
        %convert_element_type3A_245 = arith.extui %and3A_238 : vector<16xi1> to vector<16xi32>
        %broadcast_in_dim3A_246 = arith.constant true
        %broadcast_in_dim3A_247 = vector.broadcast %broadcast_in_dim3A_246 : i1 to vector<16xi1>
        %masked_cumsum3A_248 = tpu.scan <sum>, %convert_element_type3A_245 masked %broadcast_in_dim3A_247 : vector<16xi32>, vector<16xi1> -> vector<16xi32>
        %add3A_249 = arith.addi %min3A_220, %masked_cumsum3A_248 : vector<16xi32>
        %sub3A_250 = arith.constant 1 : i32
        %sub3A_251 = vector.broadcast %sub3A_250 : i32 to vector<16xi32>
        %sub3A_252 = arith.subi %add3A_249, %sub3A_251 : vector<16xi32>
        tpu.vector_store_idx %arg12[%sub3A_252], %or3A_244 masked %and3A_238 : memref<1056xi32, #tpu.memory_space<vmem>>[vector<16xi32>], vector<16xi32>, vector<16xi1>
        %all_reduce_population_count3A_253 = tpu.all_reduce %and3A_238 {dim = 0 : i64, kind = #tpu.reduction_kind<sum>} : vector<16xi1> -> vector<16xi32>
        %add3A_254 = arith.addi %min3A_220, %all_reduce_population_count3A_253 : vector<16xi32>
        %min3A_255 = arith.constant 1024 : i32
        %min3A_256 = vector.broadcast %min3A_255 : i32 to vector<16xi32>
        %min3A_257 = arith.minsi %add3A_254, %min3A_256 : vector<16xi32>
        scf.yield %min3A_257 : vector<16xi32>
      }
      %scan3A_114 = arith.constant 64 : i32
      scf.yield %scan3A_113 : vector<16xi32>
    }
    %scan3A_39 = arith.constant 4 : i32
    %slice3A_40 = vector.extract_strided_slice %scan3A_38 {offsets = [0], sizes = [1], strides = [1]} : vector<16xi32> to vector<1xi32>
    %squeeze3A_41 = vector.extract %slice3A_40[0] : i32 from vector<1xi32>
    %broadcast_in_dim3A_42 = arith.constant 1073725440 : i32
    %broadcast_in_dim3A_43 = vector.broadcast %broadcast_in_dim3A_42 : i32 to vector<16xi32>
    %swap3A_44 = arith.index_cast %squeeze3A_41 : i32 to index
    %swap3A_45 = tpu.vector_load %arg12[%swap3A_44] {strides = array<i32>} : memref<1056xi32, #tpu.memory_space<vmem>>, vector<16xi32>,
    tpu.vector_store %arg12[%swap3A_44], %broadcast_in_dim3A_43 {strides = array<i32>} : memref<1056xi32, #tpu.memory_space<vmem>>, vector<16xi32>,
    %broadcast_in_dim3A_46 = arith.constant 1073725440 : i32
    %broadcast_in_dim3A_47 = vector.broadcast %broadcast_in_dim3A_46 : i32 to vector<16xi32>
    %add3A_48 = arith.constant 16 : i32
    %add3A_49 = arith.addi %squeeze3A_41, %add3A_48 : i32
    %swap3A_50 = arith.index_cast %add3A_49 : i32 to index
    %swap3A_51 = tpu.vector_load %arg12[%swap3A_50] {strides = array<i32>} : memref<1056xi32, #tpu.memory_space<vmem>>, vector<16xi32>,
    tpu.vector_store %arg12[%swap3A_50], %broadcast_in_dim3A_47 {strides = array<i32>} : memref<1056xi32, #tpu.memory_space<vmem>>, vector<16xi32>,
    %add3A_52 = arith.constant 0 : i32
    %add3A_53 = arith.addi %add3A_4, %add3A_52 : i32
    %add3A_54 = arith.addi %add3A_4, %add3A_7 : i32
    %sub3A = arith.constant 6 : i32
    %sub3A_55 = arith.subi %add3A_54, %sub3A : i32
    %min3A_56 = arith.minsi %add3A_53, %sub3A_55 : i32
    %mul3A_57 = arith.constant 128 : i32
    %mul3A_58 = arith.muli %min3A_56, %mul3A_57 : i32
    %multiple_of3A_59 = tpu.assume_multiple %mul3A_58, 128 : i32
    %dma_start3A = arith.constant 0 : i32
    %dma_start3A_60 = arith.constant 0 : i32
    %dma_start3A_61 = arith.constant 0 : i32
    %dma_start3A_62 = tpu.memref_slice %arg14[%dma_start3A, %dma_start3A_60, %dma_start3A_61] : memref<2x32x768xf32, #tpu.memory_space<vmem>> -> memref<1x32x768xf32, #tpu.memory_space<vmem>>
    %dma_start3A_63 = tpu.memref_squeeze %dma_start3A_62 : memref<1x32x768xf32, #tpu.memory_space<vmem>> -> memref<32x768xf32, #tpu.memory_space<vmem>>
    %dma_start3A_64 = arith.constant 0 : i32
    %dma_start3A_65 = tpu.memref_slice %arg4[%dma_start3A_64, %multiple_of3A_59] : memref<32x1000000xf32, #tpu.memory_space<hbm>> -> memref<32x768xf32, #tpu.memory_space<hbm>>
    %dma_start3A_66 = arith.constant 0 : i32
    %dma_start3A_67 = arith.constant 0 : i32
    %dma_start3A_68 = tpu.memref_slice %arg14[%dma_start3A, %dma_start3A_66, %dma_start3A_67] : memref<2x32x768xf32, #tpu.memory_space<vmem>> -> memref<1x32x768xf32, #tpu.memory_space<vmem>>
    %dma_start3A_69 = tpu.memref_squeeze %dma_start3A_68 : memref<1x32x768xf32, #tpu.memory_space<vmem>> -> memref<32x768xf32, #tpu.memory_space<vmem>>
    %dma_start3A_70 = arith.constant 0 : i32
    %dma_start3A_71 = tpu.memref_slice %arg4[%dma_start3A_70, %multiple_of3A_59] : memref<32x1000000xf32, #tpu.memory_space<hbm>> -> memref<32x768xf32, #tpu.memory_space<hbm>>
    tpu.enqueue_dma source(%dma_start3A_71 : memref<32x768xf32, #tpu.memory_space<hbm>>) target(%dma_start3A_69 : memref<32x768xf32, #tpu.memory_space<vmem>>) target_semaphore(%arg17 : memref<!tpu.dma_semaphore, #tpu.memory_space<semaphore_mem>>)
    %dma_start3A_72 = arith.constant 0 : i32
    %dma_start3A_73 = arith.constant 0 : i32
    %dma_start3A_74 = arith.constant 0 : i32
    %dma_start3A_75 = tpu.memref_slice %arg15[%dma_start3A_72, %dma_start3A_73, %dma_start3A_74] : memref<2x32x768xf32, #tpu.memory_space<vmem>> -> memref<1x32x768xf32, #tpu.memory_space<vmem>>
    %dma_start3A_76 = tpu.memref_squeeze %dma_start3A_75 : memref<1x32x768xf32, #tpu.memory_space<vmem>> -> memref<32x768xf32, #tpu.memory_space<vmem>>
    %dma_start3A_77 = arith.constant 0 : i32
    %dma_start3A_78 = tpu.memref_slice %arg5[%dma_start3A_77, %multiple_of3A_59] : memref<32x1000000xf32, #tpu.memory_space<hbm>> -> memref<32x768xf32, #tpu.memory_space<hbm>>
    %dma_start3A_79 = arith.constant 0 : i32
    %dma_start3A_80 = arith.constant 0 : i32
    %dma_start3A_81 = tpu.memref_slice %arg15[%dma_start3A_72, %dma_start3A_79, %dma_start3A_80] : memref<2x32x768xf32, #tpu.memory_space<vmem>> -> memref<1x32x768xf32, #tpu.memory_space<vmem>>
    %dma_start3A_82 = tpu.memref_squeeze %dma_start3A_81 : memref<1x32x768xf32, #tpu.memory_space<vmem>> -> memref<32x768xf32, #tpu.memory_space<vmem>>
    %dma_start3A_83 = arith.constant 0 : i32
    %dma_start3A_84 = tpu.memref_slice %arg5[%dma_start3A_83, %multiple_of3A_59] : memref<32x1000000xf32, #tpu.memory_space<hbm>> -> memref<32x768xf32, #tpu.memory_space<hbm>>
    tpu.enqueue_dma source(%dma_start3A_84 : memref<32x768xf32, #tpu.memory_space<hbm>>) target(%dma_start3A_82 : memref<32x768xf32, #tpu.memory_space<vmem>>) target_semaphore(%arg18 : memref<!tpu.dma_semaphore, #tpu.memory_space<semaphore_mem>>)
    %scan3A_85 = arith.constant 0 : i32
    %scan3A_86 = arith.constant 0 : i32
    %scan3A_87 = arith.constant 41 : i32
    %scan3A_88 = arith.addi %scan3A_86, %scan3A_87 : i32
    %scan3A_89 = arith.constant 1 : i32
    %scan3A_90 = scf.for %scan3A_105 = %scan3A_86 to %scan3A_88 step %scan3A_89 iter_args(%scan3A_106 = %scan3A_85) -> (i32)  : i32 {
      %rem3A = arith.constant 2 : i32
      %rem3A_107 = arith.remsi %scan3A_105, %rem3A : i32
      %sub3A_108 = arith.constant 1 : i32
      %sub3A_109 = arith.subi %sub3A_108, %rem3A_107 : i32
      %lt3A_110 = arith.constant 40 : i32
      %lt3A_111 = arith.cmpi slt, %scan3A_105, %lt3A_110 : i32
      %convert_element_type3A_112 = arith.extui %lt3A_111 : i1 to i32
      %cond3A_113 = arith.constant 0 : i32
      %cond3A_114 = arith.cmpi ne, %convert_element_type3A_112, %cond3A_113 : i32
      scf.if %cond3A_114 {
        %add3A_388 = arith.constant 1 : i32
        %add3A_389 = arith.addi %scan3A_105, %add3A_388 : i32
        %mul3A_390 = arith.constant 6 : i32
        %mul3A_391 = arith.muli %add3A_389, %mul3A_390 : i32
        %add3A_392 = arith.addi %add3A_4, %mul3A_391 : i32
        %add3A_393 = arith.addi %add3A_4, %add3A_7 : i32
        %sub3A_394 = arith.constant 6 : i32
        %sub3A_395 = arith.subi %add3A_393, %sub3A_394 : i32
        %min3A_396 = arith.minsi %add3A_392, %sub3A_395 : i32
        %mul3A_397 = arith.constant 128 : i32
        %mul3A_398 = arith.muli %min3A_396, %mul3A_397 : i32
        %multiple_of3A_399 = tpu.assume_multiple %mul3A_398, 128 : i32
        %dma_start3A_400 = arith.constant 0 : i32
        %dma_start3A_401 = arith.constant 0 : i32
        %dma_start3A_402 = tpu.memref_slice %arg14[%sub3A_109, %dma_start3A_400, %dma_start3A_401] : memref<2x32x768xf32, #tpu.memory_space<vmem>> -> memref<1x32x768xf32, #tpu.memory_space<vmem>>
        %dma_start3A_403 = tpu.memref_squeeze %dma_start3A_402 : memref<1x32x768xf32, #tpu.memory_space<vmem>> -> memref<32x768xf32, #tpu.memory_space<vmem>>
        %dma_start3A_404 = arith.constant 0 : i32
        %dma_start3A_405 = tpu.memref_slice %arg4[%dma_start3A_404, %multiple_of3A_399] : memref<32x1000000xf32, #tpu.memory_space<hbm>> -> memref<32x768xf32, #tpu.memory_space<hbm>>
        %dma_start3A_406 = arith.constant 0 : i32
        %dma_start3A_407 = arith.constant 0 : i32
        %dma_start3A_408 = tpu.memref_slice %arg14[%sub3A_109, %dma_start3A_406, %dma_start3A_407] : memref<2x32x768xf32, #tpu.memory_space<vmem>> -> memref<1x32x768xf32, #tpu.memory_space<vmem>>
        %dma_start3A_409 = tpu.memref_squeeze %dma_start3A_408 : memref<1x32x768xf32, #tpu.memory_space<vmem>> -> memref<32x768xf32, #tpu.memory_space<vmem>>
        %dma_start3A_410 = arith.constant 0 : i32
        %dma_start3A_411 = tpu.memref_slice %arg4[%dma_start3A_410, %multiple_of3A_399] : memref<32x1000000xf32, #tpu.memory_space<hbm>> -> memref<32x768xf32, #tpu.memory_space<hbm>>
        tpu.enqueue_dma source(%dma_start3A_411 : memref<32x768xf32, #tpu.memory_space<hbm>>) target(%dma_start3A_409 : memref<32x768xf32, #tpu.memory_space<vmem>>) target_semaphore(%arg17 : memref<!tpu.dma_semaphore, #tpu.memory_space<semaphore_mem>>)
        %dma_start3A_412 = arith.constant 0 : i32
        %dma_start3A_413 = arith.constant 0 : i32
        %dma_start3A_414 = tpu.memref_slice %arg15[%sub3A_109, %dma_start3A_412, %dma_start3A_413] : memref<2x32x768xf32, #tpu.memory_space<vmem>> -> memref<1x32x768xf32, #tpu.memory_space<vmem>>
        %dma_start3A_415 = tpu.memref_squeeze %dma_start3A_414 : memref<1x32x768xf32, #tpu.memory_space<vmem>> -> memref<32x768xf32, #tpu.memory_space<vmem>>
        %dma_start3A_416 = arith.constant 0 : i32
        %dma_start3A_417 = tpu.memref_slice %arg5[%dma_start3A_416, %multiple_of3A_399] : memref<32x1000000xf32, #tpu.memory_space<hbm>> -> memref<32x768xf32, #tpu.memory_space<hbm>>
        %dma_start3A_418 = arith.constant 0 : i32
        %dma_start3A_419 = arith.constant 0 : i32
        %dma_start3A_420 = tpu.memref_slice %arg15[%sub3A_109, %dma_start3A_418, %dma_start3A_419] : memref<2x32x768xf32, #tpu.memory_space<vmem>> -> memref<1x32x768xf32, #tpu.memory_space<vmem>>
        %dma_start3A_421 = tpu.memref_squeeze %dma_start3A_420 : memref<1x32x768xf32, #tpu.memory_space<vmem>> -> memref<32x768xf32, #tpu.memory_space<vmem>>
        %dma_start3A_422 = arith.constant 0 : i32
        %dma_start3A_423 = tpu.memref_slice %arg5[%dma_start3A_422, %multiple_of3A_399] : memref<32x1000000xf32, #tpu.memory_space<hbm>> -> memref<32x768xf32, #tpu.memory_space<hbm>>
        tpu.enqueue_dma source(%dma_start3A_423 : memref<32x768xf32, #tpu.memory_space<hbm>>) target(%dma_start3A_421 : memref<32x768xf32, #tpu.memory_space<vmem>>) target_semaphore(%arg18 : memref<!tpu.dma_semaphore, #tpu.memory_space<semaphore_mem>>)
      } else {
      }
      %mul3A_115 = arith.constant 6 : i32
      %mul3A_116 = arith.muli %scan3A_105, %mul3A_115 : i32
      %add3A_117 = arith.addi %add3A_4, %mul3A_116 : i32
      %add3A_118 = arith.addi %add3A_4, %add3A_7 : i32
      %sub3A_119 = arith.constant 6 : i32
      %sub3A_120 = arith.subi %add3A_118, %sub3A_119 : i32
      %min3A_121 = arith.minsi %add3A_117, %sub3A_120 : i32
      %mul3A_122 = arith.constant 128 : i32
      %mul3A_123 = arith.muli %min3A_121, %mul3A_122 : i32
      %multiple_of3A_124 = tpu.assume_multiple %mul3A_123, 128 : i32
      %dma_wait3A = arith.constant 0 : i32
      %dma_wait3A_125 = arith.constant 0 : i32
      %dma_wait3A_126 = tpu.memref_slice %arg14[%rem3A_107, %dma_wait3A, %dma_wait3A_125] : memref<2x32x768xf32, #tpu.memory_space<vmem>> -> memref<1x32x768xf32, #tpu.memory_space<vmem>>
      %dma_wait3A_127 = tpu.memref_squeeze %dma_wait3A_126 : memref<1x32x768xf32, #tpu.memory_space<vmem>> -> memref<32x768xf32, #tpu.memory_space<vmem>>
      %dma_wait3A_128 = arith.constant 0 : i32
      %dma_wait3A_129 = tpu.memref_slice %arg4[%dma_wait3A_128, %multiple_of3A_124] : memref<32x1000000xf32, #tpu.memory_space<hbm>> -> memref<32x768xf32, #tpu.memory_space<hbm>>
      %dma_wait3A_130 = arith.constant 0 : i32
      %dma_wait3A_131 = arith.constant 0 : i32
      %dma_wait3A_132 = tpu.memref_slice %arg14[%rem3A_107, %dma_wait3A_130, %dma_wait3A_131] : memref<2x32x768xf32, #tpu.memory_space<vmem>> -> memref<1x32x768xf32, #tpu.memory_space<vmem>>
      %dma_wait3A_133 = tpu.memref_squeeze %dma_wait3A_132 : memref<1x32x768xf32, #tpu.memory_space<vmem>> -> memref<32x768xf32, #tpu.memory_space<vmem>>
      %dma_wait3A_134 = arith.constant 0 : i32
      %dma_wait3A_135 = tpu.memref_slice %arg4[%dma_wait3A_134, %multiple_of3A_124] : memref<32x1000000xf32, #tpu.memory_space<hbm>> -> memref<32x768xf32, #tpu.memory_space<hbm>>
      tpu.wait_dma2 semaphore(%arg17 : memref<!tpu.dma_semaphore, #tpu.memory_space<semaphore_mem>>) src(%dma_wait3A_135 : memref<32x768xf32, #tpu.memory_space<hbm>>) dst(%dma_wait3A_133 : memref<32x768xf32, #tpu.memory_space<vmem>>)
      %sub3A_136 = arith.subi %multiple_of3A_124, %multiple_of3A : i32
      %iota3A_137 = tpu.iota {dimensions = array<i32: 0>} : vector<16xi32>
      %broadcast_in_dim3A_138 = arith.constant 1073725440 : i32
      %broadcast_in_dim3A_139 = vector.broadcast %broadcast_in_dim3A_138 : i32 to vector<16xi32>
      %swap3A_140 = arith.constant 0 : index
      %swap3A_141 = tpu.vector_load %arg13[%swap3A_140] {strides = array<i32>} : memref<160xi32, #tpu.memory_space<vmem>>, vector<16xi32>,
      tpu.vector_store %arg13[%swap3A_140], %broadcast_in_dim3A_139 {strides = array<i32>} : memref<160xi32, #tpu.memory_space<vmem>>, vector<16xi32>,
      %broadcast_in_dim3A_142 = arith.constant 1073725440 : i32
      %broadcast_in_dim3A_143 = vector.broadcast %broadcast_in_dim3A_142 : i32 to vector<16xi32>
      %swap3A_144 = arith.constant 16 : index
      %swap3A_145 = tpu.vector_load %arg13[%swap3A_144] {strides = array<i32>} : memref<160xi32, #tpu.memory_space<vmem>>, vector<16xi32>,
      tpu.vector_store %arg13[%swap3A_144], %broadcast_in_dim3A_143 {strides = array<i32>} : memref<160xi32, #tpu.memory_space<vmem>>, vector<16xi32>,
      %broadcast_in_dim3A_146 = arith.constant 1073725440 : i32
      %broadcast_in_dim3A_147 = vector.broadcast %broadcast_in_dim3A_146 : i32 to vector<16xi32>
      %swap3A_148 = arith.constant 32 : index
      %swap3A_149 = tpu.vector_load %arg13[%swap3A_148] {strides = array<i32>} : memref<160xi32, #tpu.memory_space<vmem>>, vector<16xi32>,
      tpu.vector_store %arg13[%swap3A_148], %broadcast_in_dim3A_147 {strides = array<i32>} : memref<160xi32, #tpu.memory_space<vmem>>, vector<16xi32>,
      %broadcast_in_dim3A_150 = arith.constant 1073725440 : i32
      %broadcast_in_dim3A_151 = vector.broadcast %broadcast_in_dim3A_150 : i32 to vector<16xi32>
      %swap3A_152 = arith.constant 48 : index
      %swap3A_153 = tpu.vector_load %arg13[%swap3A_152] {strides = array<i32>} : memref<160xi32, #tpu.memory_space<vmem>>, vector<16xi32>,
      tpu.vector_store %arg13[%swap3A_152], %broadcast_in_dim3A_151 {strides = array<i32>} : memref<160xi32, #tpu.memory_space<vmem>>, vector<16xi32>,
      %broadcast_in_dim3A_154 = arith.constant 1073725440 : i32
      %broadcast_in_dim3A_155 = vector.broadcast %broadcast_in_dim3A_154 : i32 to vector<16xi32>
      %swap3A_156 = arith.constant 64 : index
      %swap3A_157 = tpu.vector_load %arg13[%swap3A_156] {strides = array<i32>} : memref<160xi32, #tpu.memory_space<vmem>>, vector<16xi32>,
      tpu.vector_store %arg13[%swap3A_156], %broadcast_in_dim3A_155 {strides = array<i32>} : memref<160xi32, #tpu.memory_space<vmem>>, vector<16xi32>,
      %broadcast_in_dim3A_158 = arith.constant 1073725440 : i32
      %broadcast_in_dim3A_159 = vector.broadcast %broadcast_in_dim3A_158 : i32 to vector<16xi32>
      %swap3A_160 = arith.constant 80 : index
      %swap3A_161 = tpu.vector_load %arg13[%swap3A_160] {strides = array<i32>} : memref<160xi32, #tpu.memory_space<vmem>>, vector<16xi32>,
      tpu.vector_store %arg13[%swap3A_160], %broadcast_in_dim3A_159 {strides = array<i32>} : memref<160xi32, #tpu.memory_space<vmem>>, vector<16xi32>,
      %broadcast_in_dim3A_162 = arith.constant 1073725440 : i32
      %broadcast_in_dim3A_163 = vector.broadcast %broadcast_in_dim3A_162 : i32 to vector<16xi32>
      %swap3A_164 = arith.constant 96 : index
      %swap3A_165 = tpu.vector_load %arg13[%swap3A_164] {strides = array<i32>} : memref<160xi32, #tpu.memory_space<vmem>>, vector<16xi32>,
      tpu.vector_store %arg13[%swap3A_164], %broadcast_in_dim3A_163 {strides = array<i32>} : memref<160xi32, #tpu.memory_space<vmem>>, vector<16xi32>,
      %broadcast_in_dim3A_166 = arith.constant 1073725440 : i32
      %broadcast_in_dim3A_167 = vector.broadcast %broadcast_in_dim3A_166 : i32 to vector<16xi32>
      %swap3A_168 = arith.constant 112 : index
      %swap3A_169 = tpu.vector_load %arg13[%swap3A_168] {strides = array<i32>} : memref<160xi32, #tpu.memory_space<vmem>>, vector<16xi32>,
      tpu.vector_store %arg13[%swap3A_168], %broadcast_in_dim3A_167 {strides = array<i32>} : memref<160xi32, #tpu.memory_space<vmem>>, vector<16xi32>,
      %broadcast_in_dim3A_170 = arith.constant 1073725440 : i32
      %broadcast_in_dim3A_171 = vector.broadcast %broadcast_in_dim3A_170 : i32 to vector<16xi32>
      %swap3A_172 = arith.constant 128 : index
      %swap3A_173 = tpu.vector_load %arg13[%swap3A_172] {strides = array<i32>} : memref<160xi32, #tpu.memory_space<vmem>>, vector<16xi32>,
      tpu.vector_store %arg13[%swap3A_172], %broadcast_in_dim3A_171 {strides = array<i32>} : memref<160xi32, #tpu.memory_space<vmem>>, vector<16xi32>,
      %add3A_174 = arith.constant 32 : i32
      %add3A_175 = arith.addi %squeeze3A, %add3A_174 : i32
      %sub3A_176 = arith.constant 1 : i32
      %sub3A_177 = arith.subi %add3A_175, %sub3A_176 : i32
      %jit3A_178 = arith.constant 32 : i32
      %div3A = arith.divsi %sub3A_177, %jit3A_178 : i32
      %sign3A = arith.constant 0 : i32
      %sign3A_179 = arith.cmpi sgt, %sub3A_177, %sign3A : i32
      %sign3A_180 = arith.extui %sign3A_179 : i1 to i32
      %sign3A_181 = arith.constant 0 : i32
      %sign3A_182 = arith.cmpi slt, %sub3A_177, %sign3A_181 : i32
      %sign3A_183 = arith.extui %sign3A_182 : i1 to i32
      %sign3A_184 = arith.subi %sign3A_180, %sign3A_183 : i32
      %sign3A_185 = arith.constant 0 : i32
      %sign3A_186 = arith.cmpi sgt, %jit3A_178, %sign3A_185 : i32
      %sign3A_187 = arith.extui %sign3A_186 : i1 to i32
      %sign3A_188 = arith.constant 0 : i32
      %sign3A_189 = arith.cmpi slt, %jit3A_178, %sign3A_188 : i32
      %sign3A_190 = arith.extui %sign3A_189 : i1 to i32
      %sign3A_191 = arith.subi %sign3A_187, %sign3A_190 : i32
      %ne3A = arith.cmpi ne, %sign3A_184, %sign3A_191 : i32
      %rem3A_192 = arith.remsi %sub3A_177, %jit3A_178 : i32
      %ne3A_193 = arith.constant 0 : i32
      %ne3A_194 = arith.cmpi ne, %rem3A_192, %ne3A_193 : i32
      %and3A = arith.andi %ne3A, %ne3A_194 : i1
      %sub3A_195 = arith.constant 1 : i32
      %sub3A_196 = arith.subi %div3A, %sub3A_195 : i32
      %select_n3A_197 = arith.select %and3A, %sub3A_196, %div3A : i32
      %broadcast_in_dim3A_198 = arith.constant 0 : i32
      %broadcast_in_dim3A_199 = vector.broadcast %broadcast_in_dim3A_198 : i32 to vector<16xi32>
      %while3A_200 = arith.constant 0 : i32
      %while3A_201 = arith.subi %select_n3A_197, %while3A_200 : i32
      %while3A_202 = arith.addi %while3A_200, %while3A_201 : i32
      %while3A_203 = arith.constant 1 : i32
      %while3A_204 = arith.divsi %while3A_201, %while3A_203 : i32
      %while3A_205 = arith.muli %while3A_204, %while3A_203 : i32
      %while3A_206 = arith.addi %while3A_200, %while3A_205 : i32
      %while3A_207 = arith.constant 1 : i32
      %while3A_208 = scf.for %while3A_388 = %while3A_200 to %while3A_206 step %while3A_207 iter_args(%while3A_389 = %broadcast_in_dim3A_199) -> (vector<16xi32>)  : i32 {
        %mul3A_390 = arith.constant 2 : i32
        %mul3A_391 = arith.muli %while3A_388, %mul3A_390 : i32
        %add3A_392 = arith.constant 0 : i32
        %add3A_393 = arith.addi %mul3A_391, %add3A_392 : i32
        %mul3A_394 = arith.constant 16 : i32
        %mul3A_395 = arith.muli %add3A_393, %mul3A_394 : i32
        %get3A = arith.index_cast %mul3A_395 : i32 to index
        %get3A_396 = tpu.vector_load %arg11[%get3A] {strides = array<i32>} : memref<1056xi32, #tpu.memory_space<vmem>>, vector<16xi32>,
        %shift_right_arithmetic3A = arith.constant 15 : i32
        %shift_right_arithmetic3A_397 = vector.broadcast %shift_right_arithmetic3A : i32 to vector<16xi32>
        %shift_right_arithmetic3A_398 = arith.shrsi %get3A_396, %shift_right_arithmetic3A_397 : vector<16xi32>
        %ge3A = vector.broadcast %sub3A_136 : i32 to vector<16xi32>
        %ge3A_399 = arith.cmpi sge, %shift_right_arithmetic3A_398, %ge3A : vector<16xi32>
        %add3A_400 = arith.constant 768 : i32
        %add3A_401 = arith.addi %sub3A_136, %add3A_400 : i32
        %lt3A_402 = vector.broadcast %add3A_401 : i32 to vector<16xi32>
        %lt3A_403 = arith.cmpi slt, %shift_right_arithmetic3A_398, %lt3A_402 : vector<16xi32>
        %and3A_404 = arith.andi %ge3A_399, %lt3A_403 : vector<16xi1>
        %convert_element_type3A_405 = arith.extui %and3A_404 : vector<16xi1> to vector<16xi32>
        %broadcast_in_dim3A_406 = arith.constant true
        %broadcast_in_dim3A_407 = vector.broadcast %broadcast_in_dim3A_406 : i1 to vector<16xi1>
        %masked_cumsum3A = tpu.scan <sum>, %convert_element_type3A_405 masked %broadcast_in_dim3A_407 : vector<16xi32>, vector<16xi1> -> vector<16xi32>
        %add3A_408 = arith.addi %while3A_389, %masked_cumsum3A : vector<16xi32>
        %sub3A_409 = arith.constant 1 : i32
        %sub3A_410 = vector.broadcast %sub3A_409 : i32 to vector<16xi32>
        %sub3A_411 = arith.subi %add3A_408, %sub3A_410 : vector<16xi32>
        tpu.vector_store_idx %arg13[%sub3A_411], %get3A_396 masked %and3A_404 : memref<160xi32, #tpu.memory_space<vmem>>[vector<16xi32>], vector<16xi32>, vector<16xi1>
        %all_reduce_population_count3A = tpu.all_reduce %and3A_404 {dim = 0 : i64, kind = #tpu.reduction_kind<sum>} : vector<16xi1> -> vector<16xi32>
        %add3A_412 = arith.addi %while3A_389, %all_reduce_population_count3A : vector<16xi32>
        %min3A_413 = arith.constant 128 : i32
        %min3A_414 = vector.broadcast %min3A_413 : i32 to vector<16xi32>
        %min3A_415 = arith.minsi %add3A_412, %min3A_414 : vector<16xi32>
        %mul3A_416 = arith.constant 2 : i32
        %mul3A_417 = arith.muli %while3A_388, %mul3A_416 : i32
        %add3A_418 = arith.constant 1 : i32
        %add3A_419 = arith.addi %mul3A_417, %add3A_418 : i32
        %mul3A_420 = arith.constant 16 : i32
        %mul3A_421 = arith.muli %add3A_419, %mul3A_420 : i32
        %get3A_422 = arith.index_cast %mul3A_421 : i32 to index
        %get3A_423 = tpu.vector_load %arg11[%get3A_422] {strides = array<i32>} : memref<1056xi32, #tpu.memory_space<vmem>>, vector<16xi32>,
        %shift_right_arithmetic3A_424 = arith.constant 15 : i32
        %shift_right_arithmetic3A_425 = vector.broadcast %shift_right_arithmetic3A_424 : i32 to vector<16xi32>
        %shift_right_arithmetic3A_426 = arith.shrsi %get3A_423, %shift_right_arithmetic3A_425 : vector<16xi32>
        %ge3A_427 = vector.broadcast %sub3A_136 : i32 to vector<16xi32>
        %ge3A_428 = arith.cmpi sge, %shift_right_arithmetic3A_426, %ge3A_427 : vector<16xi32>
        %add3A_429 = arith.constant 768 : i32
        %add3A_430 = arith.addi %sub3A_136, %add3A_429 : i32
        %lt3A_431 = vector.broadcast %add3A_430 : i32 to vector<16xi32>
        %lt3A_432 = arith.cmpi slt, %shift_right_arithmetic3A_426, %lt3A_431 : vector<16xi32>
        %and3A_433 = arith.andi %ge3A_428, %lt3A_432 : vector<16xi1>
        %convert_element_type3A_434 = arith.extui %and3A_433 : vector<16xi1> to vector<16xi32>
        %broadcast_in_dim3A_435 = arith.constant true
        %broadcast_in_dim3A_436 = vector.broadcast %broadcast_in_dim3A_435 : i1 to vector<16xi1>
        %masked_cumsum3A_437 = tpu.scan <sum>, %convert_element_type3A_434 masked %broadcast_in_dim3A_436 : vector<16xi32>, vector<16xi1> -> vector<16xi32>
        %add3A_438 = arith.addi %min3A_415, %masked_cumsum3A_437 : vector<16xi32>
        %sub3A_439 = arith.constant 1 : i32
        %sub3A_440 = vector.broadcast %sub3A_439 : i32 to vector<16xi32>
        %sub3A_441 = arith.subi %add3A_438, %sub3A_440 : vector<16xi32>
        tpu.vector_store_idx %arg13[%sub3A_441], %get3A_423 masked %and3A_433 : memref<160xi32, #tpu.memory_space<vmem>>[vector<16xi32>], vector<16xi32>, vector<16xi1>
        %all_reduce_population_count3A_442 = tpu.all_reduce %and3A_433 {dim = 0 : i64, kind = #tpu.reduction_kind<sum>} : vector<16xi1> -> vector<16xi32>
        %add3A_443 = arith.addi %min3A_415, %all_reduce_population_count3A_442 : vector<16xi32>
        %min3A_444 = arith.constant 128 : i32
        %min3A_445 = vector.broadcast %min3A_444 : i32 to vector<16xi32>
        %min3A_446 = arith.minsi %add3A_443, %min3A_445 : vector<16xi32>
        scf.yield %min3A_446 : vector<16xi32>
      }
      %while3A_209 = arith.constant 1 : i32
      %while3A_210 = scf.for %while3A_388 = %while3A_206 to %while3A_202 step %while3A_209 iter_args(%while3A_389 = %while3A_208) -> (vector<16xi32>)  : i32 {
        %mul3A_390 = arith.constant 2 : i32
        %mul3A_391 = arith.muli %while3A_388, %mul3A_390 : i32
        %add3A_392 = arith.constant 0 : i32
        %add3A_393 = arith.addi %mul3A_391, %add3A_392 : i32
        %mul3A_394 = arith.constant 16 : i32
        %mul3A_395 = arith.muli %add3A_393, %mul3A_394 : i32
        %get3A = arith.index_cast %mul3A_395 : i32 to index
        %get3A_396 = tpu.vector_load %arg11[%get3A] {strides = array<i32>} : memref<1056xi32, #tpu.memory_space<vmem>>, vector<16xi32>,
        %shift_right_arithmetic3A = arith.constant 15 : i32
        %shift_right_arithmetic3A_397 = vector.broadcast %shift_right_arithmetic3A : i32 to vector<16xi32>
        %shift_right_arithmetic3A_398 = arith.shrsi %get3A_396, %shift_right_arithmetic3A_397 : vector<16xi32>
        %ge3A = vector.broadcast %sub3A_136 : i32 to vector<16xi32>
        %ge3A_399 = arith.cmpi sge, %shift_right_arithmetic3A_398, %ge3A : vector<16xi32>
        %add3A_400 = arith.constant 768 : i32
        %add3A_401 = arith.addi %sub3A_136, %add3A_400 : i32
        %lt3A_402 = vector.broadcast %add3A_401 : i32 to vector<16xi32>
        %lt3A_403 = arith.cmpi slt, %shift_right_arithmetic3A_398, %lt3A_402 : vector<16xi32>
        %and3A_404 = arith.andi %ge3A_399, %lt3A_403 : vector<16xi1>
        %convert_element_type3A_405 = arith.extui %and3A_404 : vector<16xi1> to vector<16xi32>
        %broadcast_in_dim3A_406 = arith.constant true
        %broadcast_in_dim3A_407 = vector.broadcast %broadcast_in_dim3A_406 : i1 to vector<16xi1>
        %masked_cumsum3A = tpu.scan <sum>, %convert_element_type3A_405 masked %broadcast_in_dim3A_407 : vector<16xi32>, vector<16xi1> -> vector<16xi32>
        %add3A_408 = arith.addi %while3A_389, %masked_cumsum3A : vector<16xi32>
        %sub3A_409 = arith.constant 1 : i32
        %sub3A_410 = vector.broadcast %sub3A_409 : i32 to vector<16xi32>
        %sub3A_411 = arith.subi %add3A_408, %sub3A_410 : vector<16xi32>
        tpu.vector_store_idx %arg13[%sub3A_411], %get3A_396 masked %and3A_404 : memref<160xi32, #tpu.memory_space<vmem>>[vector<16xi32>], vector<16xi32>, vector<16xi1>
        %all_reduce_population_count3A = tpu.all_reduce %and3A_404 {dim = 0 : i64, kind = #tpu.reduction_kind<sum>} : vector<16xi1> -> vector<16xi32>
        %add3A_412 = arith.addi %while3A_389, %all_reduce_population_count3A : vector<16xi32>
        %min3A_413 = arith.constant 128 : i32
        %min3A_414 = vector.broadcast %min3A_413 : i32 to vector<16xi32>
        %min3A_415 = arith.minsi %add3A_412, %min3A_414 : vector<16xi32>
        %mul3A_416 = arith.constant 2 : i32
        %mul3A_417 = arith.muli %while3A_388, %mul3A_416 : i32
        %add3A_418 = arith.constant 1 : i32
        %add3A_419 = arith.addi %mul3A_417, %add3A_418 : i32
        %mul3A_420 = arith.constant 16 : i32
        %mul3A_421 = arith.muli %add3A_419, %mul3A_420 : i32
        %get3A_422 = arith.index_cast %mul3A_421 : i32 to index
        %get3A_423 = tpu.vector_load %arg11[%get3A_422] {strides = array<i32>} : memref<1056xi32, #tpu.memory_space<vmem>>, vector<16xi32>,
        %shift_right_arithmetic3A_424 = arith.constant 15 : i32
        %shift_right_arithmetic3A_425 = vector.broadcast %shift_right_arithmetic3A_424 : i32 to vector<16xi32>
        %shift_right_arithmetic3A_426 = arith.shrsi %get3A_423, %shift_right_arithmetic3A_425 : vector<16xi32>
        %ge3A_427 = vector.broadcast %sub3A_136 : i32 to vector<16xi32>
        %ge3A_428 = arith.cmpi sge, %shift_right_arithmetic3A_426, %ge3A_427 : vector<16xi32>
        %add3A_429 = arith.constant 768 : i32
        %add3A_430 = arith.addi %sub3A_136, %add3A_429 : i32
        %lt3A_431 = vector.broadcast %add3A_430 : i32 to vector<16xi32>
        %lt3A_432 = arith.cmpi slt, %shift_right_arithmetic3A_426, %lt3A_431 : vector<16xi32>
        %and3A_433 = arith.andi %ge3A_428, %lt3A_432 : vector<16xi1>
        %convert_element_type3A_434 = arith.extui %and3A_433 : vector<16xi1> to vector<16xi32>
        %broadcast_in_dim3A_435 = arith.constant true
        %broadcast_in_dim3A_436 = vector.broadcast %broadcast_in_dim3A_435 : i1 to vector<16xi1>
        %masked_cumsum3A_437 = tpu.scan <sum>, %convert_element_type3A_434 masked %broadcast_in_dim3A_436 : vector<16xi32>, vector<16xi1> -> vector<16xi32>
        %add3A_438 = arith.addi %min3A_415, %masked_cumsum3A_437 : vector<16xi32>
        %sub3A_439 = arith.constant 1 : i32
        %sub3A_440 = vector.broadcast %sub3A_439 : i32 to vector<16xi32>
        %sub3A_441 = arith.subi %add3A_438, %sub3A_440 : vector<16xi32>
        tpu.vector_store_idx %arg13[%sub3A_441], %get3A_423 masked %and3A_433 : memref<160xi32, #tpu.memory_space<vmem>>[vector<16xi32>], vector<16xi32>, vector<16xi1>
        %all_reduce_population_count3A_442 = tpu.all_reduce %and3A_433 {dim = 0 : i64, kind = #tpu.reduction_kind<sum>} : vector<16xi1> -> vector<16xi32>
        %add3A_443 = arith.addi %min3A_415, %all_reduce_population_count3A_442 : vector<16xi32>
        %min3A_444 = arith.constant 128 : i32
        %min3A_445 = vector.broadcast %min3A_444 : i32 to vector<16xi32>
        %min3A_446 = arith.minsi %add3A_443, %min3A_445 : vector<16xi32>
        scf.yield %min3A_446 : vector<16xi32>
      }
      %slice3A_211 = vector.extract_strided_slice %while3A_210 {offsets = [0], sizes = [1], strides = [1]} : vector<16xi32> to vector<1xi32>
      %squeeze3A_212 = vector.extract %slice3A_211[0] : i32 from vector<1xi32>
      %add3A_213 = arith.constant 16 : i32
      %add3A_214 = arith.addi %squeeze3A_212, %add3A_213 : i32
      %sub3A_215 = arith.constant 1 : i32
      %sub3A_216 = arith.subi %add3A_214, %sub3A_215 : i32
      %jit3A_217 = arith.constant 16 : i32
      %div3A_218 = arith.divsi %sub3A_216, %jit3A_217 : i32
      %sign3A_219 = arith.constant 0 : i32
      %sign3A_220 = arith.cmpi sgt, %sub3A_216, %sign3A_219 : i32
      %sign3A_221 = arith.extui %sign3A_220 : i1 to i32
      %sign3A_222 = arith.constant 0 : i32
      %sign3A_223 = arith.cmpi slt, %sub3A_216, %sign3A_222 : i32
      %sign3A_224 = arith.extui %sign3A_223 : i1 to i32
      %sign3A_225 = arith.subi %sign3A_221, %sign3A_224 : i32
      %sign3A_226 = arith.constant 0 : i32
      %sign3A_227 = arith.cmpi sgt, %jit3A_217, %sign3A_226 : i32
      %sign3A_228 = arith.extui %sign3A_227 : i1 to i32
      %sign3A_229 = arith.constant 0 : i32
      %sign3A_230 = arith.cmpi slt, %jit3A_217, %sign3A_229 : i32
      %sign3A_231 = arith.extui %sign3A_230 : i1 to i32
      %sign3A_232 = arith.subi %sign3A_228, %sign3A_231 : i32
      %ne3A_233 = arith.cmpi ne, %sign3A_225, %sign3A_232 : i32
      %rem3A_234 = arith.remsi %sub3A_216, %jit3A_217 : i32
      %ne3A_235 = arith.constant 0 : i32
      %ne3A_236 = arith.cmpi ne, %rem3A_234, %ne3A_235 : i32
      %and3A_237 = arith.andi %ne3A_233, %ne3A_236 : i1
      %sub3A_238 = arith.constant 1 : i32
      %sub3A_239 = arith.subi %div3A_218, %sub3A_238 : i32
      %select_n3A_240 = arith.select %and3A_237, %sub3A_239, %div3A_218 : i32
      %min3A_241 = arith.constant 8 : i32
      %min3A_242 = arith.minsi %select_n3A_240, %min3A_241 : i32
      %while3A_243 = arith.constant 0 : i32
      %while3A_244 = arith.subi %min3A_242, %while3A_243 : i32
      %while3A_245 = arith.addi %while3A_243, %while3A_244 : i32
      %while3A_246 = arith.constant 1 : i32
      %while3A_247 = arith.divsi %while3A_244, %while3A_246 : i32
      %while3A_248 = arith.muli %while3A_247, %while3A_246 : i32
      %while3A_249 = arith.addi %while3A_243, %while3A_248 : i32
      %while3A_250 = arith.constant 1 : i32
      %while3A_251 = scf.for %while3A_388 = %while3A_243 to %while3A_249 step %while3A_250 iter_args(%while3A_389 = %scan3A_106) -> (i32)  : i32 {
        %rem3A_390 = arith.constant 8 : i32
        %rem3A_391 = arith.remsi %while3A_389, %rem3A_390 : i32
        %ge3A = arith.constant 8 : i32
        %ge3A_392 = arith.cmpi sge, %while3A_389, %ge3A : i32
        %convert_element_type3A_393 = arith.extui %ge3A_392 : i1 to i32
        %cond3A_394 = arith.constant 0 : i32
        %cond3A_395 = arith.cmpi ne, %convert_element_type3A_393, %cond3A_394 : i32
        scf.if %cond3A_395 {
          %dma_wait3A_428 = arith.constant 0 : i32
          %dma_wait3A_429 = arith.constant 0 : i32
          %dma_wait3A_430 = arith.constant 0 : i32
          %dma_wait3A_431 = tpu.memref_slice %arg16[%dma_wait3A_428, %dma_wait3A_429, %dma_wait3A_430] : memref<8x16x128xf32, #tpu.memory_space<vmem>> -> memref<1x16x128xf32, #tpu.memory_space<vmem>>
          %dma_wait3A_432 = tpu.memref_squeeze %dma_wait3A_431 : memref<1x16x128xf32, #tpu.memory_space<vmem>> -> memref<16x128xf32, #tpu.memory_space<vmem>>
          %dma_wait3A_433 = arith.constant 16384 : i32
          %dma_wait3A_434 = arith.constant 0 : i32
          %dma_wait3A_435 = tpu.memref_slice %arg8[%dma_wait3A_433, %dma_wait3A_434] : memref<16400x128xf32, #tpu.memory_space<hbm>> -> memref<16x128xf32, #tpu.memory_space<hbm>>
          %dma_wait3A_436 = arith.constant 0 : i32
          %dma_wait3A_437 = arith.constant 0 : i32
          %dma_wait3A_438 = tpu.memref_slice %arg16[%dma_wait3A_428, %dma_wait3A_436, %dma_wait3A_437] : memref<8x16x128xf32, #tpu.memory_space<vmem>> -> memref<1x16x128xf32, #tpu.memory_space<vmem>>
          %dma_wait3A_439 = tpu.memref_squeeze %dma_wait3A_438 : memref<1x16x128xf32, #tpu.memory_space<vmem>> -> memref<16x128xf32, #tpu.memory_space<vmem>>
          %dma_wait3A_440 = arith.constant 16384 : i32
          %dma_wait3A_441 = arith.constant 0 : i32
          %dma_wait3A_442 = tpu.memref_slice %arg8[%dma_wait3A_440, %dma_wait3A_441] : memref<16400x128xf32, #tpu.memory_space<hbm>> -> memref<16x128xf32, #tpu.memory_space<hbm>>
          tpu.wait_dma2 semaphore(%arg19 : memref<!tpu.dma_semaphore, #tpu.memory_space<semaphore_mem>>) src(%dma_wait3A_442 : memref<16x128xf32, #tpu.memory_space<hbm>>) dst(%dma_wait3A_439 : memref<16x128xf32, #tpu.memory_space<vmem>>)
        } else {
        }
        %mul3A_396 = arith.constant 16 : i32
        %mul3A_397 = arith.muli %while3A_388, %mul3A_396 : i32
        %get3A = arith.index_cast %mul3A_397 : i32 to index
        %get3A_398 = tpu.vector_load %arg13[%get3A] {strides = array<i32>} : memref<160xi32, #tpu.memory_space<vmem>>, vector<16xi32>,
        %and3A_399 = arith.constant 32767 : i32
        %and3A_400 = vector.broadcast %and3A_399 : i32 to vector<16xi32>
        %and3A_401 = arith.andi %get3A_398, %and3A_400 : vector<16xi32>
        %shift_right_arithmetic3A = arith.constant 15 : i32
        %shift_right_arithmetic3A_402 = vector.broadcast %shift_right_arithmetic3A : i32 to vector<16xi32>
        %shift_right_arithmetic3A_403 = arith.shrsi %get3A_398, %shift_right_arithmetic3A_402 : vector<16xi32>
        %sub3A_404 = vector.broadcast %sub3A_136 : i32 to vector<16xi32>
        %sub3A_405 = arith.subi %shift_right_arithmetic3A_403, %sub3A_404 : vector<16xi32>
        %jit3A_406 = arith.constant 0 : i32
        %jit3A_407 = arith.constant 767 : i32
        %max3A = vector.broadcast %jit3A_406 : i32 to vector<16xi32>
        %max3A_408 = arith.maxsi %max3A, %sub3A_405 : vector<16xi32>
        %min3A_409 = vector.broadcast %jit3A_407 : i32 to vector<16xi32>
        %min3A_410 = arith.minsi %min3A_409, %max3A_408 : vector<16xi32>
        %broadcast_in_dim3A_411 = vector.broadcast %rem3A_391 : i32 to vector<16xi32>
        %broadcast_in_dim3A_412 = vector.broadcast %rem3A_107 : i32 to vector<16xi32>
        %scan3A_413 = arith.constant 0 : i32
        %scan3A_414 = arith.constant 0 : i32
        %scan3A_415 = arith.constant 32 : i32
        %scan3A_416 = arith.addi %scan3A_414, %scan3A_415 : i32
        %scan3A_417 = arith.constant 1 : i32
        scf.for %scan3A_428 = %scan3A_414 to %scan3A_416 step %scan3A_417  : i32 {
          %broadcast_in_dim3A_429 = vector.broadcast %scan3A_428 : i32 to vector<16xi32>
          %gather3A = tpu.vector_load_idx %arg14[%broadcast_in_dim3A_412, %broadcast_in_dim3A_429, %min3A_410] : memref<2x32x768xf32, #tpu.memory_space<vmem>>[vector<16xi32>, vector<16xi32>, vector<16xi32>], vector<16xf32>,
          tpu.vector_store_idx %arg16[%broadcast_in_dim3A_411, %iota3A_137, %broadcast_in_dim3A_429], %gather3A : memref<8x16x128xf32, #tpu.memory_space<vmem>>[vector<16xi32>, vector<16xi32>, vector<16xi32>], vector<16xf32>,
        }
        %scan3A_418 = arith.constant 32 : i32
        %dma_start3A_419 = arith.constant 0 : i32
        %dma_start3A_420 = arith.constant 0 : i32
        %dma_start3A_421 = tpu.memref_slice %arg16[%rem3A_391, %dma_start3A_419, %dma_start3A_420] : memref<8x16x128xf32, #tpu.memory_space<vmem>> -> memref<1x16x128xf32, #tpu.memory_space<vmem>>
        %dma_start3A_422 = tpu.memref_squeeze %dma_start3A_421 : memref<1x16x128xf32, #tpu.memory_space<vmem>> -> memref<16x128xf32, #tpu.memory_space<vmem>>
        %dma_start3A_423 = arith.constant 0 : i32
        %dma_start3A_424 = arith.constant 0 : i32
        %dma_start3A_425 = tpu.memref_slice %arg8[%dma_start3A_423, %dma_start3A_424] : memref<16400x128xf32, #tpu.memory_space<hbm>> -> memref<16400x128xf32, #tpu.memory_space<hbm>>
        tpu.enqueue_indirect_dma source(%dma_start3A_422 : memref<16x128xf32, #tpu.memory_space<vmem>>) target(%dma_start3A_425 : memref<16400x128xf32, #tpu.memory_space<hbm>>) offsets(%and3A_401 : vector<16xi32>) semaphore(%arg19 : memref<!tpu.dma_semaphore, #tpu.memory_space<semaphore_mem>>)
        %add3A_426 = arith.constant 1 : i32
        %add3A_427 = arith.addi %while3A_389, %add3A_426 : i32
        scf.yield %add3A_427 : i32
      }
      %while3A_252 = arith.constant 1 : i32
      %while3A_253 = scf.for %while3A_388 = %while3A_249 to %while3A_245 step %while3A_252 iter_args(%while3A_389 = %while3A_251) -> (i32)  : i32 {
        %rem3A_390 = arith.constant 8 : i32
        %rem3A_391 = arith.remsi %while3A_389, %rem3A_390 : i32
        %ge3A = arith.constant 8 : i32
        %ge3A_392 = arith.cmpi sge, %while3A_389, %ge3A : i32
        %convert_element_type3A_393 = arith.extui %ge3A_392 : i1 to i32
        %cond3A_394 = arith.constant 0 : i32
        %cond3A_395 = arith.cmpi ne, %convert_element_type3A_393, %cond3A_394 : i32
        scf.if %cond3A_395 {
          %dma_wait3A_428 = arith.constant 0 : i32
          %dma_wait3A_429 = arith.constant 0 : i32
          %dma_wait3A_430 = arith.constant 0 : i32
          %dma_wait3A_431 = tpu.memref_slice %arg16[%dma_wait3A_428, %dma_wait3A_429, %dma_wait3A_430] : memref<8x16x128xf32, #tpu.memory_space<vmem>> -> memref<1x16x128xf32, #tpu.memory_space<vmem>>
          %dma_wait3A_432 = tpu.memref_squeeze %dma_wait3A_431 : memref<1x16x128xf32, #tpu.memory_space<vmem>> -> memref<16x128xf32, #tpu.memory_space<vmem>>
          %dma_wait3A_433 = arith.constant 16384 : i32
          %dma_wait3A_434 = arith.constant 0 : i32
          %dma_wait3A_435 = tpu.memref_slice %arg8[%dma_wait3A_433, %dma_wait3A_434] : memref<16400x128xf32, #tpu.memory_space<hbm>> -> memref<16x128xf32, #tpu.memory_space<hbm>>
          %dma_wait3A_436 = arith.constant 0 : i32
          %dma_wait3A_437 = arith.constant 0 : i32
          %dma_wait3A_438 = tpu.memref_slice %arg16[%dma_wait3A_428, %dma_wait3A_436, %dma_wait3A_437] : memref<8x16x128xf32, #tpu.memory_space<vmem>> -> memref<1x16x128xf32, #tpu.memory_space<vmem>>
          %dma_wait3A_439 = tpu.memref_squeeze %dma_wait3A_438 : memref<1x16x128xf32, #tpu.memory_space<vmem>> -> memref<16x128xf32, #tpu.memory_space<vmem>>
          %dma_wait3A_440 = arith.constant 16384 : i32
          %dma_wait3A_441 = arith.constant 0 : i32
          %dma_wait3A_442 = tpu.memref_slice %arg8[%dma_wait3A_440, %dma_wait3A_441] : memref<16400x128xf32, #tpu.memory_space<hbm>> -> memref<16x128xf32, #tpu.memory_space<hbm>>
          tpu.wait_dma2 semaphore(%arg19 : memref<!tpu.dma_semaphore, #tpu.memory_space<semaphore_mem>>) src(%dma_wait3A_442 : memref<16x128xf32, #tpu.memory_space<hbm>>) dst(%dma_wait3A_439 : memref<16x128xf32, #tpu.memory_space<vmem>>)
        } else {
        }
        %mul3A_396 = arith.constant 16 : i32
        %mul3A_397 = arith.muli %while3A_388, %mul3A_396 : i32
        %get3A = arith.index_cast %mul3A_397 : i32 to index
        %get3A_398 = tpu.vector_load %arg13[%get3A] {strides = array<i32>} : memref<160xi32, #tpu.memory_space<vmem>>, vector<16xi32>,
        %and3A_399 = arith.constant 32767 : i32
        %and3A_400 = vector.broadcast %and3A_399 : i32 to vector<16xi32>
        %and3A_401 = arith.andi %get3A_398, %and3A_400 : vector<16xi32>
        %shift_right_arithmetic3A = arith.constant 15 : i32
        %shift_right_arithmetic3A_402 = vector.broadcast %shift_right_arithmetic3A : i32 to vector<16xi32>
        %shift_right_arithmetic3A_403 = arith.shrsi %get3A_398, %shift_right_arithmetic3A_402 : vector<16xi32>
        %sub3A_404 = vector.broadcast %sub3A_136 : i32 to vector<16xi32>
        %sub3A_405 = arith.subi %shift_right_arithmetic3A_403, %sub3A_404 : vector<16xi32>
        %jit3A_406 = arith.constant 0 : i32
        %jit3A_407 = arith.constant 767 : i32
        %max3A = vector.broadcast %jit3A_406 : i32 to vector<16xi32>
        %max3A_408 = arith.maxsi %max3A, %sub3A_405 : vector<16xi32>
        %min3A_409 = vector.broadcast %jit3A_407 : i32 to vector<16xi32>
        %min3A_410 = arith.minsi %min3A_409, %max3A_408 : vector<16xi32>
        %broadcast_in_dim3A_411 = vector.broadcast %rem3A_391 : i32 to vector<16xi32>
        %broadcast_in_dim3A_412 = vector.broadcast %rem3A_107 : i32 to vector<16xi32>
        %scan3A_413 = arith.constant 0 : i32
        %scan3A_414 = arith.constant 0 : i32
        %scan3A_415 = arith.constant 32 : i32
        %scan3A_416 = arith.addi %scan3A_414, %scan3A_415 : i32
        %scan3A_417 = arith.constant 1 : i32
        scf.for %scan3A_428 = %scan3A_414 to %scan3A_416 step %scan3A_417  : i32 {
          %broadcast_in_dim3A_429 = vector.broadcast %scan3A_428 : i32 to vector<16xi32>
          %gather3A = tpu.vector_load_idx %arg14[%broadcast_in_dim3A_412, %broadcast_in_dim3A_429, %min3A_410] : memref<2x32x768xf32, #tpu.memory_space<vmem>>[vector<16xi32>, vector<16xi32>, vector<16xi32>], vector<16xf32>,
          tpu.vector_store_idx %arg16[%broadcast_in_dim3A_411, %iota3A_137, %broadcast_in_dim3A_429], %gather3A : memref<8x16x128xf32, #tpu.memory_space<vmem>>[vector<16xi32>, vector<16xi32>, vector<16xi32>], vector<16xf32>,
        }
        %scan3A_418 = arith.constant 32 : i32
        %dma_start3A_419 = arith.constant 0 : i32
        %dma_start3A_420 = arith.constant 0 : i32
        %dma_start3A_421 = tpu.memref_slice %arg16[%rem3A_391, %dma_start3A_419, %dma_start3A_420] : memref<8x16x128xf32, #tpu.memory_space<vmem>> -> memref<1x16x128xf32, #tpu.memory_space<vmem>>
        %dma_start3A_422 = tpu.memref_squeeze %dma_start3A_421 : memref<1x16x128xf32, #tpu.memory_space<vmem>> -> memref<16x128xf32, #tpu.memory_space<vmem>>
        %dma_start3A_423 = arith.constant 0 : i32
        %dma_start3A_424 = arith.constant 0 : i32
        %dma_start3A_425 = tpu.memref_slice %arg8[%dma_start3A_423, %dma_start3A_424] : memref<16400x128xf32, #tpu.memory_space<hbm>> -> memref<16400x128xf32, #tpu.memory_space<hbm>>
        tpu.enqueue_indirect_dma source(%dma_start3A_422 : memref<16x128xf32, #tpu.memory_space<vmem>>) target(%dma_start3A_425 : memref<16400x128xf32, #tpu.memory_space<hbm>>) offsets(%and3A_401 : vector<16xi32>) semaphore(%arg19 : memref<!tpu.dma_semaphore, #tpu.memory_space<semaphore_mem>>)
        %add3A_426 = arith.constant 1 : i32
        %add3A_427 = arith.addi %while3A_389, %add3A_426 : i32
        scf.yield %add3A_427 : i32
      }
      %dma_wait3A_254 = arith.constant 0 : i32
      %dma_wait3A_255 = arith.constant 0 : i32
      %dma_wait3A_256 = tpu.memref_slice %arg15[%rem3A_107, %dma_wait3A_254, %dma_wait3A_255] : memref<2x32x768xf32, #tpu.memory_space<vmem>> -> memref<1x32x768xf32, #tpu.memory_space<vmem>>
      %dma_wait3A_257 = tpu.memref_squeeze %dma_wait3A_256 : memref<1x32x768xf32, #tpu.memory_space<vmem>> -> memref<32x768xf32, #tpu.memory_space<vmem>>
      %dma_wait3A_258 = arith.constant 0 : i32
      %dma_wait3A_259 = tpu.memref_slice %arg5[%dma_wait3A_258, %multiple_of3A_124] : memref<32x1000000xf32, #tpu.memory_space<hbm>> -> memref<32x768xf32, #tpu.memory_space<hbm>>
      %dma_wait3A_260 = arith.constant 0 : i32
      %dma_wait3A_261 = arith.constant 0 : i32
      %dma_wait3A_262 = tpu.memref_slice %arg15[%rem3A_107, %dma_wait3A_260, %dma_wait3A_261] : memref<2x32x768xf32, #tpu.memory_space<vmem>> -> memref<1x32x768xf32, #tpu.memory_space<vmem>>
      %dma_wait3A_263 = tpu.memref_squeeze %dma_wait3A_262 : memref<1x32x768xf32, #tpu.memory_space<vmem>> -> memref<32x768xf32, #tpu.memory_space<vmem>>
      %dma_wait3A_264 = arith.constant 0 : i32
      %dma_wait3A_265 = tpu.memref_slice %arg5[%dma_wait3A_264, %multiple_of3A_124] : memref<32x1000000xf32, #tpu.memory_space<hbm>> -> memref<32x768xf32, #tpu.memory_space<hbm>>
      tpu.wait_dma2 semaphore(%arg18 : memref<!tpu.dma_semaphore, #tpu.memory_space<semaphore_mem>>) src(%dma_wait3A_265 : memref<32x768xf32, #tpu.memory_space<hbm>>) dst(%dma_wait3A_263 : memref<32x768xf32, #tpu.memory_space<vmem>>)
      %sub3A_266 = arith.subi %multiple_of3A_124, %multiple_of3A : i32
      %iota3A_267 = tpu.iota {dimensions = array<i32: 0>} : vector<16xi32>
      %broadcast_in_dim3A_268 = arith.constant 1073725440 : i32
      %broadcast_in_dim3A_269 = vector.broadcast %broadcast_in_dim3A_268 : i32 to vector<16xi32>
      %swap3A_270 = arith.constant 0 : index
      %swap3A_271 = tpu.vector_load %arg13[%swap3A_270] {strides = array<i32>} : memref<160xi32, #tpu.memory_space<vmem>>, vector<16xi32>,
      tpu.vector_store %arg13[%swap3A_270], %broadcast_in_dim3A_269 {strides = array<i32>} : memref<160xi32, #tpu.memory_space<vmem>>, vector<16xi32>,
      %broadcast_in_dim3A_272 = arith.constant 1073725440 : i32
      %broadcast_in_dim3A_273 = vector.broadcast %broadcast_in_dim3A_272 : i32 to vector<16xi32>
      %swap3A_274 = arith.constant 16 : index
      %swap3A_275 = tpu.vector_load %arg13[%swap3A_274] {strides = array<i32>} : memref<160xi32, #tpu.memory_space<vmem>>, vector<16xi32>,
      tpu.vector_store %arg13[%swap3A_274], %broadcast_in_dim3A_273 {strides = array<i32>} : memref<160xi32, #tpu.memory_space<vmem>>, vector<16xi32>,
      %broadcast_in_dim3A_276 = arith.constant 1073725440 : i32
      %broadcast_in_dim3A_277 = vector.broadcast %broadcast_in_dim3A_276 : i32 to vector<16xi32>
      %swap3A_278 = arith.constant 32 : index
      %swap3A_279 = tpu.vector_load %arg13[%swap3A_278] {strides = array<i32>} : memref<160xi32, #tpu.memory_space<vmem>>, vector<16xi32>,
      tpu.vector_store %arg13[%swap3A_278], %broadcast_in_dim3A_277 {strides = array<i32>} : memref<160xi32, #tpu.memory_space<vmem>>, vector<16xi32>,
      %broadcast_in_dim3A_280 = arith.constant 1073725440 : i32
      %broadcast_in_dim3A_281 = vector.broadcast %broadcast_in_dim3A_280 : i32 to vector<16xi32>
      %swap3A_282 = arith.constant 48 : index
      %swap3A_283 = tpu.vector_load %arg13[%swap3A_282] {strides = array<i32>} : memref<160xi32, #tpu.memory_space<vmem>>, vector<16xi32>,
      tpu.vector_store %arg13[%swap3A_282], %broadcast_in_dim3A_281 {strides = array<i32>} : memref<160xi32, #tpu.memory_space<vmem>>, vector<16xi32>,
      %broadcast_in_dim3A_284 = arith.constant 1073725440 : i32
      %broadcast_in_dim3A_285 = vector.broadcast %broadcast_in_dim3A_284 : i32 to vector<16xi32>
      %swap3A_286 = arith.constant 64 : index
      %swap3A_287 = tpu.vector_load %arg13[%swap3A_286] {strides = array<i32>} : memref<160xi32, #tpu.memory_space<vmem>>, vector<16xi32>,
      tpu.vector_store %arg13[%swap3A_286], %broadcast_in_dim3A_285 {strides = array<i32>} : memref<160xi32, #tpu.memory_space<vmem>>, vector<16xi32>,
      %broadcast_in_dim3A_288 = arith.constant 1073725440 : i32
      %broadcast_in_dim3A_289 = vector.broadcast %broadcast_in_dim3A_288 : i32 to vector<16xi32>
      %swap3A_290 = arith.constant 80 : index
      %swap3A_291 = tpu.vector_load %arg13[%swap3A_290] {strides = array<i32>} : memref<160xi32, #tpu.memory_space<vmem>>, vector<16xi32>,
      tpu.vector_store %arg13[%swap3A_290], %broadcast_in_dim3A_289 {strides = array<i32>} : memref<160xi32, #tpu.memory_space<vmem>>, vector<16xi32>,
      %broadcast_in_dim3A_292 = arith.constant 1073725440 : i32
      %broadcast_in_dim3A_293 = vector.broadcast %broadcast_in_dim3A_292 : i32 to vector<16xi32>
      %swap3A_294 = arith.constant 96 : index
      %swap3A_295 = tpu.vector_load %arg13[%swap3A_294] {strides = array<i32>} : memref<160xi32, #tpu.memory_space<vmem>>, vector<16xi32>,
      tpu.vector_store %arg13[%swap3A_294], %broadcast_in_dim3A_293 {strides = array<i32>} : memref<160xi32, #tpu.memory_space<vmem>>, vector<16xi32>,
      %broadcast_in_dim3A_296 = arith.constant 1073725440 : i32
      %broadcast_in_dim3A_297 = vector.broadcast %broadcast_in_dim3A_296 : i32 to vector<16xi32>
      %swap3A_298 = arith.constant 112 : index
      %swap3A_299 = tpu.vector_load %arg13[%swap3A_298] {strides = array<i32>} : memref<160xi32, #tpu.memory_space<vmem>>, vector<16xi32>,
      tpu.vector_store %arg13[%swap3A_298], %broadcast_in_dim3A_297 {strides = array<i32>} : memref<160xi32, #tpu.memory_space<vmem>>, vector<16xi32>,
      %broadcast_in_dim3A_300 = arith.constant 1073725440 : i32
      %broadcast_in_dim3A_301 = vector.broadcast %broadcast_in_dim3A_300 : i32 to vector<16xi32>
      %swap3A_302 = arith.constant 128 : index
      %swap3A_303 = tpu.vector_load %arg13[%swap3A_302] {strides = array<i32>} : memref<160xi32, #tpu.memory_space<vmem>>, vector<16xi32>,
      tpu.vector_store %arg13[%swap3A_302], %broadcast_in_dim3A_301 {strides = array<i32>} : memref<160xi32, #tpu.memory_space<vmem>>, vector<16xi32>,
      %add3A_304 = arith.constant 32 : i32
      %add3A_305 = arith.addi %squeeze3A_41, %add3A_304 : i32
      %sub3A_306 = arith.constant 1 : i32
      %sub3A_307 = arith.subi %add3A_305, %sub3A_306 : i32
      %jit3A_308 = arith.constant 32 : i32
      %div3A_309 = arith.divsi %sub3A_307, %jit3A_308 : i32
      %sign3A_310 = arith.constant 0 : i32
      %sign3A_311 = arith.cmpi sgt, %sub3A_307, %sign3A_310 : i32
      %sign3A_312 = arith.extui %sign3A_311 : i1 to i32
      %sign3A_313 = arith.constant 0 : i32
      %sign3A_314 = arith.cmpi slt, %sub3A_307, %sign3A_313 : i32
      %sign3A_315 = arith.extui %sign3A_314 : i1 to i32
      %sign3A_316 = arith.subi %sign3A_312, %sign3A_315 : i32
      %sign3A_317 = arith.constant 0 : i32
      %sign3A_318 = arith.cmpi sgt, %jit3A_308, %sign3A_317 : i32
      %sign3A_319 = arith.extui %sign3A_318 : i1 to i32
      %sign3A_320 = arith.constant 0 : i32
      %sign3A_321 = arith.cmpi slt, %jit3A_308, %sign3A_320 : i32
      %sign3A_322 = arith.extui %sign3A_321 : i1 to i32
      %sign3A_323 = arith.subi %sign3A_319, %sign3A_322 : i32
      %ne3A_324 = arith.cmpi ne, %sign3A_316, %sign3A_323 : i32
      %rem3A_325 = arith.remsi %sub3A_307, %jit3A_308 : i32
      %ne3A_326 = arith.constant 0 : i32
      %ne3A_327 = arith.cmpi ne, %rem3A_325, %ne3A_326 : i32
      %and3A_328 = arith.andi %ne3A_324, %ne3A_327 : i1
      %sub3A_329 = arith.constant 1 : i32
      %sub3A_330 = arith.subi %div3A_309, %sub3A_329 : i32
      %select_n3A_331 = arith.select %and3A_328, %sub3A_330, %div3A_309 : i32
      %broadcast_in_dim3A_332 = arith.constant 0 : i32
      %broadcast_in_dim3A_333 = vector.broadcast %broadcast_in_dim3A_332 : i32 to vector<16xi32>
      %while3A_334 = arith.constant 0 : i32
      %while3A_335 = arith.subi %select_n3A_331, %while3A_334 : i32
      %while3A_336 = arith.addi %while3A_334, %while3A_335 : i32
      %while3A_337 = arith.constant 1 : i32
      %while3A_338 = arith.divsi %while3A_335, %while3A_337 : i32
      %while3A_339 = arith.muli %while3A_338, %while3A_337 : i32
      %while3A_340 = arith.addi %while3A_334, %while3A_339 : i32
      %while3A_341 = arith.constant 1 : i32
      %while3A_342 = scf.for %while3A_388 = %while3A_334 to %while3A_340 step %while3A_341 iter_args(%while3A_389 = %broadcast_in_dim3A_333) -> (vector<16xi32>)  : i32 {
        %mul3A_390 = arith.constant 2 : i32
        %mul3A_391 = arith.muli %while3A_388, %mul3A_390 : i32
        %add3A_392 = arith.constant 0 : i32
        %add3A_393 = arith.addi %mul3A_391, %add3A_392 : i32
        %mul3A_394 = arith.constant 16 : i32
        %mul3A_395 = arith.muli %add3A_393, %mul3A_394 : i32
        %get3A = arith.index_cast %mul3A_395 : i32 to index
        %get3A_396 = tpu.vector_load %arg12[%get3A] {strides = array<i32>} : memref<1056xi32, #tpu.memory_space<vmem>>, vector<16xi32>,
        %shift_right_arithmetic3A = arith.constant 15 : i32
        %shift_right_arithmetic3A_397 = vector.broadcast %shift_right_arithmetic3A : i32 to vector<16xi32>
        %shift_right_arithmetic3A_398 = arith.shrsi %get3A_396, %shift_right_arithmetic3A_397 : vector<16xi32>
        %ge3A = vector.broadcast %sub3A_266 : i32 to vector<16xi32>
        %ge3A_399 = arith.cmpi sge, %shift_right_arithmetic3A_398, %ge3A : vector<16xi32>
        %add3A_400 = arith.constant 768 : i32
        %add3A_401 = arith.addi %sub3A_266, %add3A_400 : i32
        %lt3A_402 = vector.broadcast %add3A_401 : i32 to vector<16xi32>
        %lt3A_403 = arith.cmpi slt, %shift_right_arithmetic3A_398, %lt3A_402 : vector<16xi32>
        %and3A_404 = arith.andi %ge3A_399, %lt3A_403 : vector<16xi1>
        %convert_element_type3A_405 = arith.extui %and3A_404 : vector<16xi1> to vector<16xi32>
        %broadcast_in_dim3A_406 = arith.constant true
        %broadcast_in_dim3A_407 = vector.broadcast %broadcast_in_dim3A_406 : i1 to vector<16xi1>
        %masked_cumsum3A = tpu.scan <sum>, %convert_element_type3A_405 masked %broadcast_in_dim3A_407 : vector<16xi32>, vector<16xi1> -> vector<16xi32>
        %add3A_408 = arith.addi %while3A_389, %masked_cumsum3A : vector<16xi32>
        %sub3A_409 = arith.constant 1 : i32
        %sub3A_410 = vector.broadcast %sub3A_409 : i32 to vector<16xi32>
        %sub3A_411 = arith.subi %add3A_408, %sub3A_410 : vector<16xi32>
        tpu.vector_store_idx %arg13[%sub3A_411], %get3A_396 masked %and3A_404 : memref<160xi32, #tpu.memory_space<vmem>>[vector<16xi32>], vector<16xi32>, vector<16xi1>
        %all_reduce_population_count3A = tpu.all_reduce %and3A_404 {dim = 0 : i64, kind = #tpu.reduction_kind<sum>} : vector<16xi1> -> vector<16xi32>
        %add3A_412 = arith.addi %while3A_389, %all_reduce_population_count3A : vector<16xi32>
        %min3A_413 = arith.constant 128 : i32
        %min3A_414 = vector.broadcast %min3A_413 : i32 to vector<16xi32>
        %min3A_415 = arith.minsi %add3A_412, %min3A_414 : vector<16xi32>
        %mul3A_416 = arith.constant 2 : i32
        %mul3A_417 = arith.muli %while3A_388, %mul3A_416 : i32
        %add3A_418 = arith.constant 1 : i32
        %add3A_419 = arith.addi %mul3A_417, %add3A_418 : i32
        %mul3A_420 = arith.constant 16 : i32
        %mul3A_421 = arith.muli %add3A_419, %mul3A_420 : i32
        %get3A_422 = arith.index_cast %mul3A_421 : i32 to index
        %get3A_423 = tpu.vector_load %arg12[%get3A_422] {strides = array<i32>} : memref<1056xi32, #tpu.memory_space<vmem>>, vector<16xi32>,
        %shift_right_arithmetic3A_424 = arith.constant 15 : i32
        %shift_right_arithmetic3A_425 = vector.broadcast %shift_right_arithmetic3A_424 : i32 to vector<16xi32>
        %shift_right_arithmetic3A_426 = arith.shrsi %get3A_423, %shift_right_arithmetic3A_425 : vector<16xi32>
        %ge3A_427 = vector.broadcast %sub3A_266 : i32 to vector<16xi32>
        %ge3A_428 = arith.cmpi sge, %shift_right_arithmetic3A_426, %ge3A_427 : vector<16xi32>
        %add3A_429 = arith.constant 768 : i32
        %add3A_430 = arith.addi %sub3A_266, %add3A_429 : i32
        %lt3A_431 = vector.broadcast %add3A_430 : i32 to vector<16xi32>
        %lt3A_432 = arith.cmpi slt, %shift_right_arithmetic3A_426, %lt3A_431 : vector<16xi32>
        %and3A_433 = arith.andi %ge3A_428, %lt3A_432 : vector<16xi1>
        %convert_element_type3A_434 = arith.extui %and3A_433 : vector<16xi1> to vector<16xi32>
        %broadcast_in_dim3A_435 = arith.constant true
        %broadcast_in_dim3A_436 = vector.broadcast %broadcast_in_dim3A_435 : i1 to vector<16xi1>
        %masked_cumsum3A_437 = tpu.scan <sum>, %convert_element_type3A_434 masked %broadcast_in_dim3A_436 : vector<16xi32>, vector<16xi1> -> vector<16xi32>
        %add3A_438 = arith.addi %min3A_415, %masked_cumsum3A_437 : vector<16xi32>
        %sub3A_439 = arith.constant 1 : i32
        %sub3A_440 = vector.broadcast %sub3A_439 : i32 to vector<16xi32>
        %sub3A_441 = arith.subi %add3A_438, %sub3A_440 : vector<16xi32>
        tpu.vector_store_idx %arg13[%sub3A_441], %get3A_423 masked %and3A_433 : memref<160xi32, #tpu.memory_space<vmem>>[vector<16xi32>], vector<16xi32>, vector<16xi1>
        %all_reduce_population_count3A_442 = tpu.all_reduce %and3A_433 {dim = 0 : i64, kind = #tpu.reduction_kind<sum>} : vector<16xi1> -> vector<16xi32>
        %add3A_443 = arith.addi %min3A_415, %all_reduce_population_count3A_442 : vector<16xi32>
        %min3A_444 = arith.constant 128 : i32
        %min3A_445 = vector.broadcast %min3A_444 : i32 to vector<16xi32>
        %min3A_446 = arith.minsi %add3A_443, %min3A_445 : vector<16xi32>
        scf.yield %min3A_446 : vector<16xi32>
      }
      %while3A_343 = arith.constant 1 : i32
      %while3A_344 = scf.for %while3A_388 = %while3A_340 to %while3A_336 step %while3A_343 iter_args(%while3A_389 = %while3A_342) -> (vector<16xi32>)  : i32 {
        %mul3A_390 = arith.constant 2 : i32
        %mul3A_391 = arith.muli %while3A_388, %mul3A_390 : i32
        %add3A_392 = arith.constant 0 : i32
        %add3A_393 = arith.addi %mul3A_391, %add3A_392 : i32
        %mul3A_394 = arith.constant 16 : i32
        %mul3A_395 = arith.muli %add3A_393, %mul3A_394 : i32
        %get3A = arith.index_cast %mul3A_395 : i32 to index
        %get3A_396 = tpu.vector_load %arg12[%get3A] {strides = array<i32>} : memref<1056xi32, #tpu.memory_space<vmem>>, vector<16xi32>,
        %shift_right_arithmetic3A = arith.constant 15 : i32
        %shift_right_arithmetic3A_397 = vector.broadcast %shift_right_arithmetic3A : i32 to vector<16xi32>
        %shift_right_arithmetic3A_398 = arith.shrsi %get3A_396, %shift_right_arithmetic3A_397 : vector<16xi32>
        %ge3A = vector.broadcast %sub3A_266 : i32 to vector<16xi32>
        %ge3A_399 = arith.cmpi sge, %shift_right_arithmetic3A_398, %ge3A : vector<16xi32>
        %add3A_400 = arith.constant 768 : i32
        %add3A_401 = arith.addi %sub3A_266, %add3A_400 : i32
        %lt3A_402 = vector.broadcast %add3A_401 : i32 to vector<16xi32>
        %lt3A_403 = arith.cmpi slt, %shift_right_arithmetic3A_398, %lt3A_402 : vector<16xi32>
        %and3A_404 = arith.andi %ge3A_399, %lt3A_403 : vector<16xi1>
        %convert_element_type3A_405 = arith.extui %and3A_404 : vector<16xi1> to vector<16xi32>
        %broadcast_in_dim3A_406 = arith.constant true
        %broadcast_in_dim3A_407 = vector.broadcast %broadcast_in_dim3A_406 : i1 to vector<16xi1>
        %masked_cumsum3A = tpu.scan <sum>, %convert_element_type3A_405 masked %broadcast_in_dim3A_407 : vector<16xi32>, vector<16xi1> -> vector<16xi32>
        %add3A_408 = arith.addi %while3A_389, %masked_cumsum3A : vector<16xi32>
        %sub3A_409 = arith.constant 1 : i32
        %sub3A_410 = vector.broadcast %sub3A_409 : i32 to vector<16xi32>
        %sub3A_411 = arith.subi %add3A_408, %sub3A_410 : vector<16xi32>
        tpu.vector_store_idx %arg13[%sub3A_411], %get3A_396 masked %and3A_404 : memref<160xi32, #tpu.memory_space<vmem>>[vector<16xi32>], vector<16xi32>, vector<16xi1>
        %all_reduce_population_count3A = tpu.all_reduce %and3A_404 {dim = 0 : i64, kind = #tpu.reduction_kind<sum>} : vector<16xi1> -> vector<16xi32>
        %add3A_412 = arith.addi %while3A_389, %all_reduce_population_count3A : vector<16xi32>
        %min3A_413 = arith.constant 128 : i32
        %min3A_414 = vector.broadcast %min3A_413 : i32 to vector<16xi32>
        %min3A_415 = arith.minsi %add3A_412, %min3A_414 : vector<16xi32>
        %mul3A_416 = arith.constant 2 : i32
        %mul3A_417 = arith.muli %while3A_388, %mul3A_416 : i32
        %add3A_418 = arith.constant 1 : i32
        %add3A_419 = arith.addi %mul3A_417, %add3A_418 : i32
        %mul3A_420 = arith.constant 16 : i32
        %mul3A_421 = arith.muli %add3A_419, %mul3A_420 : i32
        %get3A_422 = arith.index_cast %mul3A_421 : i32 to index
        %get3A_423 = tpu.vector_load %arg12[%get3A_422] {strides = array<i32>} : memref<1056xi32, #tpu.memory_space<vmem>>, vector<16xi32>,
        %shift_right_arithmetic3A_424 = arith.constant 15 : i32
        %shift_right_arithmetic3A_425 = vector.broadcast %shift_right_arithmetic3A_424 : i32 to vector<16xi32>
        %shift_right_arithmetic3A_426 = arith.shrsi %get3A_423, %shift_right_arithmetic3A_425 : vector<16xi32>
        %ge3A_427 = vector.broadcast %sub3A_266 : i32 to vector<16xi32>
        %ge3A_428 = arith.cmpi sge, %shift_right_arithmetic3A_426, %ge3A_427 : vector<16xi32>
        %add3A_429 = arith.constant 768 : i32
        %add3A_430 = arith.addi %sub3A_266, %add3A_429 : i32
        %lt3A_431 = vector.broadcast %add3A_430 : i32 to vector<16xi32>
        %lt3A_432 = arith.cmpi slt, %shift_right_arithmetic3A_426, %lt3A_431 : vector<16xi32>
        %and3A_433 = arith.andi %ge3A_428, %lt3A_432 : vector<16xi1>
        %convert_element_type3A_434 = arith.extui %and3A_433 : vector<16xi1> to vector<16xi32>
        %broadcast_in_dim3A_435 = arith.constant true
        %broadcast_in_dim3A_436 = vector.broadcast %broadcast_in_dim3A_435 : i1 to vector<16xi1>
        %masked_cumsum3A_437 = tpu.scan <sum>, %convert_element_type3A_434 masked %broadcast_in_dim3A_436 : vector<16xi32>, vector<16xi1> -> vector<16xi32>
        %add3A_438 = arith.addi %min3A_415, %masked_cumsum3A_437 : vector<16xi32>
        %sub3A_439 = arith.constant 1 : i32
        %sub3A_440 = vector.broadcast %sub3A_439 : i32 to vector<16xi32>
        %sub3A_441 = arith.subi %add3A_438, %sub3A_440 : vector<16xi32>
        tpu.vector_store_idx %arg13[%sub3A_441], %get3A_423 masked %and3A_433 : memref<160xi32, #tpu.memory_space<vmem>>[vector<16xi32>], vector<16xi32>, vector<16xi1>
        %all_reduce_population_count3A_442 = tpu.all_reduce %and3A_433 {dim = 0 : i64, kind = #tpu.reduction_kind<sum>} : vector<16xi1> -> vector<16xi32>
        %add3A_443 = arith.addi %min3A_415, %all_reduce_population_count3A_442 : vector<16xi32>
        %min3A_444 = arith.constant 128 : i32
        %min3A_445 = vector.broadcast %min3A_444 : i32 to vector<16xi32>
        %min3A_446 = arith.minsi %add3A_443, %min3A_445 : vector<16xi32>
        scf.yield %min3A_446 : vector<16xi32>
      }
      %slice3A_345 = vector.extract_strided_slice %while3A_344 {offsets = [0], sizes = [1], strides = [1]} : vector<16xi32> to vector<1xi32>
      %squeeze3A_346 = vector.extract %slice3A_345[0] : i32 from vector<1xi32>
      %add3A_347 = arith.constant 16 : i32
      %add3A_348 = arith.addi %squeeze3A_346, %add3A_347 : i32
      %sub3A_349 = arith.constant 1 : i32
      %sub3A_350 = arith.subi %add3A_348, %sub3A_349 : i32
      %jit3A_351 = arith.constant 16 : i32
      %div3A_352 = arith.divsi %sub3A_350, %jit3A_351 : i32
      %sign3A_353 = arith.constant 0 : i32
      %sign3A_354 = arith.cmpi sgt, %sub3A_350, %sign3A_353 : i32
      %sign3A_355 = arith.extui %sign3A_354 : i1 to i32
      %sign3A_356 = arith.constant 0 : i32
      %sign3A_357 = arith.cmpi slt, %sub3A_350, %sign3A_356 : i32
      %sign3A_358 = arith.extui %sign3A_357 : i1 to i32
      %sign3A_359 = arith.subi %sign3A_355, %sign3A_358 : i32
      %sign3A_360 = arith.constant 0 : i32
      %sign3A_361 = arith.cmpi sgt, %jit3A_351, %sign3A_360 : i32
      %sign3A_362 = arith.extui %sign3A_361 : i1 to i32
      %sign3A_363 = arith.constant 0 : i32
      %sign3A_364 = arith.cmpi slt, %jit3A_351, %sign3A_363 : i32
      %sign3A_365 = arith.extui %sign3A_364 : i1 to i32
      %sign3A_366 = arith.subi %sign3A_362, %sign3A_365 : i32
      %ne3A_367 = arith.cmpi ne, %sign3A_359, %sign3A_366 : i32
      %rem3A_368 = arith.remsi %sub3A_350, %jit3A_351 : i32
      %ne3A_369 = arith.constant 0 : i32
      %ne3A_370 = arith.cmpi ne, %rem3A_368, %ne3A_369 : i32
      %and3A_371 = arith.andi %ne3A_367, %ne3A_370 : i1
      %sub3A_372 = arith.constant 1 : i32
      %sub3A_373 = arith.subi %div3A_352, %sub3A_372 : i32
      %select_n3A_374 = arith.select %and3A_371, %sub3A_373, %div3A_352 : i32
      %min3A_375 = arith.constant 8 : i32
      %min3A_376 = arith.minsi %select_n3A_374, %min3A_375 : i32
      %while3A_377 = arith.constant 0 : i32
      %while3A_378 = arith.subi %min3A_376, %while3A_377 : i32
      %while3A_379 = arith.addi %while3A_377, %while3A_378 : i32
      %while3A_380 = arith.constant 1 : i32
      %while3A_381 = arith.divsi %while3A_378, %while3A_380 : i32
      %while3A_382 = arith.muli %while3A_381, %while3A_380 : i32
      %while3A_383 = arith.addi %while3A_377, %while3A_382 : i32
      %while3A_384 = arith.constant 1 : i32
      %while3A_385 = scf.for %while3A_388 = %while3A_377 to %while3A_383 step %while3A_384 iter_args(%while3A_389 = %while3A_253) -> (i32)  : i32 {
        %rem3A_390 = arith.constant 8 : i32
        %rem3A_391 = arith.remsi %while3A_389, %rem3A_390 : i32
        %ge3A = arith.constant 8 : i32
        %ge3A_392 = arith.cmpi sge, %while3A_389, %ge3A : i32
        %convert_element_type3A_393 = arith.extui %ge3A_392 : i1 to i32
        %cond3A_394 = arith.constant 0 : i32
        %cond3A_395 = arith.cmpi ne, %convert_element_type3A_393, %cond3A_394 : i32
        scf.if %cond3A_395 {
          %dma_wait3A_428 = arith.constant 0 : i32
          %dma_wait3A_429 = arith.constant 0 : i32
          %dma_wait3A_430 = arith.constant 0 : i32
          %dma_wait3A_431 = tpu.memref_slice %arg16[%dma_wait3A_428, %dma_wait3A_429, %dma_wait3A_430] : memref<8x16x128xf32, #tpu.memory_space<vmem>> -> memref<1x16x128xf32, #tpu.memory_space<vmem>>
          %dma_wait3A_432 = tpu.memref_squeeze %dma_wait3A_431 : memref<1x16x128xf32, #tpu.memory_space<vmem>> -> memref<16x128xf32, #tpu.memory_space<vmem>>
          %dma_wait3A_433 = arith.constant 16384 : i32
          %dma_wait3A_434 = arith.constant 0 : i32
          %dma_wait3A_435 = tpu.memref_slice %arg9[%dma_wait3A_433, %dma_wait3A_434] : memref<16400x128xf32, #tpu.memory_space<hbm>> -> memref<16x128xf32, #tpu.memory_space<hbm>>
          %dma_wait3A_436 = arith.constant 0 : i32
          %dma_wait3A_437 = arith.constant 0 : i32
          %dma_wait3A_438 = tpu.memref_slice %arg16[%dma_wait3A_428, %dma_wait3A_436, %dma_wait3A_437] : memref<8x16x128xf32, #tpu.memory_space<vmem>> -> memref<1x16x128xf32, #tpu.memory_space<vmem>>
          %dma_wait3A_439 = tpu.memref_squeeze %dma_wait3A_438 : memref<1x16x128xf32, #tpu.memory_space<vmem>> -> memref<16x128xf32, #tpu.memory_space<vmem>>
          %dma_wait3A_440 = arith.constant 16384 : i32
          %dma_wait3A_441 = arith.constant 0 : i32
          %dma_wait3A_442 = tpu.memref_slice %arg9[%dma_wait3A_440, %dma_wait3A_441] : memref<16400x128xf32, #tpu.memory_space<hbm>> -> memref<16x128xf32, #tpu.memory_space<hbm>>
          tpu.wait_dma2 semaphore(%arg19 : memref<!tpu.dma_semaphore, #tpu.memory_space<semaphore_mem>>) src(%dma_wait3A_442 : memref<16x128xf32, #tpu.memory_space<hbm>>) dst(%dma_wait3A_439 : memref<16x128xf32, #tpu.memory_space<vmem>>)
        } else {
        }
        %mul3A_396 = arith.constant 16 : i32
        %mul3A_397 = arith.muli %while3A_388, %mul3A_396 : i32
        %get3A = arith.index_cast %mul3A_397 : i32 to index
        %get3A_398 = tpu.vector_load %arg13[%get3A] {strides = array<i32>} : memref<160xi32, #tpu.memory_space<vmem>>, vector<16xi32>,
        %and3A_399 = arith.constant 32767 : i32
        %and3A_400 = vector.broadcast %and3A_399 : i32 to vector<16xi32>
        %and3A_401 = arith.andi %get3A_398, %and3A_400 : vector<16xi32>
        %shift_right_arithmetic3A = arith.constant 15 : i32
        %shift_right_arithmetic3A_402 = vector.broadcast %shift_right_arithmetic3A : i32 to vector<16xi32>
        %shift_right_arithmetic3A_403 = arith.shrsi %get3A_398, %shift_right_arithmetic3A_402 : vector<16xi32>
        %sub3A_404 = vector.broadcast %sub3A_266 : i32 to vector<16xi32>
        %sub3A_405 = arith.subi %shift_right_arithmetic3A_403, %sub3A_404 : vector<16xi32>
        %jit3A_406 = arith.constant 0 : i32
        %jit3A_407 = arith.constant 767 : i32
        %max3A = vector.broadcast %jit3A_406 : i32 to vector<16xi32>
        %max3A_408 = arith.maxsi %max3A, %sub3A_405 : vector<16xi32>
        %min3A_409 = vector.broadcast %jit3A_407 : i32 to vector<16xi32>
        %min3A_410 = arith.minsi %min3A_409, %max3A_408 : vector<16xi32>
        %broadcast_in_dim3A_411 = vector.broadcast %rem3A_391 : i32 to vector<16xi32>
        %broadcast_in_dim3A_412 = vector.broadcast %rem3A_107 : i32 to vector<16xi32>
        %scan3A_413 = arith.constant 0 : i32
        %scan3A_414 = arith.constant 0 : i32
        %scan3A_415 = arith.constant 32 : i32
        %scan3A_416 = arith.addi %scan3A_414, %scan3A_415 : i32
        %scan3A_417 = arith.constant 1 : i32
        scf.for %scan3A_428 = %scan3A_414 to %scan3A_416 step %scan3A_417  : i32 {
          %broadcast_in_dim3A_429 = vector.broadcast %scan3A_428 : i32 to vector<16xi32>
          %gather3A = tpu.vector_load_idx %arg15[%broadcast_in_dim3A_412, %broadcast_in_dim3A_429, %min3A_410] : memref<2x32x768xf32, #tpu.memory_space<vmem>>[vector<16xi32>, vector<16xi32>, vector<16xi32>], vector<16xf32>,
          tpu.vector_store_idx %arg16[%broadcast_in_dim3A_411, %iota3A_267, %broadcast_in_dim3A_429], %gather3A : memref<8x16x128xf32, #tpu.memory_space<vmem>>[vector<16xi32>, vector<16xi32>, vector<16xi32>], vector<16xf32>,
        }
        %scan3A_418 = arith.constant 32 : i32
        %dma_start3A_419 = arith.constant 0 : i32
        %dma_start3A_420 = arith.constant 0 : i32
        %dma_start3A_421 = tpu.memref_slice %arg16[%rem3A_391, %dma_start3A_419, %dma_start3A_420] : memref<8x16x128xf32, #tpu.memory_space<vmem>> -> memref<1x16x128xf32, #tpu.memory_space<vmem>>
        %dma_start3A_422 = tpu.memref_squeeze %dma_start3A_421 : memref<1x16x128xf32, #tpu.memory_space<vmem>> -> memref<16x128xf32, #tpu.memory_space<vmem>>
        %dma_start3A_423 = arith.constant 0 : i32
        %dma_start3A_424 = arith.constant 0 : i32
        %dma_start3A_425 = tpu.memref_slice %arg9[%dma_start3A_423, %dma_start3A_424] : memref<16400x128xf32, #tpu.memory_space<hbm>> -> memref<16400x128xf32, #tpu.memory_space<hbm>>
        tpu.enqueue_indirect_dma source(%dma_start3A_422 : memref<16x128xf32, #tpu.memory_space<vmem>>) target(%dma_start3A_425 : memref<16400x128xf32, #tpu.memory_space<hbm>>) offsets(%and3A_401 : vector<16xi32>) semaphore(%arg19 : memref<!tpu.dma_semaphore, #tpu.memory_space<semaphore_mem>>)
        %add3A_426 = arith.constant 1 : i32
        %add3A_427 = arith.addi %while3A_389, %add3A_426 : i32
        scf.yield %add3A_427 : i32
      }
      %while3A_386 = arith.constant 1 : i32
      %while3A_387 = scf.for %while3A_388 = %while3A_383 to %while3A_379 step %while3A_386 iter_args(%while3A_389 = %while3A_385) -> (i32)  : i32 {
        %rem3A_390 = arith.constant 8 : i32
        %rem3A_391 = arith.remsi %while3A_389, %rem3A_390 : i32
        %ge3A = arith.constant 8 : i32
        %ge3A_392 = arith.cmpi sge, %while3A_389, %ge3A : i32
        %convert_element_type3A_393 = arith.extui %ge3A_392 : i1 to i32
        %cond3A_394 = arith.constant 0 : i32
        %cond3A_395 = arith.cmpi ne, %convert_element_type3A_393, %cond3A_394 : i32
        scf.if %cond3A_395 {
          %dma_wait3A_428 = arith.constant 0 : i32
          %dma_wait3A_429 = arith.constant 0 : i32
          %dma_wait3A_430 = arith.constant 0 : i32
          %dma_wait3A_431 = tpu.memref_slice %arg16[%dma_wait3A_428, %dma_wait3A_429, %dma_wait3A_430] : memref<8x16x128xf32, #tpu.memory_space<vmem>> -> memref<1x16x128xf32, #tpu.memory_space<vmem>>
          %dma_wait3A_432 = tpu.memref_squeeze %dma_wait3A_431 : memref<1x16x128xf32, #tpu.memory_space<vmem>> -> memref<16x128xf32, #tpu.memory_space<vmem>>
          %dma_wait3A_433 = arith.constant 16384 : i32
          %dma_wait3A_434 = arith.constant 0 : i32
          %dma_wait3A_435 = tpu.memref_slice %arg9[%dma_wait3A_433, %dma_wait3A_434] : memref<16400x128xf32, #tpu.memory_space<hbm>> -> memref<16x128xf32, #tpu.memory_space<hbm>>
          %dma_wait3A_436 = arith.constant 0 : i32
          %dma_wait3A_437 = arith.constant 0 : i32
          %dma_wait3A_438 = tpu.memref_slice %arg16[%dma_wait3A_428, %dma_wait3A_436, %dma_wait3A_437] : memref<8x16x128xf32, #tpu.memory_space<vmem>> -> memref<1x16x128xf32, #tpu.memory_space<vmem>>
          %dma_wait3A_439 = tpu.memref_squeeze %dma_wait3A_438 : memref<1x16x128xf32, #tpu.memory_space<vmem>> -> memref<16x128xf32, #tpu.memory_space<vmem>>
          %dma_wait3A_440 = arith.constant 16384 : i32
          %dma_wait3A_441 = arith.constant 0 : i32
          %dma_wait3A_442 = tpu.memref_slice %arg9[%dma_wait3A_440, %dma_wait3A_441] : memref<16400x128xf32, #tpu.memory_space<hbm>> -> memref<16x128xf32, #tpu.memory_space<hbm>>
          tpu.wait_dma2 semaphore(%arg19 : memref<!tpu.dma_semaphore, #tpu.memory_space<semaphore_mem>>) src(%dma_wait3A_442 : memref<16x128xf32, #tpu.memory_space<hbm>>) dst(%dma_wait3A_439 : memref<16x128xf32, #tpu.memory_space<vmem>>)
        } else {
        }
        %mul3A_396 = arith.constant 16 : i32
        %mul3A_397 = arith.muli %while3A_388, %mul3A_396 : i32
        %get3A = arith.index_cast %mul3A_397 : i32 to index
        %get3A_398 = tpu.vector_load %arg13[%get3A] {strides = array<i32>} : memref<160xi32, #tpu.memory_space<vmem>>, vector<16xi32>,
        %and3A_399 = arith.constant 32767 : i32
        %and3A_400 = vector.broadcast %and3A_399 : i32 to vector<16xi32>
        %and3A_401 = arith.andi %get3A_398, %and3A_400 : vector<16xi32>
        %shift_right_arithmetic3A = arith.constant 15 : i32
        %shift_right_arithmetic3A_402 = vector.broadcast %shift_right_arithmetic3A : i32 to vector<16xi32>
        %shift_right_arithmetic3A_403 = arith.shrsi %get3A_398, %shift_right_arithmetic3A_402 : vector<16xi32>
        %sub3A_404 = vector.broadcast %sub3A_266 : i32 to vector<16xi32>
        %sub3A_405 = arith.subi %shift_right_arithmetic3A_403, %sub3A_404 : vector<16xi32>
        %jit3A_406 = arith.constant 0 : i32
        %jit3A_407 = arith.constant 767 : i32
        %max3A = vector.broadcast %jit3A_406 : i32 to vector<16xi32>
        %max3A_408 = arith.maxsi %max3A, %sub3A_405 : vector<16xi32>
        %min3A_409 = vector.broadcast %jit3A_407 : i32 to vector<16xi32>
        %min3A_410 = arith.minsi %min3A_409, %max3A_408 : vector<16xi32>
        %broadcast_in_dim3A_411 = vector.broadcast %rem3A_391 : i32 to vector<16xi32>
        %broadcast_in_dim3A_412 = vector.broadcast %rem3A_107 : i32 to vector<16xi32>
        %scan3A_413 = arith.constant 0 : i32
        %scan3A_414 = arith.constant 0 : i32
        %scan3A_415 = arith.constant 32 : i32
        %scan3A_416 = arith.addi %scan3A_414, %scan3A_415 : i32
        %scan3A_417 = arith.constant 1 : i32
        scf.for %scan3A_428 = %scan3A_414 to %scan3A_416 step %scan3A_417  : i32 {
          %broadcast_in_dim3A_429 = vector.broadcast %scan3A_428 : i32 to vector<16xi32>
          %gather3A = tpu.vector_load_idx %arg15[%broadcast_in_dim3A_412, %broadcast_in_dim3A_429, %min3A_410] : memref<2x32x768xf32, #tpu.memory_space<vmem>>[vector<16xi32>, vector<16xi32>, vector<16xi32>], vector<16xf32>,
          tpu.vector_store_idx %arg16[%broadcast_in_dim3A_411, %iota3A_267, %broadcast_in_dim3A_429], %gather3A : memref<8x16x128xf32, #tpu.memory_space<vmem>>[vector<16xi32>, vector<16xi32>, vector<16xi32>], vector<16xf32>,
        }
        %scan3A_418 = arith.constant 32 : i32
        %dma_start3A_419 = arith.constant 0 : i32
        %dma_start3A_420 = arith.constant 0 : i32
        %dma_start3A_421 = tpu.memref_slice %arg16[%rem3A_391, %dma_start3A_419, %dma_start3A_420] : memref<8x16x128xf32, #tpu.memory_space<vmem>> -> memref<1x16x128xf32, #tpu.memory_space<vmem>>
        %dma_start3A_422 = tpu.memref_squeeze %dma_start3A_421 : memref<1x16x128xf32, #tpu.memory_space<vmem>> -> memref<16x128xf32, #tpu.memory_space<vmem>>
        %dma_start3A_423 = arith.constant 0 : i32
        %dma_start3A_424 = arith.constant 0 : i32
        %dma_start3A_425 = tpu.memref_slice %arg9[%dma_start3A_423, %dma_start3A_424] : memref<16400x128xf32, #tpu.memory_space<hbm>> -> memref<16400x128xf32, #tpu.memory_space<hbm>>
        tpu.enqueue_indirect_dma source(%dma_start3A_422 : memref<16x128xf32, #tpu.memory_space<vmem>>) target(%dma_start3A_425 : memref<16400x128xf32, #tpu.memory_space<hbm>>) offsets(%and3A_401 : vector<16xi32>) semaphore(%arg19 : memref<!tpu.dma_semaphore, #tpu.memory_space<semaphore_mem>>)
        %add3A_426 = arith.constant 1 : i32
        %add3A_427 = arith.addi %while3A_389, %add3A_426 : i32
        scf.yield %add3A_427 : i32
      }
      scf.yield %while3A_387 : i32
    }
    %scan3A_91 = arith.constant 41 : i32
    %convert_element_type3A_92 = arith.extui %eq3A_10 : i1 to i32
    %cond3A = arith.constant 0 : i32
    %cond3A_93 = arith.cmpi ne, %convert_element_type3A_92, %cond3A : i32
    scf.if %cond3A_93 {
      %run_scoped3A = arith.constant 0 : i32
      "tpu.region"() ({
        %run_scoped3A_362 = tpu.sem_alloc : memref<!tpu.dma_semaphore, #tpu.memory_space<semaphore_mem>>
        %dma_start3A_363 = arith.constant 0 : i32
        %dma_start3A_364 = arith.constant 0 : i32
        %dma_start3A_365 = tpu.memref_slice %arg14[%run_scoped3A, %dma_start3A_363, %dma_start3A_364] : memref<2x32x768xf32, #tpu.memory_space<vmem>> -> memref<1x32x128xf32, #tpu.memory_space<vmem>>
        %dma_start3A_366 = tpu.memref_squeeze %dma_start3A_365 : memref<1x32x128xf32, #tpu.memory_space<vmem>> -> memref<32x128xf32, #tpu.memory_space<vmem>>
        %dma_start3A_367 = arith.constant 0 : i32
        %dma_start3A_368 = arith.constant 0 : i32
        %dma_start3A_369 = tpu.memref_slice %arg14[%run_scoped3A, %dma_start3A_367, %dma_start3A_368] : memref<2x32x768xf32, #tpu.memory_space<vmem>> -> memref<1x32x128xf32, #tpu.memory_space<vmem>>
        %dma_start3A_370 = tpu.memref_squeeze %dma_start3A_369 : memref<1x32x128xf32, #tpu.memory_space<vmem>> -> memref<32x128xf32, #tpu.memory_space<vmem>>
        tpu.enqueue_dma source(%arg6 : memref<32x128xf32, #tpu.memory_space<hbm>>) target(%dma_start3A_370 : memref<32x128xf32, #tpu.memory_space<vmem>>) target_semaphore(%run_scoped3A_362 : memref<!tpu.dma_semaphore, #tpu.memory_space<semaphore_mem>>)
        %dma_wait3A = arith.constant 0 : i32
        %dma_wait3A_371 = arith.constant 0 : i32
        %dma_wait3A_372 = tpu.memref_slice %arg14[%run_scoped3A, %dma_wait3A, %dma_wait3A_371] : memref<2x32x768xf32, #tpu.memory_space<vmem>> -> memref<1x32x128xf32, #tpu.memory_space<vmem>>
        %dma_wait3A_373 = tpu.memref_squeeze %dma_wait3A_372 : memref<1x32x128xf32, #tpu.memory_space<vmem>> -> memref<32x128xf32, #tpu.memory_space<vmem>>
        %dma_wait3A_374 = arith.constant 0 : i32
        %dma_wait3A_375 = arith.constant 0 : i32
        %dma_wait3A_376 = tpu.memref_slice %arg14[%run_scoped3A, %dma_wait3A_374, %dma_wait3A_375] : memref<2x32x768xf32, #tpu.memory_space<vmem>> -> memref<1x32x128xf32, #tpu.memory_space<vmem>>
        %dma_wait3A_377 = tpu.memref_squeeze %dma_wait3A_376 : memref<1x32x128xf32, #tpu.memory_space<vmem>> -> memref<32x128xf32, #tpu.memory_space<vmem>>
        tpu.wait_dma2 semaphore(%run_scoped3A_362 : memref<!tpu.dma_semaphore, #tpu.memory_space<semaphore_mem>>) src(%arg6 : memref<32x128xf32, #tpu.memory_space<hbm>>) dst(%dma_wait3A_377 : memref<32x128xf32, #tpu.memory_space<vmem>>)
        tpu.yield
      }) : () -> ()
      %run_scoped3A_105 = arith.constant 0 : i32
      "tpu.region"() ({
        %run_scoped3A_362 = tpu.sem_alloc : memref<!tpu.dma_semaphore, #tpu.memory_space<semaphore_mem>>
        %dma_start3A_363 = arith.constant 0 : i32
        %dma_start3A_364 = arith.constant 0 : i32
        %dma_start3A_365 = tpu.memref_slice %arg15[%run_scoped3A_105, %dma_start3A_363, %dma_start3A_364] : memref<2x32x768xf32, #tpu.memory_space<vmem>> -> memref<1x32x128xf32, #tpu.memory_space<vmem>>
        %dma_start3A_366 = tpu.memref_squeeze %dma_start3A_365 : memref<1x32x128xf32, #tpu.memory_space<vmem>> -> memref<32x128xf32, #tpu.memory_space<vmem>>
        %dma_start3A_367 = arith.constant 0 : i32
        %dma_start3A_368 = arith.constant 0 : i32
        %dma_start3A_369 = tpu.memref_slice %arg15[%run_scoped3A_105, %dma_start3A_367, %dma_start3A_368] : memref<2x32x768xf32, #tpu.memory_space<vmem>> -> memref<1x32x128xf32, #tpu.memory_space<vmem>>
        %dma_start3A_370 = tpu.memref_squeeze %dma_start3A_369 : memref<1x32x128xf32, #tpu.memory_space<vmem>> -> memref<32x128xf32, #tpu.memory_space<vmem>>
        tpu.enqueue_dma source(%arg7 : memref<32x128xf32, #tpu.memory_space<hbm>>) target(%dma_start3A_370 : memref<32x128xf32, #tpu.memory_space<vmem>>) target_semaphore(%run_scoped3A_362 : memref<!tpu.dma_semaphore, #tpu.memory_space<semaphore_mem>>)
        %dma_wait3A = arith.constant 0 : i32
        %dma_wait3A_371 = arith.constant 0 : i32
        %dma_wait3A_372 = tpu.memref_slice %arg15[%run_scoped3A_105, %dma_wait3A, %dma_wait3A_371] : memref<2x32x768xf32, #tpu.memory_space<vmem>> -> memref<1x32x128xf32, #tpu.memory_space<vmem>>
        %dma_wait3A_373 = tpu.memref_squeeze %dma_wait3A_372 : memref<1x32x128xf32, #tpu.memory_space<vmem>> -> memref<32x128xf32, #tpu.memory_space<vmem>>
        %dma_wait3A_374 = arith.constant 0 : i32
        %dma_wait3A_375 = arith.constant 0 : i32
        %dma_wait3A_376 = tpu.memref_slice %arg15[%run_scoped3A_105, %dma_wait3A_374, %dma_wait3A_375] : memref<2x32x768xf32, #tpu.memory_space<vmem>> -> memref<1x32x128xf32, #tpu.memory_space<vmem>>
        %dma_wait3A_377 = tpu.memref_squeeze %dma_wait3A_376 : memref<1x32x128xf32, #tpu.memory_space<vmem>> -> memref<32x128xf32, #tpu.memory_space<vmem>>
        tpu.wait_dma2 semaphore(%run_scoped3A_362 : memref<!tpu.dma_semaphore, #tpu.memory_space<semaphore_mem>>) src(%arg7 : memref<32x128xf32, #tpu.memory_space<hbm>>) dst(%dma_wait3A_377 : memref<32x128xf32, #tpu.memory_space<vmem>>)
        tpu.yield
      }) : () -> ()
      %sub3A_106 = arith.constant 999936 : i32
      %sub3A_107 = arith.subi %sub3A_106, %multiple_of3A : i32
      %iota3A_108 = tpu.iota {dimensions = array<i32: 0>} : vector<16xi32>
      %broadcast_in_dim3A_109 = arith.constant 1073725440 : i32
      %broadcast_in_dim3A_110 = vector.broadcast %broadcast_in_dim3A_109 : i32 to vector<16xi32>
      %swap3A_111 = arith.constant 0 : index
      %swap3A_112 = tpu.vector_load %arg13[%swap3A_111] {strides = array<i32>} : memref<160xi32, #tpu.memory_space<vmem>>, vector<16xi32>,
      tpu.vector_store %arg13[%swap3A_111], %broadcast_in_dim3A_110 {strides = array<i32>} : memref<160xi32, #tpu.memory_space<vmem>>, vector<16xi32>,
      %broadcast_in_dim3A_113 = arith.constant 1073725440 : i32
      %broadcast_in_dim3A_114 = vector.broadcast %broadcast_in_dim3A_113 : i32 to vector<16xi32>
      %swap3A_115 = arith.constant 16 : index
      %swap3A_116 = tpu.vector_load %arg13[%swap3A_115] {strides = array<i32>} : memref<160xi32, #tpu.memory_space<vmem>>, vector<16xi32>,
      tpu.vector_store %arg13[%swap3A_115], %broadcast_in_dim3A_114 {strides = array<i32>} : memref<160xi32, #tpu.memory_space<vmem>>, vector<16xi32>,
      %broadcast_in_dim3A_117 = arith.constant 1073725440 : i32
      %broadcast_in_dim3A_118 = vector.broadcast %broadcast_in_dim3A_117 : i32 to vector<16xi32>
      %swap3A_119 = arith.constant 32 : index
      %swap3A_120 = tpu.vector_load %arg13[%swap3A_119] {strides = array<i32>} : memref<160xi32, #tpu.memory_space<vmem>>, vector<16xi32>,
      tpu.vector_store %arg13[%swap3A_119], %broadcast_in_dim3A_118 {strides = array<i32>} : memref<160xi32, #tpu.memory_space<vmem>>, vector<16xi32>,
      %broadcast_in_dim3A_121 = arith.constant 1073725440 : i32
      %broadcast_in_dim3A_122 = vector.broadcast %broadcast_in_dim3A_121 : i32 to vector<16xi32>
      %swap3A_123 = arith.constant 48 : index
      %swap3A_124 = tpu.vector_load %arg13[%swap3A_123] {strides = array<i32>} : memref<160xi32, #tpu.memory_space<vmem>>, vector<16xi32>,
      tpu.vector_store %arg13[%swap3A_123], %broadcast_in_dim3A_122 {strides = array<i32>} : memref<160xi32, #tpu.memory_space<vmem>>, vector<16xi32>,
      %broadcast_in_dim3A_125 = arith.constant 1073725440 : i32
      %broadcast_in_dim3A_126 = vector.broadcast %broadcast_in_dim3A_125 : i32 to vector<16xi32>
      %swap3A_127 = arith.constant 64 : index
      %swap3A_128 = tpu.vector_load %arg13[%swap3A_127] {strides = array<i32>} : memref<160xi32, #tpu.memory_space<vmem>>, vector<16xi32>,
      tpu.vector_store %arg13[%swap3A_127], %broadcast_in_dim3A_126 {strides = array<i32>} : memref<160xi32, #tpu.memory_space<vmem>>, vector<16xi32>,
      %broadcast_in_dim3A_129 = arith.constant 1073725440 : i32
      %broadcast_in_dim3A_130 = vector.broadcast %broadcast_in_dim3A_129 : i32 to vector<16xi32>
      %swap3A_131 = arith.constant 80 : index
      %swap3A_132 = tpu.vector_load %arg13[%swap3A_131] {strides = array<i32>} : memref<160xi32, #tpu.memory_space<vmem>>, vector<16xi32>,
      tpu.vector_store %arg13[%swap3A_131], %broadcast_in_dim3A_130 {strides = array<i32>} : memref<160xi32, #tpu.memory_space<vmem>>, vector<16xi32>,
      %broadcast_in_dim3A_133 = arith.constant 1073725440 : i32
      %broadcast_in_dim3A_134 = vector.broadcast %broadcast_in_dim3A_133 : i32 to vector<16xi32>
      %swap3A_135 = arith.constant 96 : index
      %swap3A_136 = tpu.vector_load %arg13[%swap3A_135] {strides = array<i32>} : memref<160xi32, #tpu.memory_space<vmem>>, vector<16xi32>,
      tpu.vector_store %arg13[%swap3A_135], %broadcast_in_dim3A_134 {strides = array<i32>} : memref<160xi32, #tpu.memory_space<vmem>>, vector<16xi32>,
      %broadcast_in_dim3A_137 = arith.constant 1073725440 : i32
      %broadcast_in_dim3A_138 = vector.broadcast %broadcast_in_dim3A_137 : i32 to vector<16xi32>
      %swap3A_139 = arith.constant 112 : index
      %swap3A_140 = tpu.vector_load %arg13[%swap3A_139] {strides = array<i32>} : memref<160xi32, #tpu.memory_space<vmem>>, vector<16xi32>,
      tpu.vector_store %arg13[%swap3A_139], %broadcast_in_dim3A_138 {strides = array<i32>} : memref<160xi32, #tpu.memory_space<vmem>>, vector<16xi32>,
      %broadcast_in_dim3A_141 = arith.constant 1073725440 : i32
      %broadcast_in_dim3A_142 = vector.broadcast %broadcast_in_dim3A_141 : i32 to vector<16xi32>
      %swap3A_143 = arith.constant 128 : index
      %swap3A_144 = tpu.vector_load %arg13[%swap3A_143] {strides = array<i32>} : memref<160xi32, #tpu.memory_space<vmem>>, vector<16xi32>,
      tpu.vector_store %arg13[%swap3A_143], %broadcast_in_dim3A_142 {strides = array<i32>} : memref<160xi32, #tpu.memory_space<vmem>>, vector<16xi32>,
      %add3A_145 = arith.constant 32 : i32
      %add3A_146 = arith.addi %squeeze3A, %add3A_145 : i32
      %sub3A_147 = arith.constant 1 : i32
      %sub3A_148 = arith.subi %add3A_146, %sub3A_147 : i32
      %jit3A_149 = arith.constant 32 : i32
      %div3A = arith.divsi %sub3A_148, %jit3A_149 : i32
      %sign3A = arith.constant 0 : i32
      %sign3A_150 = arith.cmpi sgt, %sub3A_148, %sign3A : i32
      %sign3A_151 = arith.extui %sign3A_150 : i1 to i32
      %sign3A_152 = arith.constant 0 : i32
      %sign3A_153 = arith.cmpi slt, %sub3A_148, %sign3A_152 : i32
      %sign3A_154 = arith.extui %sign3A_153 : i1 to i32
      %sign3A_155 = arith.subi %sign3A_151, %sign3A_154 : i32
      %sign3A_156 = arith.constant 0 : i32
      %sign3A_157 = arith.cmpi sgt, %jit3A_149, %sign3A_156 : i32
      %sign3A_158 = arith.extui %sign3A_157 : i1 to i32
      %sign3A_159 = arith.constant 0 : i32
      %sign3A_160 = arith.cmpi slt, %jit3A_149, %sign3A_159 : i32
      %sign3A_161 = arith.extui %sign3A_160 : i1 to i32
      %sign3A_162 = arith.subi %sign3A_158, %sign3A_161 : i32
      %ne3A = arith.cmpi ne, %sign3A_155, %sign3A_162 : i32
      %rem3A = arith.remsi %sub3A_148, %jit3A_149 : i32
      %ne3A_163 = arith.constant 0 : i32
      %ne3A_164 = arith.cmpi ne, %rem3A, %ne3A_163 : i32
      %and3A = arith.andi %ne3A, %ne3A_164 : i1
      %sub3A_165 = arith.constant 1 : i32
      %sub3A_166 = arith.subi %div3A, %sub3A_165 : i32
      %select_n3A_167 = arith.select %and3A, %sub3A_166, %div3A : i32
      %broadcast_in_dim3A_168 = arith.constant 0 : i32
      %broadcast_in_dim3A_169 = vector.broadcast %broadcast_in_dim3A_168 : i32 to vector<16xi32>
      %while3A_170 = arith.constant 0 : i32
      %while3A_171 = arith.subi %select_n3A_167, %while3A_170 : i32
      %while3A_172 = arith.addi %while3A_170, %while3A_171 : i32
      %while3A_173 = arith.constant 1 : i32
      %while3A_174 = arith.divsi %while3A_171, %while3A_173 : i32
      %while3A_175 = arith.muli %while3A_174, %while3A_173 : i32
      %while3A_176 = arith.addi %while3A_170, %while3A_175 : i32
      %while3A_177 = arith.constant 1 : i32
      %while3A_178 = scf.for %while3A_362 = %while3A_170 to %while3A_176 step %while3A_177 iter_args(%while3A_363 = %broadcast_in_dim3A_169) -> (vector<16xi32>)  : i32 {
        %mul3A_364 = arith.constant 2 : i32
        %mul3A_365 = arith.muli %while3A_362, %mul3A_364 : i32
        %add3A_366 = arith.constant 0 : i32
        %add3A_367 = arith.addi %mul3A_365, %add3A_366 : i32
        %mul3A_368 = arith.constant 16 : i32
        %mul3A_369 = arith.muli %add3A_367, %mul3A_368 : i32
        %get3A = arith.index_cast %mul3A_369 : i32 to index
        %get3A_370 = tpu.vector_load %arg11[%get3A] {strides = array<i32>} : memref<1056xi32, #tpu.memory_space<vmem>>, vector<16xi32>,
        %shift_right_arithmetic3A = arith.constant 15 : i32
        %shift_right_arithmetic3A_371 = vector.broadcast %shift_right_arithmetic3A : i32 to vector<16xi32>
        %shift_right_arithmetic3A_372 = arith.shrsi %get3A_370, %shift_right_arithmetic3A_371 : vector<16xi32>
        %ge3A = vector.broadcast %sub3A_107 : i32 to vector<16xi32>
        %ge3A_373 = arith.cmpi sge, %shift_right_arithmetic3A_372, %ge3A : vector<16xi32>
        %add3A_374 = arith.constant 64 : i32
        %add3A_375 = arith.addi %sub3A_107, %add3A_374 : i32
        %lt3A_376 = vector.broadcast %add3A_375 : i32 to vector<16xi32>
        %lt3A_377 = arith.cmpi slt, %shift_right_arithmetic3A_372, %lt3A_376 : vector<16xi32>
        %and3A_378 = arith.andi %ge3A_373, %lt3A_377 : vector<16xi1>
        %convert_element_type3A_379 = arith.extui %and3A_378 : vector<16xi1> to vector<16xi32>
        %broadcast_in_dim3A_380 = arith.constant true
        %broadcast_in_dim3A_381 = vector.broadcast %broadcast_in_dim3A_380 : i1 to vector<16xi1>
        %masked_cumsum3A = tpu.scan <sum>, %convert_element_type3A_379 masked %broadcast_in_dim3A_381 : vector<16xi32>, vector<16xi1> -> vector<16xi32>
        %add3A_382 = arith.addi %while3A_363, %masked_cumsum3A : vector<16xi32>
        %sub3A_383 = arith.constant 1 : i32
        %sub3A_384 = vector.broadcast %sub3A_383 : i32 to vector<16xi32>
        %sub3A_385 = arith.subi %add3A_382, %sub3A_384 : vector<16xi32>
        tpu.vector_store_idx %arg13[%sub3A_385], %get3A_370 masked %and3A_378 : memref<160xi32, #tpu.memory_space<vmem>>[vector<16xi32>], vector<16xi32>, vector<16xi1>
        %all_reduce_population_count3A = tpu.all_reduce %and3A_378 {dim = 0 : i64, kind = #tpu.reduction_kind<sum>} : vector<16xi1> -> vector<16xi32>
        %add3A_386 = arith.addi %while3A_363, %all_reduce_population_count3A : vector<16xi32>
        %min3A_387 = arith.constant 128 : i32
        %min3A_388 = vector.broadcast %min3A_387 : i32 to vector<16xi32>
        %min3A_389 = arith.minsi %add3A_386, %min3A_388 : vector<16xi32>
        %mul3A_390 = arith.constant 2 : i32
        %mul3A_391 = arith.muli %while3A_362, %mul3A_390 : i32
        %add3A_392 = arith.constant 1 : i32
        %add3A_393 = arith.addi %mul3A_391, %add3A_392 : i32
        %mul3A_394 = arith.constant 16 : i32
        %mul3A_395 = arith.muli %add3A_393, %mul3A_394 : i32
        %get3A_396 = arith.index_cast %mul3A_395 : i32 to index
        %get3A_397 = tpu.vector_load %arg11[%get3A_396] {strides = array<i32>} : memref<1056xi32, #tpu.memory_space<vmem>>, vector<16xi32>,
        %shift_right_arithmetic3A_398 = arith.constant 15 : i32
        %shift_right_arithmetic3A_399 = vector.broadcast %shift_right_arithmetic3A_398 : i32 to vector<16xi32>
        %shift_right_arithmetic3A_400 = arith.shrsi %get3A_397, %shift_right_arithmetic3A_399 : vector<16xi32>
        %ge3A_401 = vector.broadcast %sub3A_107 : i32 to vector<16xi32>
        %ge3A_402 = arith.cmpi sge, %shift_right_arithmetic3A_400, %ge3A_401 : vector<16xi32>
        %add3A_403 = arith.constant 64 : i32
        %add3A_404 = arith.addi %sub3A_107, %add3A_403 : i32
        %lt3A_405 = vector.broadcast %add3A_404 : i32 to vector<16xi32>
        %lt3A_406 = arith.cmpi slt, %shift_right_arithmetic3A_400, %lt3A_405 : vector<16xi32>
        %and3A_407 = arith.andi %ge3A_402, %lt3A_406 : vector<16xi1>
        %convert_element_type3A_408 = arith.extui %and3A_407 : vector<16xi1> to vector<16xi32>
        %broadcast_in_dim3A_409 = arith.constant true
        %broadcast_in_dim3A_410 = vector.broadcast %broadcast_in_dim3A_409 : i1 to vector<16xi1>
        %masked_cumsum3A_411 = tpu.scan <sum>, %convert_element_type3A_408 masked %broadcast_in_dim3A_410 : vector<16xi32>, vector<16xi1> -> vector<16xi32>
        %add3A_412 = arith.addi %min3A_389, %masked_cumsum3A_411 : vector<16xi32>
        %sub3A_413 = arith.constant 1 : i32
        %sub3A_414 = vector.broadcast %sub3A_413 : i32 to vector<16xi32>
        %sub3A_415 = arith.subi %add3A_412, %sub3A_414 : vector<16xi32>
        tpu.vector_store_idx %arg13[%sub3A_415], %get3A_397 masked %and3A_407 : memref<160xi32, #tpu.memory_space<vmem>>[vector<16xi32>], vector<16xi32>, vector<16xi1>
        %all_reduce_population_count3A_416 = tpu.all_reduce %and3A_407 {dim = 0 : i64, kind = #tpu.reduction_kind<sum>} : vector<16xi1> -> vector<16xi32>
        %add3A_417 = arith.addi %min3A_389, %all_reduce_population_count3A_416 : vector<16xi32>
        %min3A_418 = arith.constant 128 : i32
        %min3A_419 = vector.broadcast %min3A_418 : i32 to vector<16xi32>
        %min3A_420 = arith.minsi %add3A_417, %min3A_419 : vector<16xi32>
        scf.yield %min3A_420 : vector<16xi32>
      }
      %while3A_179 = arith.constant 1 : i32
      %while3A_180 = scf.for %while3A_362 = %while3A_176 to %while3A_172 step %while3A_179 iter_args(%while3A_363 = %while3A_178) -> (vector<16xi32>)  : i32 {
        %mul3A_364 = arith.constant 2 : i32
        %mul3A_365 = arith.muli %while3A_362, %mul3A_364 : i32
        %add3A_366 = arith.constant 0 : i32
        %add3A_367 = arith.addi %mul3A_365, %add3A_366 : i32
        %mul3A_368 = arith.constant 16 : i32
        %mul3A_369 = arith.muli %add3A_367, %mul3A_368 : i32
        %get3A = arith.index_cast %mul3A_369 : i32 to index
        %get3A_370 = tpu.vector_load %arg11[%get3A] {strides = array<i32>} : memref<1056xi32, #tpu.memory_space<vmem>>, vector<16xi32>,
        %shift_right_arithmetic3A = arith.constant 15 : i32
        %shift_right_arithmetic3A_371 = vector.broadcast %shift_right_arithmetic3A : i32 to vector<16xi32>
        %shift_right_arithmetic3A_372 = arith.shrsi %get3A_370, %shift_right_arithmetic3A_371 : vector<16xi32>
        %ge3A = vector.broadcast %sub3A_107 : i32 to vector<16xi32>
        %ge3A_373 = arith.cmpi sge, %shift_right_arithmetic3A_372, %ge3A : vector<16xi32>
        %add3A_374 = arith.constant 64 : i32
        %add3A_375 = arith.addi %sub3A_107, %add3A_374 : i32
        %lt3A_376 = vector.broadcast %add3A_375 : i32 to vector<16xi32>
        %lt3A_377 = arith.cmpi slt, %shift_right_arithmetic3A_372, %lt3A_376 : vector<16xi32>
        %and3A_378 = arith.andi %ge3A_373, %lt3A_377 : vector<16xi1>
        %convert_element_type3A_379 = arith.extui %and3A_378 : vector<16xi1> to vector<16xi32>
        %broadcast_in_dim3A_380 = arith.constant true
        %broadcast_in_dim3A_381 = vector.broadcast %broadcast_in_dim3A_380 : i1 to vector<16xi1>
        %masked_cumsum3A = tpu.scan <sum>, %convert_element_type3A_379 masked %broadcast_in_dim3A_381 : vector<16xi32>, vector<16xi1> -> vector<16xi32>
        %add3A_382 = arith.addi %while3A_363, %masked_cumsum3A : vector<16xi32>
        %sub3A_383 = arith.constant 1 : i32
        %sub3A_384 = vector.broadcast %sub3A_383 : i32 to vector<16xi32>
        %sub3A_385 = arith.subi %add3A_382, %sub3A_384 : vector<16xi32>
        tpu.vector_store_idx %arg13[%sub3A_385], %get3A_370 masked %and3A_378 : memref<160xi32, #tpu.memory_space<vmem>>[vector<16xi32>], vector<16xi32>, vector<16xi1>
        %all_reduce_population_count3A = tpu.all_reduce %and3A_378 {dim = 0 : i64, kind = #tpu.reduction_kind<sum>} : vector<16xi1> -> vector<16xi32>
        %add3A_386 = arith.addi %while3A_363, %all_reduce_population_count3A : vector<16xi32>
        %min3A_387 = arith.constant 128 : i32
        %min3A_388 = vector.broadcast %min3A_387 : i32 to vector<16xi32>
        %min3A_389 = arith.minsi %add3A_386, %min3A_388 : vector<16xi32>
        %mul3A_390 = arith.constant 2 : i32
        %mul3A_391 = arith.muli %while3A_362, %mul3A_390 : i32
        %add3A_392 = arith.constant 1 : i32
        %add3A_393 = arith.addi %mul3A_391, %add3A_392 : i32
        %mul3A_394 = arith.constant 16 : i32
        %mul3A_395 = arith.muli %add3A_393, %mul3A_394 : i32
        %get3A_396 = arith.index_cast %mul3A_395 : i32 to index
        %get3A_397 = tpu.vector_load %arg11[%get3A_396] {strides = array<i32>} : memref<1056xi32, #tpu.memory_space<vmem>>, vector<16xi32>,
        %shift_right_arithmetic3A_398 = arith.constant 15 : i32
        %shift_right_arithmetic3A_399 = vector.broadcast %shift_right_arithmetic3A_398 : i32 to vector<16xi32>
        %shift_right_arithmetic3A_400 = arith.shrsi %get3A_397, %shift_right_arithmetic3A_399 : vector<16xi32>
        %ge3A_401 = vector.broadcast %sub3A_107 : i32 to vector<16xi32>
        %ge3A_402 = arith.cmpi sge, %shift_right_arithmetic3A_400, %ge3A_401 : vector<16xi32>
        %add3A_403 = arith.constant 64 : i32
        %add3A_404 = arith.addi %sub3A_107, %add3A_403 : i32
        %lt3A_405 = vector.broadcast %add3A_404 : i32 to vector<16xi32>
        %lt3A_406 = arith.cmpi slt, %shift_right_arithmetic3A_400, %lt3A_405 : vector<16xi32>
        %and3A_407 = arith.andi %ge3A_402, %lt3A_406 : vector<16xi1>
        %convert_element_type3A_408 = arith.extui %and3A_407 : vector<16xi1> to vector<16xi32>
        %broadcast_in_dim3A_409 = arith.constant true
        %broadcast_in_dim3A_410 = vector.broadcast %broadcast_in_dim3A_409 : i1 to vector<16xi1>
        %masked_cumsum3A_411 = tpu.scan <sum>, %convert_element_type3A_408 masked %broadcast_in_dim3A_410 : vector<16xi32>, vector<16xi1> -> vector<16xi32>
        %add3A_412 = arith.addi %min3A_389, %masked_cumsum3A_411 : vector<16xi32>
        %sub3A_413 = arith.constant 1 : i32
        %sub3A_414 = vector.broadcast %sub3A_413 : i32 to vector<16xi32>
        %sub3A_415 = arith.subi %add3A_412, %sub3A_414 : vector<16xi32>
        tpu.vector_store_idx %arg13[%sub3A_415], %get3A_397 masked %and3A_407 : memref<160xi32, #tpu.memory_space<vmem>>[vector<16xi32>], vector<16xi32>, vector<16xi1>
        %all_reduce_population_count3A_416 = tpu.all_reduce %and3A_407 {dim = 0 : i64, kind = #tpu.reduction_kind<sum>} : vector<16xi1> -> vector<16xi32>
        %add3A_417 = arith.addi %min3A_389, %all_reduce_population_count3A_416 : vector<16xi32>
        %min3A_418 = arith.constant 128 : i32
        %min3A_419 = vector.broadcast %min3A_418 : i32 to vector<16xi32>
        %min3A_420 = arith.minsi %add3A_417, %min3A_419 : vector<16xi32>
        scf.yield %min3A_420 : vector<16xi32>
      }
      %slice3A_181 = vector.extract_strided_slice %while3A_180 {offsets = [0], sizes = [1], strides = [1]} : vector<16xi32> to vector<1xi32>
      %squeeze3A_182 = vector.extract %slice3A_181[0] : i32 from vector<1xi32>
      %add3A_183 = arith.constant 16 : i32
      %add3A_184 = arith.addi %squeeze3A_182, %add3A_183 : i32
      %sub3A_185 = arith.constant 1 : i32
      %sub3A_186 = arith.subi %add3A_184, %sub3A_185 : i32
      %jit3A_187 = arith.constant 16 : i32
      %div3A_188 = arith.divsi %sub3A_186, %jit3A_187 : i32
      %sign3A_189 = arith.constant 0 : i32
      %sign3A_190 = arith.cmpi sgt, %sub3A_186, %sign3A_189 : i32
      %sign3A_191 = arith.extui %sign3A_190 : i1 to i32
      %sign3A_192 = arith.constant 0 : i32
      %sign3A_193 = arith.cmpi slt, %sub3A_186, %sign3A_192 : i32
      %sign3A_194 = arith.extui %sign3A_193 : i1 to i32
      %sign3A_195 = arith.subi %sign3A_191, %sign3A_194 : i32
      %sign3A_196 = arith.constant 0 : i32
      %sign3A_197 = arith.cmpi sgt, %jit3A_187, %sign3A_196 : i32
      %sign3A_198 = arith.extui %sign3A_197 : i1 to i32
      %sign3A_199 = arith.constant 0 : i32
      %sign3A_200 = arith.cmpi slt, %jit3A_187, %sign3A_199 : i32
      %sign3A_201 = arith.extui %sign3A_200 : i1 to i32
      %sign3A_202 = arith.subi %sign3A_198, %sign3A_201 : i32
      %ne3A_203 = arith.cmpi ne, %sign3A_195, %sign3A_202 : i32
      %rem3A_204 = arith.remsi %sub3A_186, %jit3A_187 : i32
      %ne3A_205 = arith.constant 0 : i32
      %ne3A_206 = arith.cmpi ne, %rem3A_204, %ne3A_205 : i32
      %and3A_207 = arith.andi %ne3A_203, %ne3A_206 : i1
      %sub3A_208 = arith.constant 1 : i32
      %sub3A_209 = arith.subi %div3A_188, %sub3A_208 : i32
      %select_n3A_210 = arith.select %and3A_207, %sub3A_209, %div3A_188 : i32
      %min3A_211 = arith.constant 8 : i32
      %min3A_212 = arith.minsi %select_n3A_210, %min3A_211 : i32
      %while3A_213 = arith.constant 0 : i32
      %while3A_214 = arith.subi %min3A_212, %while3A_213 : i32
      %while3A_215 = arith.addi %while3A_213, %while3A_214 : i32
      %while3A_216 = arith.constant 1 : i32
      %while3A_217 = arith.divsi %while3A_214, %while3A_216 : i32
      %while3A_218 = arith.muli %while3A_217, %while3A_216 : i32
      %while3A_219 = arith.addi %while3A_213, %while3A_218 : i32
      %while3A_220 = arith.constant 1 : i32
      %while3A_221 = scf.for %while3A_362 = %while3A_213 to %while3A_219 step %while3A_220 iter_args(%while3A_363 = %scan3A_90) -> (i32)  : i32 {
        %rem3A_364 = arith.constant 8 : i32
        %rem3A_365 = arith.remsi %while3A_363, %rem3A_364 : i32
        %ge3A = arith.constant 8 : i32
        %ge3A_366 = arith.cmpi sge, %while3A_363, %ge3A : i32
        %convert_element_type3A_367 = arith.extui %ge3A_366 : i1 to i32
        %cond3A_368 = arith.constant 0 : i32
        %cond3A_369 = arith.cmpi ne, %convert_element_type3A_367, %cond3A_368 : i32
        scf.if %cond3A_369 {
          %dma_wait3A = arith.constant 0 : i32
          %dma_wait3A_403 = arith.constant 0 : i32
          %dma_wait3A_404 = arith.constant 0 : i32
          %dma_wait3A_405 = tpu.memref_slice %arg16[%dma_wait3A, %dma_wait3A_403, %dma_wait3A_404] : memref<8x16x128xf32, #tpu.memory_space<vmem>> -> memref<1x16x128xf32, #tpu.memory_space<vmem>>
          %dma_wait3A_406 = tpu.memref_squeeze %dma_wait3A_405 : memref<1x16x128xf32, #tpu.memory_space<vmem>> -> memref<16x128xf32, #tpu.memory_space<vmem>>
          %dma_wait3A_407 = arith.constant 16384 : i32
          %dma_wait3A_408 = arith.constant 0 : i32
          %dma_wait3A_409 = tpu.memref_slice %arg8[%dma_wait3A_407, %dma_wait3A_408] : memref<16400x128xf32, #tpu.memory_space<hbm>> -> memref<16x128xf32, #tpu.memory_space<hbm>>
          %dma_wait3A_410 = arith.constant 0 : i32
          %dma_wait3A_411 = arith.constant 0 : i32
          %dma_wait3A_412 = tpu.memref_slice %arg16[%dma_wait3A, %dma_wait3A_410, %dma_wait3A_411] : memref<8x16x128xf32, #tpu.memory_space<vmem>> -> memref<1x16x128xf32, #tpu.memory_space<vmem>>
          %dma_wait3A_413 = tpu.memref_squeeze %dma_wait3A_412 : memref<1x16x128xf32, #tpu.memory_space<vmem>> -> memref<16x128xf32, #tpu.memory_space<vmem>>
          %dma_wait3A_414 = arith.constant 16384 : i32
          %dma_wait3A_415 = arith.constant 0 : i32
          %dma_wait3A_416 = tpu.memref_slice %arg8[%dma_wait3A_414, %dma_wait3A_415] : memref<16400x128xf32, #tpu.memory_space<hbm>> -> memref<16x128xf32, #tpu.memory_space<hbm>>
          tpu.wait_dma2 semaphore(%arg19 : memref<!tpu.dma_semaphore, #tpu.memory_space<semaphore_mem>>) src(%dma_wait3A_416 : memref<16x128xf32, #tpu.memory_space<hbm>>) dst(%dma_wait3A_413 : memref<16x128xf32, #tpu.memory_space<vmem>>)
        } else {
        }
        %mul3A_370 = arith.constant 16 : i32
        %mul3A_371 = arith.muli %while3A_362, %mul3A_370 : i32
        %get3A = arith.index_cast %mul3A_371 : i32 to index
        %get3A_372 = tpu.vector_load %arg13[%get3A] {strides = array<i32>} : memref<160xi32, #tpu.memory_space<vmem>>, vector<16xi32>,
        %and3A_373 = arith.constant 32767 : i32
        %and3A_374 = vector.broadcast %and3A_373 : i32 to vector<16xi32>
        %and3A_375 = arith.andi %get3A_372, %and3A_374 : vector<16xi32>
        %shift_right_arithmetic3A = arith.constant 15 : i32
        %shift_right_arithmetic3A_376 = vector.broadcast %shift_right_arithmetic3A : i32 to vector<16xi32>
        %shift_right_arithmetic3A_377 = arith.shrsi %get3A_372, %shift_right_arithmetic3A_376 : vector<16xi32>
        %sub3A_378 = vector.broadcast %sub3A_107 : i32 to vector<16xi32>
        %sub3A_379 = arith.subi %shift_right_arithmetic3A_377, %sub3A_378 : vector<16xi32>
        %jit3A_380 = arith.constant 0 : i32
        %jit3A_381 = arith.constant 767 : i32
        %max3A = vector.broadcast %jit3A_380 : i32 to vector<16xi32>
        %max3A_382 = arith.maxsi %max3A, %sub3A_379 : vector<16xi32>
        %min3A_383 = vector.broadcast %jit3A_381 : i32 to vector<16xi32>
        %min3A_384 = arith.minsi %min3A_383, %max3A_382 : vector<16xi32>
        %broadcast_in_dim3A_385 = vector.broadcast %rem3A_365 : i32 to vector<16xi32>
        %broadcast_in_dim3A_386 = arith.constant 0 : i32
        %broadcast_in_dim3A_387 = vector.broadcast %broadcast_in_dim3A_386 : i32 to vector<16xi32>
        %scan3A_388 = arith.constant 0 : i32
        %scan3A_389 = arith.constant 0 : i32
        %scan3A_390 = arith.constant 32 : i32
        %scan3A_391 = arith.addi %scan3A_389, %scan3A_390 : i32
        %scan3A_392 = arith.constant 1 : i32
        scf.for %scan3A_403 = %scan3A_389 to %scan3A_391 step %scan3A_392  : i32 {
          %broadcast_in_dim3A_404 = vector.broadcast %scan3A_403 : i32 to vector<16xi32>
          %gather3A = tpu.vector_load_idx %arg14[%broadcast_in_dim3A_387, %broadcast_in_dim3A_404, %min3A_384] : memref<2x32x768xf32, #tpu.memory_space<vmem>>[vector<16xi32>, vector<16xi32>, vector<16xi32>], vector<16xf32>,
          tpu.vector_store_idx %arg16[%broadcast_in_dim3A_385, %iota3A_108, %broadcast_in_dim3A_404], %gather3A : memref<8x16x128xf32, #tpu.memory_space<vmem>>[vector<16xi32>, vector<16xi32>, vector<16xi32>], vector<16xf32>,
        }
        %scan3A_393 = arith.constant 32 : i32
        %dma_start3A_394 = arith.constant 0 : i32
        %dma_start3A_395 = arith.constant 0 : i32
        %dma_start3A_396 = tpu.memref_slice %arg16[%rem3A_365, %dma_start3A_394, %dma_start3A_395] : memref<8x16x128xf32, #tpu.memory_space<vmem>> -> memref<1x16x128xf32, #tpu.memory_space<vmem>>
        %dma_start3A_397 = tpu.memref_squeeze %dma_start3A_396 : memref<1x16x128xf32, #tpu.memory_space<vmem>> -> memref<16x128xf32, #tpu.memory_space<vmem>>
        %dma_start3A_398 = arith.constant 0 : i32
        %dma_start3A_399 = arith.constant 0 : i32
        %dma_start3A_400 = tpu.memref_slice %arg8[%dma_start3A_398, %dma_start3A_399] : memref<16400x128xf32, #tpu.memory_space<hbm>> -> memref<16400x128xf32, #tpu.memory_space<hbm>>
        tpu.enqueue_indirect_dma source(%dma_start3A_397 : memref<16x128xf32, #tpu.memory_space<vmem>>) target(%dma_start3A_400 : memref<16400x128xf32, #tpu.memory_space<hbm>>) offsets(%and3A_375 : vector<16xi32>) semaphore(%arg19 : memref<!tpu.dma_semaphore, #tpu.memory_space<semaphore_mem>>)
        %add3A_401 = arith.constant 1 : i32
        %add3A_402 = arith.addi %while3A_363, %add3A_401 : i32
        scf.yield %add3A_402 : i32
      }
      %while3A_222 = arith.constant 1 : i32
      %while3A_223 = scf.for %while3A_362 = %while3A_219 to %while3A_215 step %while3A_222 iter_args(%while3A_363 = %while3A_221) -> (i32)  : i32 {
        %rem3A_364 = arith.constant 8 : i32
        %rem3A_365 = arith.remsi %while3A_363, %rem3A_364 : i32
        %ge3A = arith.constant 8 : i32
        %ge3A_366 = arith.cmpi sge, %while3A_363, %ge3A : i32
        %convert_element_type3A_367 = arith.extui %ge3A_366 : i1 to i32
        %cond3A_368 = arith.constant 0 : i32
        %cond3A_369 = arith.cmpi ne, %convert_element_type3A_367, %cond3A_368 : i32
        scf.if %cond3A_369 {
          %dma_wait3A = arith.constant 0 : i32
          %dma_wait3A_403 = arith.constant 0 : i32
          %dma_wait3A_404 = arith.constant 0 : i32
          %dma_wait3A_405 = tpu.memref_slice %arg16[%dma_wait3A, %dma_wait3A_403, %dma_wait3A_404] : memref<8x16x128xf32, #tpu.memory_space<vmem>> -> memref<1x16x128xf32, #tpu.memory_space<vmem>>
          %dma_wait3A_406 = tpu.memref_squeeze %dma_wait3A_405 : memref<1x16x128xf32, #tpu.memory_space<vmem>> -> memref<16x128xf32, #tpu.memory_space<vmem>>
          %dma_wait3A_407 = arith.constant 16384 : i32
          %dma_wait3A_408 = arith.constant 0 : i32
          %dma_wait3A_409 = tpu.memref_slice %arg8[%dma_wait3A_407, %dma_wait3A_408] : memref<16400x128xf32, #tpu.memory_space<hbm>> -> memref<16x128xf32, #tpu.memory_space<hbm>>
          %dma_wait3A_410 = arith.constant 0 : i32
          %dma_wait3A_411 = arith.constant 0 : i32
          %dma_wait3A_412 = tpu.memref_slice %arg16[%dma_wait3A, %dma_wait3A_410, %dma_wait3A_411] : memref<8x16x128xf32, #tpu.memory_space<vmem>> -> memref<1x16x128xf32, #tpu.memory_space<vmem>>
          %dma_wait3A_413 = tpu.memref_squeeze %dma_wait3A_412 : memref<1x16x128xf32, #tpu.memory_space<vmem>> -> memref<16x128xf32, #tpu.memory_space<vmem>>
          %dma_wait3A_414 = arith.constant 16384 : i32
          %dma_wait3A_415 = arith.constant 0 : i32
          %dma_wait3A_416 = tpu.memref_slice %arg8[%dma_wait3A_414, %dma_wait3A_415] : memref<16400x128xf32, #tpu.memory_space<hbm>> -> memref<16x128xf32, #tpu.memory_space<hbm>>
          tpu.wait_dma2 semaphore(%arg19 : memref<!tpu.dma_semaphore, #tpu.memory_space<semaphore_mem>>) src(%dma_wait3A_416 : memref<16x128xf32, #tpu.memory_space<hbm>>) dst(%dma_wait3A_413 : memref<16x128xf32, #tpu.memory_space<vmem>>)
        } else {
        }
        %mul3A_370 = arith.constant 16 : i32
        %mul3A_371 = arith.muli %while3A_362, %mul3A_370 : i32
        %get3A = arith.index_cast %mul3A_371 : i32 to index
        %get3A_372 = tpu.vector_load %arg13[%get3A] {strides = array<i32>} : memref<160xi32, #tpu.memory_space<vmem>>, vector<16xi32>,
        %and3A_373 = arith.constant 32767 : i32
        %and3A_374 = vector.broadcast %and3A_373 : i32 to vector<16xi32>
        %and3A_375 = arith.andi %get3A_372, %and3A_374 : vector<16xi32>
        %shift_right_arithmetic3A = arith.constant 15 : i32
        %shift_right_arithmetic3A_376 = vector.broadcast %shift_right_arithmetic3A : i32 to vector<16xi32>
        %shift_right_arithmetic3A_377 = arith.shrsi %get3A_372, %shift_right_arithmetic3A_376 : vector<16xi32>
        %sub3A_378 = vector.broadcast %sub3A_107 : i32 to vector<16xi32>
        %sub3A_379 = arith.subi %shift_right_arithmetic3A_377, %sub3A_378 : vector<16xi32>
        %jit3A_380 = arith.constant 0 : i32
        %jit3A_381 = arith.constant 767 : i32
        %max3A = vector.broadcast %jit3A_380 : i32 to vector<16xi32>
        %max3A_382 = arith.maxsi %max3A, %sub3A_379 : vector<16xi32>
        %min3A_383 = vector.broadcast %jit3A_381 : i32 to vector<16xi32>
        %min3A_384 = arith.minsi %min3A_383, %max3A_382 : vector<16xi32>
        %broadcast_in_dim3A_385 = vector.broadcast %rem3A_365 : i32 to vector<16xi32>
        %broadcast_in_dim3A_386 = arith.constant 0 : i32
        %broadcast_in_dim3A_387 = vector.broadcast %broadcast_in_dim3A_386 : i32 to vector<16xi32>
        %scan3A_388 = arith.constant 0 : i32
        %scan3A_389 = arith.constant 0 : i32
        %scan3A_390 = arith.constant 32 : i32
        %scan3A_391 = arith.addi %scan3A_389, %scan3A_390 : i32
        %scan3A_392 = arith.constant 1 : i32
        scf.for %scan3A_403 = %scan3A_389 to %scan3A_391 step %scan3A_392  : i32 {
          %broadcast_in_dim3A_404 = vector.broadcast %scan3A_403 : i32 to vector<16xi32>
          %gather3A = tpu.vector_load_idx %arg14[%broadcast_in_dim3A_387, %broadcast_in_dim3A_404, %min3A_384] : memref<2x32x768xf32, #tpu.memory_space<vmem>>[vector<16xi32>, vector<16xi32>, vector<16xi32>], vector<16xf32>,
          tpu.vector_store_idx %arg16[%broadcast_in_dim3A_385, %iota3A_108, %broadcast_in_dim3A_404], %gather3A : memref<8x16x128xf32, #tpu.memory_space<vmem>>[vector<16xi32>, vector<16xi32>, vector<16xi32>], vector<16xf32>,
        }
        %scan3A_393 = arith.constant 32 : i32
        %dma_start3A_394 = arith.constant 0 : i32
        %dma_start3A_395 = arith.constant 0 : i32
        %dma_start3A_396 = tpu.memref_slice %arg16[%rem3A_365, %dma_start3A_394, %dma_start3A_395] : memref<8x16x128xf32, #tpu.memory_space<vmem>> -> memref<1x16x128xf32, #tpu.memory_space<vmem>>
        %dma_start3A_397 = tpu.memref_squeeze %dma_start3A_396 : memref<1x16x128xf32, #tpu.memory_space<vmem>> -> memref<16x128xf32, #tpu.memory_space<vmem>>
        %dma_start3A_398 = arith.constant 0 : i32
        %dma_start3A_399 = arith.constant 0 : i32
        %dma_start3A_400 = tpu.memref_slice %arg8[%dma_start3A_398, %dma_start3A_399] : memref<16400x128xf32, #tpu.memory_space<hbm>> -> memref<16400x128xf32, #tpu.memory_space<hbm>>
        tpu.enqueue_indirect_dma source(%dma_start3A_397 : memref<16x128xf32, #tpu.memory_space<vmem>>) target(%dma_start3A_400 : memref<16400x128xf32, #tpu.memory_space<hbm>>) offsets(%and3A_375 : vector<16xi32>) semaphore(%arg19 : memref<!tpu.dma_semaphore, #tpu.memory_space<semaphore_mem>>)
        %add3A_401 = arith.constant 1 : i32
        %add3A_402 = arith.addi %while3A_363, %add3A_401 : i32
        scf.yield %add3A_402 : i32
      }
      %sub3A_224 = arith.constant 999936 : i32
      %sub3A_225 = arith.subi %sub3A_224, %multiple_of3A : i32
      %iota3A_226 = tpu.iota {dimensions = array<i32: 0>} : vector<16xi32>
      %broadcast_in_dim3A_227 = arith.constant 1073725440 : i32
      %broadcast_in_dim3A_228 = vector.broadcast %broadcast_in_dim3A_227 : i32 to vector<16xi32>
      %swap3A_229 = arith.constant 0 : index
      %swap3A_230 = tpu.vector_load %arg13[%swap3A_229] {strides = array<i32>} : memref<160xi32, #tpu.memory_space<vmem>>, vector<16xi32>,
      tpu.vector_store %arg13[%swap3A_229], %broadcast_in_dim3A_228 {strides = array<i32>} : memref<160xi32, #tpu.memory_space<vmem>>, vector<16xi32>,
      %broadcast_in_dim3A_231 = arith.constant 1073725440 : i32
      %broadcast_in_dim3A_232 = vector.broadcast %broadcast_in_dim3A_231 : i32 to vector<16xi32>
      %swap3A_233 = arith.constant 16 : index
      %swap3A_234 = tpu.vector_load %arg13[%swap3A_233] {strides = array<i32>} : memref<160xi32, #tpu.memory_space<vmem>>, vector<16xi32>,
      tpu.vector_store %arg13[%swap3A_233], %broadcast_in_dim3A_232 {strides = array<i32>} : memref<160xi32, #tpu.memory_space<vmem>>, vector<16xi32>,
      %broadcast_in_dim3A_235 = arith.constant 1073725440 : i32
      %broadcast_in_dim3A_236 = vector.broadcast %broadcast_in_dim3A_235 : i32 to vector<16xi32>
      %swap3A_237 = arith.constant 32 : index
      %swap3A_238 = tpu.vector_load %arg13[%swap3A_237] {strides = array<i32>} : memref<160xi32, #tpu.memory_space<vmem>>, vector<16xi32>,
      tpu.vector_store %arg13[%swap3A_237], %broadcast_in_dim3A_236 {strides = array<i32>} : memref<160xi32, #tpu.memory_space<vmem>>, vector<16xi32>,
      %broadcast_in_dim3A_239 = arith.constant 1073725440 : i32
      %broadcast_in_dim3A_240 = vector.broadcast %broadcast_in_dim3A_239 : i32 to vector<16xi32>
      %swap3A_241 = arith.constant 48 : index
      %swap3A_242 = tpu.vector_load %arg13[%swap3A_241] {strides = array<i32>} : memref<160xi32, #tpu.memory_space<vmem>>, vector<16xi32>,
      tpu.vector_store %arg13[%swap3A_241], %broadcast_in_dim3A_240 {strides = array<i32>} : memref<160xi32, #tpu.memory_space<vmem>>, vector<16xi32>,
      %broadcast_in_dim3A_243 = arith.constant 1073725440 : i32
      %broadcast_in_dim3A_244 = vector.broadcast %broadcast_in_dim3A_243 : i32 to vector<16xi32>
      %swap3A_245 = arith.constant 64 : index
      %swap3A_246 = tpu.vector_load %arg13[%swap3A_245] {strides = array<i32>} : memref<160xi32, #tpu.memory_space<vmem>>, vector<16xi32>,
      tpu.vector_store %arg13[%swap3A_245], %broadcast_in_dim3A_244 {strides = array<i32>} : memref<160xi32, #tpu.memory_space<vmem>>, vector<16xi32>,
      %broadcast_in_dim3A_247 = arith.constant 1073725440 : i32
      %broadcast_in_dim3A_248 = vector.broadcast %broadcast_in_dim3A_247 : i32 to vector<16xi32>
      %swap3A_249 = arith.constant 80 : index
      %swap3A_250 = tpu.vector_load %arg13[%swap3A_249] {strides = array<i32>} : memref<160xi32, #tpu.memory_space<vmem>>, vector<16xi32>,
      tpu.vector_store %arg13[%swap3A_249], %broadcast_in_dim3A_248 {strides = array<i32>} : memref<160xi32, #tpu.memory_space<vmem>>, vector<16xi32>,
      %broadcast_in_dim3A_251 = arith.constant 1073725440 : i32
      %broadcast_in_dim3A_252 = vector.broadcast %broadcast_in_dim3A_251 : i32 to vector<16xi32>
      %swap3A_253 = arith.constant 96 : index
      %swap3A_254 = tpu.vector_load %arg13[%swap3A_253] {strides = array<i32>} : memref<160xi32, #tpu.memory_space<vmem>>, vector<16xi32>,
      tpu.vector_store %arg13[%swap3A_253], %broadcast_in_dim3A_252 {strides = array<i32>} : memref<160xi32, #tpu.memory_space<vmem>>, vector<16xi32>,
      %broadcast_in_dim3A_255 = arith.constant 1073725440 : i32
      %broadcast_in_dim3A_256 = vector.broadcast %broadcast_in_dim3A_255 : i32 to vector<16xi32>
      %swap3A_257 = arith.constant 112 : index
      %swap3A_258 = tpu.vector_load %arg13[%swap3A_257] {strides = array<i32>} : memref<160xi32, #tpu.memory_space<vmem>>, vector<16xi32>,
      tpu.vector_store %arg13[%swap3A_257], %broadcast_in_dim3A_256 {strides = array<i32>} : memref<160xi32, #tpu.memory_space<vmem>>, vector<16xi32>,
      %broadcast_in_dim3A_259 = arith.constant 1073725440 : i32
      %broadcast_in_dim3A_260 = vector.broadcast %broadcast_in_dim3A_259 : i32 to vector<16xi32>
      %swap3A_261 = arith.constant 128 : index
      %swap3A_262 = tpu.vector_load %arg13[%swap3A_261] {strides = array<i32>} : memref<160xi32, #tpu.memory_space<vmem>>, vector<16xi32>,
      tpu.vector_store %arg13[%swap3A_261], %broadcast_in_dim3A_260 {strides = array<i32>} : memref<160xi32, #tpu.memory_space<vmem>>, vector<16xi32>,
      %add3A_263 = arith.constant 32 : i32
      %add3A_264 = arith.addi %squeeze3A_41, %add3A_263 : i32
      %sub3A_265 = arith.constant 1 : i32
      %sub3A_266 = arith.subi %add3A_264, %sub3A_265 : i32
      %jit3A_267 = arith.constant 32 : i32
      %div3A_268 = arith.divsi %sub3A_266, %jit3A_267 : i32
      %sign3A_269 = arith.constant 0 : i32
      %sign3A_270 = arith.cmpi sgt, %sub3A_266, %sign3A_269 : i32
      %sign3A_271 = arith.extui %sign3A_270 : i1 to i32
      %sign3A_272 = arith.constant 0 : i32
      %sign3A_273 = arith.cmpi slt, %sub3A_266, %sign3A_272 : i32
      %sign3A_274 = arith.extui %sign3A_273 : i1 to i32
      %sign3A_275 = arith.subi %sign3A_271, %sign3A_274 : i32
      %sign3A_276 = arith.constant 0 : i32
      %sign3A_277 = arith.cmpi sgt, %jit3A_267, %sign3A_276 : i32
      %sign3A_278 = arith.extui %sign3A_277 : i1 to i32
      %sign3A_279 = arith.constant 0 : i32
      %sign3A_280 = arith.cmpi slt, %jit3A_267, %sign3A_279 : i32
      %sign3A_281 = arith.extui %sign3A_280 : i1 to i32
      %sign3A_282 = arith.subi %sign3A_278, %sign3A_281 : i32
      %ne3A_283 = arith.cmpi ne, %sign3A_275, %sign3A_282 : i32
      %rem3A_284 = arith.remsi %sub3A_266, %jit3A_267 : i32
      %ne3A_285 = arith.constant 0 : i32
      %ne3A_286 = arith.cmpi ne, %rem3A_284, %ne3A_285 : i32
      %and3A_287 = arith.andi %ne3A_283, %ne3A_286 : i1
      %sub3A_288 = arith.constant 1 : i32
      %sub3A_289 = arith.subi %div3A_268, %sub3A_288 : i32
      %select_n3A_290 = arith.select %and3A_287, %sub3A_289, %div3A_268 : i32
      %broadcast_in_dim3A_291 = arith.constant 0 : i32
      %broadcast_in_dim3A_292 = vector.broadcast %broadcast_in_dim3A_291 : i32 to vector<16xi32>
      %while3A_293 = arith.constant 0 : i32
      %while3A_294 = arith.subi %select_n3A_290, %while3A_293 : i32
      %while3A_295 = arith.addi %while3A_293, %while3A_294 : i32
      %while3A_296 = arith.constant 1 : i32
      %while3A_297 = arith.divsi %while3A_294, %while3A_296 : i32
      %while3A_298 = arith.muli %while3A_297, %while3A_296 : i32
      %while3A_299 = arith.addi %while3A_293, %while3A_298 : i32
      %while3A_300 = arith.constant 1 : i32
      %while3A_301 = scf.for %while3A_362 = %while3A_293 to %while3A_299 step %while3A_300 iter_args(%while3A_363 = %broadcast_in_dim3A_292) -> (vector<16xi32>)  : i32 {
        %mul3A_364 = arith.constant 2 : i32
        %mul3A_365 = arith.muli %while3A_362, %mul3A_364 : i32
        %add3A_366 = arith.constant 0 : i32
        %add3A_367 = arith.addi %mul3A_365, %add3A_366 : i32
        %mul3A_368 = arith.constant 16 : i32
        %mul3A_369 = arith.muli %add3A_367, %mul3A_368 : i32
        %get3A = arith.index_cast %mul3A_369 : i32 to index
        %get3A_370 = tpu.vector_load %arg12[%get3A] {strides = array<i32>} : memref<1056xi32, #tpu.memory_space<vmem>>, vector<16xi32>,
        %shift_right_arithmetic3A = arith.constant 15 : i32
        %shift_right_arithmetic3A_371 = vector.broadcast %shift_right_arithmetic3A : i32 to vector<16xi32>
        %shift_right_arithmetic3A_372 = arith.shrsi %get3A_370, %shift_right_arithmetic3A_371 : vector<16xi32>
        %ge3A = vector.broadcast %sub3A_225 : i32 to vector<16xi32>
        %ge3A_373 = arith.cmpi sge, %shift_right_arithmetic3A_372, %ge3A : vector<16xi32>
        %add3A_374 = arith.constant 64 : i32
        %add3A_375 = arith.addi %sub3A_225, %add3A_374 : i32
        %lt3A_376 = vector.broadcast %add3A_375 : i32 to vector<16xi32>
        %lt3A_377 = arith.cmpi slt, %shift_right_arithmetic3A_372, %lt3A_376 : vector<16xi32>
        %and3A_378 = arith.andi %ge3A_373, %lt3A_377 : vector<16xi1>
        %convert_element_type3A_379 = arith.extui %and3A_378 : vector<16xi1> to vector<16xi32>
        %broadcast_in_dim3A_380 = arith.constant true
        %broadcast_in_dim3A_381 = vector.broadcast %broadcast_in_dim3A_380 : i1 to vector<16xi1>
        %masked_cumsum3A = tpu.scan <sum>, %convert_element_type3A_379 masked %broadcast_in_dim3A_381 : vector<16xi32>, vector<16xi1> -> vector<16xi32>
        %add3A_382 = arith.addi %while3A_363, %masked_cumsum3A : vector<16xi32>
        %sub3A_383 = arith.constant 1 : i32
        %sub3A_384 = vector.broadcast %sub3A_383 : i32 to vector<16xi32>
        %sub3A_385 = arith.subi %add3A_382, %sub3A_384 : vector<16xi32>
        tpu.vector_store_idx %arg13[%sub3A_385], %get3A_370 masked %and3A_378 : memref<160xi32, #tpu.memory_space<vmem>>[vector<16xi32>], vector<16xi32>, vector<16xi1>
        %all_reduce_population_count3A = tpu.all_reduce %and3A_378 {dim = 0 : i64, kind = #tpu.reduction_kind<sum>} : vector<16xi1> -> vector<16xi32>
        %add3A_386 = arith.addi %while3A_363, %all_reduce_population_count3A : vector<16xi32>
        %min3A_387 = arith.constant 128 : i32
        %min3A_388 = vector.broadcast %min3A_387 : i32 to vector<16xi32>
        %min3A_389 = arith.minsi %add3A_386, %min3A_388 : vector<16xi32>
        %mul3A_390 = arith.constant 2 : i32
        %mul3A_391 = arith.muli %while3A_362, %mul3A_390 : i32
        %add3A_392 = arith.constant 1 : i32
        %add3A_393 = arith.addi %mul3A_391, %add3A_392 : i32
        %mul3A_394 = arith.constant 16 : i32
        %mul3A_395 = arith.muli %add3A_393, %mul3A_394 : i32
        %get3A_396 = arith.index_cast %mul3A_395 : i32 to index
        %get3A_397 = tpu.vector_load %arg12[%get3A_396] {strides = array<i32>} : memref<1056xi32, #tpu.memory_space<vmem>>, vector<16xi32>,
        %shift_right_arithmetic3A_398 = arith.constant 15 : i32
        %shift_right_arithmetic3A_399 = vector.broadcast %shift_right_arithmetic3A_398 : i32 to vector<16xi32>
        %shift_right_arithmetic3A_400 = arith.shrsi %get3A_397, %shift_right_arithmetic3A_399 : vector<16xi32>
        %ge3A_401 = vector.broadcast %sub3A_225 : i32 to vector<16xi32>
        %ge3A_402 = arith.cmpi sge, %shift_right_arithmetic3A_400, %ge3A_401 : vector<16xi32>
        %add3A_403 = arith.constant 64 : i32
        %add3A_404 = arith.addi %sub3A_225, %add3A_403 : i32
        %lt3A_405 = vector.broadcast %add3A_404 : i32 to vector<16xi32>
        %lt3A_406 = arith.cmpi slt, %shift_right_arithmetic3A_400, %lt3A_405 : vector<16xi32>
        %and3A_407 = arith.andi %ge3A_402, %lt3A_406 : vector<16xi1>
        %convert_element_type3A_408 = arith.extui %and3A_407 : vector<16xi1> to vector<16xi32>
        %broadcast_in_dim3A_409 = arith.constant true
        %broadcast_in_dim3A_410 = vector.broadcast %broadcast_in_dim3A_409 : i1 to vector<16xi1>
        %masked_cumsum3A_411 = tpu.scan <sum>, %convert_element_type3A_408 masked %broadcast_in_dim3A_410 : vector<16xi32>, vector<16xi1> -> vector<16xi32>
        %add3A_412 = arith.addi %min3A_389, %masked_cumsum3A_411 : vector<16xi32>
        %sub3A_413 = arith.constant 1 : i32
        %sub3A_414 = vector.broadcast %sub3A_413 : i32 to vector<16xi32>
        %sub3A_415 = arith.subi %add3A_412, %sub3A_414 : vector<16xi32>
        tpu.vector_store_idx %arg13[%sub3A_415], %get3A_397 masked %and3A_407 : memref<160xi32, #tpu.memory_space<vmem>>[vector<16xi32>], vector<16xi32>, vector<16xi1>
        %all_reduce_population_count3A_416 = tpu.all_reduce %and3A_407 {dim = 0 : i64, kind = #tpu.reduction_kind<sum>} : vector<16xi1> -> vector<16xi32>
        %add3A_417 = arith.addi %min3A_389, %all_reduce_population_count3A_416 : vector<16xi32>
        %min3A_418 = arith.constant 128 : i32
        %min3A_419 = vector.broadcast %min3A_418 : i32 to vector<16xi32>
        %min3A_420 = arith.minsi %add3A_417, %min3A_419 : vector<16xi32>
        scf.yield %min3A_420 : vector<16xi32>
      }
      %while3A_302 = arith.constant 1 : i32
      %while3A_303 = scf.for %while3A_362 = %while3A_299 to %while3A_295 step %while3A_302 iter_args(%while3A_363 = %while3A_301) -> (vector<16xi32>)  : i32 {
        %mul3A_364 = arith.constant 2 : i32
        %mul3A_365 = arith.muli %while3A_362, %mul3A_364 : i32
        %add3A_366 = arith.constant 0 : i32
        %add3A_367 = arith.addi %mul3A_365, %add3A_366 : i32
        %mul3A_368 = arith.constant 16 : i32
        %mul3A_369 = arith.muli %add3A_367, %mul3A_368 : i32
        %get3A = arith.index_cast %mul3A_369 : i32 to index
        %get3A_370 = tpu.vector_load %arg12[%get3A] {strides = array<i32>} : memref<1056xi32, #tpu.memory_space<vmem>>, vector<16xi32>,
        %shift_right_arithmetic3A = arith.constant 15 : i32
        %shift_right_arithmetic3A_371 = vector.broadcast %shift_right_arithmetic3A : i32 to vector<16xi32>
        %shift_right_arithmetic3A_372 = arith.shrsi %get3A_370, %shift_right_arithmetic3A_371 : vector<16xi32>
        %ge3A = vector.broadcast %sub3A_225 : i32 to vector<16xi32>
        %ge3A_373 = arith.cmpi sge, %shift_right_arithmetic3A_372, %ge3A : vector<16xi32>
        %add3A_374 = arith.constant 64 : i32
        %add3A_375 = arith.addi %sub3A_225, %add3A_374 : i32
        %lt3A_376 = vector.broadcast %add3A_375 : i32 to vector<16xi32>
        %lt3A_377 = arith.cmpi slt, %shift_right_arithmetic3A_372, %lt3A_376 : vector<16xi32>
        %and3A_378 = arith.andi %ge3A_373, %lt3A_377 : vector<16xi1>
        %convert_element_type3A_379 = arith.extui %and3A_378 : vector<16xi1> to vector<16xi32>
        %broadcast_in_dim3A_380 = arith.constant true
        %broadcast_in_dim3A_381 = vector.broadcast %broadcast_in_dim3A_380 : i1 to vector<16xi1>
        %masked_cumsum3A = tpu.scan <sum>, %convert_element_type3A_379 masked %broadcast_in_dim3A_381 : vector<16xi32>, vector<16xi1> -> vector<16xi32>
        %add3A_382 = arith.addi %while3A_363, %masked_cumsum3A : vector<16xi32>
        %sub3A_383 = arith.constant 1 : i32
        %sub3A_384 = vector.broadcast %sub3A_383 : i32 to vector<16xi32>
        %sub3A_385 = arith.subi %add3A_382, %sub3A_384 : vector<16xi32>
        tpu.vector_store_idx %arg13[%sub3A_385], %get3A_370 masked %and3A_378 : memref<160xi32, #tpu.memory_space<vmem>>[vector<16xi32>], vector<16xi32>, vector<16xi1>
        %all_reduce_population_count3A = tpu.all_reduce %and3A_378 {dim = 0 : i64, kind = #tpu.reduction_kind<sum>} : vector<16xi1> -> vector<16xi32>
        %add3A_386 = arith.addi %while3A_363, %all_reduce_population_count3A : vector<16xi32>
        %min3A_387 = arith.constant 128 : i32
        %min3A_388 = vector.broadcast %min3A_387 : i32 to vector<16xi32>
        %min3A_389 = arith.minsi %add3A_386, %min3A_388 : vector<16xi32>
        %mul3A_390 = arith.constant 2 : i32
        %mul3A_391 = arith.muli %while3A_362, %mul3A_390 : i32
        %add3A_392 = arith.constant 1 : i32
        %add3A_393 = arith.addi %mul3A_391, %add3A_392 : i32
        %mul3A_394 = arith.constant 16 : i32
        %mul3A_395 = arith.muli %add3A_393, %mul3A_394 : i32
        %get3A_396 = arith.index_cast %mul3A_395 : i32 to index
        %get3A_397 = tpu.vector_load %arg12[%get3A_396] {strides = array<i32>} : memref<1056xi32, #tpu.memory_space<vmem>>, vector<16xi32>,
        %shift_right_arithmetic3A_398 = arith.constant 15 : i32
        %shift_right_arithmetic3A_399 = vector.broadcast %shift_right_arithmetic3A_398 : i32 to vector<16xi32>
        %shift_right_arithmetic3A_400 = arith.shrsi %get3A_397, %shift_right_arithmetic3A_399 : vector<16xi32>
        %ge3A_401 = vector.broadcast %sub3A_225 : i32 to vector<16xi32>
        %ge3A_402 = arith.cmpi sge, %shift_right_arithmetic3A_400, %ge3A_401 : vector<16xi32>
        %add3A_403 = arith.constant 64 : i32
        %add3A_404 = arith.addi %sub3A_225, %add3A_403 : i32
        %lt3A_405 = vector.broadcast %add3A_404 : i32 to vector<16xi32>
        %lt3A_406 = arith.cmpi slt, %shift_right_arithmetic3A_400, %lt3A_405 : vector<16xi32>
        %and3A_407 = arith.andi %ge3A_402, %lt3A_406 : vector<16xi1>
        %convert_element_type3A_408 = arith.extui %and3A_407 : vector<16xi1> to vector<16xi32>
        %broadcast_in_dim3A_409 = arith.constant true
        %broadcast_in_dim3A_410 = vector.broadcast %broadcast_in_dim3A_409 : i1 to vector<16xi1>
        %masked_cumsum3A_411 = tpu.scan <sum>, %convert_element_type3A_408 masked %broadcast_in_dim3A_410 : vector<16xi32>, vector<16xi1> -> vector<16xi32>
        %add3A_412 = arith.addi %min3A_389, %masked_cumsum3A_411 : vector<16xi32>
        %sub3A_413 = arith.constant 1 : i32
        %sub3A_414 = vector.broadcast %sub3A_413 : i32 to vector<16xi32>
        %sub3A_415 = arith.subi %add3A_412, %sub3A_414 : vector<16xi32>
        tpu.vector_store_idx %arg13[%sub3A_415], %get3A_397 masked %and3A_407 : memref<160xi32, #tpu.memory_space<vmem>>[vector<16xi32>], vector<16xi32>, vector<16xi1>
        %all_reduce_population_count3A_416 = tpu.all_reduce %and3A_407 {dim = 0 : i64, kind = #tpu.reduction_kind<sum>} : vector<16xi1> -> vector<16xi32>
        %add3A_417 = arith.addi %min3A_389, %all_reduce_population_count3A_416 : vector<16xi32>
        %min3A_418 = arith.constant 128 : i32
        %min3A_419 = vector.broadcast %min3A_418 : i32 to vector<16xi32>
        %min3A_420 = arith.minsi %add3A_417, %min3A_419 : vector<16xi32>
        scf.yield %min3A_420 : vector<16xi32>
      }
      %slice3A_304 = vector.extract_strided_slice %while3A_303 {offsets = [0], sizes = [1], strides = [1]} : vector<16xi32> to vector<1xi32>
      %squeeze3A_305 = vector.extract %slice3A_304[0] : i32 from vector<1xi32>
      %add3A_306 = arith.constant 16 : i32
      %add3A_307 = arith.addi %squeeze3A_305, %add3A_306 : i32
      %sub3A_308 = arith.constant 1 : i32
      %sub3A_309 = arith.subi %add3A_307, %sub3A_308 : i32
      %jit3A_310 = arith.constant 16 : i32
      %div3A_311 = arith.divsi %sub3A_309, %jit3A_310 : i32
      %sign3A_312 = arith.constant 0 : i32
      %sign3A_313 = arith.cmpi sgt, %sub3A_309, %sign3A_312 : i32
      %sign3A_314 = arith.extui %sign3A_313 : i1 to i32
      %sign3A_315 = arith.constant 0 : i32
      %sign3A_316 = arith.cmpi slt, %sub3A_309, %sign3A_315 : i32
      %sign3A_317 = arith.extui %sign3A_316 : i1 to i32
      %sign3A_318 = arith.subi %sign3A_314, %sign3A_317 : i32
      %sign3A_319 = arith.constant 0 : i32
      %sign3A_320 = arith.cmpi sgt, %jit3A_310, %sign3A_319 : i32
      %sign3A_321 = arith.extui %sign3A_320 : i1 to i32
      %sign3A_322 = arith.constant 0 : i32
      %sign3A_323 = arith.cmpi slt, %jit3A_310, %sign3A_322 : i32
      %sign3A_324 = arith.extui %sign3A_323 : i1 to i32
      %sign3A_325 = arith.subi %sign3A_321, %sign3A_324 : i32
      %ne3A_326 = arith.cmpi ne, %sign3A_318, %sign3A_325 : i32
      %rem3A_327 = arith.remsi %sub3A_309, %jit3A_310 : i32
      %ne3A_328 = arith.constant 0 : i32
      %ne3A_329 = arith.cmpi ne, %rem3A_327, %ne3A_328 : i32
      %and3A_330 = arith.andi %ne3A_326, %ne3A_329 : i1
      %sub3A_331 = arith.constant 1 : i32
      %sub3A_332 = arith.subi %div3A_311, %sub3A_331 : i32
      %select_n3A_333 = arith.select %and3A_330, %sub3A_332, %div3A_311 : i32
      %min3A_334 = arith.constant 8 : i32
      %min3A_335 = arith.minsi %select_n3A_333, %min3A_334 : i32
      %while3A_336 = arith.constant 0 : i32
      %while3A_337 = arith.subi %min3A_335, %while3A_336 : i32
      %while3A_338 = arith.addi %while3A_336, %while3A_337 : i32
      %while3A_339 = arith.constant 1 : i32
      %while3A_340 = arith.divsi %while3A_337, %while3A_339 : i32
      %while3A_341 = arith.muli %while3A_340, %while3A_339 : i32
      %while3A_342 = arith.addi %while3A_336, %while3A_341 : i32
      %while3A_343 = arith.constant 1 : i32
      %while3A_344 = scf.for %while3A_362 = %while3A_336 to %while3A_342 step %while3A_343 iter_args(%while3A_363 = %while3A_223) -> (i32)  : i32 {
        %rem3A_364 = arith.constant 8 : i32
        %rem3A_365 = arith.remsi %while3A_363, %rem3A_364 : i32
        %ge3A = arith.constant 8 : i32
        %ge3A_366 = arith.cmpi sge, %while3A_363, %ge3A : i32
        %convert_element_type3A_367 = arith.extui %ge3A_366 : i1 to i32
        %cond3A_368 = arith.constant 0 : i32
        %cond3A_369 = arith.cmpi ne, %convert_element_type3A_367, %cond3A_368 : i32
        scf.if %cond3A_369 {
          %dma_wait3A = arith.constant 0 : i32
          %dma_wait3A_403 = arith.constant 0 : i32
          %dma_wait3A_404 = arith.constant 0 : i32
          %dma_wait3A_405 = tpu.memref_slice %arg16[%dma_wait3A, %dma_wait3A_403, %dma_wait3A_404] : memref<8x16x128xf32, #tpu.memory_space<vmem>> -> memref<1x16x128xf32, #tpu.memory_space<vmem>>
          %dma_wait3A_406 = tpu.memref_squeeze %dma_wait3A_405 : memref<1x16x128xf32, #tpu.memory_space<vmem>> -> memref<16x128xf32, #tpu.memory_space<vmem>>
          %dma_wait3A_407 = arith.constant 16384 : i32
          %dma_wait3A_408 = arith.constant 0 : i32
          %dma_wait3A_409 = tpu.memref_slice %arg9[%dma_wait3A_407, %dma_wait3A_408] : memref<16400x128xf32, #tpu.memory_space<hbm>> -> memref<16x128xf32, #tpu.memory_space<hbm>>
          %dma_wait3A_410 = arith.constant 0 : i32
          %dma_wait3A_411 = arith.constant 0 : i32
          %dma_wait3A_412 = tpu.memref_slice %arg16[%dma_wait3A, %dma_wait3A_410, %dma_wait3A_411] : memref<8x16x128xf32, #tpu.memory_space<vmem>> -> memref<1x16x128xf32, #tpu.memory_space<vmem>>
          %dma_wait3A_413 = tpu.memref_squeeze %dma_wait3A_412 : memref<1x16x128xf32, #tpu.memory_space<vmem>> -> memref<16x128xf32, #tpu.memory_space<vmem>>
          %dma_wait3A_414 = arith.constant 16384 : i32
          %dma_wait3A_415 = arith.constant 0 : i32
          %dma_wait3A_416 = tpu.memref_slice %arg9[%dma_wait3A_414, %dma_wait3A_415] : memref<16400x128xf32, #tpu.memory_space<hbm>> -> memref<16x128xf32, #tpu.memory_space<hbm>>
          tpu.wait_dma2 semaphore(%arg19 : memref<!tpu.dma_semaphore, #tpu.memory_space<semaphore_mem>>) src(%dma_wait3A_416 : memref<16x128xf32, #tpu.memory_space<hbm>>) dst(%dma_wait3A_413 : memref<16x128xf32, #tpu.memory_space<vmem>>)
        } else {
        }
        %mul3A_370 = arith.constant 16 : i32
        %mul3A_371 = arith.muli %while3A_362, %mul3A_370 : i32
        %get3A = arith.index_cast %mul3A_371 : i32 to index
        %get3A_372 = tpu.vector_load %arg13[%get3A] {strides = array<i32>} : memref<160xi32, #tpu.memory_space<vmem>>, vector<16xi32>,
        %and3A_373 = arith.constant 32767 : i32
        %and3A_374 = vector.broadcast %and3A_373 : i32 to vector<16xi32>
        %and3A_375 = arith.andi %get3A_372, %and3A_374 : vector<16xi32>
        %shift_right_arithmetic3A = arith.constant 15 : i32
        %shift_right_arithmetic3A_376 = vector.broadcast %shift_right_arithmetic3A : i32 to vector<16xi32>
        %shift_right_arithmetic3A_377 = arith.shrsi %get3A_372, %shift_right_arithmetic3A_376 : vector<16xi32>
        %sub3A_378 = vector.broadcast %sub3A_225 : i32 to vector<16xi32>
        %sub3A_379 = arith.subi %shift_right_arithmetic3A_377, %sub3A_378 : vector<16xi32>
        %jit3A_380 = arith.constant 0 : i32
        %jit3A_381 = arith.constant 767 : i32
        %max3A = vector.broadcast %jit3A_380 : i32 to vector<16xi32>
        %max3A_382 = arith.maxsi %max3A, %sub3A_379 : vector<16xi32>
        %min3A_383 = vector.broadcast %jit3A_381 : i32 to vector<16xi32>
        %min3A_384 = arith.minsi %min3A_383, %max3A_382 : vector<16xi32>
        %broadcast_in_dim3A_385 = vector.broadcast %rem3A_365 : i32 to vector<16xi32>
        %broadcast_in_dim3A_386 = arith.constant 0 : i32
        %broadcast_in_dim3A_387 = vector.broadcast %broadcast_in_dim3A_386 : i32 to vector<16xi32>
        %scan3A_388 = arith.constant 0 : i32
        %scan3A_389 = arith.constant 0 : i32
        %scan3A_390 = arith.constant 32 : i32
        %scan3A_391 = arith.addi %scan3A_389, %scan3A_390 : i32
        %scan3A_392 = arith.constant 1 : i32
        scf.for %scan3A_403 = %scan3A_389 to %scan3A_391 step %scan3A_392  : i32 {
          %broadcast_in_dim3A_404 = vector.broadcast %scan3A_403 : i32 to vector<16xi32>
          %gather3A = tpu.vector_load_idx %arg15[%broadcast_in_dim3A_387, %broadcast_in_dim3A_404, %min3A_384] : memref<2x32x768xf32, #tpu.memory_space<vmem>>[vector<16xi32>, vector<16xi32>, vector<16xi32>], vector<16xf32>,
          tpu.vector_store_idx %arg16[%broadcast_in_dim3A_385, %iota3A_226, %broadcast_in_dim3A_404], %gather3A : memref<8x16x128xf32, #tpu.memory_space<vmem>>[vector<16xi32>, vector<16xi32>, vector<16xi32>], vector<16xf32>,
        }
        %scan3A_393 = arith.constant 32 : i32
        %dma_start3A_394 = arith.constant 0 : i32
        %dma_start3A_395 = arith.constant 0 : i32
        %dma_start3A_396 = tpu.memref_slice %arg16[%rem3A_365, %dma_start3A_394, %dma_start3A_395] : memref<8x16x128xf32, #tpu.memory_space<vmem>> -> memref<1x16x128xf32, #tpu.memory_space<vmem>>
        %dma_start3A_397 = tpu.memref_squeeze %dma_start3A_396 : memref<1x16x128xf32, #tpu.memory_space<vmem>> -> memref<16x128xf32, #tpu.memory_space<vmem>>
        %dma_start3A_398 = arith.constant 0 : i32
        %dma_start3A_399 = arith.constant 0 : i32
        %dma_start3A_400 = tpu.memref_slice %arg9[%dma_start3A_398, %dma_start3A_399] : memref<16400x128xf32, #tpu.memory_space<hbm>> -> memref<16400x128xf32, #tpu.memory_space<hbm>>
        tpu.enqueue_indirect_dma source(%dma_start3A_397 : memref<16x128xf32, #tpu.memory_space<vmem>>) target(%dma_start3A_400 : memref<16400x128xf32, #tpu.memory_space<hbm>>) offsets(%and3A_375 : vector<16xi32>) semaphore(%arg19 : memref<!tpu.dma_semaphore, #tpu.memory_space<semaphore_mem>>)
        %add3A_401 = arith.constant 1 : i32
        %add3A_402 = arith.addi %while3A_363, %add3A_401 : i32
        scf.yield %add3A_402 : i32
      }
      %while3A_345 = arith.constant 1 : i32
      %while3A_346 = scf.for %while3A_362 = %while3A_342 to %while3A_338 step %while3A_345 iter_args(%while3A_363 = %while3A_344) -> (i32)  : i32 {
        %rem3A_364 = arith.constant 8 : i32
        %rem3A_365 = arith.remsi %while3A_363, %rem3A_364 : i32
        %ge3A = arith.constant 8 : i32
        %ge3A_366 = arith.cmpi sge, %while3A_363, %ge3A : i32
        %convert_element_type3A_367 = arith.extui %ge3A_366 : i1 to i32
        %cond3A_368 = arith.constant 0 : i32
        %cond3A_369 = arith.cmpi ne, %convert_element_type3A_367, %cond3A_368 : i32
        scf.if %cond3A_369 {
          %dma_wait3A = arith.constant 0 : i32
          %dma_wait3A_403 = arith.constant 0 : i32
          %dma_wait3A_404 = arith.constant 0 : i32
          %dma_wait3A_405 = tpu.memref_slice %arg16[%dma_wait3A, %dma_wait3A_403, %dma_wait3A_404] : memref<8x16x128xf32, #tpu.memory_space<vmem>> -> memref<1x16x128xf32, #tpu.memory_space<vmem>>
          %dma_wait3A_406 = tpu.memref_squeeze %dma_wait3A_405 : memref<1x16x128xf32, #tpu.memory_space<vmem>> -> memref<16x128xf32, #tpu.memory_space<vmem>>
          %dma_wait3A_407 = arith.constant 16384 : i32
          %dma_wait3A_408 = arith.constant 0 : i32
          %dma_wait3A_409 = tpu.memref_slice %arg9[%dma_wait3A_407, %dma_wait3A_408] : memref<16400x128xf32, #tpu.memory_space<hbm>> -> memref<16x128xf32, #tpu.memory_space<hbm>>
          %dma_wait3A_410 = arith.constant 0 : i32
          %dma_wait3A_411 = arith.constant 0 : i32
          %dma_wait3A_412 = tpu.memref_slice %arg16[%dma_wait3A, %dma_wait3A_410, %dma_wait3A_411] : memref<8x16x128xf32, #tpu.memory_space<vmem>> -> memref<1x16x128xf32, #tpu.memory_space<vmem>>
          %dma_wait3A_413 = tpu.memref_squeeze %dma_wait3A_412 : memref<1x16x128xf32, #tpu.memory_space<vmem>> -> memref<16x128xf32, #tpu.memory_space<vmem>>
          %dma_wait3A_414 = arith.constant 16384 : i32
          %dma_wait3A_415 = arith.constant 0 : i32
          %dma_wait3A_416 = tpu.memref_slice %arg9[%dma_wait3A_414, %dma_wait3A_415] : memref<16400x128xf32, #tpu.memory_space<hbm>> -> memref<16x128xf32, #tpu.memory_space<hbm>>
          tpu.wait_dma2 semaphore(%arg19 : memref<!tpu.dma_semaphore, #tpu.memory_space<semaphore_mem>>) src(%dma_wait3A_416 : memref<16x128xf32, #tpu.memory_space<hbm>>) dst(%dma_wait3A_413 : memref<16x128xf32, #tpu.memory_space<vmem>>)
        } else {
        }
        %mul3A_370 = arith.constant 16 : i32
        %mul3A_371 = arith.muli %while3A_362, %mul3A_370 : i32
        %get3A = arith.index_cast %mul3A_371 : i32 to index
        %get3A_372 = tpu.vector_load %arg13[%get3A] {strides = array<i32>} : memref<160xi32, #tpu.memory_space<vmem>>, vector<16xi32>,
        %and3A_373 = arith.constant 32767 : i32
        %and3A_374 = vector.broadcast %and3A_373 : i32 to vector<16xi32>
        %and3A_375 = arith.andi %get3A_372, %and3A_374 : vector<16xi32>
        %shift_right_arithmetic3A = arith.constant 15 : i32
        %shift_right_arithmetic3A_376 = vector.broadcast %shift_right_arithmetic3A : i32 to vector<16xi32>
        %shift_right_arithmetic3A_377 = arith.shrsi %get3A_372, %shift_right_arithmetic3A_376 : vector<16xi32>
        %sub3A_378 = vector.broadcast %sub3A_225 : i32 to vector<16xi32>
        %sub3A_379 = arith.subi %shift_right_arithmetic3A_377, %sub3A_378 : vector<16xi32>
        %jit3A_380 = arith.constant 0 : i32
        %jit3A_381 = arith.constant 767 : i32
        %max3A = vector.broadcast %jit3A_380 : i32 to vector<16xi32>
        %max3A_382 = arith.maxsi %max3A, %sub3A_379 : vector<16xi32>
        %min3A_383 = vector.broadcast %jit3A_381 : i32 to vector<16xi32>
        %min3A_384 = arith.minsi %min3A_383, %max3A_382 : vector<16xi32>
        %broadcast_in_dim3A_385 = vector.broadcast %rem3A_365 : i32 to vector<16xi32>
        %broadcast_in_dim3A_386 = arith.constant 0 : i32
        %broadcast_in_dim3A_387 = vector.broadcast %broadcast_in_dim3A_386 : i32 to vector<16xi32>
        %scan3A_388 = arith.constant 0 : i32
        %scan3A_389 = arith.constant 0 : i32
        %scan3A_390 = arith.constant 32 : i32
        %scan3A_391 = arith.addi %scan3A_389, %scan3A_390 : i32
        %scan3A_392 = arith.constant 1 : i32
        scf.for %scan3A_403 = %scan3A_389 to %scan3A_391 step %scan3A_392  : i32 {
          %broadcast_in_dim3A_404 = vector.broadcast %scan3A_403 : i32 to vector<16xi32>
          %gather3A = tpu.vector_load_idx %arg15[%broadcast_in_dim3A_387, %broadcast_in_dim3A_404, %min3A_384] : memref<2x32x768xf32, #tpu.memory_space<vmem>>[vector<16xi32>, vector<16xi32>, vector<16xi32>], vector<16xf32>,
          tpu.vector_store_idx %arg16[%broadcast_in_dim3A_385, %iota3A_226, %broadcast_in_dim3A_404], %gather3A : memref<8x16x128xf32, #tpu.memory_space<vmem>>[vector<16xi32>, vector<16xi32>, vector<16xi32>], vector<16xf32>,
        }
        %scan3A_393 = arith.constant 32 : i32
        %dma_start3A_394 = arith.constant 0 : i32
        %dma_start3A_395 = arith.constant 0 : i32
        %dma_start3A_396 = tpu.memref_slice %arg16[%rem3A_365, %dma_start3A_394, %dma_start3A_395] : memref<8x16x128xf32, #tpu.memory_space<vmem>> -> memref<1x16x128xf32, #tpu.memory_space<vmem>>
        %dma_start3A_397 = tpu.memref_squeeze %dma_start3A_396 : memref<1x16x128xf32, #tpu.memory_space<vmem>> -> memref<16x128xf32, #tpu.memory_space<vmem>>
        %dma_start3A_398 = arith.constant 0 : i32
        %dma_start3A_399 = arith.constant 0 : i32
        %dma_start3A_400 = tpu.memref_slice %arg9[%dma_start3A_398, %dma_start3A_399] : memref<16400x128xf32, #tpu.memory_space<hbm>> -> memref<16400x128xf32, #tpu.memory_space<hbm>>
        tpu.enqueue_indirect_dma source(%dma_start3A_397 : memref<16x128xf32, #tpu.memory_space<vmem>>) target(%dma_start3A_400 : memref<16400x128xf32, #tpu.memory_space<hbm>>) offsets(%and3A_375 : vector<16xi32>) semaphore(%arg19 : memref<!tpu.dma_semaphore, #tpu.memory_space<semaphore_mem>>)
        %add3A_401 = arith.constant 1 : i32
        %add3A_402 = arith.addi %while3A_363, %add3A_401 : i32
        scf.yield %add3A_402 : i32
      }
      %min3A_347 = arith.constant 8 : i32
      %min3A_348 = arith.minsi %while3A_346, %min3A_347 : i32
      %min3A_349 = arith.constant 8 : i32
      %min3A_350 = arith.minsi %scan3A_90, %min3A_349 : i32
      %sub3A_351 = arith.subi %min3A_348, %min3A_350 : i32
      %while3A_352 = arith.constant 0 : i32
      %while3A_353 = arith.constant 0 : i32
      %while3A_354 = arith.subi %sub3A_351, %while3A_353 : i32
      %while3A_355 = arith.addi %while3A_353, %while3A_354 : i32
      %while3A_356 = arith.constant 1 : i32
      %while3A_357 = arith.divsi %while3A_354, %while3A_356 : i32
      %while3A_358 = arith.muli %while3A_357, %while3A_356 : i32
      %while3A_359 = arith.addi %while3A_353, %while3A_358 : i32
      %while3A_360 = arith.constant 1 : i32
      scf.for %while3A_362 = %while3A_353 to %while3A_359 step %while3A_360  : i32 {
        %dma_wait3A = arith.constant 0 : i32
        %dma_wait3A_363 = arith.constant 0 : i32
        %dma_wait3A_364 = arith.constant 0 : i32
        %dma_wait3A_365 = tpu.memref_slice %arg16[%dma_wait3A, %dma_wait3A_363, %dma_wait3A_364] : memref<8x16x128xf32, #tpu.memory_space<vmem>> -> memref<1x16x128xf32, #tpu.memory_space<vmem>>
        %dma_wait3A_366 = tpu.memref_squeeze %dma_wait3A_365 : memref<1x16x128xf32, #tpu.memory_space<vmem>> -> memref<16x128xf32, #tpu.memory_space<vmem>>
        %dma_wait3A_367 = arith.constant 16384 : i32
        %dma_wait3A_368 = arith.constant 0 : i32
        %dma_wait3A_369 = tpu.memref_slice %arg8[%dma_wait3A_367, %dma_wait3A_368] : memref<16400x128xf32, #tpu.memory_space<hbm>> -> memref<16x128xf32, #tpu.memory_space<hbm>>
        %dma_wait3A_370 = arith.constant 0 : i32
        %dma_wait3A_371 = arith.constant 0 : i32
        %dma_wait3A_372 = tpu.memref_slice %arg16[%dma_wait3A, %dma_wait3A_370, %dma_wait3A_371] : memref<8x16x128xf32, #tpu.memory_space<vmem>> -> memref<1x16x128xf32, #tpu.memory_space<vmem>>
        %dma_wait3A_373 = tpu.memref_squeeze %dma_wait3A_372 : memref<1x16x128xf32, #tpu.memory_space<vmem>> -> memref<16x128xf32, #tpu.memory_space<vmem>>
        %dma_wait3A_374 = arith.constant 16384 : i32
        %dma_wait3A_375 = arith.constant 0 : i32
        %dma_wait3A_376 = tpu.memref_slice %arg8[%dma_wait3A_374, %dma_wait3A_375] : memref<16400x128xf32, #tpu.memory_space<hbm>> -> memref<16x128xf32, #tpu.memory_space<hbm>>
        tpu.wait_dma2 semaphore(%arg19 : memref<!tpu.dma_semaphore, #tpu.memory_space<semaphore_mem>>) src(%dma_wait3A_376 : memref<16x128xf32, #tpu.memory_space<hbm>>) dst(%dma_wait3A_373 : memref<16x128xf32, #tpu.memory_space<vmem>>)
      }
      %while3A_361 = arith.constant 1 : i32
      scf.for %while3A_362 = %while3A_359 to %while3A_355 step %while3A_361  : i32 {
        %dma_wait3A = arith.constant 0 : i32
        %dma_wait3A_363 = arith.constant 0 : i32
        %dma_wait3A_364 = arith.constant 0 : i32
        %dma_wait3A_365 = tpu.memref_slice %arg16[%dma_wait3A, %dma_wait3A_363, %dma_wait3A_364] : memref<8x16x128xf32, #tpu.memory_space<vmem>> -> memref<1x16x128xf32, #tpu.memory_space<vmem>>
        %dma_wait3A_366 = tpu.memref_squeeze %dma_wait3A_365 : memref<1x16x128xf32, #tpu.memory_space<vmem>> -> memref<16x128xf32, #tpu.memory_space<vmem>>
        %dma_wait3A_367 = arith.constant 16384 : i32
        %dma_wait3A_368 = arith.constant 0 : i32
        %dma_wait3A_369 = tpu.memref_slice %arg8[%dma_wait3A_367, %dma_wait3A_368] : memref<16400x128xf32, #tpu.memory_space<hbm>> -> memref<16x128xf32, #tpu.memory_space<hbm>>
        %dma_wait3A_370 = arith.constant 0 : i32
        %dma_wait3A_371 = arith.constant 0 : i32
        %dma_wait3A_372 = tpu.memref_slice %arg16[%dma_wait3A, %dma_wait3A_370, %dma_wait3A_371] : memref<8x16x128xf32, #tpu.memory_space<vmem>> -> memref<1x16x128xf32, #tpu.memory_space<vmem>>
        %dma_wait3A_373 = tpu.memref_squeeze %dma_wait3A_372 : memref<1x16x128xf32, #tpu.memory_space<vmem>> -> memref<16x128xf32, #tpu.memory_space<vmem>>
        %dma_wait3A_374 = arith.constant 16384 : i32
        %dma_wait3A_375 = arith.constant 0 : i32
        %dma_wait3A_376 = tpu.memref_slice %arg8[%dma_wait3A_374, %dma_wait3A_375] : memref<16400x128xf32, #tpu.memory_space<hbm>> -> memref<16x128xf32, #tpu.memory_space<hbm>>
        tpu.wait_dma2 semaphore(%arg19 : memref<!tpu.dma_semaphore, #tpu.memory_space<semaphore_mem>>) src(%dma_wait3A_376 : memref<16x128xf32, #tpu.memory_space<hbm>>) dst(%dma_wait3A_373 : memref<16x128xf32, #tpu.memory_space<vmem>>)
      }
    } else {
    }
    %min3A_94 = arith.constant 8 : i32
    %min3A_95 = arith.minsi %scan3A_90, %min3A_94 : i32
    %while3A = arith.constant 0 : i32
    %while3A_96 = arith.constant 0 : i32
    %while3A_97 = arith.subi %min3A_95, %while3A_96 : i32
    %while3A_98 = arith.addi %while3A_96, %while3A_97 : i32
    %while3A_99 = arith.constant 1 : i32
    %while3A_100 = arith.divsi %while3A_97, %while3A_99 : i32
    %while3A_101 = arith.muli %while3A_100, %while3A_99 : i32
    %while3A_102 = arith.addi %while3A_96, %while3A_101 : i32
    %while3A_103 = arith.constant 1 : i32
    scf.for %while3A_105 = %while3A_96 to %while3A_102 step %while3A_103  : i32 {
      %dma_wait3A = arith.constant 0 : i32
      %dma_wait3A_106 = arith.constant 0 : i32
      %dma_wait3A_107 = arith.constant 0 : i32
      %dma_wait3A_108 = tpu.memref_slice %arg16[%dma_wait3A, %dma_wait3A_106, %dma_wait3A_107] : memref<8x16x128xf32, #tpu.memory_space<vmem>> -> memref<1x16x128xf32, #tpu.memory_space<vmem>>
      %dma_wait3A_109 = tpu.memref_squeeze %dma_wait3A_108 : memref<1x16x128xf32, #tpu.memory_space<vmem>> -> memref<16x128xf32, #tpu.memory_space<vmem>>
      %dma_wait3A_110 = arith.constant 16384 : i32
      %dma_wait3A_111 = arith.constant 0 : i32
      %dma_wait3A_112 = tpu.memref_slice %arg8[%dma_wait3A_110, %dma_wait3A_111] : memref<16400x128xf32, #tpu.memory_space<hbm>> -> memref<16x128xf32, #tpu.memory_space<hbm>>
      %dma_wait3A_113 = arith.constant 0 : i32
      %dma_wait3A_114 = arith.constant 0 : i32
      %dma_wait3A_115 = tpu.memref_slice %arg16[%dma_wait3A, %dma_wait3A_113, %dma_wait3A_114] : memref<8x16x128xf32, #tpu.memory_space<vmem>> -> memref<1x16x128xf32, #tpu.memory_space<vmem>>
      %dma_wait3A_116 = tpu.memref_squeeze %dma_wait3A_115 : memref<1x16x128xf32, #tpu.memory_space<vmem>> -> memref<16x128xf32, #tpu.memory_space<vmem>>
      %dma_wait3A_117 = arith.constant 16384 : i32
      %dma_wait3A_118 = arith.constant 0 : i32
      %dma_wait3A_119 = tpu.memref_slice %arg8[%dma_wait3A_117, %dma_wait3A_118] : memref<16400x128xf32, #tpu.memory_space<hbm>> -> memref<16x128xf32, #tpu.memory_space<hbm>>
      tpu.wait_dma2 semaphore(%arg19 : memref<!tpu.dma_semaphore, #tpu.memory_space<semaphore_mem>>) src(%dma_wait3A_119 : memref<16x128xf32, #tpu.memory_space<hbm>>) dst(%dma_wait3A_116 : memref<16x128xf32, #tpu.memory_space<vmem>>)
    }
    %while3A_104 = arith.constant 1 : i32
    scf.for %while3A_105 = %while3A_102 to %while3A_98 step %while3A_104  : i32 {
      %dma_wait3A = arith.constant 0 : i32
      %dma_wait3A_106 = arith.constant 0 : i32
      %dma_wait3A_107 = arith.constant 0 : i32
      %dma_wait3A_108 = tpu.memref_slice %arg16[%dma_wait3A, %dma_wait3A_106, %dma_wait3A_107] : memref<8x16x128xf32, #tpu.memory_space<vmem>> -> memref<1x16x128xf32, #tpu.memory_space<vmem>>
      %dma_wait3A_109 = tpu.memref_squeeze %dma_wait3A_108 : memref<1x16x128xf32, #tpu.memory_space<vmem>> -> memref<16x128xf32, #tpu.memory_space<vmem>>
      %dma_wait3A_110 = arith.constant 16384 : i32
      %dma_wait3A_111 = arith.constant 0 : i32
      %dma_wait3A_112 = tpu.memref_slice %arg8[%dma_wait3A_110, %dma_wait3A_111] : memref<16400x128xf32, #tpu.memory_space<hbm>> -> memref<16x128xf32, #tpu.memory_space<hbm>>
      %dma_wait3A_113 = arith.constant 0 : i32
      %dma_wait3A_114 = arith.constant 0 : i32
      %dma_wait3A_115 = tpu.memref_slice %arg16[%dma_wait3A, %dma_wait3A_113, %dma_wait3A_114] : memref<8x16x128xf32, #tpu.memory_space<vmem>> -> memref<1x16x128xf32, #tpu.memory_space<vmem>>
      %dma_wait3A_116 = tpu.memref_squeeze %dma_wait3A_115 : memref<1x16x128xf32, #tpu.memory_space<vmem>> -> memref<16x128xf32, #tpu.memory_space<vmem>>
      %dma_wait3A_117 = arith.constant 16384 : i32
      %dma_wait3A_118 = arith.constant 0 : i32
      %dma_wait3A_119 = tpu.memref_slice %arg8[%dma_wait3A_117, %dma_wait3A_118] : memref<16400x128xf32, #tpu.memory_space<hbm>> -> memref<16x128xf32, #tpu.memory_space<hbm>>
      tpu.wait_dma2 semaphore(%arg19 : memref<!tpu.dma_semaphore, #tpu.memory_space<semaphore_mem>>) src(%dma_wait3A_119 : memref<16x128xf32, #tpu.memory_space<hbm>>) dst(%dma_wait3A_116 : memref<16x128xf32, #tpu.memory_space<vmem>>)
    }
    return
  }
}

#map = affine_map<(d0, d1) -> (0)>
#map1 = affine_map<(d0, d1) -> (0, 0)>
module attributes {stable_mosaic.version = 14 : i64} {
  func.func @_body2(%arg0: i32, %arg1: i32, %arg2: memref<16384xi32, #tpu.memory_space<hbm>>, %arg3: memref<16384xi32, #tpu.memory_space<hbm>>, %arg4: memref<16400x128xf32, #tpu.memory_space<hbm>>, %arg5: memref<16400x128xf32, #tpu.memory_space<hbm>>, %arg6: memref<1000000xf32, #tpu.memory_space<hbm>>, %arg7: memref<1000000xf32, #tpu.memory_space<hbm>>, %arg8: memref<16384xf32, #tpu.memory_space<hbm>>, %arg9: memref<512xi32, #tpu.memory_space<vmem>>, %arg10: memref<512xi32, #tpu.memory_space<vmem>>, %arg11: memref<256x128xf32, #tpu.memory_space<vmem>>, %arg12: memref<256x128xf32, #tpu.memory_space<vmem>>, %arg13: memref<512xf32, #tpu.memory_space<vmem>>, %arg14: memref<512xf32, #tpu.memory_space<vmem>>, %arg15: memref<512xf32, #tpu.memory_space<vmem>>, %arg16: memref<!tpu.dma_semaphore, #tpu.memory_space<semaphore_mem>>) attributes {dimension_semantics = [#tpu.dimension_semantics<core_parallel>, #tpu.dimension_semantics<subcore_parallel>], iteration_bounds = array<i64: 2, 16>, scalar_prefetch = 0 : i64, scratch_operands = 8 : i64, tpu.core_type = #tpu.core_type<sc_vector_subcore>, window_params = [{transform_indices = #map}, {transform_indices = #map}, {transform_indices = #map1}, {transform_indices = #map1}, {transform_indices = #map}, {transform_indices = #map}, {transform_indices = #map}]} {
    %mul3A = arith.constant 2 : i32
    %mul3A_0 = arith.muli %arg1, %mul3A : i32
    %add3A = arith.addi %mul3A_0, %arg0 : i32
    %mul3A_1 = arith.constant 512 : i32
    %mul3A_2 = arith.muli %add3A, %mul3A_1 : i32
    "tpu.region"() ({
      %run_scoped3A = tpu.sem_alloc : memref<!tpu.dma_semaphore, #tpu.memory_space<semaphore_mem>>
      %dma_start3A_103 = tpu.memref_slice %arg2[%mul3A_2] : memref<16384xi32, #tpu.memory_space<hbm>> -> memref<512xi32, #tpu.memory_space<hbm>>
      %dma_start3A_104 = tpu.memref_slice %arg2[%mul3A_2] : memref<16384xi32, #tpu.memory_space<hbm>> -> memref<512xi32, #tpu.memory_space<hbm>>
      tpu.enqueue_dma source(%dma_start3A_104 : memref<512xi32, #tpu.memory_space<hbm>>) target(%arg9 : memref<512xi32, #tpu.memory_space<vmem>>) target_semaphore(%run_scoped3A : memref<!tpu.dma_semaphore, #tpu.memory_space<semaphore_mem>>)
      %dma_wait3A_105 = tpu.memref_slice %arg2[%mul3A_2] : memref<16384xi32, #tpu.memory_space<hbm>> -> memref<512xi32, #tpu.memory_space<hbm>>
      %dma_wait3A_106 = tpu.memref_slice %arg2[%mul3A_2] : memref<16384xi32, #tpu.memory_space<hbm>> -> memref<512xi32, #tpu.memory_space<hbm>>
      tpu.wait_dma2 semaphore(%run_scoped3A : memref<!tpu.dma_semaphore, #tpu.memory_space<semaphore_mem>>) src(%dma_wait3A_106 : memref<512xi32, #tpu.memory_space<hbm>>) dst(%arg9 : memref<512xi32, #tpu.memory_space<vmem>>)
      tpu.yield
    }) : () -> ()
    "tpu.region"() ({
      %run_scoped3A = tpu.sem_alloc : memref<!tpu.dma_semaphore, #tpu.memory_space<semaphore_mem>>
      %dma_start3A_103 = tpu.memref_slice %arg3[%mul3A_2] : memref<16384xi32, #tpu.memory_space<hbm>> -> memref<512xi32, #tpu.memory_space<hbm>>
      %dma_start3A_104 = tpu.memref_slice %arg3[%mul3A_2] : memref<16384xi32, #tpu.memory_space<hbm>> -> memref<512xi32, #tpu.memory_space<hbm>>
      tpu.enqueue_dma source(%dma_start3A_104 : memref<512xi32, #tpu.memory_space<hbm>>) target(%arg10 : memref<512xi32, #tpu.memory_space<vmem>>) target_semaphore(%run_scoped3A : memref<!tpu.dma_semaphore, #tpu.memory_space<semaphore_mem>>)
      %dma_wait3A_105 = tpu.memref_slice %arg3[%mul3A_2] : memref<16384xi32, #tpu.memory_space<hbm>> -> memref<512xi32, #tpu.memory_space<hbm>>
      %dma_wait3A_106 = tpu.memref_slice %arg3[%mul3A_2] : memref<16384xi32, #tpu.memory_space<hbm>> -> memref<512xi32, #tpu.memory_space<hbm>>
      tpu.wait_dma2 semaphore(%run_scoped3A : memref<!tpu.dma_semaphore, #tpu.memory_space<semaphore_mem>>) src(%dma_wait3A_106 : memref<512xi32, #tpu.memory_space<hbm>>) dst(%arg10 : memref<512xi32, #tpu.memory_space<vmem>>)
      tpu.yield
    }) : () -> ()
    %dma_start3A = arith.constant 0 : i32
    %dma_start3A_3 = tpu.memref_slice %arg13[%dma_start3A] : memref<512xf32, #tpu.memory_space<vmem>> -> memref<128xf32, #tpu.memory_space<vmem>>
    %dma_start3A_4 = arith.constant 0 : i32
    %dma_start3A_5 = tpu.memref_slice %arg9[%dma_start3A_4] : memref<512xi32, #tpu.memory_space<vmem>> -> memref<128xi32, #tpu.memory_space<vmem>>
    %dma_start3A_6 = arith.constant 0 : i32
    %dma_start3A_7 = tpu.memref_slice %arg6[%dma_start3A_6] : memref<1000000xf32, #tpu.memory_space<hbm>> -> memref<1000000xf32, #tpu.memory_space<hbm>>
    tpu.enqueue_indirect_dma source(%dma_start3A_7 : memref<1000000xf32, #tpu.memory_space<hbm>>) target(%dma_start3A_3 : memref<128xf32, #tpu.memory_space<vmem>>) offsets(%dma_start3A_5 : memref<128xi32, #tpu.memory_space<vmem>>) semaphore(%arg16 : memref<!tpu.dma_semaphore, #tpu.memory_space<semaphore_mem>>)
    %dma_start3A_8 = arith.constant 0 : i32
    %dma_start3A_9 = tpu.memref_slice %arg14[%dma_start3A_8] : memref<512xf32, #tpu.memory_space<vmem>> -> memref<128xf32, #tpu.memory_space<vmem>>
    %dma_start3A_10 = arith.constant 0 : i32
    %dma_start3A_11 = tpu.memref_slice %arg10[%dma_start3A_10] : memref<512xi32, #tpu.memory_space<vmem>> -> memref<128xi32, #tpu.memory_space<vmem>>
    %dma_start3A_12 = arith.constant 0 : i32
    %dma_start3A_13 = tpu.memref_slice %arg7[%dma_start3A_12] : memref<1000000xf32, #tpu.memory_space<hbm>> -> memref<1000000xf32, #tpu.memory_space<hbm>>
    tpu.enqueue_indirect_dma source(%dma_start3A_13 : memref<1000000xf32, #tpu.memory_space<hbm>>) target(%dma_start3A_9 : memref<128xf32, #tpu.memory_space<vmem>>) offsets(%dma_start3A_11 : memref<128xi32, #tpu.memory_space<vmem>>) semaphore(%arg16 : memref<!tpu.dma_semaphore, #tpu.memory_space<semaphore_mem>>)
    %dma_start3A_14 = arith.constant 128 : i32
    %dma_start3A_15 = tpu.memref_slice %arg13[%dma_start3A_14] : memref<512xf32, #tpu.memory_space<vmem>> -> memref<128xf32, #tpu.memory_space<vmem>>
    %dma_start3A_16 = arith.constant 128 : i32
    %dma_start3A_17 = tpu.memref_slice %arg9[%dma_start3A_16] : memref<512xi32, #tpu.memory_space<vmem>> -> memref<128xi32, #tpu.memory_space<vmem>>
    %dma_start3A_18 = arith.constant 0 : i32
    %dma_start3A_19 = tpu.memref_slice %arg6[%dma_start3A_18] : memref<1000000xf32, #tpu.memory_space<hbm>> -> memref<1000000xf32, #tpu.memory_space<hbm>>
    tpu.enqueue_indirect_dma source(%dma_start3A_19 : memref<1000000xf32, #tpu.memory_space<hbm>>) target(%dma_start3A_15 : memref<128xf32, #tpu.memory_space<vmem>>) offsets(%dma_start3A_17 : memref<128xi32, #tpu.memory_space<vmem>>) semaphore(%arg16 : memref<!tpu.dma_semaphore, #tpu.memory_space<semaphore_mem>>)
    %dma_start3A_20 = arith.constant 128 : i32
    %dma_start3A_21 = tpu.memref_slice %arg14[%dma_start3A_20] : memref<512xf32, #tpu.memory_space<vmem>> -> memref<128xf32, #tpu.memory_space<vmem>>
    %dma_start3A_22 = arith.constant 128 : i32
    %dma_start3A_23 = tpu.memref_slice %arg10[%dma_start3A_22] : memref<512xi32, #tpu.memory_space<vmem>> -> memref<128xi32, #tpu.memory_space<vmem>>
    %dma_start3A_24 = arith.constant 0 : i32
    %dma_start3A_25 = tpu.memref_slice %arg7[%dma_start3A_24] : memref<1000000xf32, #tpu.memory_space<hbm>> -> memref<1000000xf32, #tpu.memory_space<hbm>>
    tpu.enqueue_indirect_dma source(%dma_start3A_25 : memref<1000000xf32, #tpu.memory_space<hbm>>) target(%dma_start3A_21 : memref<128xf32, #tpu.memory_space<vmem>>) offsets(%dma_start3A_23 : memref<128xi32, #tpu.memory_space<vmem>>) semaphore(%arg16 : memref<!tpu.dma_semaphore, #tpu.memory_space<semaphore_mem>>)
    %dma_start3A_26 = arith.constant 256 : i32
    %dma_start3A_27 = tpu.memref_slice %arg13[%dma_start3A_26] : memref<512xf32, #tpu.memory_space<vmem>> -> memref<128xf32, #tpu.memory_space<vmem>>
    %dma_start3A_28 = arith.constant 256 : i32
    %dma_start3A_29 = tpu.memref_slice %arg9[%dma_start3A_28] : memref<512xi32, #tpu.memory_space<vmem>> -> memref<128xi32, #tpu.memory_space<vmem>>
    %dma_start3A_30 = arith.constant 0 : i32
    %dma_start3A_31 = tpu.memref_slice %arg6[%dma_start3A_30] : memref<1000000xf32, #tpu.memory_space<hbm>> -> memref<1000000xf32, #tpu.memory_space<hbm>>
    tpu.enqueue_indirect_dma source(%dma_start3A_31 : memref<1000000xf32, #tpu.memory_space<hbm>>) target(%dma_start3A_27 : memref<128xf32, #tpu.memory_space<vmem>>) offsets(%dma_start3A_29 : memref<128xi32, #tpu.memory_space<vmem>>) semaphore(%arg16 : memref<!tpu.dma_semaphore, #tpu.memory_space<semaphore_mem>>)
    %dma_start3A_32 = arith.constant 256 : i32
    %dma_start3A_33 = tpu.memref_slice %arg14[%dma_start3A_32] : memref<512xf32, #tpu.memory_space<vmem>> -> memref<128xf32, #tpu.memory_space<vmem>>
    %dma_start3A_34 = arith.constant 256 : i32
    %dma_start3A_35 = tpu.memref_slice %arg10[%dma_start3A_34] : memref<512xi32, #tpu.memory_space<vmem>> -> memref<128xi32, #tpu.memory_space<vmem>>
    %dma_start3A_36 = arith.constant 0 : i32
    %dma_start3A_37 = tpu.memref_slice %arg7[%dma_start3A_36] : memref<1000000xf32, #tpu.memory_space<hbm>> -> memref<1000000xf32, #tpu.memory_space<hbm>>
    tpu.enqueue_indirect_dma source(%dma_start3A_37 : memref<1000000xf32, #tpu.memory_space<hbm>>) target(%dma_start3A_33 : memref<128xf32, #tpu.memory_space<vmem>>) offsets(%dma_start3A_35 : memref<128xi32, #tpu.memory_space<vmem>>) semaphore(%arg16 : memref<!tpu.dma_semaphore, #tpu.memory_space<semaphore_mem>>)
    %dma_start3A_38 = arith.constant 384 : i32
    %dma_start3A_39 = tpu.memref_slice %arg13[%dma_start3A_38] : memref<512xf32, #tpu.memory_space<vmem>> -> memref<128xf32, #tpu.memory_space<vmem>>
    %dma_start3A_40 = arith.constant 384 : i32
    %dma_start3A_41 = tpu.memref_slice %arg9[%dma_start3A_40] : memref<512xi32, #tpu.memory_space<vmem>> -> memref<128xi32, #tpu.memory_space<vmem>>
    %dma_start3A_42 = arith.constant 0 : i32
    %dma_start3A_43 = tpu.memref_slice %arg6[%dma_start3A_42] : memref<1000000xf32, #tpu.memory_space<hbm>> -> memref<1000000xf32, #tpu.memory_space<hbm>>
    tpu.enqueue_indirect_dma source(%dma_start3A_43 : memref<1000000xf32, #tpu.memory_space<hbm>>) target(%dma_start3A_39 : memref<128xf32, #tpu.memory_space<vmem>>) offsets(%dma_start3A_41 : memref<128xi32, #tpu.memory_space<vmem>>) semaphore(%arg16 : memref<!tpu.dma_semaphore, #tpu.memory_space<semaphore_mem>>)
    %dma_start3A_44 = arith.constant 384 : i32
    %dma_start3A_45 = tpu.memref_slice %arg14[%dma_start3A_44] : memref<512xf32, #tpu.memory_space<vmem>> -> memref<128xf32, #tpu.memory_space<vmem>>
    %dma_start3A_46 = arith.constant 384 : i32
    %dma_start3A_47 = tpu.memref_slice %arg10[%dma_start3A_46] : memref<512xi32, #tpu.memory_space<vmem>> -> memref<128xi32, #tpu.memory_space<vmem>>
    %dma_start3A_48 = arith.constant 0 : i32
    %dma_start3A_49 = tpu.memref_slice %arg7[%dma_start3A_48] : memref<1000000xf32, #tpu.memory_space<hbm>> -> memref<1000000xf32, #tpu.memory_space<hbm>>
    tpu.enqueue_indirect_dma source(%dma_start3A_49 : memref<1000000xf32, #tpu.memory_space<hbm>>) target(%dma_start3A_45 : memref<128xf32, #tpu.memory_space<vmem>>) offsets(%dma_start3A_47 : memref<128xi32, #tpu.memory_space<vmem>>) semaphore(%arg16 : memref<!tpu.dma_semaphore, #tpu.memory_space<semaphore_mem>>)
    %dma_wait3A = arith.constant 0 : i32
    %dma_wait3A_50 = tpu.memref_slice %arg13[%dma_wait3A] : memref<512xf32, #tpu.memory_space<vmem>> -> memref<128xf32, #tpu.memory_space<vmem>>
    %dma_wait3A_51 = arith.constant 0 : i32
    %dma_wait3A_52 = tpu.memref_slice %arg9[%dma_wait3A_51] : memref<512xi32, #tpu.memory_space<vmem>> -> memref<128xi32, #tpu.memory_space<vmem>>
    %dma_wait3A_53 = arith.constant 0 : i32
    %dma_wait3A_54 = tpu.memref_slice %arg6[%dma_wait3A_53] : memref<1000000xf32, #tpu.memory_space<hbm>> -> memref<1000000xf32, #tpu.memory_space<hbm>>
    tpu.wait_indirect_dma semaphore(%arg16 : memref<!tpu.dma_semaphore, #tpu.memory_space<semaphore_mem>>) src(%dma_wait3A_54 : memref<1000000xf32, #tpu.memory_space<hbm>>) dst(%dma_wait3A_50 : memref<128xf32, #tpu.memory_space<vmem>>)
    %dma_wait3A_55 = arith.constant 0 : i32
    %dma_wait3A_56 = tpu.memref_slice %arg14[%dma_wait3A_55] : memref<512xf32, #tpu.memory_space<vmem>> -> memref<128xf32, #tpu.memory_space<vmem>>
    %dma_wait3A_57 = arith.constant 0 : i32
    %dma_wait3A_58 = tpu.memref_slice %arg10[%dma_wait3A_57] : memref<512xi32, #tpu.memory_space<vmem>> -> memref<128xi32, #tpu.memory_space<vmem>>
    %dma_wait3A_59 = arith.constant 0 : i32
    %dma_wait3A_60 = tpu.memref_slice %arg7[%dma_wait3A_59] : memref<1000000xf32, #tpu.memory_space<hbm>> -> memref<1000000xf32, #tpu.memory_space<hbm>>
    tpu.wait_indirect_dma semaphore(%arg16 : memref<!tpu.dma_semaphore, #tpu.memory_space<semaphore_mem>>) src(%dma_wait3A_60 : memref<1000000xf32, #tpu.memory_space<hbm>>) dst(%dma_wait3A_56 : memref<128xf32, #tpu.memory_space<vmem>>)
    %dma_wait3A_61 = arith.constant 128 : i32
    %dma_wait3A_62 = tpu.memref_slice %arg13[%dma_wait3A_61] : memref<512xf32, #tpu.memory_space<vmem>> -> memref<128xf32, #tpu.memory_space<vmem>>
    %dma_wait3A_63 = arith.constant 128 : i32
    %dma_wait3A_64 = tpu.memref_slice %arg9[%dma_wait3A_63] : memref<512xi32, #tpu.memory_space<vmem>> -> memref<128xi32, #tpu.memory_space<vmem>>
    %dma_wait3A_65 = arith.constant 0 : i32
    %dma_wait3A_66 = tpu.memref_slice %arg6[%dma_wait3A_65] : memref<1000000xf32, #tpu.memory_space<hbm>> -> memref<1000000xf32, #tpu.memory_space<hbm>>
    tpu.wait_indirect_dma semaphore(%arg16 : memref<!tpu.dma_semaphore, #tpu.memory_space<semaphore_mem>>) src(%dma_wait3A_66 : memref<1000000xf32, #tpu.memory_space<hbm>>) dst(%dma_wait3A_62 : memref<128xf32, #tpu.memory_space<vmem>>)
    %dma_wait3A_67 = arith.constant 128 : i32
    %dma_wait3A_68 = tpu.memref_slice %arg14[%dma_wait3A_67] : memref<512xf32, #tpu.memory_space<vmem>> -> memref<128xf32, #tpu.memory_space<vmem>>
    %dma_wait3A_69 = arith.constant 128 : i32
    %dma_wait3A_70 = tpu.memref_slice %arg10[%dma_wait3A_69] : memref<512xi32, #tpu.memory_space<vmem>> -> memref<128xi32, #tpu.memory_space<vmem>>
    %dma_wait3A_71 = arith.constant 0 : i32
    %dma_wait3A_72 = tpu.memref_slice %arg7[%dma_wait3A_71] : memref<1000000xf32, #tpu.memory_space<hbm>> -> memref<1000000xf32, #tpu.memory_space<hbm>>
    tpu.wait_indirect_dma semaphore(%arg16 : memref<!tpu.dma_semaphore, #tpu.memory_space<semaphore_mem>>) src(%dma_wait3A_72 : memref<1000000xf32, #tpu.memory_space<hbm>>) dst(%dma_wait3A_68 : memref<128xf32, #tpu.memory_space<vmem>>)
    %dma_wait3A_73 = arith.constant 256 : i32
    %dma_wait3A_74 = tpu.memref_slice %arg13[%dma_wait3A_73] : memref<512xf32, #tpu.memory_space<vmem>> -> memref<128xf32, #tpu.memory_space<vmem>>
    %dma_wait3A_75 = arith.constant 256 : i32
    %dma_wait3A_76 = tpu.memref_slice %arg9[%dma_wait3A_75] : memref<512xi32, #tpu.memory_space<vmem>> -> memref<128xi32, #tpu.memory_space<vmem>>
    %dma_wait3A_77 = arith.constant 0 : i32
    %dma_wait3A_78 = tpu.memref_slice %arg6[%dma_wait3A_77] : memref<1000000xf32, #tpu.memory_space<hbm>> -> memref<1000000xf32, #tpu.memory_space<hbm>>
    tpu.wait_indirect_dma semaphore(%arg16 : memref<!tpu.dma_semaphore, #tpu.memory_space<semaphore_mem>>) src(%dma_wait3A_78 : memref<1000000xf32, #tpu.memory_space<hbm>>) dst(%dma_wait3A_74 : memref<128xf32, #tpu.memory_space<vmem>>)
    %dma_wait3A_79 = arith.constant 256 : i32
    %dma_wait3A_80 = tpu.memref_slice %arg14[%dma_wait3A_79] : memref<512xf32, #tpu.memory_space<vmem>> -> memref<128xf32, #tpu.memory_space<vmem>>
    %dma_wait3A_81 = arith.constant 256 : i32
    %dma_wait3A_82 = tpu.memref_slice %arg10[%dma_wait3A_81] : memref<512xi32, #tpu.memory_space<vmem>> -> memref<128xi32, #tpu.memory_space<vmem>>
    %dma_wait3A_83 = arith.constant 0 : i32
    %dma_wait3A_84 = tpu.memref_slice %arg7[%dma_wait3A_83] : memref<1000000xf32, #tpu.memory_space<hbm>> -> memref<1000000xf32, #tpu.memory_space<hbm>>
    tpu.wait_indirect_dma semaphore(%arg16 : memref<!tpu.dma_semaphore, #tpu.memory_space<semaphore_mem>>) src(%dma_wait3A_84 : memref<1000000xf32, #tpu.memory_space<hbm>>) dst(%dma_wait3A_80 : memref<128xf32, #tpu.memory_space<vmem>>)
    %dma_wait3A_85 = arith.constant 384 : i32
    %dma_wait3A_86 = tpu.memref_slice %arg13[%dma_wait3A_85] : memref<512xf32, #tpu.memory_space<vmem>> -> memref<128xf32, #tpu.memory_space<vmem>>
    %dma_wait3A_87 = arith.constant 384 : i32
    %dma_wait3A_88 = tpu.memref_slice %arg9[%dma_wait3A_87] : memref<512xi32, #tpu.memory_space<vmem>> -> memref<128xi32, #tpu.memory_space<vmem>>
    %dma_wait3A_89 = arith.constant 0 : i32
    %dma_wait3A_90 = tpu.memref_slice %arg6[%dma_wait3A_89] : memref<1000000xf32, #tpu.memory_space<hbm>> -> memref<1000000xf32, #tpu.memory_space<hbm>>
    tpu.wait_indirect_dma semaphore(%arg16 : memref<!tpu.dma_semaphore, #tpu.memory_space<semaphore_mem>>) src(%dma_wait3A_90 : memref<1000000xf32, #tpu.memory_space<hbm>>) dst(%dma_wait3A_86 : memref<128xf32, #tpu.memory_space<vmem>>)
    %dma_wait3A_91 = arith.constant 384 : i32
    %dma_wait3A_92 = tpu.memref_slice %arg14[%dma_wait3A_91] : memref<512xf32, #tpu.memory_space<vmem>> -> memref<128xf32, #tpu.memory_space<vmem>>
    %dma_wait3A_93 = arith.constant 384 : i32
    %dma_wait3A_94 = tpu.memref_slice %arg10[%dma_wait3A_93] : memref<512xi32, #tpu.memory_space<vmem>> -> memref<128xi32, #tpu.memory_space<vmem>>
    %dma_wait3A_95 = arith.constant 0 : i32
    %dma_wait3A_96 = tpu.memref_slice %arg7[%dma_wait3A_95] : memref<1000000xf32, #tpu.memory_space<hbm>> -> memref<1000000xf32, #tpu.memory_space<hbm>>
    tpu.wait_indirect_dma semaphore(%arg16 : memref<!tpu.dma_semaphore, #tpu.memory_space<semaphore_mem>>) src(%dma_wait3A_96 : memref<1000000xf32, #tpu.memory_space<hbm>>) dst(%dma_wait3A_92 : memref<128xf32, #tpu.memory_space<vmem>>)
    %iota3A = tpu.iota {dimensions = array<i32: 0>} : vector<16xi32>
    %scan3A = arith.constant 0 : i32
    %scan3A_97 = arith.constant 0 : i32
    %scan3A_98 = arith.constant 2 : i32
    %scan3A_99 = arith.addi %scan3A_97, %scan3A_98 : i32
    %scan3A_100 = arith.constant 1 : i32
    %scan3A_101 = scf.for %scan3A_103 = %scan3A_97 to %scan3A_99 step %scan3A_100 iter_args(%scan3A_104 = %scan3A) -> (i32)  : i32 {
      %mul3A_105 = arith.constant 256 : i32
      %mul3A_106 = arith.muli %scan3A_103, %mul3A_105 : i32
      %add3A_107 = arith.addi %mul3A_2, %mul3A_106 : i32
      "tpu.region"() ({
        %run_scoped3A = tpu.sem_alloc : memref<!tpu.dma_semaphore, #tpu.memory_space<semaphore_mem>>
        %dma_start3A_118 = arith.constant 0 : i32
        %dma_start3A_119 = tpu.memref_slice %arg4[%add3A_107, %dma_start3A_118] : memref<16400x128xf32, #tpu.memory_space<hbm>> -> memref<256x128xf32, #tpu.memory_space<hbm>>
        %dma_start3A_120 = arith.constant 0 : i32
        %dma_start3A_121 = tpu.memref_slice %arg4[%add3A_107, %dma_start3A_120] : memref<16400x128xf32, #tpu.memory_space<hbm>> -> memref<256x128xf32, #tpu.memory_space<hbm>>
        tpu.enqueue_dma source(%dma_start3A_121 : memref<256x128xf32, #tpu.memory_space<hbm>>) target(%arg11 : memref<256x128xf32, #tpu.memory_space<vmem>>) target_semaphore(%run_scoped3A : memref<!tpu.dma_semaphore, #tpu.memory_space<semaphore_mem>>)
        %dma_wait3A_122 = arith.constant 0 : i32
        %dma_wait3A_123 = tpu.memref_slice %arg4[%add3A_107, %dma_wait3A_122] : memref<16400x128xf32, #tpu.memory_space<hbm>> -> memref<256x128xf32, #tpu.memory_space<hbm>>
        %dma_wait3A_124 = arith.constant 0 : i32
        %dma_wait3A_125 = tpu.memref_slice %arg4[%add3A_107, %dma_wait3A_124] : memref<16400x128xf32, #tpu.memory_space<hbm>> -> memref<256x128xf32, #tpu.memory_space<hbm>>
        tpu.wait_dma2 semaphore(%run_scoped3A : memref<!tpu.dma_semaphore, #tpu.memory_space<semaphore_mem>>) src(%dma_wait3A_125 : memref<256x128xf32, #tpu.memory_space<hbm>>) dst(%arg11 : memref<256x128xf32, #tpu.memory_space<vmem>>)
        tpu.yield
      }) : () -> ()
      %mul3A_108 = arith.constant 256 : i32
      %mul3A_109 = arith.muli %scan3A_103, %mul3A_108 : i32
      %add3A_110 = arith.addi %mul3A_2, %mul3A_109 : i32
      "tpu.region"() ({
        %run_scoped3A = tpu.sem_alloc : memref<!tpu.dma_semaphore, #tpu.memory_space<semaphore_mem>>
        %dma_start3A_118 = arith.constant 0 : i32
        %dma_start3A_119 = tpu.memref_slice %arg5[%add3A_110, %dma_start3A_118] : memref<16400x128xf32, #tpu.memory_space<hbm>> -> memref<256x128xf32, #tpu.memory_space<hbm>>
        %dma_start3A_120 = arith.constant 0 : i32
        %dma_start3A_121 = tpu.memref_slice %arg5[%add3A_110, %dma_start3A_120] : memref<16400x128xf32, #tpu.memory_space<hbm>> -> memref<256x128xf32, #tpu.memory_space<hbm>>
        tpu.enqueue_dma source(%dma_start3A_121 : memref<256x128xf32, #tpu.memory_space<hbm>>) target(%arg12 : memref<256x128xf32, #tpu.memory_space<vmem>>) target_semaphore(%run_scoped3A : memref<!tpu.dma_semaphore, #tpu.memory_space<semaphore_mem>>)
        %dma_wait3A_122 = arith.constant 0 : i32
        %dma_wait3A_123 = tpu.memref_slice %arg5[%add3A_110, %dma_wait3A_122] : memref<16400x128xf32, #tpu.memory_space<hbm>> -> memref<256x128xf32, #tpu.memory_space<hbm>>
        %dma_wait3A_124 = arith.constant 0 : i32
        %dma_wait3A_125 = tpu.memref_slice %arg5[%add3A_110, %dma_wait3A_124] : memref<16400x128xf32, #tpu.memory_space<hbm>> -> memref<256x128xf32, #tpu.memory_space<hbm>>
        tpu.wait_dma2 semaphore(%run_scoped3A : memref<!tpu.dma_semaphore, #tpu.memory_space<semaphore_mem>>) src(%dma_wait3A_125 : memref<256x128xf32, #tpu.memory_space<hbm>>) dst(%arg12 : memref<256x128xf32, #tpu.memory_space<vmem>>)
        tpu.yield
      }) : () -> ()
      %scan3A_111 = arith.constant 0 : i32
      %scan3A_112 = arith.constant 0 : i32
      %scan3A_113 = arith.constant 16 : i32
      %scan3A_114 = arith.addi %scan3A_112, %scan3A_113 : i32
      %scan3A_115 = arith.constant 1 : i32
      scf.for %scan3A_118 = %scan3A_112 to %scan3A_114 step %scan3A_115  : i32 {
        %mul3A_119 = arith.constant 16 : i32
        %mul3A_120 = arith.muli %scan3A_118, %mul3A_119 : i32
        %broadcast_in_dim3A = vector.broadcast %mul3A_120 : i32 to vector<16xi32>
        %add3A_121 = arith.addi %broadcast_in_dim3A, %iota3A : vector<16xi32>
        %mul3A_122 = arith.constant 256 : i32
        %mul3A_123 = arith.muli %scan3A_103, %mul3A_122 : i32
        %mul3A_124 = arith.constant 16 : i32
        %mul3A_125 = arith.muli %scan3A_118, %mul3A_124 : i32
        %add3A_126 = arith.addi %mul3A_123, %mul3A_125 : i32
        %get3A = arith.index_cast %add3A_126 : i32 to index
        %get3A_127 = tpu.vector_load %arg13[%get3A] {strides = array<i32>} : memref<512xf32, #tpu.memory_space<vmem>>, vector<16xf32>,
        %get3A_128 = arith.index_cast %add3A_126 : i32 to index
        %get3A_129 = tpu.vector_load %arg14[%get3A_128] {strides = array<i32>} : memref<512xf32, #tpu.memory_space<vmem>>, vector<16xf32>,
        %add3A_130 = arith.addf %get3A_127, %get3A_129 : vector<16xf32>
        %add3A_131 = arith.constant 3.500000e+00 : f32
        %add3A_132 = vector.broadcast %add3A_131 : f32 to vector<16xf32>
        %add3A_133 = arith.addf %add3A_130, %add3A_132 : vector<16xf32>
        %broadcast_in_dim3A_134 = arith.constant 0 : i32
        %broadcast_in_dim3A_135 = vector.broadcast %broadcast_in_dim3A_134 : i32 to vector<16xi32>
        %gather3A = tpu.vector_load_idx %arg11[%add3A_121, %broadcast_in_dim3A_135] : memref<256x128xf32, #tpu.memory_space<vmem>>[vector<16xi32>, vector<16xi32>], vector<16xf32>,
        %gather3A_136 = tpu.vector_load_idx %arg12[%add3A_121, %broadcast_in_dim3A_135] : memref<256x128xf32, #tpu.memory_space<vmem>>[vector<16xi32>, vector<16xi32>], vector<16xf32>,
        %mul3A_137 = arith.mulf %gather3A, %gather3A_136 : vector<16xf32>
        %add3A_138 = arith.addf %add3A_133, %mul3A_137 : vector<16xf32>
        %broadcast_in_dim3A_139 = arith.constant 1 : i32
        %broadcast_in_dim3A_140 = vector.broadcast %broadcast_in_dim3A_139 : i32 to vector<16xi32>
        %gather3A_141 = tpu.vector_load_idx %arg11[%add3A_121, %broadcast_in_dim3A_140] : memref<256x128xf32, #tpu.memory_space<vmem>>[vector<16xi32>, vector<16xi32>], vector<16xf32>,
        %gather3A_142 = tpu.vector_load_idx %arg12[%add3A_121, %broadcast_in_dim3A_140] : memref<256x128xf32, #tpu.memory_space<vmem>>[vector<16xi32>, vector<16xi32>], vector<16xf32>,
        %mul3A_143 = arith.mulf %gather3A_141, %gather3A_142 : vector<16xf32>
        %add3A_144 = arith.addf %add3A_138, %mul3A_143 : vector<16xf32>
        %broadcast_in_dim3A_145 = arith.constant 2 : i32
        %broadcast_in_dim3A_146 = vector.broadcast %broadcast_in_dim3A_145 : i32 to vector<16xi32>
        %gather3A_147 = tpu.vector_load_idx %arg11[%add3A_121, %broadcast_in_dim3A_146] : memref<256x128xf32, #tpu.memory_space<vmem>>[vector<16xi32>, vector<16xi32>], vector<16xf32>,
        %gather3A_148 = tpu.vector_load_idx %arg12[%add3A_121, %broadcast_in_dim3A_146] : memref<256x128xf32, #tpu.memory_space<vmem>>[vector<16xi32>, vector<16xi32>], vector<16xf32>,
        %mul3A_149 = arith.mulf %gather3A_147, %gather3A_148 : vector<16xf32>
        %add3A_150 = arith.addf %add3A_144, %mul3A_149 : vector<16xf32>
        %broadcast_in_dim3A_151 = arith.constant 3 : i32
        %broadcast_in_dim3A_152 = vector.broadcast %broadcast_in_dim3A_151 : i32 to vector<16xi32>
        %gather3A_153 = tpu.vector_load_idx %arg11[%add3A_121, %broadcast_in_dim3A_152] : memref<256x128xf32, #tpu.memory_space<vmem>>[vector<16xi32>, vector<16xi32>], vector<16xf32>,
        %gather3A_154 = tpu.vector_load_idx %arg12[%add3A_121, %broadcast_in_dim3A_152] : memref<256x128xf32, #tpu.memory_space<vmem>>[vector<16xi32>, vector<16xi32>], vector<16xf32>,
        %mul3A_155 = arith.mulf %gather3A_153, %gather3A_154 : vector<16xf32>
        %add3A_156 = arith.addf %add3A_150, %mul3A_155 : vector<16xf32>
        %broadcast_in_dim3A_157 = arith.constant 4 : i32
        %broadcast_in_dim3A_158 = vector.broadcast %broadcast_in_dim3A_157 : i32 to vector<16xi32>
        %gather3A_159 = tpu.vector_load_idx %arg11[%add3A_121, %broadcast_in_dim3A_158] : memref<256x128xf32, #tpu.memory_space<vmem>>[vector<16xi32>, vector<16xi32>], vector<16xf32>,
        %gather3A_160 = tpu.vector_load_idx %arg12[%add3A_121, %broadcast_in_dim3A_158] : memref<256x128xf32, #tpu.memory_space<vmem>>[vector<16xi32>, vector<16xi32>], vector<16xf32>,
        %mul3A_161 = arith.mulf %gather3A_159, %gather3A_160 : vector<16xf32>
        %add3A_162 = arith.addf %add3A_156, %mul3A_161 : vector<16xf32>
        %broadcast_in_dim3A_163 = arith.constant 5 : i32
        %broadcast_in_dim3A_164 = vector.broadcast %broadcast_in_dim3A_163 : i32 to vector<16xi32>
        %gather3A_165 = tpu.vector_load_idx %arg11[%add3A_121, %broadcast_in_dim3A_164] : memref<256x128xf32, #tpu.memory_space<vmem>>[vector<16xi32>, vector<16xi32>], vector<16xf32>,
        %gather3A_166 = tpu.vector_load_idx %arg12[%add3A_121, %broadcast_in_dim3A_164] : memref<256x128xf32, #tpu.memory_space<vmem>>[vector<16xi32>, vector<16xi32>], vector<16xf32>,
        %mul3A_167 = arith.mulf %gather3A_165, %gather3A_166 : vector<16xf32>
        %add3A_168 = arith.addf %add3A_162, %mul3A_167 : vector<16xf32>
        %broadcast_in_dim3A_169 = arith.constant 6 : i32
        %broadcast_in_dim3A_170 = vector.broadcast %broadcast_in_dim3A_169 : i32 to vector<16xi32>
        %gather3A_171 = tpu.vector_load_idx %arg11[%add3A_121, %broadcast_in_dim3A_170] : memref<256x128xf32, #tpu.memory_space<vmem>>[vector<16xi32>, vector<16xi32>], vector<16xf32>,
        %gather3A_172 = tpu.vector_load_idx %arg12[%add3A_121, %broadcast_in_dim3A_170] : memref<256x128xf32, #tpu.memory_space<vmem>>[vector<16xi32>, vector<16xi32>], vector<16xf32>,
        %mul3A_173 = arith.mulf %gather3A_171, %gather3A_172 : vector<16xf32>
        %add3A_174 = arith.addf %add3A_168, %mul3A_173 : vector<16xf32>
        %broadcast_in_dim3A_175 = arith.constant 7 : i32
        %broadcast_in_dim3A_176 = vector.broadcast %broadcast_in_dim3A_175 : i32 to vector<16xi32>
        %gather3A_177 = tpu.vector_load_idx %arg11[%add3A_121, %broadcast_in_dim3A_176] : memref<256x128xf32, #tpu.memory_space<vmem>>[vector<16xi32>, vector<16xi32>], vector<16xf32>,
        %gather3A_178 = tpu.vector_load_idx %arg12[%add3A_121, %broadcast_in_dim3A_176] : memref<256x128xf32, #tpu.memory_space<vmem>>[vector<16xi32>, vector<16xi32>], vector<16xf32>,
        %mul3A_179 = arith.mulf %gather3A_177, %gather3A_178 : vector<16xf32>
        %add3A_180 = arith.addf %add3A_174, %mul3A_179 : vector<16xf32>
        %broadcast_in_dim3A_181 = arith.constant 8 : i32
        %broadcast_in_dim3A_182 = vector.broadcast %broadcast_in_dim3A_181 : i32 to vector<16xi32>
        %gather3A_183 = tpu.vector_load_idx %arg11[%add3A_121, %broadcast_in_dim3A_182] : memref<256x128xf32, #tpu.memory_space<vmem>>[vector<16xi32>, vector<16xi32>], vector<16xf32>,
        %gather3A_184 = tpu.vector_load_idx %arg12[%add3A_121, %broadcast_in_dim3A_182] : memref<256x128xf32, #tpu.memory_space<vmem>>[vector<16xi32>, vector<16xi32>], vector<16xf32>,
        %mul3A_185 = arith.mulf %gather3A_183, %gather3A_184 : vector<16xf32>
        %add3A_186 = arith.addf %add3A_180, %mul3A_185 : vector<16xf32>
        %broadcast_in_dim3A_187 = arith.constant 9 : i32
        %broadcast_in_dim3A_188 = vector.broadcast %broadcast_in_dim3A_187 : i32 to vector<16xi32>
        %gather3A_189 = tpu.vector_load_idx %arg11[%add3A_121, %broadcast_in_dim3A_188] : memref<256x128xf32, #tpu.memory_space<vmem>>[vector<16xi32>, vector<16xi32>], vector<16xf32>,
        %gather3A_190 = tpu.vector_load_idx %arg12[%add3A_121, %broadcast_in_dim3A_188] : memref<256x128xf32, #tpu.memory_space<vmem>>[vector<16xi32>, vector<16xi32>], vector<16xf32>,
        %mul3A_191 = arith.mulf %gather3A_189, %gather3A_190 : vector<16xf32>
        %add3A_192 = arith.addf %add3A_186, %mul3A_191 : vector<16xf32>
        %broadcast_in_dim3A_193 = arith.constant 10 : i32
        %broadcast_in_dim3A_194 = vector.broadcast %broadcast_in_dim3A_193 : i32 to vector<16xi32>
        %gather3A_195 = tpu.vector_load_idx %arg11[%add3A_121, %broadcast_in_dim3A_194] : memref<256x128xf32, #tpu.memory_space<vmem>>[vector<16xi32>, vector<16xi32>], vector<16xf32>,
        %gather3A_196 = tpu.vector_load_idx %arg12[%add3A_121, %broadcast_in_dim3A_194] : memref<256x128xf32, #tpu.memory_space<vmem>>[vector<16xi32>, vector<16xi32>], vector<16xf32>,
        %mul3A_197 = arith.mulf %gather3A_195, %gather3A_196 : vector<16xf32>
        %add3A_198 = arith.addf %add3A_192, %mul3A_197 : vector<16xf32>
        %broadcast_in_dim3A_199 = arith.constant 11 : i32
        %broadcast_in_dim3A_200 = vector.broadcast %broadcast_in_dim3A_199 : i32 to vector<16xi32>
        %gather3A_201 = tpu.vector_load_idx %arg11[%add3A_121, %broadcast_in_dim3A_200] : memref<256x128xf32, #tpu.memory_space<vmem>>[vector<16xi32>, vector<16xi32>], vector<16xf32>,
        %gather3A_202 = tpu.vector_load_idx %arg12[%add3A_121, %broadcast_in_dim3A_200] : memref<256x128xf32, #tpu.memory_space<vmem>>[vector<16xi32>, vector<16xi32>], vector<16xf32>,
        %mul3A_203 = arith.mulf %gather3A_201, %gather3A_202 : vector<16xf32>
        %add3A_204 = arith.addf %add3A_198, %mul3A_203 : vector<16xf32>
        %broadcast_in_dim3A_205 = arith.constant 12 : i32
        %broadcast_in_dim3A_206 = vector.broadcast %broadcast_in_dim3A_205 : i32 to vector<16xi32>
        %gather3A_207 = tpu.vector_load_idx %arg11[%add3A_121, %broadcast_in_dim3A_206] : memref<256x128xf32, #tpu.memory_space<vmem>>[vector<16xi32>, vector<16xi32>], vector<16xf32>,
        %gather3A_208 = tpu.vector_load_idx %arg12[%add3A_121, %broadcast_in_dim3A_206] : memref<256x128xf32, #tpu.memory_space<vmem>>[vector<16xi32>, vector<16xi32>], vector<16xf32>,
        %mul3A_209 = arith.mulf %gather3A_207, %gather3A_208 : vector<16xf32>
        %add3A_210 = arith.addf %add3A_204, %mul3A_209 : vector<16xf32>
        %broadcast_in_dim3A_211 = arith.constant 13 : i32
        %broadcast_in_dim3A_212 = vector.broadcast %broadcast_in_dim3A_211 : i32 to vector<16xi32>
        %gather3A_213 = tpu.vector_load_idx %arg11[%add3A_121, %broadcast_in_dim3A_212] : memref<256x128xf32, #tpu.memory_space<vmem>>[vector<16xi32>, vector<16xi32>], vector<16xf32>,
        %gather3A_214 = tpu.vector_load_idx %arg12[%add3A_121, %broadcast_in_dim3A_212] : memref<256x128xf32, #tpu.memory_space<vmem>>[vector<16xi32>, vector<16xi32>], vector<16xf32>,
        %mul3A_215 = arith.mulf %gather3A_213, %gather3A_214 : vector<16xf32>
        %add3A_216 = arith.addf %add3A_210, %mul3A_215 : vector<16xf32>
        %broadcast_in_dim3A_217 = arith.constant 14 : i32
        %broadcast_in_dim3A_218 = vector.broadcast %broadcast_in_dim3A_217 : i32 to vector<16xi32>
        %gather3A_219 = tpu.vector_load_idx %arg11[%add3A_121, %broadcast_in_dim3A_218] : memref<256x128xf32, #tpu.memory_space<vmem>>[vector<16xi32>, vector<16xi32>], vector<16xf32>,
        %gather3A_220 = tpu.vector_load_idx %arg12[%add3A_121, %broadcast_in_dim3A_218] : memref<256x128xf32, #tpu.memory_space<vmem>>[vector<16xi32>, vector<16xi32>], vector<16xf32>,
        %mul3A_221 = arith.mulf %gather3A_219, %gather3A_220 : vector<16xf32>
        %add3A_222 = arith.addf %add3A_216, %mul3A_221 : vector<16xf32>
        %broadcast_in_dim3A_223 = arith.constant 15 : i32
        %broadcast_in_dim3A_224 = vector.broadcast %broadcast_in_dim3A_223 : i32 to vector<16xi32>
        %gather3A_225 = tpu.vector_load_idx %arg11[%add3A_121, %broadcast_in_dim3A_224] : memref<256x128xf32, #tpu.memory_space<vmem>>[vector<16xi32>, vector<16xi32>], vector<16xf32>,
        %gather3A_226 = tpu.vector_load_idx %arg12[%add3A_121, %broadcast_in_dim3A_224] : memref<256x128xf32, #tpu.memory_space<vmem>>[vector<16xi32>, vector<16xi32>], vector<16xf32>,
        %mul3A_227 = arith.mulf %gather3A_225, %gather3A_226 : vector<16xf32>
        %add3A_228 = arith.addf %add3A_222, %mul3A_227 : vector<16xf32>
        %broadcast_in_dim3A_229 = arith.constant 16 : i32
        %broadcast_in_dim3A_230 = vector.broadcast %broadcast_in_dim3A_229 : i32 to vector<16xi32>
        %gather3A_231 = tpu.vector_load_idx %arg11[%add3A_121, %broadcast_in_dim3A_230] : memref<256x128xf32, #tpu.memory_space<vmem>>[vector<16xi32>, vector<16xi32>], vector<16xf32>,
        %gather3A_232 = tpu.vector_load_idx %arg12[%add3A_121, %broadcast_in_dim3A_230] : memref<256x128xf32, #tpu.memory_space<vmem>>[vector<16xi32>, vector<16xi32>], vector<16xf32>,
        %mul3A_233 = arith.mulf %gather3A_231, %gather3A_232 : vector<16xf32>
        %add3A_234 = arith.addf %add3A_228, %mul3A_233 : vector<16xf32>
        %broadcast_in_dim3A_235 = arith.constant 17 : i32
        %broadcast_in_dim3A_236 = vector.broadcast %broadcast_in_dim3A_235 : i32 to vector<16xi32>
        %gather3A_237 = tpu.vector_load_idx %arg11[%add3A_121, %broadcast_in_dim3A_236] : memref<256x128xf32, #tpu.memory_space<vmem>>[vector<16xi32>, vector<16xi32>], vector<16xf32>,
        %gather3A_238 = tpu.vector_load_idx %arg12[%add3A_121, %broadcast_in_dim3A_236] : memref<256x128xf32, #tpu.memory_space<vmem>>[vector<16xi32>, vector<16xi32>], vector<16xf32>,
        %mul3A_239 = arith.mulf %gather3A_237, %gather3A_238 : vector<16xf32>
        %add3A_240 = arith.addf %add3A_234, %mul3A_239 : vector<16xf32>
        %broadcast_in_dim3A_241 = arith.constant 18 : i32
        %broadcast_in_dim3A_242 = vector.broadcast %broadcast_in_dim3A_241 : i32 to vector<16xi32>
        %gather3A_243 = tpu.vector_load_idx %arg11[%add3A_121, %broadcast_in_dim3A_242] : memref<256x128xf32, #tpu.memory_space<vmem>>[vector<16xi32>, vector<16xi32>], vector<16xf32>,
        %gather3A_244 = tpu.vector_load_idx %arg12[%add3A_121, %broadcast_in_dim3A_242] : memref<256x128xf32, #tpu.memory_space<vmem>>[vector<16xi32>, vector<16xi32>], vector<16xf32>,
        %mul3A_245 = arith.mulf %gather3A_243, %gather3A_244 : vector<16xf32>
        %add3A_246 = arith.addf %add3A_240, %mul3A_245 : vector<16xf32>
        %broadcast_in_dim3A_247 = arith.constant 19 : i32
        %broadcast_in_dim3A_248 = vector.broadcast %broadcast_in_dim3A_247 : i32 to vector<16xi32>
        %gather3A_249 = tpu.vector_load_idx %arg11[%add3A_121, %broadcast_in_dim3A_248] : memref<256x128xf32, #tpu.memory_space<vmem>>[vector<16xi32>, vector<16xi32>], vector<16xf32>,
        %gather3A_250 = tpu.vector_load_idx %arg12[%add3A_121, %broadcast_in_dim3A_248] : memref<256x128xf32, #tpu.memory_space<vmem>>[vector<16xi32>, vector<16xi32>], vector<16xf32>,
        %mul3A_251 = arith.mulf %gather3A_249, %gather3A_250 : vector<16xf32>
        %add3A_252 = arith.addf %add3A_246, %mul3A_251 : vector<16xf32>
        %broadcast_in_dim3A_253 = arith.constant 20 : i32
        %broadcast_in_dim3A_254 = vector.broadcast %broadcast_in_dim3A_253 : i32 to vector<16xi32>
        %gather3A_255 = tpu.vector_load_idx %arg11[%add3A_121, %broadcast_in_dim3A_254] : memref<256x128xf32, #tpu.memory_space<vmem>>[vector<16xi32>, vector<16xi32>], vector<16xf32>,
        %gather3A_256 = tpu.vector_load_idx %arg12[%add3A_121, %broadcast_in_dim3A_254] : memref<256x128xf32, #tpu.memory_space<vmem>>[vector<16xi32>, vector<16xi32>], vector<16xf32>,
        %mul3A_257 = arith.mulf %gather3A_255, %gather3A_256 : vector<16xf32>
        %add3A_258 = arith.addf %add3A_252, %mul3A_257 : vector<16xf32>
        %broadcast_in_dim3A_259 = arith.constant 21 : i32
        %broadcast_in_dim3A_260 = vector.broadcast %broadcast_in_dim3A_259 : i32 to vector<16xi32>
        %gather3A_261 = tpu.vector_load_idx %arg11[%add3A_121, %broadcast_in_dim3A_260] : memref<256x128xf32, #tpu.memory_space<vmem>>[vector<16xi32>, vector<16xi32>], vector<16xf32>,
        %gather3A_262 = tpu.vector_load_idx %arg12[%add3A_121, %broadcast_in_dim3A_260] : memref<256x128xf32, #tpu.memory_space<vmem>>[vector<16xi32>, vector<16xi32>], vector<16xf32>,
        %mul3A_263 = arith.mulf %gather3A_261, %gather3A_262 : vector<16xf32>
        %add3A_264 = arith.addf %add3A_258, %mul3A_263 : vector<16xf32>
        %broadcast_in_dim3A_265 = arith.constant 22 : i32
        %broadcast_in_dim3A_266 = vector.broadcast %broadcast_in_dim3A_265 : i32 to vector<16xi32>
        %gather3A_267 = tpu.vector_load_idx %arg11[%add3A_121, %broadcast_in_dim3A_266] : memref<256x128xf32, #tpu.memory_space<vmem>>[vector<16xi32>, vector<16xi32>], vector<16xf32>,
        %gather3A_268 = tpu.vector_load_idx %arg12[%add3A_121, %broadcast_in_dim3A_266] : memref<256x128xf32, #tpu.memory_space<vmem>>[vector<16xi32>, vector<16xi32>], vector<16xf32>,
        %mul3A_269 = arith.mulf %gather3A_267, %gather3A_268 : vector<16xf32>
        %add3A_270 = arith.addf %add3A_264, %mul3A_269 : vector<16xf32>
        %broadcast_in_dim3A_271 = arith.constant 23 : i32
        %broadcast_in_dim3A_272 = vector.broadcast %broadcast_in_dim3A_271 : i32 to vector<16xi32>
        %gather3A_273 = tpu.vector_load_idx %arg11[%add3A_121, %broadcast_in_dim3A_272] : memref<256x128xf32, #tpu.memory_space<vmem>>[vector<16xi32>, vector<16xi32>], vector<16xf32>,
        %gather3A_274 = tpu.vector_load_idx %arg12[%add3A_121, %broadcast_in_dim3A_272] : memref<256x128xf32, #tpu.memory_space<vmem>>[vector<16xi32>, vector<16xi32>], vector<16xf32>,
        %mul3A_275 = arith.mulf %gather3A_273, %gather3A_274 : vector<16xf32>
        %add3A_276 = arith.addf %add3A_270, %mul3A_275 : vector<16xf32>
        %broadcast_in_dim3A_277 = arith.constant 24 : i32
        %broadcast_in_dim3A_278 = vector.broadcast %broadcast_in_dim3A_277 : i32 to vector<16xi32>
        %gather3A_279 = tpu.vector_load_idx %arg11[%add3A_121, %broadcast_in_dim3A_278] : memref<256x128xf32, #tpu.memory_space<vmem>>[vector<16xi32>, vector<16xi32>], vector<16xf32>,
        %gather3A_280 = tpu.vector_load_idx %arg12[%add3A_121, %broadcast_in_dim3A_278] : memref<256x128xf32, #tpu.memory_space<vmem>>[vector<16xi32>, vector<16xi32>], vector<16xf32>,
        %mul3A_281 = arith.mulf %gather3A_279, %gather3A_280 : vector<16xf32>
        %add3A_282 = arith.addf %add3A_276, %mul3A_281 : vector<16xf32>
        %broadcast_in_dim3A_283 = arith.constant 25 : i32
        %broadcast_in_dim3A_284 = vector.broadcast %broadcast_in_dim3A_283 : i32 to vector<16xi32>
        %gather3A_285 = tpu.vector_load_idx %arg11[%add3A_121, %broadcast_in_dim3A_284] : memref<256x128xf32, #tpu.memory_space<vmem>>[vector<16xi32>, vector<16xi32>], vector<16xf32>,
        %gather3A_286 = tpu.vector_load_idx %arg12[%add3A_121, %broadcast_in_dim3A_284] : memref<256x128xf32, #tpu.memory_space<vmem>>[vector<16xi32>, vector<16xi32>], vector<16xf32>,
        %mul3A_287 = arith.mulf %gather3A_285, %gather3A_286 : vector<16xf32>
        %add3A_288 = arith.addf %add3A_282, %mul3A_287 : vector<16xf32>
        %broadcast_in_dim3A_289 = arith.constant 26 : i32
        %broadcast_in_dim3A_290 = vector.broadcast %broadcast_in_dim3A_289 : i32 to vector<16xi32>
        %gather3A_291 = tpu.vector_load_idx %arg11[%add3A_121, %broadcast_in_dim3A_290] : memref<256x128xf32, #tpu.memory_space<vmem>>[vector<16xi32>, vector<16xi32>], vector<16xf32>,
        %gather3A_292 = tpu.vector_load_idx %arg12[%add3A_121, %broadcast_in_dim3A_290] : memref<256x128xf32, #tpu.memory_space<vmem>>[vector<16xi32>, vector<16xi32>], vector<16xf32>,
        %mul3A_293 = arith.mulf %gather3A_291, %gather3A_292 : vector<16xf32>
        %add3A_294 = arith.addf %add3A_288, %mul3A_293 : vector<16xf32>
        %broadcast_in_dim3A_295 = arith.constant 27 : i32
        %broadcast_in_dim3A_296 = vector.broadcast %broadcast_in_dim3A_295 : i32 to vector<16xi32>
        %gather3A_297 = tpu.vector_load_idx %arg11[%add3A_121, %broadcast_in_dim3A_296] : memref<256x128xf32, #tpu.memory_space<vmem>>[vector<16xi32>, vector<16xi32>], vector<16xf32>,
        %gather3A_298 = tpu.vector_load_idx %arg12[%add3A_121, %broadcast_in_dim3A_296] : memref<256x128xf32, #tpu.memory_space<vmem>>[vector<16xi32>, vector<16xi32>], vector<16xf32>,
        %mul3A_299 = arith.mulf %gather3A_297, %gather3A_298 : vector<16xf32>
        %add3A_300 = arith.addf %add3A_294, %mul3A_299 : vector<16xf32>
        %broadcast_in_dim3A_301 = arith.constant 28 : i32
        %broadcast_in_dim3A_302 = vector.broadcast %broadcast_in_dim3A_301 : i32 to vector<16xi32>
        %gather3A_303 = tpu.vector_load_idx %arg11[%add3A_121, %broadcast_in_dim3A_302] : memref<256x128xf32, #tpu.memory_space<vmem>>[vector<16xi32>, vector<16xi32>], vector<16xf32>,
        %gather3A_304 = tpu.vector_load_idx %arg12[%add3A_121, %broadcast_in_dim3A_302] : memref<256x128xf32, #tpu.memory_space<vmem>>[vector<16xi32>, vector<16xi32>], vector<16xf32>,
        %mul3A_305 = arith.mulf %gather3A_303, %gather3A_304 : vector<16xf32>
        %add3A_306 = arith.addf %add3A_300, %mul3A_305 : vector<16xf32>
        %broadcast_in_dim3A_307 = arith.constant 29 : i32
        %broadcast_in_dim3A_308 = vector.broadcast %broadcast_in_dim3A_307 : i32 to vector<16xi32>
        %gather3A_309 = tpu.vector_load_idx %arg11[%add3A_121, %broadcast_in_dim3A_308] : memref<256x128xf32, #tpu.memory_space<vmem>>[vector<16xi32>, vector<16xi32>], vector<16xf32>,
        %gather3A_310 = tpu.vector_load_idx %arg12[%add3A_121, %broadcast_in_dim3A_308] : memref<256x128xf32, #tpu.memory_space<vmem>>[vector<16xi32>, vector<16xi32>], vector<16xf32>,
        %mul3A_311 = arith.mulf %gather3A_309, %gather3A_310 : vector<16xf32>
        %add3A_312 = arith.addf %add3A_306, %mul3A_311 : vector<16xf32>
        %broadcast_in_dim3A_313 = arith.constant 30 : i32
        %broadcast_in_dim3A_314 = vector.broadcast %broadcast_in_dim3A_313 : i32 to vector<16xi32>
        %gather3A_315 = tpu.vector_load_idx %arg11[%add3A_121, %broadcast_in_dim3A_314] : memref<256x128xf32, #tpu.memory_space<vmem>>[vector<16xi32>, vector<16xi32>], vector<16xf32>,
        %gather3A_316 = tpu.vector_load_idx %arg12[%add3A_121, %broadcast_in_dim3A_314] : memref<256x128xf32, #tpu.memory_space<vmem>>[vector<16xi32>, vector<16xi32>], vector<16xf32>,
        %mul3A_317 = arith.mulf %gather3A_315, %gather3A_316 : vector<16xf32>
        %add3A_318 = arith.addf %add3A_312, %mul3A_317 : vector<16xf32>
        %broadcast_in_dim3A_319 = arith.constant 31 : i32
        %broadcast_in_dim3A_320 = vector.broadcast %broadcast_in_dim3A_319 : i32 to vector<16xi32>
        %gather3A_321 = tpu.vector_load_idx %arg11[%add3A_121, %broadcast_in_dim3A_320] : memref<256x128xf32, #tpu.memory_space<vmem>>[vector<16xi32>, vector<16xi32>], vector<16xf32>,
        %gather3A_322 = tpu.vector_load_idx %arg12[%add3A_121, %broadcast_in_dim3A_320] : memref<256x128xf32, #tpu.memory_space<vmem>>[vector<16xi32>, vector<16xi32>], vector<16xf32>,
        %mul3A_323 = arith.mulf %gather3A_321, %gather3A_322 : vector<16xf32>
        %add3A_324 = arith.addf %add3A_318, %mul3A_323 : vector<16xf32>
        %swap3A = arith.index_cast %add3A_126 : i32 to index
        %swap3A_325 = tpu.vector_load %arg15[%swap3A] {strides = array<i32>} : memref<512xf32, #tpu.memory_space<vmem>>, vector<16xf32>,
        tpu.vector_store %arg15[%swap3A], %add3A_324 {strides = array<i32>} : memref<512xf32, #tpu.memory_space<vmem>>, vector<16xf32>,
      }
      %scan3A_116 = arith.constant 16 : i32
      %scan3A_117 = arith.constant 0 : i32
      scf.yield %scan3A_117 : i32
    }
    %scan3A_102 = arith.constant 2 : i32
    "tpu.region"() ({
      %run_scoped3A = tpu.sem_alloc : memref<!tpu.dma_semaphore, #tpu.memory_space<semaphore_mem>>
      %dma_start3A_103 = tpu.memref_slice %arg8[%mul3A_2] : memref<16384xf32, #tpu.memory_space<hbm>> -> memref<512xf32, #tpu.memory_space<hbm>>
      %dma_start3A_104 = tpu.memref_slice %arg8[%mul3A_2] : memref<16384xf32, #tpu.memory_space<hbm>> -> memref<512xf32, #tpu.memory_space<hbm>>
      tpu.enqueue_dma source(%arg15 : memref<512xf32, #tpu.memory_space<vmem>>) target(%dma_start3A_104 : memref<512xf32, #tpu.memory_space<hbm>>) target_semaphore(%run_scoped3A : memref<!tpu.dma_semaphore, #tpu.memory_space<semaphore_mem>>)
      %dma_wait3A_105 = tpu.memref_slice %arg8[%mul3A_2] : memref<16384xf32, #tpu.memory_space<hbm>> -> memref<512xf32, #tpu.memory_space<hbm>>
      %dma_wait3A_106 = tpu.memref_slice %arg8[%mul3A_2] : memref<16384xf32, #tpu.memory_space<hbm>> -> memref<512xf32, #tpu.memory_space<hbm>>
      tpu.wait_dma2 semaphore(%run_scoped3A : memref<!tpu.dma_semaphore, #tpu.memory_space<semaphore_mem>>) src(%arg15 : memref<512xf32, #tpu.memory_space<vmem>>) dst(%dma_wait3A_106 : memref<512xf32, #tpu.memory_space<hbm>>)
      tpu.yield
    }) : () -> ()
    return
  }
}

</mosaic_0001>

<sc_bundles>
// kernel: _run.4.cloned.1.call-start
scs
__scs_entry_jumppad:
0x0: {  	(pc) =	sbr.rel $0x88, $3  }
0x1: {  	(tag) =	ssettag $0x0;
	lr =	simm.s32 $0x1  }
0x2: {  	[smem:$0x3F99] =	sst lr;
	_ =	strace $0xD0000000  }
0x3: {  	_ = 	snop  }
0x4: {  	_ = 	snop  }
0x5: {  	_ = 	snop  }
0x6: {  	_ = 	snop  }
0x7: {  	_ = 	snop  }
__scs_overlays_trampoline_lowered:
0x8: {  	[smem:$0x3FA8] =	sst s0  }
0x9: {  	[smem:$0x3FA9] =	sst s1  }
0xa: {  	[smem:$0x3FAA] =	sst s2  }
0xb: {  	[smem:$0x3FAB] =	sst s3  }
0xc: {  	[smem:$0x3FAC] =	sst s4  }
0xd: {  	[smem:$0x3FAD] =	sst s5  }
0xe: {  	[smem:$0x3FAE] =	sst s6  }
0xf: {  	[smem:$0x3FAF] =	sst s7  }
0x10: {  	[smem:$0x3FB0] =	sst s8  }
0x11: {  	[smem:$0x3FB1] =	sst s9;
	s0 =	simm.s32 @!p0 $0x0  }
0x12: {  	s1 =	sld [smem:$0x3F97];
	s0 =	simm.s32 @p0 $0x1  }
0x13: {  	[smem:$0x3FB2] =	sst s0;
	s0 =	simm.s32 @!p1 $0x0  }
0x14: {  	s2 =	sld [smem:$0x3F96];
	s0 =	simm.s32 @p1 $0x1  }
0x15: {  	[smem:$0x3FB3] =	sst s0;
	s0 =	simm.s32 @!p2 $0x0  }
0x16: {  	s3 =	sld [smem:$0x3FDB];
	s0 =	simm.s32 @p2 $0x1  }
0x17: {  	s4 =	simm.s32 $0x1BF5;
	[smem:$0x3FB5] =	sst s0  }
0x18: {  	s0 =	sld [smem:$0x3F98];
	_ =	swait.ge [sflag:s4], $0x0  }
0x19: {  	s7 =	sld [smem:$0x3F99]  }
0x1a: {  	s8 =	sadd.s32 $0xFFFFE003, lr  }
0x1b: {  	s9 =	sadd.s32 $0xFFFFFEF7, lr;
	s5 =	simm.s32 $0xFFFFFFFF;
	p2 =	slt.u32 s8, $0xFFFFF086  }
0x1c: {  	p1 =	slt.u32 s9, $0xF7A;
	s5 =	simm.s32 @!p2 $0x0  }
0x1d: {  	s5 =	simm.s32 @p1 $0x1;
	p0 =	seq.s32 s7, s2  }
0x1e: {  	s7 =	smul.u32 @!p0 $0xF7A, s2;
	p2 =	seq.s32 @!p0 s5, $0x0  }
0x1f: {  	s9 =	smul.u32 $0xF7A, s1;
	s8 =	simm.s32 @!p0 $0x1BF5;
	p2 =	por !p2, p0  }
0x20: {  	[sflag:s8] =	ssyncset.s32 @!p0 $0xFFFFF086;
	s6 =	sadd.s32 @!p0 s3, s7;
	s7 =	simm.s32 @!p0 $0x108  }
0x21: {  	s3 =	sadd.s32 s3, s9;
	s6 =	sadd.s32 @!p0 $0x88, s6;
	s7 =	simm.s32 @p2 $0x1082  }
0x22: {  	[simem:s7], [sflag:s8] =	dma.local @!p0 [hbm:s6], $0xF7A  }
0x23: {  	s9 =	sor.u32 $0xD0000000, s2;
	s6 =	simm.s32 $0x108;
	_ =	swait.ge @!p0 [sflag:s8], $0x0  }
0x24: {  	s3 =	sadd.s32 $0x88, s3;
	s6 =	simm.s32 @!p1 $0x1082;
	[sflag:s4] =	ssyncset.s32 $0xFFFFF086  }
0x25: {  	[simem:s6], [sflag:s4] =	dma.local [hbm:s3], $0xF7A  }
0x26: {  	[smem:$0x3F99] =	sst s1;
	(tag) =	ssettag s2;
	_ =	strace s9  }
0x27: {  	s1 =	sld [smem:$0x3FA9]  }
0x28: {  	s2 =	sld [smem:$0x3FAA]  }
0x29: {  	s4 =	sld [smem:$0x3FAC]  }
0x2a: {  	p0 =	seq.s32 s5, $0x0;
	s5 =	sld [smem:$0x3FAD]  }
0x2b: {  	s6 =	sld [smem:$0x3FAE]  }
0x2c: {  	s7 =	sld [smem:$0x3FAF]  }
0x2d: {  	s3 =	simm.s32 $0x108;
	s8 =	sld [smem:$0x3FB0]  }
0x2e: {  	s3 =	simm.s32 @!p0 $0x1082;
	s9 =	sld [smem:$0x3FB1]  }
0x2f: {  	lr =	sadd.s32 s0, s3;
	s0 =	sld [smem:$0x3FA8]  }
0x30: {  	s3 =	sld [smem:$0x3FAB]  }
0x31: {  	[smem:$0x3FB4] =	sst s10  }
0x32: {  	s10 =	sld [smem:$0x3FB2];
	_ =	sdelay $0x3  }
0x33: {  	p0 =	seq.s32 s10, $0x1;
	s10 =	sld [smem:$0x3FB4];
	_ =	sdelay $0x3  }
0x34: {  	[smem:$0x3FB4] =	sst s10  }
0x35: {  	s10 =	sld [smem:$0x3FB3];
	_ =	sdelay $0x3  }
0x36: {  	p1 =	seq.s32 s10, $0x1;
	s10 =	sld [smem:$0x3FB4];
	_ =	sdelay $0x3  }
0x37: {  	[smem:$0x3FB4] =	sst s10  }
0x38: {  	s10 =	sld [smem:$0x3FB5]  }
0x39: {  	_ = 	snop;
	(pc) =	sbr.ind lr, $3  }
0x3a: {  	_ = 	snop  }
0x3b: {  	_ = 	snop  }
0x3c: {  	p2 =	seq.s32 s10, $0x1;
	s10 =	sld [smem:$0x3FB4]  }
0x3d: {  	_ =	shalt  }
0x3e: {  	_ =	shalt  }
0x3f: {  	_ =	shalt  }
0x40: {  	_ =	shalt  }
0x41: {  	_ =	shalt  }
0x42: {  	_ =	shalt  }
0x43: {  	_ =	shalt  }
0x44: {  	_ =	shalt  }
0x45: {  	_ =	shalt  }
0x46: {  	_ =	shalt  }
0x47: {  	_ =	shalt  }
0x48: {  	_ =	shalt  }
0x49: {  	_ =	shalt  }
0x4a: {  	_ =	shalt  }
0x4b: {  	_ =	shalt  }
0x4c: {  	_ =	shalt  }
0x4d: {  	_ =	shalt  }
0x4e: {  	_ =	shalt  }
0x4f: {  	_ =	shalt  }
0x50: {  	_ =	shalt  }
0x51: {  	_ =	shalt  }
0x52: {  	_ =	shalt  }
0x53: {  	_ =	shalt  }
0x54: {  	_ =	shalt  }
0x55: {  	_ =	shalt  }
0x56: {  	_ =	shalt  }
0x57: {  	_ =	shalt  }
0x58: {  	_ =	shalt  }
0x59: {  	_ =	shalt  }
0x5a: {  	_ =	shalt  }
0x5b: {  	_ =	shalt  }
0x5c: {  	_ =	shalt  }
0x5d: {  	_ =	shalt  }
0x5e: {  	_ =	shalt  }
0x5f: {  	_ =	shalt  }
0x60: {  	_ =	shalt  }
0x61: {  	_ =	shalt  }
0x62: {  	_ =	shalt  }
0x63: {  	_ =	shalt  }
0x64: {  	_ =	shalt  }
0x65: {  	_ =	shalt  }
0x66: {  	_ =	shalt  }
0x67: {  	_ =	shalt  }
0x68: {  	_ =	shalt  }
0x69: {  	_ =	shalt  }
0x6a: {  	_ =	shalt  }
0x6b: {  	_ =	shalt  }
0x6c: {  	_ =	shalt  }
0x6d: {  	_ =	shalt  }
0x6e: {  	_ =	shalt  }
0x6f: {  	_ =	shalt  }
0x70: {  	_ =	shalt  }
0x71: {  	_ =	shalt  }
0x72: {  	_ =	shalt  }
0x73: {  	_ =	shalt  }
0x74: {  	_ =	shalt  }
0x75: {  	_ =	shalt  }
0x76: {  	_ =	shalt  }
0x77: {  	_ =	shalt  }
0x78: {  	_ =	shalt  }
0x79: {  	_ =	shalt  }
0x7a: {  	_ =	shalt  }
0x7b: {  	_ =	shalt  }
0x7c: {  	_ =	shalt  }
0x7d: {  	_ =	shalt  }
0x7e: {  	_ =	shalt  }
0x7f: {  	_ =	shalt  }
0x80: {  	_ =	shalt  }
0x81: {  	_ =	shalt  }
0x82: {  	_ =	shalt  }
0x83: {  	_ =	shalt  }
0x84: {  	_ =	shalt  }
0x85: {  	_ =	shalt  }
0x86: {  	_ =	shalt  }
0x87: {  	_ =	shalt  }
.Lfunc_end0:
.L_simem_size_0:
called_computation_lowered:
.L_overlay_start_0:
0x88: {  	s2 =	sld [smem:$0x3FD9]  }
0x89: {  	s3 =	sld [smem:$0x3FFE];
	_ =	sdelay $0x1  }
0x8a: {  	s1 =	srdreg.scid  }
0x8b: {  	s0 =	sand.u32 $0x1, s1  }
0x8c: {  	s17 =	sshll.u32 s0, $0xA;
	s2 =	sadd.s32 s3, s2  }
0x8d: {  	s2 =	sadd.s32 s2, s17  }
0x8e: {  	[smem:$0x3FC0] =	sst s2  }
0x8f: {  	_ = 	snop  }
0x90: {  	s2 =	sld [smem:$0x3FC9]  }
0x91: {  	s18 =	sld [smem:$0x3FC8]  }
0x92: {  	s4 =	sld [smem:$0x3FC7]  }
0x93: {  	s5 =	sld [smem:$0x3FC6]  }
0x94: {  	s6 =	sld [smem:$0x3FC5]  }
0x95: {  	s7 =	sld [smem:$0x3FC4];
	(tm) =	ssettm $0x1  }
0x96: {  	s8 =	sld [smem:$0x3FFB];
	_ =	sdelay $0x3  }
0x97: {  	_ =	strace s8  }
0x98: {  	s8 =	sld [smem:$0x3FFC];
	_ =	sdelay $0x3  }
0x99: {  	_ =	strace s8  }
0x9a: {  	s8 =	sld [smem:$0x3FFD];
	_ =	sdelay $0x3  }
0x9b: {  	_ =	strace s8  }
0x9c: {  	_ =	strace $0x8FFFFFFF  }
0x9d: {  	s19 =	sld [smem:$0x3FDB];
	_ =	sdelay $0x1  }
0x9e: {  	s9 =	simm.s32 $_scs_section_size  }
0x9f: {  	s10 =	simm.s32 $_size__tile_overlayer_lowered;
	s11 =	simm.s32 $_tile_overlayer_lowered  }
0xa0: {  	s22 =	simm.s32 $0x1BFF;
	s21 =	sshll.u32 s11, $0x1;
	s8 =	sadd.s32 s9, s19  }
0xa1: {  	s12 =	simm.s32 $0x0;
	s20 =	sshll.u32 s10, $0x1;
	s10 =	sadd.s32 s21, s8  }
0xa2: {  	[timem:s12], [sflag:s22] =	dma.local [hbm:s10], s20  }
0xa3: {  	_ =	swait.ge [sflag:s22], s20  }
0xa4: {  	s9 =	ssub.s32 $0x0, s20;
	[sflag:s22] =	ssyncset.done $0x0  }
0xa5: {  	[sflag:s22] =	ssyncadd.s32 s9;
	_ =	sdelay $0x1  }
0xa6: {  	s23 =	simm.s32 $0x1B8B  }
0xa7: {  	_ =	swait.ge [sflag:s23], $0x1  }
0xa8: {  	[sflag:s23] =	ssyncset.done $0x0  }
0xa9: {  	s25 =	simm.s32 $0x1B8E;
	s24 =	sld [smem:$0x3FFE];
	[sflag:s23] =	ssyncadd.s32 $0xFFFFFFFF  }
0xaa: {  	s26 =	simm.s32 $execute0_lowered;
	[smem:$0x3FD2] =	sst s25  }
0xab: {  	s10 =	sshll.u32 s26, $0x1;
	_ =	strace $0x80000046;
	[dreg:$0x1] =	wrdreg $0xFFFFFFFF  }
0xac: {  	s28 =	simm.s32 $_size_execute0_lowered;
	s8 =	sadd.s32 s8, s10;
	[dreg:$0x0] =	wrdreg $0x0  }
0xad: {  	s10 =	sshll.u32 s28, $0x1;
	[dreg:$0x2] =	wrdreg s8  }
0xae: {  	[dreg:$0x3] =	wrdreg s10  }
0xaf: {  	[dreg:$0x4] =	wrdreg $0xC0  }
0xb0: {  	_ =	task [dreg:s12], $0x5FFFF  }
0xb1: {  	[dreg:$0x1] =	wrdreg $0xFFFFFFFF  }
0xb2: {  	[dreg:$0x0] =	wrdreg $0x60  }
0xb3: {  	[dreg:$0x2] =	wrdreg s2  }
0xb4: {  	[dreg:$0x3] =	wrdreg s18  }
0xb5: {  	[dreg:$0x4] =	wrdreg s4  }
0xb6: {  	[dreg:$0x5] =	wrdreg s5  }
0xb7: {  	[dreg:$0x6] =	wrdreg s6  }
0xb8: {  	[dreg:$0x7] =	wrdreg s7  }
0xb9: {  	[dreg:$0x8] =	wrdreg s24  }
0xba: {  	[dreg:$0x9] =	wrdreg $0x9  }
0xbb: {  	_ =	task.clear_ibuf [dreg:s12], $0xAFFFF;
	_ =	strace $0x90000046  }
0xbc: {  	s29 =	simm.s32 $0x9;
	_ =	strace $0x80000048  }
0xbd: {  	_ =	swait.ge [sflag:s29], $0x1  }
0xbe: {  	[sflag:s29] =	ssyncadd.s32 $0xFFFFFFFF  }
0xbf: {  	_ =	strace $0x90000048  }
0xc0: {  	_ =	sfence  }
0xc1: {  	s30 =	sld [smem:$0x0];
	_ =	sdelay $0x2  }
0xc2: {  	s31 =	sshll.u32 s1, $0xD;
	s1 =	sshrl.u32 s1, $0x2  }
0xc3: {  	s3 =	sand.u32 $0x4000, s31;
	s1 =	sadd.s32 s1, s30  }
0xc4: {  	s0 =	sor.u32 s3, s0;
	s1 =	sshll.u32 s1, $0x11  }
0xc5: {  	s0 =	sor.u32 s1, s0  }
0xc6: {  	s0 =	sadd.s32 $0x8F2B, s0  }
0xc7: {  	[sflag:s0] =	ssyncadd.remote.s32 $0x1  }
0xc8: {  	_ =	sfence.sel $0xFFFF  }
0xc9: {  	[dreg:$0x0] =	wrdreg $0xFFFFFFFF;
	(pc) =	sbr.abs _section_cstart, $3  }
0xca: {  	[dreg:$0x1] =	wrdreg $0xFFFFFFFF  }
0xcb: {  	_ =	task.clear_ibuf [dreg:s12], $0x2FFFF;
	_ =	strace $0x9FFFFFFF  }
0xcc: {  	(tm) =	ssettm $0x7FFFFFFF  }
0xcd: {  	_ =	shalt  }
tec
execute0_lowered:
.L_overlay_start_1:
0x0: {  	(tag) =	ssettag $0x1  }
0x1: {  	s0 =	rddreg [dreg:$0x0]  }
0x2: {  	s1 =	rddreg [dreg:$0x1]  }
0x3: {  	s3 =	rddreg [dreg:$0x2]  }
0x4: {  	s4 =	rddreg [dreg:$0x3]  }
0x5: {  	s16 =	rddreg [dreg:$0x4]  }
0x6: {  	s2 =	srdreg.scid;
	s17 =	rddreg [dreg:$0x5]  }
0x7: {  	s10 =	stileid.u32;
	s6 =	rddreg [dreg:$0x6];
	s8 =	simm.s32 $0x0  }
0x8: {  	s29 =	simm.s32 $0x1A00;
	s30 =	simm.s32 $0xDA00;
	s31 =	simm.s32 $0x1  }
0x9: {  	s2 =	sand.u32 $0x1, s2;
	s5 =	sshll.u32 s10, $0x1;
	p0 =	slt.u32 s10, $0x2  }
0xa: {  	s10 =	simm.s32 $0xF5;
	[smem:$0x7FF] =	sst s8;
	s22 =	sadd.s32 $0x80, s16  }
0xb: {  	s23 =	sadd.s32 $0x100, s16;
	_ =	strace $0x80000047;
	[dreg:$0xb] =	wrdreg s22  }
0xc: {  	s12 =	sadd.s32 $0x40E00, s6;
	s24 =	sadd.s32 $0x180, s16;
	[dreg:$0xc] =	wrdreg s23  }
0xd: {  	s25 =	sadd.s32 $0x80, s17;
	s26 =	sadd.s32 $0x100, s17;
	[dreg:$0xd] =	wrdreg s24  }
0xe: {  	s28 =	sadd.s32 $0x180, s17;
	s17 =	simm.s32 $0x0;
	[dreg:$0xe] =	wrdreg s25  }
0xf: {  	s5 =	sor.u32 s2, s5;
	s10 =	simm.s32 @!p0 $0xF4;
	[dreg:$0xf] =	wrdreg s26  }
0x10: {  	s2 =	ssub.s32 $0x2, s2;
	[dreg:$0x10] =	wrdreg s28;
	s23 =	simm.s32 $0x4  }
0x11: {  	s24 =	simm.s32 $0x1000;
	s25 =	simm.s32 $0x1480;
	s7 =	smul.u32 $0xF4, s5  }
0x12: {  	s9 =	smin.u32 s5, $0x4;
	s13 =	sshrl.u32 s2, $0x1;
	p0 =	seq.s32 s5, $0x1F  }
0x13: {  	s5 =	simm.s32 $0x40;
	s2 =	ssub.s32 s2, s13;
	s9 =	sadd.s32 s9, s7  }
0x14: {  	s5 =	simm.s32 @!p0 $0x0;
	s2 =	smax.u32 s2, $0x1;
	s7 =	sadd.s32 s10, s9  }
0x15: {  	s10 =	sadd.s32 $0xC00, s6;
	s19 =	sshll.u32 s9, $0x7;
	s11 =	sadd.s32 $0xFFFFFFFA, s7  }
0x16: {  	s15 =	sadd.s32 $0x6, s9;
	[dreg:$0xa] =	wrdreg s2;
	s18 =	smin.u32 s9, s11  }
.Ltmp0:
0x17: {  	s2 =	simm.s32 $0x19A00;
	s6 =	sshll.u32 s18, $0x7;
	(pc) =	sbr.rel .LBB2_1-.Ltmp0, $4  }
0x18: {  	s7 =	sshll.u32 s7, $0x7;
	s21 =	ssub.s32 $0xF4200, s19;
	s6 =	sand.u32 $0x1FFFFF80, s6  }
0x19: {  	v4 =	vlaneseq.u32;
	v5 =	vimm.s32 $0x0;
	v6 =	vimm.s32 $0x3FFFC000;
	s14 =	ssub.s32 $0xF4240, s19;
	s5 =	sor.u32 s5, s7;
	s20 =	sadd.s32 s3, s6  }
0x1a: {  	vm0 =	vmmov $0xffff;
	v7 =	vmul.u32 $0x80, v4;
	v0 =	vmov s19;
	s7 =	simm.s32 $0x3;
	s6 =	sadd.s32 s4, s6;
	[dreg:$0x8] =	wrdreg s20  }
0x1b: {  	v2 =	vmov s21;
	v3 =	vmov s14;
	v1 =	vmov s5;
	s5 =	simm.s32 $0x2;
	[dreg:$0x9] =	wrdreg s6;
	s6 =	simm.s32 $0x1900  }
.LBB2_51:
0x1c: {  	[sflag:s7] =	ssyncadd.s32 $0xFFFFF800  }
.LBB2_52:
0x1d: {  	s17 =	sadd.s32 $0x1, s17;
	s13 =	rddreg [dreg:$0xa]  }
0x1e: {  	p1 =	sne.s32 s17, s13  }
.Ltmp1:
0x1f: {  	_ = 	snop;
	(pc) =	sbr.rel @!p1 .LBB2_53-.Ltmp1, $1  }
0x20: {  	_ =	sdelay $0x3  }
.LBB2_1:
0x21: {  	s18 =	simm.s32 $0x0;
	v8 =	vimm.s32 $0x0;
	s19 =	simm.s32 $0x0  }
.LBB2_2:
0x22: {  	s13 =	sshll.u32 s19, $0x9  }
0x23: {  	s20 =	simm.s32 $0x0;
	s13 =	sadd.s32 s0, s13  }
0x24: {  	[tilespmem:s20], [sflag:$0x4] =	stream.linear.gather [hbm4b:s13+s20], $0x1000, $0x38;
	[tilespmem:$0x1DA00] =	vst v63  }
0x25: {  	_ =	swait.ge [sflag:s23], $0x1000  }
0x26: {  	[sflag:s23] =	ssyncset.done $0x0  }
0x27: {  	s21 =	simm.s32 $0x20;
	[sflag:s23] =	ssyncadd.s32 $0xFFFFF000  }
.LBB2_3:
0x28: {  	v9 =	vld [tilespmem:s21+$0xFFFFFFE0];
	_ =	sdelay $0x4  }
0x29: {  	vm1 =	vge.s32 v9, v0;
	vm2 =	vlt.s32 v9, v1  }
0x2a: {  	vm1 =	vmand vm1, vm2  }
0x2b: {  	v10 =	vsel vm1, $0x1, v5  }
0x2c: {  	(xrf0) =	vadd.scan.msk.s32 $0xffff, v10;
	_ =	sdelay $0x5  }
0x2d: {  	v10, _, _ =	vpop (xrf0)  }
0x2e: {  	v10 =	vadd.s32 v10, v8  }
0x2f: {  	v10 =	vadd.s32 $0xFFFFFFFF, v10  }
0x30: {  	v9 =	vsub.s32 v9, v0  }
0x31: {  	s13 =	sadd.s32 s20, s18;
	v9 =	vshll.u32 v9, $0xF  }
0x32: {  	v9 =	vadd.s32 s13, v9  }
0x33: {  	v9 =	vadd.s32 v4, v9  }
0x34: {  	[tilespmem:v10+s24+$0x0] =	vst.idx.msk vm1, v9  }
0x35: {  	v9 =	vld [tilespmem:s21+$0xFFFFFFF0];
	_ =	sdelay $0x4  }
0x36: {  	vm2 =	vge.s32 v9, v0;
	vm3 =	vlt.s32 v9, v1  }
0x37: {  	vm2 =	vmand vm2, vm3  }
0x38: {  	v10 =	vsel vm2, $0x1, v5  }
0x39: {  	(xrf0) =	vadd.scan.msk.s32 $0xffff, v10;
	_ =	sdelay $0x1  }
0x3a: {  	v10 =	vmpcnt.ones.xlane vm1;
	_ =	sdelay $0x1  }
0x3b: {  	v8 =	vadd.s32 v8, v10  }
0x3c: {  	vm1 =	vlt.s32 v8, $0x400  }
0x3d: {  	v8 =	vnsel vm1, $0x400, v8;
	v10, _, _ =	vpop (xrf0)  }
0x3e: {  	v10 =	vadd.s32 v10, v8  }
0x3f: {  	v10 =	vadd.s32 $0xFFFFFFFF, v10  }
0x40: {  	v9 =	vsub.s32 v9, v0  }
0x41: {  	s14 =	sadd.s32 $0x10, s13;
	v9 =	vshll.u32 v9, $0xF  }
0x42: {  	v9 =	vor.u32 s14, v9  }
0x43: {  	v9 =	vor.u32 v4, v9  }
0x44: {  	[tilespmem:v10+s24+$0x0] =	vst.idx.msk vm2, v9  }
0x45: {  	v9 =	vld [tilespmem:s21+$0x0];
	_ =	sdelay $0x4  }
0x46: {  	vm1 =	vge.s32 v9, v0;
	vm3 =	vlt.s32 v9, v1  }
0x47: {  	vm1 =	vmand vm1, vm3  }
0x48: {  	v10 =	vsel vm1, $0x1, v5  }
0x49: {  	(xrf0) =	vadd.scan.msk.s32 $0xffff, v10;
	_ =	sdelay $0x1  }
0x4a: {  	v10 =	vmpcnt.ones.xlane vm2;
	_ =	sdelay $0x1  }
0x4b: {  	v8 =	vadd.s32 v8, v10  }
0x4c: {  	vm2 =	vlt.s32 v8, $0x400  }
0x4d: {  	v8 =	vnsel vm2, $0x400, v8;
	v10, _, _ =	vpop (xrf0)  }
0x4e: {  	v10 =	vadd.s32 v10, v8  }
0x4f: {  	v10 =	vadd.s32 $0xFFFFFFFF, v10  }
0x50: {  	v9 =	vsub.s32 v9, v0  }
0x51: {  	s28 =	sadd.s32 $0x20, s13;
	v9 =	vshll.u32 v9, $0xF  }
0x52: {  	v9 =	vor.u32 s28, v9  }
0x53: {  	v9 =	vor.u32 v4, v9  }
0x54: {  	[tilespmem:v10+s24+$0x0] =	vst.idx.msk vm1, v9  }
0x55: {  	v9 =	vld [tilespmem:s21+$0x10];
	_ =	sdelay $0x4  }
0x56: {  	vm2 =	vge.s32 v9, v0;
	vm3 =	vlt.s32 v9, v1  }
0x57: {  	vm2 =	vmand vm2, vm3  }
0x58: {  	v10 =	vsel vm2, $0x1, v5  }
0x59: {  	(xrf0) =	vadd.scan.msk.s32 $0xffff, v10;
	_ =	sdelay $0x1  }
0x5a: {  	v10 =	vmpcnt.ones.xlane vm1;
	_ =	sdelay $0x1  }
0x5b: {  	v8 =	vadd.s32 v8, v10  }
0x5c: {  	vm1 =	vlt.s32 v8, $0x400  }
0x5d: {  	v8 =	vnsel vm1, $0x400, v8;
	v10, _, _ =	vpop (xrf0)  }
0x5e: {  	v10 =	vadd.s32 v10, v8  }
0x5f: {  	p1 =	sne.s32 s20, $0xFC0;
	v10 =	vadd.s32 $0xFFFFFFFF, v10  }
.Ltmp2:
0x60: {  	v9 =	vsub.s32 v9, v0;
	v11 =	vmpcnt.ones.xlane vm2;
	(pc) =	sbr.rel @p1 .LBB2_3-.Ltmp2, $4  }
0x61: {  	s13 =	sadd.s32 $0x30, s13;
	v9 =	vshll.u32 v9, $0xF  }
0x62: {  	v9 =	vor.u32 s13, v9;
	v8 =	vadd.s32 v8, v11  }
0x63: {  	v9 =	vor.u32 v4, v9;
	vm1 =	vlt.s32 v8, $0x400  }
0x64: {  	s20 =	sadd.s32 $0x40, s20;
	s21 =	sadd.s32 $0x40, s21;
	v8 =	vnsel vm1, $0x400, v8;
	[tilespmem:v10+s24+$0x0] =	vst.idx.msk vm2, v9  }
0x65: {  	s19 =	sadd.s32 $0x1, s19  }
0x66: {  	p1 =	sne.s32 s19, $0x4  }
.Ltmp3:
0x67: {  	_ = 	snop;
	(pc) =	sbr.rel @p1 .LBB2_2-.Ltmp3, $2  }
0x68: {  	_ =	sdelay $0x2  }
0x69: {  	s18 =	sadd.s32 $0x1000, s18  }
0x6a: {  	(v2sf) =	vpush v8, $0x0;
	_ =	sdelay $0xe  }
0x6b: {  	s18 =	spop (v2sf)  }
0x6c: {  	[tilespmem:s18+$0x1000] =	vst v6  }
0x6d: {  	v8 =	vimm.s32 $0x0;
	s19 =	simm.s32 $0x0;
	s20 =	simm.s32 $0x0;
	s21 =	simm.s32 $0x0;
	[tilespmem:s18+$0x1010] =	vst v6  }
.LBB2_6:
0x6e: {  	s13 =	sshll.u32 s21, $0x9  }
0x6f: {  	s13 =	sadd.s32 s1, s13  }
0x70: {  	[tilespmem:s19], [sflag:$0x4] =	stream.linear.gather [hbm4b:s13+s19], $0x1000, $0x38;
	[tilespmem:$0x1DA00] =	vst v63  }
0x71: {  	_ =	swait.ge [sflag:s23], $0x1000  }
0x72: {  	[sflag:s23] =	ssyncset.done $0x0  }
0x73: {  	s22 =	simm.s32 $0x20;
	s26 =	simm.s32 $0x0;
	[sflag:s23] =	ssyncadd.s32 $0xFFFFF000  }
.LBB2_7:
0x74: {  	v9 =	vld [tilespmem:s22+$0xFFFFFFE0];
	_ =	sdelay $0x4  }
0x75: {  	vm1 =	vge.s32 v9, v0;
	vm2 =	vlt.s32 v9, v1  }
0x76: {  	vm1 =	vmand vm1, vm2  }
0x77: {  	v10 =	vsel vm1, $0x1, v5  }
0x78: {  	(xrf0) =	vadd.scan.msk.s32 $0xffff, v10;
	_ =	sdelay $0x5  }
0x79: {  	v10, _, _ =	vpop (xrf0)  }
0x7a: {  	v10 =	vadd.s32 v10, v8  }
0x7b: {  	v10 =	vadd.s32 $0xFFFFFFFF, v10  }
0x7c: {  	v9 =	vsub.s32 v9, v0  }
0x7d: {  	s13 =	sadd.s32 s26, s20;
	v9 =	vshll.u32 v9, $0xF  }
0x7e: {  	v9 =	vadd.s32 s13, v9  }
0x7f: {  	v9 =	vadd.s32 v4, v9  }
0x80: {  	[tilespmem:v10+s25+$0x0] =	vst.idx.msk vm1, v9  }
0x81: {  	v9 =	vld [tilespmem:s22+$0xFFFFFFF0];
	_ =	sdelay $0x4  }
0x82: {  	vm2 =	vge.s32 v9, v0;
	vm3 =	vlt.s32 v9, v1  }
0x83: {  	vm2 =	vmand vm2, vm3  }
0x84: {  	v10 =	vsel vm2, $0x1, v5  }
0x85: {  	(xrf0) =	vadd.scan.msk.s32 $0xffff, v10;
	_ =	sdelay $0x1  }
0x86: {  	v10 =	vmpcnt.ones.xlane vm1;
	_ =	sdelay $0x1  }
0x87: {  	v8 =	vadd.s32 v8, v10  }
0x88: {  	vm1 =	vlt.s32 v8, $0x400  }
0x89: {  	v8 =	vnsel vm1, $0x400, v8;
	v10, _, _ =	vpop (xrf0)  }
0x8a: {  	v10 =	vadd.s32 v10, v8  }
0x8b: {  	v10 =	vadd.s32 $0xFFFFFFFF, v10  }
0x8c: {  	v9 =	vsub.s32 v9, v0  }
0x8d: {  	s14 =	sadd.s32 $0x10, s13;
	v9 =	vshll.u32 v9, $0xF  }
0x8e: {  	v9 =	vor.u32 s14, v9  }
0x8f: {  	v9 =	vor.u32 v4, v9  }
0x90: {  	[tilespmem:v10+s25+$0x0] =	vst.idx.msk vm2, v9  }
0x91: {  	v9 =	vld [tilespmem:s22+$0x0];
	_ =	sdelay $0x4  }
0x92: {  	vm1 =	vge.s32 v9, v0;
	vm3 =	vlt.s32 v9, v1  }
0x93: {  	vm1 =	vmand vm1, vm3  }
0x94: {  	v10 =	vsel vm1, $0x1, v5  }
0x95: {  	(xrf0) =	vadd.scan.msk.s32 $0xffff, v10;
	_ =	sdelay $0x1  }
0x96: {  	v10 =	vmpcnt.ones.xlane vm2;
	_ =	sdelay $0x1  }
0x97: {  	v8 =	vadd.s32 v8, v10  }
0x98: {  	vm2 =	vlt.s32 v8, $0x400  }
0x99: {  	v8 =	vnsel vm2, $0x400, v8;
	v10, _, _ =	vpop (xrf0)  }
0x9a: {  	v10 =	vadd.s32 v10, v8  }
0x9b: {  	v10 =	vadd.s32 $0xFFFFFFFF, v10  }
0x9c: {  	v9 =	vsub.s32 v9, v0  }
0x9d: {  	s28 =	sadd.s32 $0x20, s13;
	v9 =	vshll.u32 v9, $0xF  }
0x9e: {  	v9 =	vor.u32 s28, v9  }
0x9f: {  	v9 =	vor.u32 v4, v9  }
0xa0: {  	[tilespmem:v10+s25+$0x0] =	vst.idx.msk vm1, v9  }
0xa1: {  	v9 =	vld [tilespmem:s22+$0x10];
	_ =	sdelay $0x4  }
0xa2: {  	vm2 =	vge.s32 v9, v0;
	vm3 =	vlt.s32 v9, v1  }
0xa3: {  	vm2 =	vmand vm2, vm3  }
0xa4: {  	v10 =	vsel vm2, $0x1, v5  }
0xa5: {  	(xrf0) =	vadd.scan.msk.s32 $0xffff, v10;
	_ =	sdelay $0x1  }
0xa6: {  	v10 =	vmpcnt.ones.xlane vm1;
	_ =	sdelay $0x1  }
0xa7: {  	v8 =	vadd.s32 v8, v10  }
0xa8: {  	vm1 =	vlt.s32 v8, $0x400  }
0xa9: {  	v8 =	vnsel vm1, $0x400, v8;
	v10, _, _ =	vpop (xrf0)  }
0xaa: {  	v10 =	vadd.s32 v10, v8  }
0xab: {  	p1 =	sne.s32 s26, $0xFC0;
	v10 =	vadd.s32 $0xFFFFFFFF, v10  }
.Ltmp4:
0xac: {  	v9 =	vsub.s32 v9, v0;
	v11 =	vmpcnt.ones.xlane vm2;
	(pc) =	sbr.rel @p1 .LBB2_7-.Ltmp4, $4  }
0xad: {  	s13 =	sadd.s32 $0x30, s13;
	v9 =	vshll.u32 v9, $0xF  }
0xae: {  	v9 =	vor.u32 s13, v9;
	v8 =	vadd.s32 v8, v11  }
0xaf: {  	v9 =	vor.u32 v4, v9;
	vm1 =	vlt.s32 v8, $0x400  }
0xb0: {  	s26 =	sadd.s32 $0x40, s26;
	s22 =	sadd.s32 $0x40, s22;
	v8 =	vnsel vm1, $0x400, v8;
	[tilespmem:v10+s25+$0x0] =	vst.idx.msk vm2, v9  }
0xb1: {  	s21 =	sadd.s32 $0x1, s21  }
0xb2: {  	p1 =	sne.s32 s21, $0x4  }
.Ltmp5:
0xb3: {  	_ = 	snop;
	(pc) =	sbr.rel @p1 .LBB2_6-.Ltmp5, $2  }
0xb4: {  	_ =	sdelay $0x2  }
0xb5: {  	s20 =	sadd.s32 $0x1000, s20  }
0xb6: {  	(v2sf) =	vpush v8, $0x0;
	_ =	sdelay $0xc  }
0xb7: {  	[dreg:$0x11] =	wrdreg s17  }
0xb8: {  	s0 =	rddreg [dreg:$0x8];
	s14 =	simm.s32 $0x1800;
	s19 =	sadd.s32 $0x1F, s18  }
0xb9: {  	s16 =	simm.s32 $0x7A1400;
	s21 =	sand.u32 $0x1F, s19;
	s13 =	spop (v2sf)  }
0xba: {  	s17 =	rddreg [dreg:$0x9];
	p1 =	slt.s32 s19, $0x1;
	p2 =	sne.s32 s21, $0x0;
	[tilespmem:s13+$0x1480] =	vst v6  }
0xbb: {  	s20 =	sshra.s32 s19, $0x1F;
	p1 =	por !p1, !p2;
	[tilespmem:s13+$0x1490] =	vst v6;
	s13 =	sadd.s32 $0x1F, s13  }
0xbc: {  	[tilespmem:s29], [sflag:$0x1] =	stream.strided.gather [hbm4b:s0+s14], $0x6000, s16, s14, $0x38;
	[tilespmem:$0x1DA00] =	vst v63  }
0xbd: {  	p1 =	por !p1, !p1;
	s22 =	sand.u32 $0x1F, s13;
	p6 =	slt.s32 s13, $0x1  }
0xbe: {  	[tilespmem:s30], [sflag:$0x2] =	stream.strided.gather [hbm4b:s17+s14], $0x6000, s16, s14, $0x38;
	[tilespmem:$0x1DA00] =	vst v63  }
0xbf: {  	s28 =	sshra.s32 s13, $0x1F;
	p3 =	sne.s32 s22, $0x0;
	s16 =	sshrl.u32 s20, $0x1B  }
0xc0: {  	p2 =	por !p6, !p3;
	s17 =	simm.s32 $0x1;
	s16 =	sadd.s32 s16, s19  }
.Ltmp6:
0xc1: {  	s26 =	sshra.s32 s16, $0x5;
	s16 =	sshrl.u32 s28, $0x1B;
	(pc) =	sbr.rel .LBB2_10-.Ltmp6, $4  }
0xc2: {  	p2 =	por !p2, !p2;
	s13 =	sadd.s32 s16, s13;
	s16 =	simm.s32 $0x1  }
0xc3: {  	s17 =	simm.s32 @!p1 $0x0;
	s13 =	sshra.s32 s13, $0x5;
	s16 =	simm.s32 @!p2 $0x0  }
0xc4: {  	s18 =	simm.s32 $0x0;
	s20 =	ssub.s32 s26, s17;
	s19 =	ssub.s32 s13, s16  }
0xc5: {  	s21 =	simm.s32 $0x0;
	p2 =	slt.s32 s20, $0x1;
	p1 =	slt.s32 s19, $0x1  }
.LBB2_26:
0xc6: {  	s21 =	sadd.s32 $0x1, s21  }
0xc7: {  	p3 =	sne.s32 s21, $0x29  }
.Ltmp7:
0xc8: {  	_ = 	snop;
	(pc) =	sbr.rel @!p3 .LBB2_27-.Ltmp7, $1  }
0xc9: {  	_ =	sdelay $0x3  }
.LBB2_10:
0xca: {  	p3 =	seq.s32 s21, $0x28  }
0xcb: {  	s13 =	smul.u32 @!p3 $0x6, s21;
	_ =	sdelay $0x1  }
0xcc: {  	s14 =	sadd.s32 @!p3 s13, s15  }
0xcd: {  	p4 =	slt.s32 @!p3 s14, s11  }
0xce: {  	s22 =	sand.u32 $0x1, s21;
	p4 =	por !p4, p3  }
0xcf: {  	s16 =	sxor.u32 @!p3 $0x1, s22;
	s14 =	smov.u32 @p4 s11  }
0xd0: {  	s16 =	smul.u32 @!p3 $0x6000, s16;
	s14 =	sshll.u32 @!p3 s14, $0x7  }
0xd1: {  	s28 =	simm.s32 @!p3 $0x1800;
	s14 =	sand.u32 @!p3 $0x1FFFFF80, s14  }
0xd2: {  	s0 =	simm.s32 @!p3 $0x7A1400;
	s17 =	sor.u32 @!p3 $0x1A00, s16;
	s26 =	sadd.s32 @!p3 s3, s14  }
0xd3: {  	[tilespmem:s17], [sflag:$0x1] =	stream.strided.gather @!p3 [hbm4b:s26+s28], $0x6000, s0, s28, $0x38;
	[tilespmem:$0x1DA00] =	vst v63  }
0xd4: {  	s16 =	sadd.s32 @!p3 $0xDA00, s16;
	s14 =	sadd.s32 @!p3 s4, s14  }
0xd5: {  	[tilespmem:s16], [sflag:$0x2] =	stream.strided.gather @!p3 [hbm4b:s14+s28], $0x6000, s0, s28, $0x38;
	[tilespmem:$0x1DA00] =	vst v63  }
0xd6: {  	_ =	swait.ge [sflag:s31], $0x6000  }
0xd7: {  	[sflag:s31] =	ssyncset.done $0x0  }
0xd8: {  	[sflag:s31] =	ssyncadd.s32 $0xFFFFA000  }
0xd9: {  	[tilespmem:$0x1900] =	vst v6  }
0xda: {  	s13 =	simm.s32 @p3 $0xF0;
	[tilespmem:$0x1910] =	vst v6  }
0xdb: {  	s0 =	sadd.s32 s9, s13;
	[tilespmem:$0x1920] =	vst v6  }
0xdc: {  	s13 =	smov.u32 s11;
	p3 =	slt.s32 s0, s11;
	[tilespmem:$0x1930] =	vst v6  }
.Ltmp8:
0xdd: {  	s13 =	smov.u32 @p3 s0;
	[tilespmem:$0x1940] =	vst v6;
	(pc) =	sbr.rel @p2 .LBB2_13-.Ltmp8, $4  }
0xde: {  	s0 =	ssub.s32 s13, s9;
	[tilespmem:$0x1950] =	vst v6  }
0xdf: {  	s0 =	sshll.u32 s0, $0x7;
	[tilespmem:$0x1960] =	vst v6  }
0xe0: {  	[tilespmem:$0x1970] =	vst v6;
	s28 =	sadd.s32 $0x300, s0  }
0xe1: {  	v10 =	vimm.s32 $0x0;
	[tilespmem:$0x1980] =	vst v6;
	v8 =	vmov s0;
	v9 =	vmov s28  }
0xe2: {  	s13 =	simm.s32 $0x1010;
	s14 =	smov.u32 s20  }
.LBB2_12:
0xe3: {  	v11 =	vld [tilespmem:s13+$0xFFFFFFF0];
	_ =	sdelay $0x4  }
0xe4: {  	v12 =	vshra.s32 v11, $0xF  }
0xe5: {  	vm1 =	vge.s32 v12, v8;
	vm2 =	vlt.s32 v12, v9  }
0xe6: {  	vm1 =	vmand vm1, vm2  }
0xe7: {  	v59 =	vsel vm1, $0x1, v5  }
0xe8: {  	(xrf0) =	vadd.scan.msk.s32 $0xffff, v59;
	_ =	sdelay $0x5  }
0xe9: {  	v12, _, _ =	vpop (xrf0)  }
0xea: {  	v12 =	vadd.s32 v12, v10  }
0xeb: {  	v12 =	vadd.s32 $0xFFFFFFFF, v12;
	_ =	sdelay $0x4  }
0xec: {  	[tilespmem:v12+s6+$0x0] =	vst.idx.msk vm1, v11  }
0xed: {  	v11 =	vld [tilespmem:s13+$0x0];
	_ =	sdelay $0x4  }
0xee: {  	v60 =	vshra.s32 v11, $0xF  }
0xef: {  	vm2 =	vge.s32 v60, v8;
	vm3 =	vlt.s32 v60, v9  }
0xf0: {  	vm2 =	vmand vm2, vm3  }
0xf1: {  	v61 =	vsel vm2, $0x1, v5  }
0xf2: {  	(xrf0) =	vadd.scan.msk.s32 $0xffff, v61;
	_ =	sdelay $0x1  }
0xf3: {  	v62 =	vmpcnt.ones.xlane vm1;
	_ =	sdelay $0x1  }
0xf4: {  	v10 =	vadd.s32 v10, v62  }
0xf5: {  	vm1 =	vlt.s32 v10, $0x80  }
0xf6: {  	v10 =	vnsel vm1, $0x80, v10;
	v63, _, _ =	vpop (xrf0)  }
0xf7: {  	v12 =	vadd.s32 v63, v10  }
0xf8: {  	p3 =	sne.s32 s14, $0x1;
	v12 =	vadd.s32 $0xFFFFFFFF, v12  }
.Ltmp9:
0xf9: {  	v13 =	vmpcnt.ones.xlane vm2;
	(pc) =	sbr.rel @p3 .LBB2_12-.Ltmp9, $4  }
0xfa: {  	_ = 	snop  }
0xfb: {  	v10 =	vadd.s32 v10, v13  }
0xfc: {  	vm1 =	vlt.s32 v10, $0x80  }
0xfd: {  	s14 =	sadd.s32 $0xFFFFFFFF, s14;
	s13 =	sadd.s32 $0x20, s13;
	v10 =	vnsel vm1, $0x80, v10;
	[tilespmem:v12+s6+$0x0] =	vst.idx.msk vm2, v11  }
.LBB2_13:
0xfe: {  	(v2sf) =	vpush v10, $0x0;
	_ =	sdelay $0xe  }
0xff: {  	s0 =	spop (v2sf)  }
0x100: {  	s0 =	sadd.s32 $0xF, s0  }
0x101: {  	s13 =	sand.u32 $0xF, s0  }
0x102: {  	s28 =	sshra.s32 s0, $0x1F;
	p4 =	slt.s32 s0, $0x1;
	p3 =	sne.s32 s13, $0x0  }
0x103: {  	s13 =	sshrl.u32 s28, $0x1C;
	p3 =	por !p4, !p3  }
0x104: {  	s0 =	sadd.s32 s13, s0;
	s13 =	simm.s32 $0x1;
	p3 =	por !p3, !p3  }
0x105: {  	s0 =	sshra.s32 s0, $0x4;
	s13 =	simm.s32 @!p3 $0x0  }
0x106: {  	s13 =	ssub.s32 s0, s13  }
0x107: {  	p3 =	slt.s32 s13, $0x1  }
.Ltmp10:
0x108: {  	_ = 	snop;
	(pc) =	sbr.rel @p3 .LBB2_18-.Ltmp10, $3  }
0x109: {  	_ =	sdelay $0x1  }
0x10a: {  	v10 =	vmov s22  }
0x10b: {  	v10 =	vmul.u32 $0x6000, v10  }
0x10c: {  	_ = 	snop  }
0x10d: {  	s22 =	smin.u32 s13, $0x8;
	s26 =	simm.s32 $0x0;
	s28 =	simm.s32 $0x0;
	v11 =	vbroadcast v10, $0x0  }
.LBB2_15:
0x10e: {  	p3 =	slt.s32 s18, $0x8  }
0x10f: {  	s0 =	simm.s32 @!p3 $0x3  }
0x110: {  	_ =	swait.ge @!p3 [sflag:s0], $0x800  }
0x111: {  	s13 =	sshll.u32 s28, $0x6;
	[sflag:s0] =	ssyncset.done @!p3 $0x0  }
0x112: {  	s16 =	sshra.s32 s13, $0x2;
	[sflag:s0] =	ssyncadd.s32 @!p3 $0xFFFFF800  }
0x113: {  	v12 =	vld [tilespmem:s16+$0x1900];
	_ =	sdelay $0x4  }
0x114: {  	v13 =	vshra.s32 v12, $0xF  }
0x115: {  	v13 =	vsub.s32 v13, v8  }
0x116: {  	vm1 =	vgt.s32 v13, $0x0  }
0x117: {  	v13 =	vnsel vm1, $0x0, v13  }
0x118: {  	v14 =	vmov s26;
	v13 =	vmin.u32 v13, $0x2FF  }
0x119: {  	v16 =	vshrl.u32 v14, $0x3;
	v15 =	vand.u32 $0x7F, v13;
	v13 =	vshll.u32 v13, $0x3  }
0x11a: {  	v16 =	vmul.u32 $0x1800, v16;
	v13 =	vand.u32 $0x1C00, v13;
	v15 =	vor.u32 v11, v15  }
0x11b: {  	s17 =	sshra.s32 s18, $0x1F;
	v14 =	vshll.u32 v14, $0x7;
	v13 =	vor.u32 v13, v15  }
0x11c: {  	v14 =	vand.u32 $0x380, v14;
	s0 =	sshrl.u32 s17, $0x1D;
	v15 =	vadd.s32 v16, v13  }
0x11d: {  	s13 =	simm.s32 $0x1;
	s0 =	sadd.s32 s0, s18;
	v15 =	vor.u32 v14, v15  }
0x11e: {  	s0 =	sand.u32 $0xFFFFFFF8, s0;
	v14 =	vmov s13  }
0x11f: {  	s14 =	ssub.s32 s18, s0;
	v16 =	vshrl.u32 v14, $0x3  }
0x120: {  	s0 =	sshll.u32 s14, $0xB;
	v16 =	vmul.u32 $0x1800, v16  }
0x121: {  	v17 =	vshll.u32 v14, $0x7;
	v14 =	vor.u32 s0, v7  }
0x122: {  	v17 =	vand.u32 $0x380, v17;
	v18 =	vadd.s32 v16, v13;
	v16 =	vor.u32 s26, v14;
	v15 =	vld.idx.msk [tilespmem:v15+s29+$0x0], $0xffff  }
0x123: {  	v17 =	vor.u32 v17, v18  }
0x124: {  	s16 =	simm.s32 $0x2  }
0x125: {  	s17 =	simm.s32 $0x3;
	v18 =	vmov s16  }
.LBB2_16:
0x126: {  	p3 =	sne.s32 s17, $0x1F;
	v19 =	vshrl.u32 v18, $0x3  }
0x127: {  	v19 =	vmul.u32 $0x1800, v19;
	[tilespmem:v16+s2+$0x0] =	vst.idx.msk $0xffff, v15  }
.Ltmp11:
0x128: {  	v16 =	vshll.u32 v18, $0x7;
	v15 =	vld.idx.msk [tilespmem:v17+s29+$0x0], $0xffff;
	(pc) =	sbr.rel @p3 .LBB2_16-.Ltmp11, $3  }
0x129: {  	v17 =	vand.u32 $0x380, v16;
	v16 =	vor.u32 s13, v14;
	s13 =	smov.u32 s16;
	s16 =	smov.u32 s17;
	v18 =	vadd.s32 v19, v13  }
0x12a: {  	v17 =	vor.u32 v17, v18;
	_ =	sdelay $0x1  }
0x12b: {  	s17 =	sadd.s32 $0x1, s17;
	v18 =	vmov s16  }
0x12c: {  	_ =	sdelay $0x1  }
0x12d: {  	v19 =	vshrl.u32 v18, $0x3  }
0x12e: {  	v19 =	vmul.u32 $0x1800, v19  }
0x12f: {  	[tilespmem:v16+s2+$0x0] =	vst.idx.msk $0xffff, v15;
	v61 =	vshll.u32 v18, $0x7  }
0x130: {  	v62 =	vor.u32 s13, v14;
	v16 =	vld.idx.msk [tilespmem:v17+s29+$0x0], $0xffff;
	v15 =	vand.u32 $0x380, v61;
	v13 =	vadd.s32 v19, v13  }
0x131: {  	v13 =	vor.u32 v15, v13;
	_ =	sdelay $0x3  }
0x132: {  	[tilespmem:v62+s2+$0x0] =	vst.idx.msk $0xffff, v16  }
0x133: {  	v63 =	vor.u32 s16, v14;
	s28 =	sadd.s32 $0x1, s28;
	v13 =	vld.idx.msk [tilespmem:v13+s29+$0x0], $0xffff  }
0x134: {  	v12 =	vand.u32 $0x7FFF, v12;
	p3 =	sne.s32 s28, s22  }
.Ltmp12:
0x135: {  	_ = 	snop;
	(pc) =	sbr.rel @p3 .LBB2_15-.Ltmp12, $4  }
0x136: {  	s0 =	sshll.u32 s14, $0xD  }
0x137: {  	s0 =	sshra.s32 s0, $0x2  }
0x138: {  	s18 =	sadd.s32 $0x1, s18;
	s0 =	sadd.s32 $0x19A00, s0;
	[tilespmem:v63+s2+$0x0] =	vst.idx.msk $0xffff, v13  }
0x139: {  	[hbm4b:s10+s8] =	stream.indirect_vreg.scatter [tilespmem:s0], [sflag:$0x3], $0x80, v12, vm0, $0xb8;
	[tilespmem:$0x1DA00] =	vst v63  }
.LBB2_18:
0x13a: {  	_ =	swait.ge [sflag:s5], $0x6000  }
0x13b: {  	[sflag:s5] =	ssyncset.done $0x0  }
0x13c: {  	[sflag:s5] =	ssyncadd.s32 $0xFFFFA000  }
0x13d: {  	[tilespmem:$0x1900] =	vst v6  }
0x13e: {  	[tilespmem:$0x1910] =	vst v6  }
0x13f: {  	[tilespmem:$0x1920] =	vst v6  }
0x140: {  	[tilespmem:$0x1930] =	vst v6  }
.Ltmp13:
0x141: {  	[tilespmem:$0x1940] =	vst v6;
	(pc) =	sbr.rel @p1 .LBB2_21-.Ltmp13, $4  }
0x142: {  	[tilespmem:$0x1950] =	vst v6  }
0x143: {  	[tilespmem:$0x1960] =	vst v6  }
0x144: {  	[tilespmem:$0x1970] =	vst v6  }
0x145: {  	v11 =	vimm.s32 $0x0;
	[tilespmem:$0x1980] =	vst v6  }
0x146: {  	s13 =	simm.s32 $0x1490;
	s14 =	smov.u32 s19  }
.LBB2_20:
0x147: {  	v12 =	vld [tilespmem:s13+$0xFFFFFFF0];
	_ =	sdelay $0x4  }
0x148: {  	v13 =	vshra.s32 v12, $0xF  }
0x149: {  	vm1 =	vge.s32 v13, v8;
	vm2 =	vlt.s32 v13, v9  }
0x14a: {  	vm1 =	vmand vm1, vm2  }
0x14b: {  	v59 =	vsel vm1, $0x1, v5  }
0x14c: {  	(xrf0) =	vadd.scan.msk.s32 $0xffff, v59;
	_ =	sdelay $0x5  }
0x14d: {  	v13, _, _ =	vpop (xrf0)  }
0x14e: {  	v13 =	vadd.s32 v13, v11  }
0x14f: {  	v13 =	vadd.s32 $0xFFFFFFFF, v13;
	_ =	sdelay $0x4  }
0x150: {  	[tilespmem:v13+s6+$0x0] =	vst.idx.msk vm1, v12  }
0x151: {  	v12 =	vld [tilespmem:s13+$0x0];
	_ =	sdelay $0x4  }
0x152: {  	v60 =	vshra.s32 v12, $0xF  }
0x153: {  	vm2 =	vge.s32 v60, v8;
	vm3 =	vlt.s32 v60, v9  }
0x154: {  	vm2 =	vmand vm2, vm3  }
0x155: {  	v61 =	vsel vm2, $0x1, v5  }
0x156: {  	(xrf0) =	vadd.scan.msk.s32 $0xffff, v61;
	_ =	sdelay $0x1  }
0x157: {  	v62 =	vmpcnt.ones.xlane vm1;
	_ =	sdelay $0x1  }
0x158: {  	v11 =	vadd.s32 v11, v62  }
0x159: {  	vm1 =	vlt.s32 v11, $0x80  }
0x15a: {  	v11 =	vnsel vm1, $0x80, v11;
	v63, _, _ =	vpop (xrf0)  }
0x15b: {  	v13 =	vadd.s32 v63, v11  }
0x15c: {  	p3 =	sne.s32 s14, $0x1;
	v13 =	vadd.s32 $0xFFFFFFFF, v13  }
.Ltmp14:
0x15d: {  	v14 =	vmpcnt.ones.xlane vm2;
	(pc) =	sbr.rel @p3 .LBB2_20-.Ltmp14, $4  }
0x15e: {  	_ = 	snop  }
0x15f: {  	v11 =	vadd.s32 v11, v14  }
0x160: {  	vm1 =	vlt.s32 v11, $0x80  }
0x161: {  	s14 =	sadd.s32 $0xFFFFFFFF, s14;
	s13 =	sadd.s32 $0x20, s13;
	v11 =	vnsel vm1, $0x80, v11;
	[tilespmem:v13+s6+$0x0] =	vst.idx.msk vm2, v12  }
.LBB2_21:
0x162: {  	(v2sf) =	vpush v11, $0x0;
	_ =	sdelay $0xe  }
0x163: {  	s0 =	spop (v2sf)  }
0x164: {  	s0 =	sadd.s32 $0xF, s0  }
0x165: {  	s13 =	sand.u32 $0xF, s0  }
0x166: {  	s28 =	sshra.s32 s0, $0x1F;
	p4 =	slt.s32 s0, $0x1;
	p3 =	sne.s32 s13, $0x0  }
0x167: {  	s13 =	sshrl.u32 s28, $0x1C;
	p3 =	por !p4, !p3  }
0x168: {  	s0 =	sadd.s32 s13, s0;
	s13 =	simm.s32 $0x1;
	p3 =	por !p3, !p3  }
0x169: {  	s0 =	sshra.s32 s0, $0x4;
	s13 =	simm.s32 @!p3 $0x0  }
0x16a: {  	s13 =	ssub.s32 s0, s13  }
0x16b: {  	p3 =	slt.s32 s13, $0x1  }
.Ltmp15:
0x16c: {  	_ = 	snop;
	(pc) =	sbr.rel @p3 .LBB2_26-.Ltmp15, $1  }
0x16d: {  	_ =	sdelay $0x3  }
0x16e: {  	s22 =	smin.u32 s13, $0x8;
	v9 =	vbroadcast v10, $0x0;
	s26 =	simm.s32 $0x0;
	s28 =	simm.s32 $0x0  }
.LBB2_23:
0x16f: {  	p3 =	slt.s32 s18, $0x8  }
0x170: {  	s0 =	simm.s32 @!p3 $0x3  }
0x171: {  	_ =	swait.ge @!p3 [sflag:s0], $0x800  }
0x172: {  	s13 =	sshll.u32 s28, $0x6;
	[sflag:s0] =	ssyncset.done @!p3 $0x0  }
0x173: {  	s16 =	sshra.s32 s13, $0x2;
	[sflag:s0] =	ssyncadd.s32 @!p3 $0xFFFFF800  }
0x174: {  	v10 =	vld [tilespmem:s16+$0x1900];
	_ =	sdelay $0x4  }
0x175: {  	v11 =	vshra.s32 v10, $0xF  }
0x176: {  	v11 =	vsub.s32 v11, v8  }
0x177: {  	vm1 =	vgt.s32 v11, $0x0  }
0x178: {  	v11 =	vnsel vm1, $0x0, v11  }
0x179: {  	v12 =	vmov s26;
	v11 =	vmin.u32 v11, $0x2FF  }
0x17a: {  	v14 =	vshrl.u32 v12, $0x3;
	v13 =	vand.u32 $0x7F, v11;
	v11 =	vshll.u32 v11, $0x3  }
0x17b: {  	v14 =	vmul.u32 $0x1800, v14;
	v11 =	vand.u32 $0x1C00, v11;
	v13 =	vor.u32 v9, v13  }
0x17c: {  	s17 =	sshra.s32 s18, $0x1F;
	v12 =	vshll.u32 v12, $0x7;
	v11 =	vor.u32 v11, v13  }
0x17d: {  	v12 =	vand.u32 $0x380, v12;
	s0 =	sshrl.u32 s17, $0x1D;
	v13 =	vadd.s32 v14, v11  }
0x17e: {  	s13 =	simm.s32 $0x1;
	s0 =	sadd.s32 s0, s18;
	v13 =	vor.u32 v12, v13  }
0x17f: {  	s0 =	sand.u32 $0xFFFFFFF8, s0;
	v12 =	vmov s13  }
0x180: {  	s14 =	ssub.s32 s18, s0;
	v14 =	vshrl.u32 v12, $0x3  }
0x181: {  	s0 =	sshll.u32 s14, $0xB;
	v14 =	vmul.u32 $0x1800, v14  }
0x182: {  	v15 =	vshll.u32 v12, $0x7;
	v12 =	vor.u32 s0, v7  }
0x183: {  	v15 =	vand.u32 $0x380, v15;
	v16 =	vadd.s32 v14, v11;
	v14 =	vor.u32 s26, v12;
	v13 =	vld.idx.msk [tilespmem:v13+s30+$0x0], $0xffff  }
0x184: {  	v15 =	vor.u32 v15, v16  }
0x185: {  	s16 =	simm.s32 $0x2  }
0x186: {  	s17 =	simm.s32 $0x3;
	v16 =	vmov s16  }
.LBB2_24:
0x187: {  	p3 =	sne.s32 s17, $0x1F;
	v17 =	vshrl.u32 v16, $0x3  }
0x188: {  	v17 =	vmul.u32 $0x1800, v17;
	[tilespmem:v14+s2+$0x0] =	vst.idx.msk $0xffff, v13  }
.Ltmp16:
0x189: {  	v14 =	vshll.u32 v16, $0x7;
	v13 =	vld.idx.msk [tilespmem:v15+s30+$0x0], $0xffff;
	(pc) =	sbr.rel @p3 .LBB2_24-.Ltmp16, $3  }
0x18a: {  	v15 =	vand.u32 $0x380, v14;
	v14 =	vor.u32 s13, v12;
	s13 =	smov.u32 s16;
	s16 =	smov.u32 s17;
	v16 =	vadd.s32 v17, v11  }
0x18b: {  	v15 =	vor.u32 v15, v16;
	_ =	sdelay $0x1  }
0x18c: {  	s17 =	sadd.s32 $0x1, s17;
	v16 =	vmov s16  }
0x18d: {  	_ =	sdelay $0x1  }
0x18e: {  	v17 =	vshrl.u32 v16, $0x3  }
0x18f: {  	v17 =	vmul.u32 $0x1800, v17  }
0x190: {  	[tilespmem:v14+s2+$0x0] =	vst.idx.msk $0xffff, v13;
	v61 =	vshll.u32 v16, $0x7  }
0x191: {  	v62 =	vor.u32 s13, v12;
	v14 =	vld.idx.msk [tilespmem:v15+s30+$0x0], $0xffff;
	v13 =	vand.u32 $0x380, v61;
	v11 =	vadd.s32 v17, v11  }
0x192: {  	v11 =	vor.u32 v13, v11;
	_ =	sdelay $0x3  }
0x193: {  	[tilespmem:v62+s2+$0x0] =	vst.idx.msk $0xffff, v14  }
0x194: {  	v63 =	vor.u32 s16, v12;
	s28 =	sadd.s32 $0x1, s28;
	v11 =	vld.idx.msk [tilespmem:v11+s30+$0x0], $0xffff  }
0x195: {  	v10 =	vand.u32 $0x7FFF, v10;
	p3 =	sne.s32 s28, s22  }
.Ltmp17:
0x196: {  	_ = 	snop;
	(pc) =	sbr.rel @p3 .LBB2_23-.Ltmp17, $4  }
.Ltmp18:
0x197: {  	s0 =	sshll.u32 s14, $0xD;
	(pc) =	sbr.rel @!p3 .LBB2_26-.Ltmp18, $4  }
0x198: {  	s0 =	sshra.s32 s0, $0x2  }
0x199: {  	s18 =	sadd.s32 $0x1, s18;
	s0 =	sadd.s32 $0x19A00, s0;
	[tilespmem:v63+s2+$0x0] =	vst.idx.msk $0xffff, v11  }
0x19a: {  	[hbm4b:s12+s8] =	stream.indirect_vreg.scatter [tilespmem:s0], [sflag:$0x3], $0x80, v10, vm0, $0xb8;
	[tilespmem:$0x1DA00] =	vst v63  }
0x19b: {  	_ = 	snop  }
.LBB2_27:
.Ltmp19:
0x19c: {  	(pc) =	sbr.rel @!p0 .LBB2_28-.Ltmp19, $2  }
0x19d: {  	_ =	sdelay $0x2  }
0x19e: {  	s17 =	rddreg [dreg:$0x11]  }
0x19f: {  	s0 =	rddreg [dreg:$0x4]  }
0x1a0: {  	[tilespmem:s29], [sflag:$0x4] =	stream.linear.gather [hbm4b:s0+s8], $0x400, $0x38;
	[tilespmem:$0x1DA00] =	vst v63  }
0x1a1: {  	s16 =	rddreg [dreg:$0xb];
	s13 =	simm.s32 $0x3200  }
0x1a2: {  	[tilespmem:s13], [sflag:$0x4] =	stream.linear.gather [hbm4b:s16+s8], $0x400, $0x38;
	[tilespmem:$0x1DA00] =	vst v63  }
0x1a3: {  	s21 =	rddreg [dreg:$0xc];
	s22 =	simm.s32 $0x4A00  }
0x1a4: {  	[tilespmem:s22], [sflag:$0x4] =	stream.linear.gather [hbm4b:s21+s8], $0x400, $0x38;
	[tilespmem:$0x1DA00] =	vst v63  }
0x1a5: {  	s26 =	rddreg [dreg:$0xd];
	s28 =	simm.s32 $0x6200  }
0x1a6: {  	[tilespmem:s28], [sflag:$0x4] =	stream.linear.gather [hbm4b:s26+s8], $0x400, $0x38;
	[tilespmem:$0x1DA00] =	vst v63  }
0x1a7: {  	_ =	swait.ge [sflag:s23], $0x1000  }
0x1a8: {  	[sflag:s23] =	ssyncset.done $0x0  }
0x1a9: {  	[sflag:s23] =	ssyncadd.s32 $0xFFFFF000  }
0x1aa: {  	s13 =	rddreg [dreg:$0x5]  }
0x1ab: {  	[tilespmem:s30], [sflag:$0x4] =	stream.linear.gather [hbm4b:s13+s8], $0x400, $0x38;
	[tilespmem:$0x1DA00] =	vst v63  }
0x1ac: {  	s16 =	simm.s32 $0xF200;
	s14 =	rddreg [dreg:$0xe]  }
0x1ad: {  	[tilespmem:s16], [sflag:$0x4] =	stream.linear.gather [hbm4b:s14+s8], $0x400, $0x38;
	[tilespmem:$0x1DA00] =	vst v63  }
0x1ae: {  	s22 =	simm.s32 $0x10A00;
	s21 =	rddreg [dreg:$0xf]  }
0x1af: {  	[tilespmem:s22], [sflag:$0x4] =	stream.linear.gather [hbm4b:s21+s8], $0x400, $0x38;
	[tilespmem:$0x1DA00] =	vst v63  }
0x1b0: {  	s28 =	simm.s32 $0x12200;
	s26 =	rddreg [dreg:$0x10]  }
0x1b1: {  	[tilespmem:s28], [sflag:$0x4] =	stream.linear.gather [hbm4b:s26+s8], $0x400, $0x38;
	[tilespmem:$0x1DA00] =	vst v63  }
0x1b2: {  	_ =	swait.ge [sflag:s23], $0x1000  }
0x1b3: {  	[sflag:s23] =	ssyncset.done $0x0  }
0x1b4: {  	[sflag:s23] =	ssyncadd.s32 $0xFFFFF000  }
0x1b5: {  	[tilespmem:$0x1900] =	vst v6  }
0x1b6: {  	[tilespmem:$0x1910] =	vst v6  }
0x1b7: {  	[tilespmem:$0x1920] =	vst v6  }
0x1b8: {  	[tilespmem:$0x1930] =	vst v6  }
.Ltmp20:
0x1b9: {  	[tilespmem:$0x1940] =	vst v6;
	(pc) =	sbr.rel @p2 .LBB2_31-.Ltmp20, $4  }
0x1ba: {  	[tilespmem:$0x1950] =	vst v6  }
0x1bb: {  	[tilespmem:$0x1960] =	vst v6  }
0x1bc: {  	[tilespmem:$0x1970] =	vst v6  }
0x1bd: {  	v8 =	vimm.s32 $0x0;
	s13 =	simm.s32 $0x1010;
	[tilespmem:$0x1980] =	vst v6  }
.LBB2_30:
0x1be: {  	v9 =	vld [tilespmem:s13+$0xFFFFFFF0];
	_ =	sdelay $0x4  }
0x1bf: {  	v10 =	vshra.s32 v9, $0xF  }
0x1c0: {  	vm1 =	vge.s32 v10, v2;
	vm2 =	vlt.s32 v10, v3  }
0x1c1: {  	vm1 =	vmand vm1, vm2  }
0x1c2: {  	v10 =	vsel vm1, $0x1, v5  }
0x1c3: {  	(xrf0) =	vadd.scan.msk.s32 $0xffff, v10;
	_ =	sdelay $0x5  }
0x1c4: {  	v10, _, _ =	vpop (xrf0)  }
0x1c5: {  	v10 =	vadd.s32 v10, v8  }
0x1c6: {  	v10 =	vadd.s32 $0xFFFFFFFF, v10;
	_ =	sdelay $0x4  }
0x1c7: {  	[tilespmem:v10+s6+$0x0] =	vst.idx.msk vm1, v9  }
0x1c8: {  	v9 =	vld [tilespmem:s13+$0x0];
	_ =	sdelay $0x4  }
0x1c9: {  	v10 =	vshra.s32 v9, $0xF  }
0x1ca: {  	vm2 =	vge.s32 v10, v2;
	vm3 =	vlt.s32 v10, v3  }
0x1cb: {  	vm2 =	vmand vm2, vm3  }
0x1cc: {  	v10 =	vsel vm2, $0x1, v5  }
0x1cd: {  	(xrf0) =	vadd.scan.msk.s32 $0xffff, v10;
	_ =	sdelay $0x1  }
0x1ce: {  	v10 =	vmpcnt.ones.xlane vm1;
	_ =	sdelay $0x1  }
0x1cf: {  	v8 =	vadd.s32 v8, v10  }
0x1d0: {  	vm1 =	vlt.s32 v8, $0x80  }
0x1d1: {  	v8 =	vnsel vm1, $0x80, v8;
	v10, _, _ =	vpop (xrf0)  }
0x1d2: {  	v10 =	vadd.s32 v10, v8  }
0x1d3: {  	p2 =	sne.s32 s20, $0x1;
	v10 =	vadd.s32 $0xFFFFFFFF, v10  }
.Ltmp21:
0x1d4: {  	v11 =	vmpcnt.ones.xlane vm2;
	(pc) =	sbr.rel @p2 .LBB2_30-.Ltmp21, $4  }
0x1d5: {  	_ = 	snop  }
0x1d6: {  	v8 =	vadd.s32 v8, v11  }
0x1d7: {  	vm1 =	vlt.s32 v8, $0x80  }
0x1d8: {  	s20 =	sadd.s32 $0xFFFFFFFF, s20;
	s13 =	sadd.s32 $0x20, s13;
	v8 =	vnsel vm1, $0x80, v8;
	[tilespmem:v10+s6+$0x0] =	vst.idx.msk vm2, v9  }
.LBB2_31:
0x1d9: {  	(v2sf) =	vpush v8, $0x0;
	_ =	sdelay $0xe  }
0x1da: {  	s0 =	spop (v2sf)  }
0x1db: {  	s0 =	sadd.s32 $0xF, s0  }
0x1dc: {  	s13 =	sand.u32 $0xF, s0  }
0x1dd: {  	s28 =	sshra.s32 s0, $0x1F;
	p3 =	slt.s32 s0, $0x1;
	p2 =	sne.s32 s13, $0x0  }
0x1de: {  	s13 =	sshrl.u32 s28, $0x1C;
	p2 =	por !p3, !p2  }
0x1df: {  	s0 =	sadd.s32 s13, s0;
	s13 =	simm.s32 $0x1;
	p2 =	por !p2, !p2  }
0x1e0: {  	s0 =	sshra.s32 s0, $0x4;
	s13 =	simm.s32 @!p2 $0x0  }
0x1e1: {  	s13 =	ssub.s32 s0, s13  }
0x1e2: {  	p2 =	slt.s32 s13, $0x1  }
.Ltmp22:
0x1e3: {  	_ = 	snop;
	(pc) =	sbr.rel @p2 .LBB2_36-.Ltmp22, $2  }
0x1e4: {  	_ =	sdelay $0x2  }
0x1e5: {  	s20 =	smov.u32 s18  }
0x1e6: {  	s21 =	smin.u32 s13, $0x8  }
0x1e7: {  	s22 =	simm.s32 $0x0;
	s20 =	smov.u32 s18;
	s26 =	simm.s32 $0x0  }
.LBB2_33:
0x1e8: {  	p2 =	slt.s32 s20, $0x8  }
0x1e9: {  	s0 =	simm.s32 @!p2 $0x3  }
0x1ea: {  	_ =	swait.ge @!p2 [sflag:s0], $0x800  }
0x1eb: {  	s13 =	sshll.u32 s26, $0x6;
	[sflag:s0] =	ssyncset.done @!p2 $0x0  }
0x1ec: {  	s14 =	sshra.s32 s13, $0x2;
	[sflag:s0] =	ssyncadd.s32 @!p2 $0xFFFFF800  }
0x1ed: {  	v8 =	vld [tilespmem:s14+$0x1900];
	_ =	sdelay $0x4  }
0x1ee: {  	v9 =	vshra.s32 v8, $0xF  }
0x1ef: {  	v9 =	vsub.s32 v9, v2  }
0x1f0: {  	vm1 =	vgt.s32 v9, $0x0  }
0x1f1: {  	v10 =	vmov s22;
	v9 =	vnsel vm1, $0x0, v9  }
0x1f2: {  	v11 =	vmin.u32 v9, $0x2FF;
	v9 =	vshrl.u32 v10, $0x3  }
0x1f3: {  	v12 =	vshll.u32 v11, $0x3;
	v13 =	vmul.u32 $0x1800, v9  }
0x1f4: {  	v10 =	vshll.u32 v10, $0x7;
	v9 =	vand.u32 $0x1C00, v12  }
0x1f5: {  	s16 =	sshra.s32 s20, $0x1F;
	v12 =	vadd.s32 v9, v13;
	v13 =	vand.u32 $0x380, v10  }
0x1f6: {  	s28 =	simm.s32 $0x1;
	s0 =	sshrl.u32 s16, $0x1D;
	v10 =	vand.u32 $0x7F, v11;
	v11 =	vor.u32 v13, v12  }
0x1f7: {  	s0 =	sadd.s32 s0, s20;
	v12 =	vmov s28;
	v13 =	vor.u32 v10, v11  }
0x1f8: {  	s0 =	sand.u32 $0xFFFFFFF8, s0;
	v11 =	vshrl.u32 v12, $0x3  }
0x1f9: {  	s13 =	ssub.s32 s20, s0;
	v11 =	vmul.u32 $0x1800, v11  }
0x1fa: {  	s0 =	sshll.u32 s13, $0xB;
	v12 =	vshll.u32 v12, $0x7  }
0x1fb: {  	v12 =	vand.u32 $0x380, v12;
	v14 =	vadd.s32 v9, v11;
	v11 =	vor.u32 s0, v7  }
0x1fc: {  	v15 =	vor.u32 v12, v14;
	v14 =	vor.u32 s22, v11;
	v12 =	vld.idx.msk [tilespmem:v13+s29+$0x0], $0xffff  }
0x1fd: {  	s14 =	simm.s32 $0x2;
	v13 =	vor.u32 v10, v15  }
0x1fe: {  	s16 =	simm.s32 $0x3;
	v15 =	vmov s14  }
.LBB2_34:
0x1ff: {  	p2 =	sne.s32 s16, $0x1F;
	v16 =	vshrl.u32 v15, $0x3  }
0x200: {  	v16 =	vmul.u32 $0x1800, v16  }
.Ltmp23:
0x201: {  	v15 =	vshll.u32 v15, $0x7;
	[tilespmem:v14+s2+$0x0] =	vst.idx.msk $0xffff, v12;
	(pc) =	sbr.rel @p2 .LBB2_34-.Ltmp23, $4  }
0x202: {  	v15 =	vand.u32 $0x380, v15;
	v14 =	vadd.s32 v9, v16;
	v12 =	vld.idx.msk [tilespmem:v13+s29+$0x0], $0xffff  }
0x203: {  	v13 =	vor.u32 v15, v14;
	v14 =	vor.u32 s28, v11;
	s28 =	smov.u32 s14;
	s14 =	smov.u32 s16  }
0x204: {  	v13 =	vor.u32 v10, v13  }
0x205: {  	s16 =	sadd.s32 $0x1, s16;
	v15 =	vmov s14  }
0x206: {  	_ = 	snop  }
0x207: {  	v16 =	vshrl.u32 v15, $0x3  }
0x208: {  	v16 =	vmul.u32 $0x1800, v16  }
0x209: {  	v60 =	vshll.u32 v15, $0x7  }
0x20a: {  	[tilespmem:v14+s2+$0x0] =	vst.idx.msk $0xffff, v12;
	v61 =	vand.u32 $0x380, v60;
	v9 =	vadd.s32 v9, v16  }
0x20b: {  	v62 =	vor.u32 s28, v11;
	v13 =	vld.idx.msk [tilespmem:v13+s29+$0x0], $0xffff;
	v9 =	vor.u32 v61, v9  }
0x20c: {  	v9 =	vor.u32 v10, v9;
	_ =	sdelay $0x3  }
0x20d: {  	[tilespmem:v62+s2+$0x0] =	vst.idx.msk $0xffff, v13  }
0x20e: {  	v63 =	vor.u32 s14, v11;
	s26 =	sadd.s32 $0x1, s26;
	v9 =	vld.idx.msk [tilespmem:v9+s29+$0x0], $0xffff  }
0x20f: {  	v8 =	vand.u32 $0x7FFF, v8;
	p2 =	sne.s32 s26, s21  }
.Ltmp24:
0x210: {  	_ = 	snop;
	(pc) =	sbr.rel @p2 .LBB2_33-.Ltmp24, $4  }
0x211: {  	s0 =	sshll.u32 s13, $0xD  }
0x212: {  	s0 =	sshra.s32 s0, $0x2  }
0x213: {  	s20 =	sadd.s32 $0x1, s20;
	s0 =	sadd.s32 $0x19A00, s0;
	[tilespmem:v63+s2+$0x0] =	vst.idx.msk $0xffff, v9  }
0x214: {  	[hbm4b:s10+s8] =	stream.indirect_vreg.scatter [tilespmem:s0], [sflag:$0x3], $0x80, v8, vm0, $0xb8;
	[tilespmem:$0x1DA00] =	vst v63  }
.LBB2_36:
0x215: {  	[tilespmem:$0x1900] =	vst v6  }
0x216: {  	[tilespmem:$0x1910] =	vst v6  }
0x217: {  	[tilespmem:$0x1920] =	vst v6  }
0x218: {  	[tilespmem:$0x1930] =	vst v6  }
.Ltmp25:
0x219: {  	[tilespmem:$0x1940] =	vst v6;
	(pc) =	sbr.rel @p1 .LBB2_38-.Ltmp25, $4  }
0x21a: {  	[tilespmem:$0x1950] =	vst v6  }
0x21b: {  	[tilespmem:$0x1960] =	vst v6  }
0x21c: {  	[tilespmem:$0x1970] =	vst v6  }
0x21d: {  	[tilespmem:$0x1980] =	vst v6;
	v8 =	vimm.s32 $0x0;
	s13 =	simm.s32 $0x1490  }
.LBB2_37:
0x21e: {  	v9 =	vld [tilespmem:s13+$0xFFFFFFF0];
	_ =	sdelay $0x4  }
0x21f: {  	v10 =	vshra.s32 v9, $0xF  }
0x220: {  	vm1 =	vge.s32 v10, v2;
	vm2 =	vlt.s32 v10, v3  }
0x221: {  	vm1 =	vmand vm1, vm2  }
0x222: {  	v10 =	vsel vm1, $0x1, v5  }
0x223: {  	(xrf0) =	vadd.scan.msk.s32 $0xffff, v10;
	_ =	sdelay $0x5  }
0x224: {  	v10, _, _ =	vpop (xrf0)  }
0x225: {  	v10 =	vadd.s32 v10, v8  }
0x226: {  	v10 =	vadd.s32 $0xFFFFFFFF, v10;
	_ =	sdelay $0x4  }
0x227: {  	[tilespmem:v10+s6+$0x0] =	vst.idx.msk vm1, v9  }
0x228: {  	v9 =	vld [tilespmem:s13+$0x0];
	_ =	sdelay $0x4  }
0x229: {  	v10 =	vshra.s32 v9, $0xF  }
0x22a: {  	vm2 =	vge.s32 v10, v2;
	vm3 =	vlt.s32 v10, v3  }
0x22b: {  	vm2 =	vmand vm2, vm3  }
0x22c: {  	v10 =	vsel vm2, $0x1, v5  }
0x22d: {  	(xrf0) =	vadd.scan.msk.s32 $0xffff, v10;
	_ =	sdelay $0x1  }
0x22e: {  	v10 =	vmpcnt.ones.xlane vm1;
	_ =	sdelay $0x1  }
0x22f: {  	v8 =	vadd.s32 v8, v10  }
0x230: {  	vm1 =	vlt.s32 v8, $0x80  }
0x231: {  	v8 =	vnsel vm1, $0x80, v8;
	v10, _, _ =	vpop (xrf0)  }
0x232: {  	v10 =	vadd.s32 v10, v8  }
0x233: {  	p1 =	sne.s32 s19, $0x1;
	v10 =	vadd.s32 $0xFFFFFFFF, v10  }
.Ltmp26:
0x234: {  	v11 =	vmpcnt.ones.xlane vm2;
	(pc) =	sbr.rel @p1 .LBB2_37-.Ltmp26, $4  }
0x235: {  	_ = 	snop  }
0x236: {  	v8 =	vadd.s32 v8, v11  }
0x237: {  	vm1 =	vlt.s32 v8, $0x80  }
0x238: {  	s19 =	sadd.s32 $0xFFFFFFFF, s19;
	s13 =	sadd.s32 $0x20, s13;
	v8 =	vnsel vm1, $0x80, v8;
	[tilespmem:v10+s6+$0x0] =	vst.idx.msk vm2, v9  }
.LBB2_38:
0x239: {  	(v2sf) =	vpush v8, $0x0;
	_ =	sdelay $0xe  }
0x23a: {  	s0 =	spop (v2sf)  }
0x23b: {  	s0 =	sadd.s32 $0xF, s0  }
0x23c: {  	s13 =	sand.u32 $0xF, s0  }
0x23d: {  	s28 =	sshra.s32 s0, $0x1F;
	p2 =	slt.s32 s0, $0x1;
	p1 =	sne.s32 s13, $0x0  }
0x23e: {  	s13 =	sshrl.u32 s28, $0x1C;
	p1 =	por !p2, !p1  }
0x23f: {  	s0 =	sadd.s32 s13, s0;
	s13 =	simm.s32 $0x1;
	p1 =	por !p1, !p1  }
0x240: {  	s0 =	sshra.s32 s0, $0x4;
	s13 =	simm.s32 @!p1 $0x0  }
0x241: {  	s13 =	ssub.s32 s0, s13  }
0x242: {  	p1 =	slt.s32 s13, $0x1  }
.Ltmp27:
0x243: {  	_ = 	snop;
	(pc) =	sbr.rel @p1 .LBB2_43-.Ltmp27, $1  }
0x244: {  	_ =	sdelay $0x3  }
0x245: {  	s19 =	smin.u32 s13, $0x8;
	s21 =	simm.s32 $0x0;
	s22 =	simm.s32 $0x0  }
.LBB2_40:
0x246: {  	p1 =	slt.s32 s20, $0x8  }
0x247: {  	s0 =	simm.s32 @!p1 $0x3  }
0x248: {  	_ =	swait.ge @!p1 [sflag:s0], $0x800  }
0x249: {  	s13 =	sshll.u32 s22, $0x6;
	[sflag:s0] =	ssyncset.done @!p1 $0x0  }
0x24a: {  	s26 =	sshra.s32 s13, $0x2;
	[sflag:s0] =	ssyncadd.s32 @!p1 $0xFFFFF800  }
0x24b: {  	v8 =	vld [tilespmem:s26+$0x1900];
	_ =	sdelay $0x4  }
0x24c: {  	v9 =	vshra.s32 v8, $0xF  }
0x24d: {  	v9 =	vsub.s32 v9, v2  }
0x24e: {  	vm1 =	vgt.s32 v9, $0x0  }
0x24f: {  	v10 =	vmov s21;
	v9 =	vnsel vm1, $0x0, v9  }
0x250: {  	v11 =	vmin.u32 v9, $0x2FF;
	v9 =	vshrl.u32 v10, $0x3  }
0x251: {  	v12 =	vshll.u32 v11, $0x3;
	v13 =	vmul.u32 $0x1800, v9  }
0x252: {  	v10 =	vshll.u32 v10, $0x7;
	v9 =	vand.u32 $0x1C00, v12  }
0x253: {  	s28 =	sshra.s32 s20, $0x1F;
	v12 =	vadd.s32 v9, v13;
	v13 =	vand.u32 $0x380, v10  }
0x254: {  	s0 =	sshrl.u32 s28, $0x1D;
	s26 =	simm.s32 $0x1;
	v10 =	vand.u32 $0x7F, v11;
	v11 =	vor.u32 v13, v12  }
0x255: {  	s0 =	sadd.s32 s0, s20;
	v12 =	vmov s26;
	v13 =	vor.u32 v10, v11  }
0x256: {  	s0 =	sand.u32 $0xFFFFFFF8, s0;
	v11 =	vshrl.u32 v12, $0x3  }
0x257: {  	s13 =	ssub.s32 s20, s0;
	v11 =	vmul.u32 $0x1800, v11  }
0x258: {  	s0 =	sshll.u32 s13, $0xB;
	v12 =	vshll.u32 v12, $0x7  }
0x259: {  	v12 =	vand.u32 $0x380, v12;
	v14 =	vadd.s32 v9, v11;
	v11 =	vor.u32 s0, v7  }
0x25a: {  	v15 =	vor.u32 v12, v14;
	v14 =	vor.u32 s21, v11;
	v12 =	vld.idx.msk [tilespmem:v13+s30+$0x0], $0xffff  }
0x25b: {  	s14 =	simm.s32 $0x2;
	v13 =	vor.u32 v10, v15  }
0x25c: {  	s16 =	simm.s32 $0x3;
	v15 =	vmov s14  }
.LBB2_41:
0x25d: {  	p1 =	sne.s32 s16, $0x1F;
	v16 =	vshrl.u32 v15, $0x3  }
0x25e: {  	v16 =	vmul.u32 $0x1800, v16  }
.Ltmp28:
0x25f: {  	v15 =	vshll.u32 v15, $0x7;
	[tilespmem:v14+s2+$0x0] =	vst.idx.msk $0xffff, v12;
	(pc) =	sbr.rel @p1 .LBB2_41-.Ltmp28, $4  }
0x260: {  	v15 =	vand.u32 $0x380, v15;
	v14 =	vadd.s32 v9, v16;
	v12 =	vld.idx.msk [tilespmem:v13+s30+$0x0], $0xffff  }
0x261: {  	v13 =	vor.u32 v15, v14;
	v14 =	vor.u32 s26, v11;
	s26 =	smov.u32 s14;
	s14 =	smov.u32 s16  }
0x262: {  	v13 =	vor.u32 v10, v13  }
0x263: {  	s16 =	sadd.s32 $0x1, s16;
	v15 =	vmov s14  }
0x264: {  	_ = 	snop  }
0x265: {  	v16 =	vshrl.u32 v15, $0x3  }
0x266: {  	v16 =	vmul.u32 $0x1800, v16  }
0x267: {  	v60 =	vshll.u32 v15, $0x7  }
0x268: {  	[tilespmem:v14+s2+$0x0] =	vst.idx.msk $0xffff, v12;
	v61 =	vand.u32 $0x380, v60;
	v9 =	vadd.s32 v9, v16  }
0x269: {  	v62 =	vor.u32 s26, v11;
	v13 =	vld.idx.msk [tilespmem:v13+s30+$0x0], $0xffff;
	v9 =	vor.u32 v61, v9  }
0x26a: {  	v9 =	vor.u32 v10, v9;
	_ =	sdelay $0x3  }
0x26b: {  	[tilespmem:v62+s2+$0x0] =	vst.idx.msk $0xffff, v13  }
0x26c: {  	v63 =	vor.u32 s14, v11;
	s22 =	sadd.s32 $0x1, s22;
	v9 =	vld.idx.msk [tilespmem:v9+s30+$0x0], $0xffff  }
0x26d: {  	v8 =	vand.u32 $0x7FFF, v8;
	p1 =	sne.s32 s22, s19  }
.Ltmp29:
0x26e: {  	_ = 	snop;
	(pc) =	sbr.rel @p1 .LBB2_40-.Ltmp29, $4  }
0x26f: {  	s0 =	sshll.u32 s13, $0xD  }
0x270: {  	s0 =	sshra.s32 s0, $0x2  }
0x271: {  	s20 =	sadd.s32 $0x1, s20;
	s0 =	sadd.s32 $0x19A00, s0;
	[tilespmem:v63+s2+$0x0] =	vst.idx.msk $0xffff, v9  }
0x272: {  	[hbm4b:s12+s8] =	stream.indirect_vreg.scatter [tilespmem:s0], [sflag:$0x3], $0x80, v8, vm0, $0xb8;
	[tilespmem:$0x1DA00] =	vst v63  }
.LBB2_43:
0x273: {  	p1 =	slt.s32 s20, $0x8;
	p2 =	slt.s32 s18, $0x8;
	s13 =	smov.u32 s18  }
0x274: {  	s20 =	simm.s32 @!p1 $0x8;
	s13 =	simm.s32 @!p2 $0x8  }
0x275: {  	s14 =	ssub.s32 s20, s13  }
0x276: {  	p1 =	slt.s32 s14, $0x1  }
.Ltmp30:
0x277: {  	_ = 	snop;
	(pc) =	sbr.rel @p1 .LBB2_44-.Ltmp30, $1  }
0x278: {  	_ =	sdelay $0x3  }
0x279: {  	p1 =	sne.s32 s14, $0x1  }
.Ltmp31:
0x27a: {  	_ = 	snop;
	(pc) =	sbr.rel @!p1 .LBB2_47-.Ltmp31, $4  }
0x27b: {  	_ = 	snop  }
0x27c: {  	_ =	swait.ge [sflag:s7], $0x800  }
0x27d: {  	[sflag:s7] =	ssyncset.done $0x0  }
0x27e: {  	s14 =	sadd.s32 $0xFFFFFFFF, s14;
	s0 =	rddreg [dreg:$0x0]  }
.LBB2_46:
0x27f: {  	p1 =	sne.s32 s14, $0x1;
	s14 =	sadd.s32 $0xFFFFFFFF, s14;
	[sflag:s7] =	ssyncadd.s32 $0xFFFFF800  }
.Ltmp32:
0x280: {  	(pc) =	sbr.rel @p1 .LBB2_46-.Ltmp32, $3  }
0x281: {  	_ =	sdelay $0x1  }
0x282: {  	_ =	swait.ge [sflag:s7], $0x800  }
0x283: {  	[sflag:s7] =	ssyncset.done $0x0  }
.LBB2_47:
.Ltmp33:
0x284: {  	(pc) =	sbr.rel .LBB2_48-.Ltmp33, $2  }
0x285: {  	_ =	sdelay $0x2  }
0x286: {  	[sflag:s7] =	ssyncadd.s32 $0xFFFFF800  }
.LBB2_28:
.Ltmp34:
0x287: {  	(pc) =	sbr.rel .LBB2_48-.Ltmp34, $3  }
0x288: {  	_ =	sdelay $0x1  }
0x289: {  	p1 =	slt.s32 s18, $0x8;
	s13 =	smov.u32 s18  }
0x28a: {  	s0 =	rddreg [dreg:$0x0];
	s13 =	simm.s32 @!p1 $0x8  }
.LBB2_44:
0x28b: {  	s0 =	rddreg [dreg:$0x0]  }
.LBB2_48:
0x28c: {  	p1 =	slt.s32 s18, $0x1  }
.Ltmp35:
0x28d: {  	_ = 	snop;
	(pc) =	sbr.rel @p1 .LBB2_52-.Ltmp35, $1  }
0x28e: {  	_ =	sdelay $0x3  }
0x28f: {  	p1 =	sne.s32 s13, $0x1  }
.Ltmp36:
0x290: {  	_ = 	snop;
	(pc) =	sbr.rel @!p1 .LBB2_51-.Ltmp36, $3  }
0x291: {  	_ =	sdelay $0x1  }
0x292: {  	_ =	swait.ge [sflag:s7], $0x800  }
0x293: {  	s13 =	sadd.s32 $0xFFFFFFFF, s13;
	[sflag:s7] =	ssyncset.done $0x0  }
.LBB2_50:
0x294: {  	p1 =	sne.s32 s13, $0x1;
	s13 =	sadd.s32 $0xFFFFFFFF, s13;
	[sflag:s7] =	ssyncadd.s32 $0xFFFFF800  }
.Ltmp37:
0x295: {  	(pc) =	sbr.rel @p1 .LBB2_50-.Ltmp37, $3  }
0x296: {  	_ =	sdelay $0x1  }
0x297: {  	_ =	swait.ge [sflag:s7], $0x800  }
0x298: {  	[sflag:s7] =	ssyncset.done $0x0  }
.Ltmp38:
0x299: {  	_ = 	snop;
	(pc) =	sbr.rel .LBB2_51-.Ltmp38, $1  }
0x29a: {  	_ =	sdelay $0x3  }
.LBB2_53:
0x29b: {  	_ =	sfence.sel $0x180000  }
0x29c: {  	[bflag:$0x0] =	sbarrier.arrive $0xFFFF  }
0x29d: {  	_ =	strace $0x90000047  }
0x29e: {  	s0 =	stileid.u32;
	[bflag:$0x2] =	sbarrier.arrive $0xFFFF  }
0x29f: {  	p0 =	sne.s32 s0, $0x0;
	s0 =	rddreg [dreg:$0x7]  }
0x2a0: {  	s0 =	sadd.s32 @!p0 $0x100000, s0  }
0x2a1: {  	[sflag:s0] =	ssyncadd.tile.s32 @!p0 $0x1;
	_ =	shalt  }
.Lfunc_end2:
_tile_overlayer_lowered:
.L_overlay_start_2:
0x2a2: {  	(tag) =	ssettag $0x2  }
0x2a3: {  	s0 =	rddreg [dreg:$0x0];
	s2 =	stileid.u32  }
0x2a4: {  	s1 =	rddreg [dreg:$0x1];
	p0 =	sne.s32 s2, $0x0  }
0x2a5: {  	s3 =	rddreg [dreg:$0x2];
	[bflag:$0x3] =	sbarrier.arrive $0xFFFF;
	s2 =	simm.s32 @!p0 $0x1C04  }
0x2a6: {  	[timem:s3], [sflag:s2] =	dma.local @!p0 [hbm:s0], s1  }
0x2a7: {  	s0 =	simm.s32 @!p0 $0x4  }
0x2a8: {  	_ =	swait.ge @!p0 [sflag:s0], s1  }
0x2a9: {  	s1 =	ssub.s32 @!p0 $0x0, s1;
	[sflag:s0] =	ssyncset.done @!p0 $0x0  }
0x2aa: {  	[sflag:s0] =	ssyncadd.s32 @!p0 s1  }
0x2ab: {  	[bflag:$0x3] =	sbarrier.arrive $0xFFFF  }
0x2ac: {  	_ =	shalt  }

// kernel: _run.7.cloned.1.call-start
scs
__scs_entry_jumppad:
0x0: {  	(pc) =	sbr.rel $0x88, $3  }
0x1: {  	(tag) =	ssettag $0x0;
	lr =	simm.s32 $0x1  }
0x2: {  	[smem:$0x3F99] =	sst lr;
	_ =	strace $0xD0000000  }
0x3: {  	_ = 	snop  }
0x4: {  	_ = 	snop  }
0x5: {  	_ = 	snop  }
0x6: {  	_ = 	snop  }
0x7: {  	_ = 	snop  }
__scs_overlays_trampoline_lowered:
0x8: {  	[smem:$0x3FA8] =	sst s0  }
0x9: {  	[smem:$0x3FA9] =	sst s1  }
0xa: {  	[smem:$0x3FAA] =	sst s2  }
0xb: {  	[smem:$0x3FAB] =	sst s3  }
0xc: {  	[smem:$0x3FAC] =	sst s4  }
0xd: {  	[smem:$0x3FAD] =	sst s5  }
0xe: {  	[smem:$0x3FAE] =	sst s6  }
0xf: {  	[smem:$0x3FAF] =	sst s7  }
0x10: {  	[smem:$0x3FB0] =	sst s8  }
0x11: {  	[smem:$0x3FB1] =	sst s9;
	s0 =	simm.s32 @!p0 $0x0  }
0x12: {  	s1 =	sld [smem:$0x3F97];
	s0 =	simm.s32 @p0 $0x1  }
0x13: {  	[smem:$0x3FB2] =	sst s0;
	s0 =	simm.s32 @!p1 $0x0  }
0x14: {  	s2 =	sld [smem:$0x3F96];
	s0 =	simm.s32 @p1 $0x1  }
0x15: {  	[smem:$0x3FB3] =	sst s0;
	s0 =	simm.s32 @!p2 $0x0  }
0x16: {  	s3 =	sld [smem:$0x3FDB];
	s0 =	simm.s32 @p2 $0x1  }
0x17: {  	s4 =	simm.s32 $0x1BF5;
	[smem:$0x3FB5] =	sst s0  }
0x18: {  	s0 =	sld [smem:$0x3F98];
	_ =	swait.ge [sflag:s4], $0x0  }
0x19: {  	s7 =	sld [smem:$0x3F99]  }
0x1a: {  	s8 =	sadd.s32 $0xFFFFE003, lr  }
0x1b: {  	s9 =	sadd.s32 $0xFFFFFEF7, lr;
	s5 =	simm.s32 $0xFFFFFFFF;
	p2 =	slt.u32 s8, $0xFFFFF086  }
0x1c: {  	p1 =	slt.u32 s9, $0xF7A;
	s5 =	simm.s32 @!p2 $0x0  }
0x1d: {  	s5 =	simm.s32 @p1 $0x1;
	p0 =	seq.s32 s7, s2  }
0x1e: {  	s7 =	smul.u32 @!p0 $0xF7A, s2;
	p2 =	seq.s32 @!p0 s5, $0x0  }
0x1f: {  	s9 =	smul.u32 $0xF7A, s1;
	s8 =	simm.s32 @!p0 $0x1BF5;
	p2 =	por !p2, p0  }
0x20: {  	[sflag:s8] =	ssyncset.s32 @!p0 $0xFFFFF086;
	s6 =	sadd.s32 @!p0 s3, s7;
	s7 =	simm.s32 @!p0 $0x108  }
0x21: {  	s3 =	sadd.s32 s3, s9;
	s6 =	sadd.s32 @!p0 $0x88, s6;
	s7 =	simm.s32 @p2 $0x1082  }
0x22: {  	[simem:s7], [sflag:s8] =	dma.local @!p0 [hbm:s6], $0xF7A  }
0x23: {  	s9 =	sor.u32 $0xD0000000, s2;
	s6 =	simm.s32 $0x108;
	_ =	swait.ge @!p0 [sflag:s8], $0x0  }
0x24: {  	s3 =	sadd.s32 $0x88, s3;
	s6 =	simm.s32 @!p1 $0x1082;
	[sflag:s4] =	ssyncset.s32 $0xFFFFF086  }
0x25: {  	[simem:s6], [sflag:s4] =	dma.local [hbm:s3], $0xF7A  }
0x26: {  	[smem:$0x3F99] =	sst s1;
	(tag) =	ssettag s2;
	_ =	strace s9  }
0x27: {  	s1 =	sld [smem:$0x3FA9]  }
0x28: {  	s2 =	sld [smem:$0x3FAA]  }
0x29: {  	s4 =	sld [smem:$0x3FAC]  }
0x2a: {  	p0 =	seq.s32 s5, $0x0;
	s5 =	sld [smem:$0x3FAD]  }
0x2b: {  	s6 =	sld [smem:$0x3FAE]  }
0x2c: {  	s7 =	sld [smem:$0x3FAF]  }
0x2d: {  	s3 =	simm.s32 $0x108;
	s8 =	sld [smem:$0x3FB0]  }
0x2e: {  	s3 =	simm.s32 @!p0 $0x1082;
	s9 =	sld [smem:$0x3FB1]  }
0x2f: {  	lr =	sadd.s32 s0, s3;
	s0 =	sld [smem:$0x3FA8]  }
0x30: {  	s3 =	sld [smem:$0x3FAB]  }
0x31: {  	[smem:$0x3FB4] =	sst s10  }
0x32: {  	s10 =	sld [smem:$0x3FB2];
	_ =	sdelay $0x3  }
0x33: {  	p0 =	seq.s32 s10, $0x1;
	s10 =	sld [smem:$0x3FB4];
	_ =	sdelay $0x3  }
0x34: {  	[smem:$0x3FB4] =	sst s10  }
0x35: {  	s10 =	sld [smem:$0x3FB3];
	_ =	sdelay $0x3  }
0x36: {  	p1 =	seq.s32 s10, $0x1;
	s10 =	sld [smem:$0x3FB4];
	_ =	sdelay $0x3  }
0x37: {  	[smem:$0x3FB4] =	sst s10  }
0x38: {  	s10 =	sld [smem:$0x3FB5]  }
0x39: {  	_ = 	snop;
	(pc) =	sbr.ind lr, $3  }
0x3a: {  	_ = 	snop  }
0x3b: {  	_ = 	snop  }
0x3c: {  	p2 =	seq.s32 s10, $0x1;
	s10 =	sld [smem:$0x3FB4]  }
0x3d: {  	_ =	shalt  }
0x3e: {  	_ =	shalt  }
0x3f: {  	_ =	shalt  }
0x40: {  	_ =	shalt  }
0x41: {  	_ =	shalt  }
0x42: {  	_ =	shalt  }
0x43: {  	_ =	shalt  }
0x44: {  	_ =	shalt  }
0x45: {  	_ =	shalt  }
0x46: {  	_ =	shalt  }
0x47: {  	_ =	shalt  }
0x48: {  	_ =	shalt  }
0x49: {  	_ =	shalt  }
0x4a: {  	_ =	shalt  }
0x4b: {  	_ =	shalt  }
0x4c: {  	_ =	shalt  }
0x4d: {  	_ =	shalt  }
0x4e: {  	_ =	shalt  }
0x4f: {  	_ =	shalt  }
0x50: {  	_ =	shalt  }
0x51: {  	_ =	shalt  }
0x52: {  	_ =	shalt  }
0x53: {  	_ =	shalt  }
0x54: {  	_ =	shalt  }
0x55: {  	_ =	shalt  }
0x56: {  	_ =	shalt  }
0x57: {  	_ =	shalt  }
0x58: {  	_ =	shalt  }
0x59: {  	_ =	shalt  }
0x5a: {  	_ =	shalt  }
0x5b: {  	_ =	shalt  }
0x5c: {  	_ =	shalt  }
0x5d: {  	_ =	shalt  }
0x5e: {  	_ =	shalt  }
0x5f: {  	_ =	shalt  }
0x60: {  	_ =	shalt  }
0x61: {  	_ =	shalt  }
0x62: {  	_ =	shalt  }
0x63: {  	_ =	shalt  }
0x64: {  	_ =	shalt  }
0x65: {  	_ =	shalt  }
0x66: {  	_ =	shalt  }
0x67: {  	_ =	shalt  }
0x68: {  	_ =	shalt  }
0x69: {  	_ =	shalt  }
0x6a: {  	_ =	shalt  }
0x6b: {  	_ =	shalt  }
0x6c: {  	_ =	shalt  }
0x6d: {  	_ =	shalt  }
0x6e: {  	_ =	shalt  }
0x6f: {  	_ =	shalt  }
0x70: {  	_ =	shalt  }
0x71: {  	_ =	shalt  }
0x72: {  	_ =	shalt  }
0x73: {  	_ =	shalt  }
0x74: {  	_ =	shalt  }
0x75: {  	_ =	shalt  }
0x76: {  	_ =	shalt  }
0x77: {  	_ =	shalt  }
0x78: {  	_ =	shalt  }
0x79: {  	_ =	shalt  }
0x7a: {  	_ =	shalt  }
0x7b: {  	_ =	shalt  }
0x7c: {  	_ =	shalt  }
0x7d: {  	_ =	shalt  }
0x7e: {  	_ =	shalt  }
0x7f: {  	_ =	shalt  }
0x80: {  	_ =	shalt  }
0x81: {  	_ =	shalt  }
0x82: {  	_ =	shalt  }
0x83: {  	_ =	shalt  }
0x84: {  	_ =	shalt  }
0x85: {  	_ =	shalt  }
0x86: {  	_ =	shalt  }
0x87: {  	_ =	shalt  }
.Lfunc_end0:
.L_simem_size_0:
called_computation.1_lowered:
.L_overlay_start_0:
0x88: {  	s2 =	sld [smem:$0x3FD9]  }
0x89: {  	s3 =	sld [smem:$0x3FFE];
	_ =	sdelay $0x1  }
0x8a: {  	s1 =	srdreg.scid  }
0x8b: {  	s0 =	sand.u32 $0x1, s1  }
0x8c: {  	s17 =	sshll.u32 s0, $0xA;
	s2 =	sadd.s32 s3, s2  }
0x8d: {  	s2 =	sadd.s32 s2, s17  }
0x8e: {  	[smem:$0x3FC0] =	sst s2  }
0x8f: {  	_ = 	snop  }
0x90: {  	s2 =	sld [smem:$0x3FC9]  }
0x91: {  	s18 =	sld [smem:$0x3FC8]  }
0x92: {  	s4 =	sld [smem:$0x3FC3]  }
0x93: {  	s5 =	sld [smem:$0x3FC2]  }
0x94: {  	s6 =	sld [smem:$0x3FD0];
	(tm) =	ssettm $0x1  }
0x95: {  	s7 =	sld [smem:$0x3FFB];
	_ =	sdelay $0x3  }
0x96: {  	_ =	strace s7  }
0x97: {  	s7 =	sld [smem:$0x3FFC];
	_ =	sdelay $0x3  }
0x98: {  	_ =	strace s7  }
0x99: {  	s7 =	sld [smem:$0x3FFD];
	_ =	sdelay $0x3  }
0x9a: {  	_ =	strace s7  }
0x9b: {  	_ =	strace $0x8FFFFFFF  }
0x9c: {  	s19 =	sld [smem:$0x3FDB];
	_ =	sdelay $0x1  }
0x9d: {  	s8 =	simm.s32 $_scs_section_size  }
0x9e: {  	s9 =	simm.s32 $_size__tile_overlayer_lowered;
	s10 =	simm.s32 $_tile_overlayer_lowered  }
0x9f: {  	s22 =	simm.s32 $0x1BFF;
	s21 =	sshll.u32 s10, $0x1;
	s7 =	sadd.s32 s8, s19  }
0xa0: {  	s11 =	simm.s32 $0x0;
	s20 =	sshll.u32 s9, $0x1;
	s9 =	sadd.s32 s21, s7  }
0xa1: {  	[timem:s11], [sflag:s22] =	dma.local [hbm:s9], s20  }
0xa2: {  	_ =	swait.ge [sflag:s22], s20  }
0xa3: {  	s8 =	ssub.s32 $0x0, s20;
	[sflag:s22] =	ssyncset.done $0x0  }
0xa4: {  	[sflag:s22] =	ssyncadd.s32 s8;
	_ =	sdelay $0x1  }
0xa5: {  	s23 =	simm.s32 $0x1B8B  }
0xa6: {  	_ =	swait.ge [sflag:s23], $0x1  }
0xa7: {  	[sflag:s23] =	ssyncset.done $0x0  }
0xa8: {  	s25 =	simm.s32 $0x1B8E;
	s24 =	sld [smem:$0x3FFE];
	[sflag:s23] =	ssyncadd.s32 $0xFFFFFFFF  }
0xa9: {  	s26 =	simm.s32 $execute0_lowered;
	[smem:$0x3FD2] =	sst s25  }
0xaa: {  	s9 =	sshll.u32 s26, $0x1;
	_ =	strace $0x80000049;
	[dreg:$0x1] =	wrdreg $0xFFFFFFFF  }
0xab: {  	s28 =	simm.s32 $_size_execute0_lowered;
	s7 =	sadd.s32 s7, s9;
	[dreg:$0x0] =	wrdreg $0x0  }
0xac: {  	s9 =	sshll.u32 s28, $0x1;
	[dreg:$0x2] =	wrdreg s7  }
0xad: {  	[dreg:$0x3] =	wrdreg s9  }
0xae: {  	[dreg:$0x4] =	wrdreg $0xC0  }
0xaf: {  	_ =	task [dreg:s11], $0x5FFFF  }
0xb0: {  	[dreg:$0x1] =	wrdreg $0xFFFFFFFF  }
0xb1: {  	[dreg:$0x0] =	wrdreg $0x60  }
0xb2: {  	[dreg:$0x2] =	wrdreg s2  }
0xb3: {  	[dreg:$0x3] =	wrdreg s18  }
0xb4: {  	[dreg:$0x4] =	wrdreg s24  }
0xb5: {  	[dreg:$0x5] =	wrdreg s4  }
0xb6: {  	[dreg:$0x6] =	wrdreg s5  }
0xb7: {  	[dreg:$0x7] =	wrdreg s6  }
0xb8: {  	[dreg:$0x8] =	wrdreg $0x9  }
0xb9: {  	_ =	task.clear_ibuf [dreg:s11], $0x9FFFF;
	_ =	strace $0x90000049  }
0xba: {  	s29 =	simm.s32 $0x9;
	_ =	strace $0x8000004B  }
0xbb: {  	_ =	swait.ge [sflag:s29], $0x1  }
0xbc: {  	[sflag:s29] =	ssyncadd.s32 $0xFFFFFFFF  }
0xbd: {  	_ =	strace $0x9000004B  }
0xbe: {  	_ =	sfence  }
0xbf: {  	s30 =	sld [smem:$0x0];
	_ =	sdelay $0x2  }
0xc0: {  	s31 =	sshll.u32 s1, $0xD;
	s1 =	sshrl.u32 s1, $0x2  }
0xc1: {  	s3 =	sand.u32 $0x4000, s31;
	s1 =	sadd.s32 s1, s30  }
0xc2: {  	s0 =	sor.u32 s3, s0;
	s1 =	sshll.u32 s1, $0x11  }
0xc3: {  	s0 =	sor.u32 s1, s0  }
0xc4: {  	s0 =	sadd.s32 $0x8F2B, s0  }
0xc5: {  	[sflag:s0] =	ssyncadd.remote.s32 $0x1  }
0xc6: {  	_ =	sfence.sel $0xFFFF  }
0xc7: {  	[dreg:$0x0] =	wrdreg $0xFFFFFFFF;
	(pc) =	sbr.abs _section_cstart, $3  }
0xc8: {  	[dreg:$0x1] =	wrdreg $0xFFFFFFFF  }
0xc9: {  	_ =	task.clear_ibuf [dreg:s11], $0x2FFFF;
	_ =	strace $0x9FFFFFFF  }
0xca: {  	(tm) =	ssettm $0x7FFFFFFF  }
0xcb: {  	_ =	shalt  }
tec
execute0_lowered:
.L_overlay_start_1:
0x0: {  	(tag) =	ssettag $0x1  }
0x1: {  	s0 =	rddreg [dreg:$0x0]  }
0x2: {  	s3 =	rddreg [dreg:$0x1]  }
0x3: {  	s7 =	rddreg [dreg:$0x2]  }
0x4: {  	s1 =	rddreg [dreg:$0x3]  }
0x5: {  	s2 =	rddreg [dreg:$0x4]  }
0x6: {  	s10 =	rddreg [dreg:$0x5]  }
0x7: {  	s5 =	srdreg.scid;
	s4 =	simm.s32 $0x0;
	s6 =	stileid.u32  }
0x8: {  	s13 =	simm.s32 $0x200;
	s14 =	simm.s32 $0x80;
	s19 =	simm.s32 $0x10680  }
0x9: {  	s20 =	simm.s32 $0x100;
	s21 =	simm.s32 $0x10500;
	s22 =	simm.s32 $0x300  }
0xa: {  	s23 =	simm.s32 $0x10700;
	s24 =	simm.s32 $0x180;
	s25 =	simm.s32 $0x10580  }
0xb: {  	s28 =	simm.s32 $0x10780;
	s29 =	simm.s32 $0x1;
	s30 =	simm.s32 $0x400  }
0xc: {  	s31 =	simm.s32 $0x8400;
	s5 =	sand.u32 $0x1, s5;
	[smem:$0x7FF] =	sst s4  }
0xd: {  	s6 =	sshll.u32 s6, $0xA;
	s8 =	sshll.u32 s5, $0x9;
	_ =	strace $0x8000004A  }
0xe: {  	s9 =	ssub.s32 $0x2, s5;
	s5 =	sor.u32 s8, s6;
	s6 =	sadd.s32 $0xC00, s7  }
0xf: {  	s26 =	sshrl.u32 s9, $0x1;
	s7 =	sadd.s32 $0x40E00, s7;
	s11 =	sshrl.u32 s5, $0x3  }
0x10: {  	s12 =	ssub.s32 s9, s26;
	s26 =	simm.s32 $0x380;
	s8 =	sadd.s32 s0, s11  }
0x11: {  	v0 =	vlaneseq.u32;
	s9 =	sadd.s32 s3, s11;
	s10 =	sadd.s32 s10, s11;
	s11 =	smax.u32 s12, $0x1  }
0x12: {  	v0 =	vmul.u32 $0x80, v0;
	s12 =	simm.s32 $0x2;
	s0 =	simm.s32 $0x10800;
	s3 =	simm.s32 $0x0  }
.LBB2_1:
0x13: {  	[tilespmem:s4], [sflag:$0x2] =	stream.linear.gather [hbm4b:s8+s4], $0x200, $0x38;
	[tilespmem:$0x10A00] =	vst v63  }
0x14: {  	_ =	swait.ge [sflag:s12], $0x200  }
0x15: {  	[sflag:s12] =	ssyncset.done $0x0  }
0x16: {  	[sflag:s12] =	ssyncadd.s32 $0xFFFFFE00  }
0x17: {  	[tilespmem:s13], [sflag:$0x2] =	stream.linear.gather [hbm4b:s9+s4], $0x200, $0x38;
	[tilespmem:$0x10A00] =	vst v63  }
0x18: {  	_ =	swait.ge [sflag:s12], $0x200  }
0x19: {  	[sflag:s12] =	ssyncset.done $0x0  }
0x1a: {  	s15 =	simm.s32 $0x10400;
	[sflag:s12] =	ssyncadd.s32 $0xFFFFFE00  }
0x1b: {  	[tilespmem:s15], [sflag:$0x1] =	stream.indirect.gather [hbm4b:s1+s14], $0x1, s4, s14, $0xb8;
	[tilespmem:$0x10A00] =	vst v63  }
0x1c: {  	s16 =	simm.s32 $0x10600  }
0x1d: {  	[tilespmem:s16], [sflag:$0x1] =	stream.indirect.gather [hbm4b:s2+s14], $0x1, s13, s14, $0xb8;
	[tilespmem:$0x10A00] =	vst v63  }
0x1e: {  	s17 =	simm.s32 $0x10480  }
0x1f: {  	[tilespmem:s17], [sflag:$0x1] =	stream.indirect.gather [hbm4b:s1+s14], $0x1, s14, s14, $0xb8;
	[tilespmem:$0x10A00] =	vst v63  }
0x20: {  	s18 =	simm.s32 $0x280  }
0x21: {  	[tilespmem:s19], [sflag:$0x1] =	stream.indirect.gather [hbm4b:s2+s14], $0x1, s18, s14, $0xb8;
	[tilespmem:$0x10A00] =	vst v63  }
0x22: {  	_ = 	snop  }
0x23: {  	[tilespmem:s21], [sflag:$0x1] =	stream.indirect.gather [hbm4b:s1+s14], $0x1, s20, s14, $0xb8;
	[tilespmem:$0x10A00] =	vst v63  }
0x24: {  	_ = 	snop  }
0x25: {  	[tilespmem:s23], [sflag:$0x1] =	stream.indirect.gather [hbm4b:s2+s14], $0x1, s22, s14, $0xb8;
	[tilespmem:$0x10A00] =	vst v63  }
0x26: {  	_ = 	snop  }
0x27: {  	[tilespmem:s25], [sflag:$0x1] =	stream.indirect.gather [hbm4b:s1+s14], $0x1, s24, s14, $0xb8;
	[tilespmem:$0x10A00] =	vst v63  }
0x28: {  	_ = 	snop  }
0x29: {  	[tilespmem:s28], [sflag:$0x1] =	stream.indirect.gather [hbm4b:s2+s14], $0x1, s26, s14, $0xb8;
	[tilespmem:$0x10A00] =	vst v63  }
0x2a: {  	_ =	swait.ge [sflag:s29], $0x80  }
0x2b: {  	[sflag:s29] =	ssyncset.done $0x0  }
0x2c: {  	[sflag:s29] =	ssyncadd.s32 $0xFFFFFF80  }
0x2d: {  	_ =	swait.ge [sflag:s29], $0x80  }
0x2e: {  	[sflag:s29] =	ssyncset.done $0x0  }
0x2f: {  	[sflag:s29] =	ssyncadd.s32 $0xFFFFFF80  }
0x30: {  	_ =	swait.ge [sflag:s29], $0x80  }
0x31: {  	[sflag:s29] =	ssyncset.done $0x0  }
0x32: {  	[sflag:s29] =	ssyncadd.s32 $0xFFFFFF80  }
0x33: {  	_ =	swait.ge [sflag:s29], $0x80  }
0x34: {  	[sflag:s29] =	ssyncset.done $0x0  }
0x35: {  	[sflag:s29] =	ssyncadd.s32 $0xFFFFFF80  }
0x36: {  	_ =	swait.ge [sflag:s29], $0x80  }
0x37: {  	[sflag:s29] =	ssyncset.done $0x0  }
0x38: {  	[sflag:s29] =	ssyncadd.s32 $0xFFFFFF80  }
0x39: {  	_ =	swait.ge [sflag:s29], $0x80  }
0x3a: {  	[sflag:s29] =	ssyncset.done $0x0  }
0x3b: {  	[sflag:s29] =	ssyncadd.s32 $0xFFFFFF80  }
0x3c: {  	_ =	swait.ge [sflag:s29], $0x80  }
0x3d: {  	[sflag:s29] =	ssyncset.done $0x0  }
0x3e: {  	[sflag:s29] =	ssyncadd.s32 $0xFFFFFF80  }
0x3f: {  	_ =	swait.ge [sflag:s29], $0x80  }
0x40: {  	[sflag:s29] =	ssyncset.done $0x0  }
0x41: {  	p1 =	por $0x1, $0x1;
	s15 =	simm.s32 $0x0;
	[sflag:s29] =	ssyncadd.s32 $0xFFFFFF80  }
.LBB2_2:
0x42: {  	s16 =	sor.u32 s5, s15  }
0x43: {  	s16 =	sshll.u32 s16, $0x4  }
0x44: {  	s18 =	simm.s32 $0x0;
	s17 =	sadd.s32 s6, s16  }
0x45: {  	[tilespmem:s30], [sflag:$0x2] =	stream.linear.gather [hbm4b:s17+s18], $0x8000, $0x38;
	[tilespmem:$0x10A00] =	vst v63  }
0x46: {  	_ =	swait.ge [sflag:s12], $0x8000  }
0x47: {  	[sflag:s12] =	ssyncset.done $0x0  }
0x48: {  	v1 =	vmov s18;
	s16 =	sadd.s32 s7, s16;
	[sflag:s12] =	ssyncadd.s32 $0xFFFF8000  }
0x49: {  	v1 =	vshll.u32 v1, $0x7;
	[tilespmem:s31], [sflag:$0x2] =	stream.linear.gather [hbm4b:s16+s18], $0x8000, $0x38;
	[tilespmem:$0x10A00] =	vst v63  }
0x4a: {  	v1 =	vor.u32 v0, v1;
	s18 =	sshll.u32 s15, $0x2;
	_ =	swait.ge [sflag:s12], $0x8000  }
0x4b: {  	s15 =	sshra.s32 s18, $0x2;
	[sflag:s12] =	ssyncset.done $0x0  }
0x4c: {  	v2 =	vor.u32 $0x1, v1;
	s16 =	sadd.s32 $0x10600, s15;
	[sflag:s12] =	ssyncadd.s32 $0xFFFF8000  }
0x4d: {  	s17 =	sadd.s32 $0x10400, s15;
	v3 =	vld [tilespmem:s16+$0x0]  }
0x4e: {  	v4 =	vor.u32 $0x2, v1;
	v5 =	vld [tilespmem:s17+$0x0]  }
0x4f: {  	v6 =	vld.idx.msk [tilespmem:v1+s30+$0x0], $0xffff  }
0x50: {  	v8 =	vor.u32 $0x3, v1;
	v7 =	vld.idx.msk [tilespmem:v1+s31+$0x0], $0xffff  }
0x51: {  	v9 =	vld.idx.msk [tilespmem:v2+s30+$0x0], $0xffff  }
0x52: {  	v10 =	vor.u32 $0x4, v1;
	v2 =	vld.idx.msk [tilespmem:v2+s31+$0x0], $0xffff  }
0x53: {  	v11 =	vld.idx.msk [tilespmem:v4+s30+$0x0], $0xffff;
	v3 =	vadd.f32 v3, v5  }
0x54: {  	v4 =	vld.idx.msk [tilespmem:v4+s31+$0x0], $0xffff;
	v5 =	vor.u32 $0x5, v1  }
0x55: {  	v12 =	vld.idx.msk [tilespmem:v8+s30+$0x0], $0xffff;
	v6 =	vmul.f32 v7, v6;
	v3 =	vadd.f32 $3.500000000e+00, v3  }
0x56: {  	v28 =	vor.u32 $0x6, v1;
	v27 =	vld.idx.msk [tilespmem:v8+s31+$0x0], $0xffff  }
0x57: {  	v13 =	vld.idx.msk [tilespmem:v10+s30+$0x0], $0xffff;
	v2 =	vmul.f32 v2, v9;
	v3 =	vadd.f32 v6, v3  }
0x58: {  	v30 =	vor.u32 $0x7, v1;
	v29 =	vld.idx.msk [tilespmem:v10+s31+$0x0], $0xffff  }
0x59: {  	v31 =	vld.idx.msk [tilespmem:v5+s30+$0x0], $0xffff;
	v2 =	vadd.f32 v2, v3;
	v3 =	vmul.f32 v4, v11  }
0x5a: {  	v4 =	vld.idx.msk [tilespmem:v5+s31+$0x0], $0xffff;
	v5 =	vor.u32 $0x8, v1  }
0x5b: {  	v32 =	vld.idx.msk [tilespmem:v28+s30+$0x0], $0xffff;
	v2 =	vadd.f32 v3, v2;
	v3 =	vmul.f32 v27, v12  }
0x5c: {  	v34 =	vor.u32 $0x9, v1;
	v33 =	vld.idx.msk [tilespmem:v28+s31+$0x0], $0xffff  }
0x5d: {  	v35 =	vld.idx.msk [tilespmem:v30+s30+$0x0], $0xffff;
	v2 =	vadd.f32 v3, v2;
	v3 =	vmul.f32 v29, v13  }
0x5e: {  	v37 =	vor.u32 $0xA, v1;
	v36 =	vld.idx.msk [tilespmem:v30+s31+$0x0], $0xffff  }
0x5f: {  	v38 =	vld.idx.msk [tilespmem:v5+s30+$0x0], $0xffff;
	v2 =	vadd.f32 v3, v2;
	v3 =	vmul.f32 v4, v31  }
0x60: {  	v4 =	vld.idx.msk [tilespmem:v5+s31+$0x0], $0xffff;
	v5 =	vor.u32 $0xB, v1  }
0x61: {  	v39 =	vld.idx.msk [tilespmem:v34+s30+$0x0], $0xffff;
	v2 =	vadd.f32 v3, v2;
	v3 =	vmul.f32 v33, v32  }
0x62: {  	v41 =	vor.u32 $0xC, v1;
	v40 =	vld.idx.msk [tilespmem:v34+s31+$0x0], $0xffff  }
0x63: {  	v42 =	vld.idx.msk [tilespmem:v37+s30+$0x0], $0xffff;
	v2 =	vadd.f32 v3, v2;
	v3 =	vmul.f32 v36, v35  }
0x64: {  	v44 =	vor.u32 $0xD, v1;
	v43 =	vld.idx.msk [tilespmem:v37+s31+$0x0], $0xffff  }
0x65: {  	v45 =	vld.idx.msk [tilespmem:v5+s30+$0x0], $0xffff;
	v2 =	vadd.f32 v3, v2;
	v3 =	vmul.f32 v4, v38  }
0x66: {  	v4 =	vld.idx.msk [tilespmem:v5+s31+$0x0], $0xffff;
	v5 =	vor.u32 $0xE, v1  }
0x67: {  	v46 =	vld.idx.msk [tilespmem:v41+s30+$0x0], $0xffff;
	v2 =	vadd.f32 v3, v2;
	v3 =	vmul.f32 v40, v39  }
0x68: {  	v48 =	vor.u32 $0xF, v1;
	v47 =	vld.idx.msk [tilespmem:v41+s31+$0x0], $0xffff  }
0x69: {  	v49 =	vld.idx.msk [tilespmem:v44+s30+$0x0], $0xffff;
	v2 =	vadd.f32 v3, v2;
	v3 =	vmul.f32 v43, v42  }
0x6a: {  	v51 =	vor.u32 $0x10, v1;
	v50 =	vld.idx.msk [tilespmem:v44+s31+$0x0], $0xffff  }
0x6b: {  	v52 =	vld.idx.msk [tilespmem:v5+s30+$0x0], $0xffff;
	v2 =	vadd.f32 v3, v2;
	v3 =	vmul.f32 v4, v45  }
0x6c: {  	v4 =	vld.idx.msk [tilespmem:v5+s31+$0x0], $0xffff;
	v5 =	vor.u32 $0x11, v1  }
0x6d: {  	v53 =	vld.idx.msk [tilespmem:v48+s30+$0x0], $0xffff;
	v2 =	vadd.f32 v3, v2;
	v3 =	vmul.f32 v47, v46  }
0x6e: {  	v55 =	vor.u32 $0x12, v1;
	v54 =	vld.idx.msk [tilespmem:v48+s31+$0x0], $0xffff  }
0x6f: {  	v56 =	vld.idx.msk [tilespmem:v51+s30+$0x0], $0xffff;
	v2 =	vadd.f32 v3, v2;
	v3 =	vmul.f32 v50, v49  }
0x70: {  	v58 =	vor.u32 $0x13, v1;
	v57 =	vld.idx.msk [tilespmem:v51+s31+$0x0], $0xffff  }
0x71: {  	v59 =	vld.idx.msk [tilespmem:v5+s30+$0x0], $0xffff;
	v2 =	vadd.f32 v3, v2;
	v3 =	vmul.f32 v4, v52  }
0x72: {  	v4 =	vld.idx.msk [tilespmem:v5+s31+$0x0], $0xffff;
	v5 =	vor.u32 $0x14, v1  }
0x73: {  	v60 =	vld.idx.msk [tilespmem:v55+s30+$0x0], $0xffff;
	v2 =	vadd.f32 v3, v2;
	v3 =	vmul.f32 v54, v53  }
0x74: {  	v62 =	vor.u32 $0x15, v1;
	v61 =	vld.idx.msk [tilespmem:v55+s31+$0x0], $0xffff  }
0x75: {  	v63 =	vld.idx.msk [tilespmem:v58+s30+$0x0], $0xffff;
	v2 =	vadd.f32 v3, v2;
	v3 =	vmul.f32 v57, v56  }
0x76: {  	v17 =	vor.u32 $0x16, v1;
	v16 =	vld.idx.msk [tilespmem:v58+s31+$0x0], $0xffff  }
0x77: {  	v18 =	vld.idx.msk [tilespmem:v5+s30+$0x0], $0xffff;
	v2 =	vadd.f32 v3, v2;
	v3 =	vmul.f32 v4, v59  }
0x78: {  	v4 =	vld.idx.msk [tilespmem:v5+s31+$0x0], $0xffff;
	v5 =	vor.u32 $0x17, v1  }
0x79: {  	v19 =	vld.idx.msk [tilespmem:v62+s30+$0x0], $0xffff;
	v2 =	vadd.f32 v3, v2;
	v3 =	vmul.f32 v61, v60  }
0x7a: {  	v21 =	vor.u32 $0x18, v1;
	v20 =	vld.idx.msk [tilespmem:v62+s31+$0x0], $0xffff  }
0x7b: {  	v22 =	vld.idx.msk [tilespmem:v17+s30+$0x0], $0xffff;
	v2 =	vadd.f32 v3, v2;
	v3 =	vmul.f32 v16, v63  }
0x7c: {  	v24 =	vor.u32 $0x19, v1;
	v23 =	vld.idx.msk [tilespmem:v17+s31+$0x0], $0xffff  }
0x7d: {  	v25 =	vld.idx.msk [tilespmem:v5+s30+$0x0], $0xffff;
	v2 =	vadd.f32 v3, v2;
	v3 =	vmul.f32 v4, v18  }
0x7e: {  	v4 =	vld.idx.msk [tilespmem:v5+s31+$0x0], $0xffff;
	v5 =	vor.u32 $0x1A, v1  }
0x7f: {  	v26 =	vld.idx.msk [tilespmem:v21+s30+$0x0], $0xffff;
	v2 =	vadd.f32 v3, v2;
	v3 =	vmul.f32 v20, v19  }
0x80: {  	v28 =	vor.u32 $0x1B, v1;
	v27 =	vld.idx.msk [tilespmem:v21+s31+$0x0], $0xffff  }
0x81: {  	v30 =	vld.idx.msk [tilespmem:v24+s31+$0x0], $0xffff;
	v2 =	vadd.f32 v3, v2;
	v3 =	vmul.f32 v23, v22  }
0x82: {  	v29 =	vld.idx.msk [tilespmem:v24+s30+$0x0], $0xffff;
	v31 =	vor.u32 $0x1C, v1  }
0x83: {  	v32 =	vld.idx.msk [tilespmem:v5+s30+$0x0], $0xffff;
	v2 =	vadd.f32 v3, v2;
	v3 =	vmul.f32 v4, v25  }
0x84: {  	v4 =	vld.idx.msk [tilespmem:v5+s31+$0x0], $0xffff;
	v5 =	vor.u32 $0x1D, v1  }
0x85: {  	v34 =	vld.idx.msk [tilespmem:v28+s31+$0x0], $0xffff;
	v2 =	vadd.f32 v3, v2;
	v3 =	vmul.f32 v27, v26  }
0x86: {  	v33 =	vld.idx.msk [tilespmem:v28+s30+$0x0], $0xffff;
	v35 =	vor.u32 $0x1E, v1  }
0x87: {  	v36 =	vld.idx.msk [tilespmem:v31+s30+$0x0], $0xffff;
	v2 =	vadd.f32 v3, v2;
	v3 =	vmul.f32 v30, v29  }
0x88: {  	v37 =	vld.idx.msk [tilespmem:v31+s31+$0x0], $0xffff;
	v1 =	vor.u32 $0x1F, v1  }
0x89: {  	v38 =	vld.idx.msk [tilespmem:v5+s30+$0x0], $0xffff;
	v2 =	vadd.f32 v3, v2;
	v3 =	vmul.f32 v4, v32  }
0x8a: {  	v4 =	vld.idx.msk [tilespmem:v5+s31+$0x0], $0xffff  }
0x8b: {  	v39 =	vld.idx.msk [tilespmem:v35+s31+$0x0], $0xffff;
	v2 =	vadd.f32 v3, v2;
	v3 =	vmul.f32 v34, v33  }
0x8c: {  	v5 =	vld.idx.msk [tilespmem:v35+s30+$0x0], $0xffff  }
0x8d: {  	v40 =	vld.idx.msk [tilespmem:v1+s30+$0x0], $0xffff;
	v2 =	vadd.f32 v3, v2;
	v3 =	vmul.f32 v37, v36  }
0x8e: {  	v1 =	vld.idx.msk [tilespmem:v1+s31+$0x0], $0xffff  }
0x8f: {  	v2 =	vadd.f32 v3, v2;
	v3 =	vmul.f32 v4, v38;
	_ =	sdelay $0x1  }
0x90: {  	v2 =	vadd.f32 v3, v2;
	v3 =	vmul.f32 v39, v5  }
0x91: {  	s18 =	simm.s32 $0x10  }
0x92: {  	v4 =	vmov s18;
	v2 =	vadd.f32 v3, v2;
	v3 =	vmul.f32 v1, v40  }
0x93: {  	v1 =	vshll.u32 v4, $0x7  }
0x94: {  	v1 =	vor.u32 v0, v1;
	v2 =	vadd.f32 v3, v2  }
0x95: {  	s15 =	sadd.s32 $0x10800, s15  }
0x96: {  	s16 =	sadd.s32 $0x10, s16;
	v3 =	vor.u32 $0x1, v1;
	[tilespmem:s15+$0x0] =	vst v2  }
0x97: {  	s17 =	sadd.s32 $0x10, s17;
	v2 =	vld [tilespmem:s16+$0x0]  }
0x98: {  	v4 =	vor.u32 $0x2, v1;
	v5 =	vld [tilespmem:s17+$0x0]  }
0x99: {  	v41 =	vld.idx.msk [tilespmem:v1+s30+$0x0], $0xffff  }
0x9a: {  	v43 =	vor.u32 $0x3, v1;
	v42 =	vld.idx.msk [tilespmem:v1+s31+$0x0], $0xffff  }
0x9b: {  	v44 =	vld.idx.msk [tilespmem:v3+s30+$0x0], $0xffff  }
0x9c: {  	v45 =	vor.u32 $0x4, v1;
	v3 =	vld.idx.msk [tilespmem:v3+s31+$0x0], $0xffff  }
0x9d: {  	v46 =	vld.idx.msk [tilespmem:v4+s30+$0x0], $0xffff;
	v2 =	vadd.f32 v2, v5  }
0x9e: {  	v4 =	vld.idx.msk [tilespmem:v4+s31+$0x0], $0xffff;
	v5 =	vor.u32 $0x5, v1  }
0x9f: {  	v47 =	vld.idx.msk [tilespmem:v43+s30+$0x0], $0xffff;
	v6 =	vmul.f32 v42, v41;
	v2 =	vadd.f32 $3.500000000e+00, v2  }
0xa0: {  	v49 =	vor.u32 $0x6, v1;
	v48 =	vld.idx.msk [tilespmem:v43+s31+$0x0], $0xffff  }
0xa1: {  	v50 =	vld.idx.msk [tilespmem:v45+s30+$0x0], $0xffff;
	v3 =	vmul.f32 v3, v44;
	v2 =	vadd.f32 v6, v2  }
0xa2: {  	v52 =	vor.u32 $0x7, v1;
	v51 =	vld.idx.msk [tilespmem:v45+s31+$0x0], $0xffff  }
0xa3: {  	v53 =	vld.idx.msk [tilespmem:v5+s30+$0x0], $0xffff;
	v2 =	vadd.f32 v3, v2;
	v3 =	vmul.f32 v4, v46  }
0xa4: {  	v4 =	vld.idx.msk [tilespmem:v5+s31+$0x0], $0xffff;
	v5 =	vor.u32 $0x8, v1  }
0xa5: {  	v54 =	vld.idx.msk [tilespmem:v49+s30+$0x0], $0xffff;
	v2 =	vadd.f32 v3, v2;
	v3 =	vmul.f32 v48, v47  }
0xa6: {  	v56 =	vor.u32 $0x9, v1;
	v55 =	vld.idx.msk [tilespmem:v49+s31+$0x0], $0xffff  }
0xa7: {  	v57 =	vld.idx.msk [tilespmem:v52+s30+$0x0], $0xffff;
	v2 =	vadd.f32 v3, v2;
	v3 =	vmul.f32 v51, v50  }
0xa8: {  	v59 =	vor.u32 $0xA, v1;
	v58 =	vld.idx.msk [tilespmem:v52+s31+$0x0], $0xffff  }
0xa9: {  	v60 =	vld.idx.msk [tilespmem:v5+s30+$0x0], $0xffff;
	v2 =	vadd.f32 v3, v2;
	v3 =	vmul.f32 v4, v53  }
0xaa: {  	v4 =	vld.idx.msk [tilespmem:v5+s31+$0x0], $0xffff;
	v5 =	vor.u32 $0xB, v1  }
0xab: {  	v61 =	vld.idx.msk [tilespmem:v56+s30+$0x0], $0xffff;
	v2 =	vadd.f32 v3, v2;
	v3 =	vmul.f32 v55, v54  }
0xac: {  	v63 =	vor.u32 $0xC, v1;
	v62 =	vld.idx.msk [tilespmem:v56+s31+$0x0], $0xffff  }
0xad: {  	v16 =	vld.idx.msk [tilespmem:v59+s30+$0x0], $0xffff;
	v2 =	vadd.f32 v3, v2;
	v3 =	vmul.f32 v58, v57  }
0xae: {  	v18 =	vor.u32 $0xD, v1;
	v17 =	vld.idx.msk [tilespmem:v59+s31+$0x0], $0xffff  }
0xaf: {  	v19 =	vld.idx.msk [tilespmem:v5+s30+$0x0], $0xffff;
	v2 =	vadd.f32 v3, v2;
	v3 =	vmul.f32 v4, v60  }
0xb0: {  	v4 =	vld.idx.msk [tilespmem:v5+s31+$0x0], $0xffff;
	v5 =	vor.u32 $0xE, v1  }
0xb1: {  	v20 =	vld.idx.msk [tilespmem:v63+s30+$0x0], $0xffff;
	v2 =	vadd.f32 v3, v2;
	v3 =	vmul.f32 v62, v61  }
0xb2: {  	v22 =	vor.u32 $0xF, v1;
	v21 =	vld.idx.msk [tilespmem:v63+s31+$0x0], $0xffff  }
0xb3: {  	v23 =	vld.idx.msk [tilespmem:v18+s30+$0x0], $0xffff;
	v2 =	vadd.f32 v3, v2;
	v3 =	vmul.f32 v17, v16  }
0xb4: {  	v25 =	vor.u32 $0x10, v1;
	v24 =	vld.idx.msk [tilespmem:v18+s31+$0x0], $0xffff  }
0xb5: {  	v26 =	vld.idx.msk [tilespmem:v5+s30+$0x0], $0xffff;
	v2 =	vadd.f32 v3, v2;
	v3 =	vmul.f32 v4, v19  }
0xb6: {  	v4 =	vld.idx.msk [tilespmem:v5+s31+$0x0], $0xffff;
	v5 =	vor.u32 $0x11, v1  }
0xb7: {  	v27 =	vld.idx.msk [tilespmem:v22+s30+$0x0], $0xffff;
	v2 =	vadd.f32 v3, v2;
	v3 =	vmul.f32 v21, v20  }
0xb8: {  	v29 =	vor.u32 $0x12, v1;
	v28 =	vld.idx.msk [tilespmem:v22+s31+$0x0], $0xffff  }
0xb9: {  	v30 =	vld.idx.msk [tilespmem:v25+s30+$0x0], $0xffff;
	v2 =	vadd.f32 v3, v2;
	v3 =	vmul.f32 v24, v23  }
0xba: {  	v32 =	vor.u32 $0x13, v1;
	v31 =	vld.idx.msk [tilespmem:v25+s31+$0x0], $0xffff  }
0xbb: {  	v33 =	vld.idx.msk [tilespmem:v5+s30+$0x0], $0xffff;
	v2 =	vadd.f32 v3, v2;
	v3 =	vmul.f32 v4, v26  }
0xbc: {  	v4 =	vld.idx.msk [tilespmem:v5+s31+$0x0], $0xffff;
	v5 =	vor.u32 $0x14, v1  }
0xbd: {  	v34 =	vld.idx.msk [tilespmem:v29+s30+$0x0], $0xffff;
	v2 =	vadd.f32 v3, v2;
	v3 =	vmul.f32 v28, v27  }
0xbe: {  	v36 =	vor.u32 $0x15, v1;
	v35 =	vld.idx.msk [tilespmem:v29+s31+$0x0], $0xffff  }
0xbf: {  	v37 =	vld.idx.msk [tilespmem:v32+s30+$0x0], $0xffff;
	v2 =	vadd.f32 v3, v2;
	v3 =	vmul.f32 v31, v30  }
0xc0: {  	v39 =	vor.u32 $0x16, v1;
	v38 =	vld.idx.msk [tilespmem:v32+s31+$0x0], $0xffff  }
0xc1: {  	v40 =	vld.idx.msk [tilespmem:v5+s30+$0x0], $0xffff;
	v2 =	vadd.f32 v3, v2;
	v3 =	vmul.f32 v4, v33  }
0xc2: {  	v4 =	vld.idx.msk [tilespmem:v5+s31+$0x0], $0xffff;
	v5 =	vor.u32 $0x17, v1  }
0xc3: {  	v41 =	vld.idx.msk [tilespmem:v36+s30+$0x0], $0xffff;
	v2 =	vadd.f32 v3, v2;
	v3 =	vmul.f32 v35, v34  }
0xc4: {  	v43 =	vor.u32 $0x18, v1;
	v42 =	vld.idx.msk [tilespmem:v36+s31+$0x0], $0xffff  }
0xc5: {  	v45 =	vld.idx.msk [tilespmem:v39+s31+$0x0], $0xffff;
	v2 =	vadd.f32 v3, v2;
	v3 =	vmul.f32 v38, v37  }
0xc6: {  	v44 =	vld.idx.msk [tilespmem:v39+s30+$0x0], $0xffff;
	v46 =	vor.u32 $0x19, v1  }
0xc7: {  	v47 =	vld.idx.msk [tilespmem:v5+s30+$0x0], $0xffff;
	v2 =	vadd.f32 v3, v2;
	v3 =	vmul.f32 v4, v40  }
0xc8: {  	v4 =	vld.idx.msk [tilespmem:v5+s31+$0x0], $0xffff;
	v5 =	vor.u32 $0x1A, v1  }
0xc9: {  	v49 =	vld.idx.msk [tilespmem:v43+s31+$0x0], $0xffff;
	v2 =	vadd.f32 v3, v2;
	v3 =	vmul.f32 v42, v41  }
0xca: {  	v48 =	vld.idx.msk [tilespmem:v43+s30+$0x0], $0xffff;
	v50 =	vor.u32 $0x1B, v1  }
0xcb: {  	v51 =	vld.idx.msk [tilespmem:v46+s30+$0x0], $0xffff;
	v2 =	vadd.f32 v3, v2;
	v3 =	vmul.f32 v45, v44  }
0xcc: {  	v52 =	vld.idx.msk [tilespmem:v46+s31+$0x0], $0xffff;
	v53 =	vor.u32 $0x1C, v1  }
0xcd: {  	v54 =	vld.idx.msk [tilespmem:v5+s30+$0x0], $0xffff;
	v2 =	vadd.f32 v3, v2;
	v3 =	vmul.f32 v4, v47  }
0xce: {  	v4 =	vld.idx.msk [tilespmem:v5+s31+$0x0], $0xffff;
	v5 =	vor.u32 $0x1D, v1  }
0xcf: {  	v55 =	vld.idx.msk [tilespmem:v50+s30+$0x0], $0xffff;
	v2 =	vadd.f32 v3, v2;
	v3 =	vmul.f32 v49, v48  }
0xd0: {  	v56 =	vld.idx.msk [tilespmem:v50+s31+$0x0], $0xffff;
	v57 =	vor.u32 $0x1E, v1  }
0xd1: {  	v58 =	vld.idx.msk [tilespmem:v53+s30+$0x0], $0xffff;
	v2 =	vadd.f32 v3, v2;
	v3 =	vmul.f32 v52, v51  }
0xd2: {  	v59 =	vld.idx.msk [tilespmem:v53+s31+$0x0], $0xffff;
	v1 =	vor.u32 $0x1F, v1  }
0xd3: {  	v60 =	vld.idx.msk [tilespmem:v5+s30+$0x0], $0xffff;
	v2 =	vadd.f32 v3, v2;
	v3 =	vmul.f32 v4, v54  }
0xd4: {  	v4 =	vld.idx.msk [tilespmem:v5+s31+$0x0], $0xffff  }
0xd5: {  	v61 =	vld.idx.msk [tilespmem:v57+s31+$0x0], $0xffff;
	v2 =	vadd.f32 v3, v2;
	v3 =	vmul.f32 v56, v55  }
0xd6: {  	v5 =	vld.idx.msk [tilespmem:v57+s30+$0x0], $0xffff  }
0xd7: {  	v62 =	vld.idx.msk [tilespmem:v1+s30+$0x0], $0xffff;
	v2 =	vadd.f32 v3, v2;
	v3 =	vmul.f32 v59, v58  }
0xd8: {  	v63 =	vld.idx.msk [tilespmem:v1+s31+$0x0], $0xffff  }
0xd9: {  	v1 =	vadd.f32 v3, v2;
	v2 =	vmul.f32 v4, v60;
	_ =	sdelay $0x1  }
0xda: {  	s18 =	simm.s32 $0x20;
	v4 =	vmul.f32 v61, v5;
	v2 =	vadd.f32 v2, v1  }
0xdb: {  	v3 =	vmov s18  }
0xdc: {  	v1 =	vshll.u32 v3, $0x7;
	v3 =	vmul.f32 v63, v62;
	v2 =	vadd.f32 v4, v2  }
0xdd: {  	p0 =	por p1, p1;
	s18 =	simm.s32 $0x30;
	v1 =	vor.u32 v0, v1  }
.LBB2_3:
0xde: {  	p1 =	sne.s32 s18, $0xF0;
	v2 =	vadd.f32 v3, v2  }
0xdf: {  	s15 =	sadd.s32 $0x10, s15  }
0xe0: {  	v3 =	vor.u32 $0x1, v1;
	[tilespmem:s15+$0x0] =	vst v2  }
0xe1: {  	s16 =	sadd.s32 $0x10, s16;
	v2 =	vld.idx.msk [tilespmem:v1+s30+$0x0], $0xffff  }
0xe2: {  	v5 =	vor.u32 $0x2, v1;
	s17 =	sadd.s32 $0x10, s17;
	v4 =	vld [tilespmem:s16+$0x0]  }
0xe3: {  	v6 =	vld [tilespmem:s17+$0x0]  }
0xe4: {  	v8 =	vor.u32 $0x3, v1;
	v7 =	vld.idx.msk [tilespmem:v1+s31+$0x0], $0xffff  }
0xe5: {  	v9 =	vld.idx.msk [tilespmem:v3+s30+$0x0], $0xffff  }
0xe6: {  	v10 =	vor.u32 $0x4, v1;
	v3 =	vld.idx.msk [tilespmem:v3+s31+$0x0], $0xffff  }
0xe7: {  	v11 =	vld.idx.msk [tilespmem:v5+s30+$0x0], $0xffff  }
0xe8: {  	v4 =	vadd.f32 v4, v6;
	v5 =	vld.idx.msk [tilespmem:v5+s31+$0x0], $0xffff;
	v6 =	vor.u32 $0x5, v1  }
0xe9: {  	v12 =	vld.idx.msk [tilespmem:v8+s30+$0x0], $0xffff  }
0xea: {  	v2 =	vmul.f32 v7, v2;
	v4 =	vadd.f32 $3.500000000e+00, v4;
	v7 =	vld.idx.msk [tilespmem:v8+s31+$0x0], $0xffff;
	v8 =	vor.u32 $0x6, v1  }
0xeb: {  	v13 =	vld.idx.msk [tilespmem:v10+s30+$0x0], $0xffff  }
0xec: {  	v3 =	vmul.f32 v3, v9;
	v9 =	vor.u32 $0x7, v1;
	v2 =	vadd.f32 v2, v4;
	v4 =	vld.idx.msk [tilespmem:v10+s31+$0x0], $0xffff  }
0xed: {  	v10 =	vld.idx.msk [tilespmem:v6+s30+$0x0], $0xffff  }
0xee: {  	v2 =	vadd.f32 v3, v2;
	v3 =	vmul.f32 v5, v11;
	v5 =	vld.idx.msk [tilespmem:v6+s31+$0x0], $0xffff;
	v6 =	vor.u32 $0x8, v1  }
0xef: {  	v11 =	vld.idx.msk [tilespmem:v8+s30+$0x0], $0xffff  }
0xf0: {  	v2 =	vadd.f32 v3, v2;
	v3 =	vmul.f32 v7, v12;
	v7 =	vld.idx.msk [tilespmem:v8+s31+$0x0], $0xffff;
	v8 =	vor.u32 $0x9, v1  }
0xf1: {  	v12 =	vld.idx.msk [tilespmem:v9+s30+$0x0], $0xffff  }
0xf2: {  	v2 =	vadd.f32 v3, v2;
	v3 =	vmul.f32 v4, v13;
	v4 =	vld.idx.msk [tilespmem:v9+s31+$0x0], $0xffff;
	v9 =	vor.u32 $0xA, v1  }
0xf3: {  	v13 =	vld.idx.msk [tilespmem:v6+s30+$0x0], $0xffff  }
0xf4: {  	v2 =	vadd.f32 v3, v2;
	v3 =	vmul.f32 v5, v10;
	v5 =	vld.idx.msk [tilespmem:v6+s31+$0x0], $0xffff;
	v6 =	vor.u32 $0xB, v1  }
0xf5: {  	v10 =	vld.idx.msk [tilespmem:v8+s30+$0x0], $0xffff  }
0xf6: {  	v2 =	vadd.f32 v3, v2;
	v3 =	vmul.f32 v7, v11;
	v7 =	vld.idx.msk [tilespmem:v8+s31+$0x0], $0xffff;
	v8 =	vor.u32 $0xC, v1  }
0xf7: {  	v11 =	vld.idx.msk [tilespmem:v9+s30+$0x0], $0xffff  }
0xf8: {  	v2 =	vadd.f32 v3, v2;
	v3 =	vmul.f32 v4, v12;
	v4 =	vld.idx.msk [tilespmem:v9+s31+$0x0], $0xffff;
	v9 =	vor.u32 $0xD, v1  }
0xf9: {  	v12 =	vld.idx.msk [tilespmem:v6+s30+$0x0], $0xffff  }
0xfa: {  	v2 =	vadd.f32 v3, v2;
	v3 =	vmul.f32 v5, v13;
	v5 =	vld.idx.msk [tilespmem:v6+s31+$0x0], $0xffff;
	v6 =	vor.u32 $0xE, v1  }
0xfb: {  	v13 =	vld.idx.msk [tilespmem:v8+s30+$0x0], $0xffff  }
0xfc: {  	v2 =	vadd.f32 v3, v2;
	v3 =	vmul.f32 v7, v10;
	v7 =	vld.idx.msk [tilespmem:v8+s31+$0x0], $0xffff;
	v8 =	vor.u32 $0xF, v1  }
0xfd: {  	v10 =	vld.idx.msk [tilespmem:v9+s30+$0x0], $0xffff  }
0xfe: {  	v2 =	vadd.f32 v3, v2;
	v3 =	vmul.f32 v4, v11;
	v4 =	vld.idx.msk [tilespmem:v9+s31+$0x0], $0xffff;
	v9 =	vor.u32 $0x10, v1  }
0xff: {  	v11 =	vld.idx.msk [tilespmem:v6+s30+$0x0], $0xffff  }
0x100: {  	v2 =	vadd.f32 v3, v2;
	v3 =	vmul.f32 v5, v12;
	v5 =	vld.idx.msk [tilespmem:v6+s31+$0x0], $0xffff;
	v6 =	vor.u32 $0x11, v1  }
0x101: {  	v12 =	vld.idx.msk [tilespmem:v8+s30+$0x0], $0xffff  }
0x102: {  	v2 =	vadd.f32 v3, v2;
	v3 =	vmul.f32 v7, v13;
	v7 =	vld.idx.msk [tilespmem:v8+s31+$0x0], $0xffff;
	v8 =	vor.u32 $0x12, v1  }
0x103: {  	v13 =	vld.idx.msk [tilespmem:v9+s30+$0x0], $0xffff  }
0x104: {  	v2 =	vadd.f32 v3, v2;
	v3 =	vmul.f32 v4, v10;
	v4 =	vld.idx.msk [tilespmem:v9+s31+$0x0], $0xffff;
	v9 =	vor.u32 $0x13, v1  }
0x105: {  	v10 =	vld.idx.msk [tilespmem:v6+s30+$0x0], $0xffff  }
0x106: {  	v2 =	vadd.f32 v3, v2;
	v3 =	vmul.f32 v5, v11;
	v5 =	vld.idx.msk [tilespmem:v6+s31+$0x0], $0xffff;
	v6 =	vor.u32 $0x14, v1  }
0x107: {  	v11 =	vld.idx.msk [tilespmem:v8+s30+$0x0], $0xffff  }
0x108: {  	v2 =	vadd.f32 v3, v2;
	v3 =	vmul.f32 v7, v12;
	v7 =	vld.idx.msk [tilespmem:v8+s31+$0x0], $0xffff;
	v8 =	vor.u32 $0x15, v1  }
0x109: {  	v12 =	vld.idx.msk [tilespmem:v9+s30+$0x0], $0xffff  }
0x10a: {  	v2 =	vadd.f32 v3, v2;
	v3 =	vmul.f32 v4, v13;
	v4 =	vld.idx.msk [tilespmem:v9+s31+$0x0], $0xffff;
	v9 =	vor.u32 $0x16, v1  }
0x10b: {  	v13 =	vld.idx.msk [tilespmem:v6+s30+$0x0], $0xffff  }
0x10c: {  	v2 =	vadd.f32 v3, v2;
	v3 =	vmul.f32 v5, v10;
	v5 =	vld.idx.msk [tilespmem:v6+s31+$0x0], $0xffff;
	v6 =	vor.u32 $0x17, v1  }
0x10d: {  	v10 =	vld.idx.msk [tilespmem:v8+s30+$0x0], $0xffff  }
0x10e: {  	v2 =	vadd.f32 v3, v2;
	v3 =	vmul.f32 v7, v11;
	v7 =	vld.idx.msk [tilespmem:v8+s31+$0x0], $0xffff;
	v8 =	vor.u32 $0x18, v1  }
0x10f: {  	v11 =	vld.idx.msk [tilespmem:v9+s30+$0x0], $0xffff  }
0x110: {  	v2 =	vadd.f32 v3, v2;
	v3 =	vmul.f32 v4, v12;
	v4 =	vld.idx.msk [tilespmem:v9+s31+$0x0], $0xffff;
	v9 =	vor.u32 $0x19, v1  }
0x111: {  	v12 =	vld.idx.msk [tilespmem:v6+s30+$0x0], $0xffff  }
0x112: {  	v2 =	vadd.f32 v3, v2;
	v3 =	vmul.f32 v5, v13;
	v5 =	vld.idx.msk [tilespmem:v6+s31+$0x0], $0xffff;
	v6 =	vor.u32 $0x1A, v1  }
0x113: {  	v13 =	vld.idx.msk [tilespmem:v8+s30+$0x0], $0xffff  }
0x114: {  	v2 =	vadd.f32 v3, v2;
	v3 =	vmul.f32 v7, v10;
	v7 =	vld.idx.msk [tilespmem:v8+s31+$0x0], $0xffff;
	v8 =	vor.u32 $0x1B, v1  }
0x115: {  	v10 =	vld.idx.msk [tilespmem:v9+s30+$0x0], $0xffff  }
0x116: {  	v2 =	vadd.f32 v3, v2;
	v3 =	vmul.f32 v4, v11;
	v4 =	vld.idx.msk [tilespmem:v9+s31+$0x0], $0xffff;
	v9 =	vor.u32 $0x1C, v1  }
0x117: {  	v11 =	vld.idx.msk [tilespmem:v6+s30+$0x0], $0xffff  }
0x118: {  	v2 =	vadd.f32 v3, v2;
	v3 =	vmul.f32 v5, v12;
	v5 =	vld.idx.msk [tilespmem:v6+s31+$0x0], $0xffff;
	v6 =	vor.u32 $0x1D, v1  }
0x119: {  	v12 =	vld.idx.msk [tilespmem:v8+s30+$0x0], $0xffff  }
0x11a: {  	v2 =	vadd.f32 v3, v2;
	v3 =	vmul.f32 v7, v13;
	v7 =	vld.idx.msk [tilespmem:v8+s31+$0x0], $0xffff;
	v8 =	vor.u32 $0x1E, v1  }
0x11b: {  	v13 =	vld.idx.msk [tilespmem:v9+s30+$0x0], $0xffff  }
0x11c: {  	v1 =	vor.u32 $0x1F, v1;
	v2 =	vadd.f32 v3, v2;
	v3 =	vmul.f32 v4, v10;
	v4 =	vld.idx.msk [tilespmem:v9+s31+$0x0], $0xffff  }
0x11d: {  	v9 =	vld.idx.msk [tilespmem:v6+s30+$0x0], $0xffff  }
0x11e: {  	v2 =	vadd.f32 v3, v2;
	v3 =	vmul.f32 v5, v11;
	v5 =	vld.idx.msk [tilespmem:v6+s31+$0x0], $0xffff  }
0x11f: {  	v6 =	vld.idx.msk [tilespmem:v8+s30+$0x0], $0xffff  }
0x120: {  	v2 =	vadd.f32 v3, v2;
	v3 =	vmul.f32 v7, v12;
	v7 =	vld.idx.msk [tilespmem:v8+s31+$0x0], $0xffff  }
0x121: {  	v8 =	vld.idx.msk [tilespmem:v1+s30+$0x0], $0xffff  }
0x122: {  	v2 =	vadd.f32 v3, v2;
	v3 =	vmul.f32 v4, v13;
	v4 =	vld.idx.msk [tilespmem:v1+s31+$0x0], $0xffff;
	_ =	sdelay $0x1  }
0x123: {  	v1 =	vadd.f32 v3, v2;
	v2 =	vmul.f32 v5, v9  }
.Ltmp0:
0x124: {  	(pc) =	sbr.rel @p1 .LBB2_3-.Ltmp0, $4  }
0x125: {  	v3 =	vmov s18;
	v5 =	vmul.f32 v7, v6;
	v2 =	vadd.f32 v2, v1  }
0x126: {  	v1 =	vshll.u32 v3, $0x7  }
0x127: {  	v1 =	vor.u32 v0, v1;
	v3 =	vmul.f32 v4, v8;
	v2 =	vadd.f32 v5, v2  }
0x128: {  	s18 =	sadd.s32 $0x10, s18  }
0x129: {  	v2 =	vadd.f32 v3, v2  }
0x12a: {  	s15 =	sadd.s32 $0x10, s15  }
0x12b: {  	v3 =	vor.u32 $0x1, v1;
	s16 =	sadd.s32 $0x10, s16;
	[tilespmem:s15+$0x0] =	vst v2  }
0x12c: {  	s18 =	sadd.s32 $0x10, s17;
	v2 =	vld [tilespmem:s16+$0x0]  }
0x12d: {  	v4 =	vor.u32 $0x2, v1;
	v5 =	vld [tilespmem:s18+$0x0]  }
0x12e: {  	v6 =	vld.idx.msk [tilespmem:v1+s30+$0x0], $0xffff  }
0x12f: {  	v8 =	vor.u32 $0x3, v1;
	v7 =	vld.idx.msk [tilespmem:v1+s31+$0x0], $0xffff  }
0x130: {  	v9 =	vld.idx.msk [tilespmem:v3+s30+$0x0], $0xffff  }
0x131: {  	v10 =	vor.u32 $0x4, v1;
	v3 =	vld.idx.msk [tilespmem:v3+s31+$0x0], $0xffff  }
0x132: {  	v11 =	vld.idx.msk [tilespmem:v4+s30+$0x0], $0xffff;
	v2 =	vadd.f32 v2, v5  }
0x133: {  	v31 =	vor.u32 $0x5, v1;
	v4 =	vld.idx.msk [tilespmem:v4+s31+$0x0], $0xffff  }
0x134: {  	v12 =	vld.idx.msk [tilespmem:v8+s30+$0x0], $0xffff;
	v6 =	vmul.f32 v7, v6;
	v2 =	vadd.f32 $3.500000000e+00, v2  }
0x135: {  	v33 =	vor.u32 $0x6, v1;
	v32 =	vld.idx.msk [tilespmem:v8+s31+$0x0], $0xffff  }
0x136: {  	v13 =	vld.idx.msk [tilespmem:v10+s30+$0x0], $0xffff;
	v3 =	vmul.f32 v3, v9;
	v2 =	vadd.f32 v6, v2  }
0x137: {  	v35 =	vor.u32 $0x7, v1;
	v34 =	vld.idx.msk [tilespmem:v10+s31+$0x0], $0xffff  }
0x138: {  	v36 =	vld.idx.msk [tilespmem:v31+s30+$0x0], $0xffff;
	v2 =	vadd.f32 v3, v2;
	v3 =	vmul.f32 v4, v11  }
0x139: {  	v38 =	vor.u32 $0x8, v1;
	v37 =	vld.idx.msk [tilespmem:v31+s31+$0x0], $0xffff  }
0x13a: {  	v39 =	vld.idx.msk [tilespmem:v33+s30+$0x0], $0xffff;
	v2 =	vadd.f32 v3, v2;
	v3 =	vmul.f32 v32, v12  }
0x13b: {  	v41 =	vor.u32 $0x9, v1;
	v40 =	vld.idx.msk [tilespmem:v33+s31+$0x0], $0xffff  }
0x13c: {  	v42 =	vld.idx.msk [tilespmem:v35+s30+$0x0], $0xffff;
	v2 =	vadd.f32 v3, v2;
	v3 =	vmul.f32 v34, v13  }
0x13d: {  	v44 =	vor.u32 $0xA, v1;
	v43 =	vld.idx.msk [tilespmem:v35+s31+$0x0], $0xffff  }
0x13e: {  	v45 =	vld.idx.msk [tilespmem:v38+s30+$0x0], $0xffff;
	v2 =	vadd.f32 v3, v2;
	v3 =	vmul.f32 v37, v36  }
0x13f: {  	v47 =	vor.u32 $0xB, v1;
	v46 =	vld.idx.msk [tilespmem:v38+s31+$0x0], $0xffff  }
0x140: {  	v48 =	vld.idx.msk [tilespmem:v41+s30+$0x0], $0xffff;
	v2 =	vadd.f32 v3, v2;
	v3 =	vmul.f32 v40, v39  }
0x141: {  	v50 =	vor.u32 $0xC, v1;
	v49 =	vld.idx.msk [tilespmem:v41+s31+$0x0], $0xffff  }
0x142: {  	v51 =	vld.idx.msk [tilespmem:v44+s30+$0x0], $0xffff;
	v2 =	vadd.f32 v3, v2;
	v3 =	vmul.f32 v43, v42  }
0x143: {  	v53 =	vor.u32 $0xD, v1;
	v52 =	vld.idx.msk [tilespmem:v44+s31+$0x0], $0xffff  }
0x144: {  	v54 =	vld.idx.msk [tilespmem:v47+s30+$0x0], $0xffff;
	v2 =	vadd.f32 v3, v2;
	v3 =	vmul.f32 v46, v45  }
0x145: {  	v56 =	vor.u32 $0xE, v1;
	v55 =	vld.idx.msk [tilespmem:v47+s31+$0x0], $0xffff  }
0x146: {  	v57 =	vld.idx.msk [tilespmem:v50+s30+$0x0], $0xffff;
	v2 =	vadd.f32 v3, v2;
	v3 =	vmul.f32 v49, v48  }
0x147: {  	v59 =	vor.u32 $0xF, v1;
	v58 =	vld.idx.msk [tilespmem:v50+s31+$0x0], $0xffff  }
0x148: {  	v60 =	vld.idx.msk [tilespmem:v53+s30+$0x0], $0xffff;
	v2 =	vadd.f32 v3, v2;
	v3 =	vmul.f32 v52, v51  }
0x149: {  	v62 =	vor.u32 $0x10, v1;
	v61 =	vld.idx.msk [tilespmem:v53+s31+$0x0], $0xffff  }
0x14a: {  	v63 =	vld.idx.msk [tilespmem:v56+s30+$0x0], $0xffff;
	v2 =	vadd.f32 v3, v2;
	v3 =	vmul.f32 v55, v54  }
0x14b: {  	v17 =	vor.u32 $0x11, v1;
	v16 =	vld.idx.msk [tilespmem:v56+s31+$0x0], $0xffff  }
0x14c: {  	v18 =	vld.idx.msk [tilespmem:v59+s30+$0x0], $0xffff;
	v2 =	vadd.f32 v3, v2;
	v3 =	vmul.f32 v58, v57  }
0x14d: {  	v20 =	vor.u32 $0x12, v1;
	v19 =	vld.idx.msk [tilespmem:v59+s31+$0x0], $0xffff  }
0x14e: {  	v21 =	vld.idx.msk [tilespmem:v62+s30+$0x0], $0xffff;
	v2 =	vadd.f32 v3, v2;
	v3 =	vmul.f32 v61, v60  }
0x14f: {  	v23 =	vor.u32 $0x13, v1;
	v22 =	vld.idx.msk [tilespmem:v62+s31+$0x0], $0xffff  }
0x150: {  	v24 =	vld.idx.msk [tilespmem:v17+s30+$0x0], $0xffff;
	v2 =	vadd.f32 v3, v2;
	v3 =	vmul.f32 v16, v63  }
0x151: {  	v26 =	vor.u32 $0x14, v1;
	v25 =	vld.idx.msk [tilespmem:v17+s31+$0x0], $0xffff  }
0x152: {  	v27 =	vld.idx.msk [tilespmem:v20+s30+$0x0], $0xffff;
	v2 =	vadd.f32 v3, v2;
	v3 =	vmul.f32 v19, v18  }
0x153: {  	v29 =	vor.u32 $0x15, v1;
	v28 =	vld.idx.msk [tilespmem:v20+s31+$0x0], $0xffff  }
0x154: {  	v30 =	vld.idx.msk [tilespmem:v23+s30+$0x0], $0xffff;
	v2 =	vadd.f32 v3, v2;
	v3 =	vmul.f32 v22, v21  }
0x155: {  	v31 =	vld.idx.msk [tilespmem:v23+s31+$0x0], $0xffff;
	v32 =	vor.u32 $0x16, v1  }
0x156: {  	v33 =	vld.idx.msk [tilespmem:v26+s30+$0x0], $0xffff;
	v2 =	vadd.f32 v3, v2;
	v3 =	vmul.f32 v25, v24  }
0x157: {  	v35 =	vor.u32 $0x17, v1;
	v34 =	vld.idx.msk [tilespmem:v26+s31+$0x0], $0xffff  }
0x158: {  	v36 =	vld.idx.msk [tilespmem:v29+s30+$0x0], $0xffff;
	v2 =	vadd.f32 v3, v2;
	v3 =	vmul.f32 v28, v27  }
0x159: {  	v38 =	vor.u32 $0x18, v1;
	v37 =	vld.idx.msk [tilespmem:v29+s31+$0x0], $0xffff  }
0x15a: {  	v39 =	vld.idx.msk [tilespmem:v32+s30+$0x0], $0xffff;
	v2 =	vadd.f32 v3, v2;
	v3 =	vmul.f32 v31, v30  }
0x15b: {  	v41 =	vor.u32 $0x19, v1;
	v40 =	vld.idx.msk [tilespmem:v32+s31+$0x0], $0xffff  }
0x15c: {  	v42 =	vld.idx.msk [tilespmem:v35+s30+$0x0], $0xffff;
	v2 =	vadd.f32 v3, v2;
	v3 =	vmul.f32 v34, v33  }
0x15d: {  	v44 =	vor.u32 $0x1A, v1;
	v43 =	vld.idx.msk [tilespmem:v35+s31+$0x0], $0xffff  }
0x15e: {  	v45 =	vld.idx.msk [tilespmem:v38+s30+$0x0], $0xffff;
	v2 =	vadd.f32 v3, v2;
	v3 =	vmul.f32 v37, v36  }
0x15f: {  	v47 =	vor.u32 $0x1B, v1;
	v46 =	vld.idx.msk [tilespmem:v38+s31+$0x0], $0xffff  }
0x160: {  	v48 =	vld.idx.msk [tilespmem:v41+s30+$0x0], $0xffff;
	v2 =	vadd.f32 v3, v2;
	v3 =	vmul.f32 v40, v39  }
0x161: {  	v50 =	vor.u32 $0x1C, v1;
	v49 =	vld.idx.msk [tilespmem:v41+s31+$0x0], $0xffff  }
0x162: {  	v51 =	vld.idx.msk [tilespmem:v44+s30+$0x0], $0xffff;
	v2 =	vadd.f32 v3, v2;
	v3 =	vmul.f32 v43, v42  }
0x163: {  	v53 =	vor.u32 $0x1D, v1;
	v52 =	vld.idx.msk [tilespmem:v44+s31+$0x0], $0xffff  }
0x164: {  	v54 =	vld.idx.msk [tilespmem:v47+s30+$0x0], $0xffff;
	v2 =	vadd.f32 v3, v2;
	v3 =	vmul.f32 v46, v45  }
0x165: {  	v56 =	vor.u32 $0x1E, v1;
	v55 =	vld.idx.msk [tilespmem:v47+s31+$0x0], $0xffff  }
0x166: {  	v57 =	vld.idx.msk [tilespmem:v50+s30+$0x0], $0xffff;
	v2 =	vadd.f32 v3, v2;
	v3 =	vmul.f32 v49, v48  }
0x167: {  	v1 =	vor.u32 $0x1F, v1;
	v58 =	vld.idx.msk [tilespmem:v50+s31+$0x0], $0xffff  }
0x168: {  	v59 =	vld.idx.msk [tilespmem:v53+s30+$0x0], $0xffff;
	v2 =	vadd.f32 v3, v2;
	v3 =	vmul.f32 v52, v51  }
0x169: {  	v60 =	vld.idx.msk [tilespmem:v53+s31+$0x0], $0xffff  }
0x16a: {  	v62 =	vld.idx.msk [tilespmem:v56+s31+$0x0], $0xffff;
	v2 =	vadd.f32 v3, v2;
	v3 =	vmul.f32 v55, v54  }
0x16b: {  	v61 =	vld.idx.msk [tilespmem:v56+s30+$0x0], $0xffff  }
0x16c: {  	v63 =	vld.idx.msk [tilespmem:v1+s30+$0x0], $0xffff;
	v2 =	vadd.f32 v3, v2;
	v3 =	vmul.f32 v58, v57  }
0x16d: {  	v1 =	vld.idx.msk [tilespmem:v1+s31+$0x0], $0xffff  }
0x16e: {  	v2 =	vadd.f32 v3, v2;
	v3 =	vmul.f32 v60, v59;
	_ =	sdelay $0x1  }
0x16f: {  	v2 =	vadd.f32 v3, v2;
	v3 =	vmul.f32 v62, v61;
	_ =	sdelay $0x1  }
.Ltmp1:
0x170: {  	v1 =	vmul.f32 v1, v63;
	v2 =	vadd.f32 v3, v2;
	(pc) =	sbr.rel @p0 .LBB2_2-.Ltmp1, $4  }
0x171: {  	_ = 	snop  }
0x172: {  	v1 =	vadd.f32 v1, v2  }
0x173: {  	s15 =	sadd.s32 $0x10, s15  }
0x174: {  	p1 =	por $0x0, $0x0;
	[tilespmem:s15+$0x0] =	vst v1;
	s15 =	simm.s32 $0x100  }
0x175: {  	s3 =	sadd.s32 $0x1, s3  }
0x176: {  	p0 =	sne.s32 s3, s11  }
.Ltmp2:
0x177: {  	_ = 	snop;
	(pc) =	sbr.rel @p0 .LBB2_1-.Ltmp2, $4  }
0x178: {  	[hbm4b:s10+s4] =	stream.linear.scatter [tilespmem:s0], [sflag:$0x2], $0x200, $0x38;
	[tilespmem:$0x10A00] =	vst v63  }
0x179: {  	_ =	swait.ge [sflag:s12], $0x200  }
0x17a: {  	[sflag:s12] =	ssyncset.done $0x0  }
0x17b: {  	[sflag:s12] =	ssyncadd.s32 $0xFFFFFE00  }
0x17c: {  	_ =	sfence.sel $0x180000  }
0x17d: {  	[bflag:$0x0] =	sbarrier.arrive $0xFFFF  }
0x17e: {  	_ =	strace $0x9000004A  }
0x17f: {  	s0 =	stileid.u32;
	[bflag:$0x2] =	sbarrier.arrive $0xFFFF  }
0x180: {  	p0 =	sne.s32 s0, $0x0;
	s0 =	rddreg [dreg:$0x6]  }
0x181: {  	s0 =	sadd.s32 @!p0 $0x100000, s0  }
0x182: {  	[sflag:s0] =	ssyncadd.tile.s32 @!p0 $0x1;
	_ =	shalt  }
.Lfunc_end2:
_tile_overlayer_lowered:
.L_overlay_start_2:
0x183: {  	(tag) =	ssettag $0x2  }
0x184: {  	s0 =	rddreg [dreg:$0x0];
	s2 =	stileid.u32  }
0x185: {  	s1 =	rddreg [dreg:$0x1];
	p0 =	sne.s32 s2, $0x0  }
0x186: {  	s3 =	rddreg [dreg:$0x2];
	[bflag:$0x3] =	sbarrier.arrive $0xFFFF;
	s2 =	simm.s32 @!p0 $0x1C02  }
0x187: {  	[timem:s3], [sflag:s2] =	dma.local @!p0 [hbm:s0], s1  }
0x188: {  	s0 =	simm.s32 @!p0 $0x2  }
0x189: {  	_ =	swait.ge @!p0 [sflag:s0], s1  }
0x18a: {  	s1 =	ssub.s32 @!p0 $0x0, s1;
	[sflag:s0] =	ssyncset.done @!p0 $0x0  }
0x18b: {  	[sflag:s0] =	ssyncadd.s32 @!p0 s1  }
0x18c: {  	[bflag:$0x3] =	sbarrier.arrive $0xFFFF  }
0x18d: {  	_ =	shalt  }

</sc_bundles>
